<compile_context>
chip_gen: v7x
topology: tpu7x:2x2x1
jax: 0.10.2.dev20260603
libtpu: 0.0.44.dev20260713+nightly
codegen_flags: <defaults>
</compile_context>

<pallas_src>
import functools
import jax
import jax.numpy as jnp
from jax import lax
from jax.experimental import pallas as pl
from jax.experimental.pallas import tpu as pltpu
from jax.experimental.pallas import tpu_sc as plsc

NC, NS = 2, 16
NW = NC * NS


def _make_sc_gather(Q, V, L, t0, Lsc):
    per_w = -(-Lsc // NW)
    assert per_w <= 16
    H = Q // 2
    nfull = Lsc // NW
    nextra = Lsc - nfull * NW
    mesh = plsc.VectorSubcoreMesh(core_axis_name="c", subcore_axis_name="s")

    scratch = [
        pltpu.VMEM((L + 32,), jnp.int32),
        pltpu.VMEM((Q, H, 128), jnp.float32),
        pltpu.VMEM((Q, Q), jnp.float32),
    ]

    @functools.partial(
        pl.kernel,
        out_type=jax.ShapeDtypeStruct((Lsc * Q, Q), jnp.float32),
        mesh=mesh,
        scratch_types=scratch,
        compiler_params=pltpu.CompilerParams(needs_layout_passes=False),
    )
    def gather(ap_hbm, idx_hbm, out_hbm, idx_v, buf, out_v):
        wid = lax.axis_index("s") * NC + lax.axis_index("c")
        count = jnp.where(wid < nextra, nfull + 1, nfull)
        base = nfull * wid + jnp.minimum(wid, nextra)
        pltpu.sync_copy(idx_hbm, idx_v.at[pl.ds(0, L)])
        chunk = idx_v[pl.ds(t0 + base, 16)]
        lanes = lax.iota(jnp.int32, 16)
        for k in range(per_w):
            @pl.when(k < count)
            def _():
                s = chunk[k]
                u = pl.multiple_of((s // 128) * 128, 128)
                sloc = s - u
                for h in range(2):
                    pltpu.sync_copy(
                        ap_hbm.at[:, pl.ds(h * H, H), pl.ds(u, 128)], buf)
                    for q1 in range(Q):
                        vec = plsc.load_gather(
                            buf,
                            [jnp.full((16,), q1, jnp.int32),
                             lanes,
                             jnp.full((16,), sloc, jnp.int32)])
                        out_v[q1, pl.ds(h * H, H)] = vec
                pltpu.sync_copy(
                    out_v, out_hbm.at[pl.ds((base + k) * Q, Q), :])

    return gather


def _make_tc_gather(Q, V, Ltc):

    SPS = 10
    assert Ltc % SPS == 0

    def body(x_ref, *refs):
        a_refs, out_ref = refs[:SPS], refs[SPS]
        t = pl.program_id(0)
        lane = lax.broadcasted_iota(jnp.int32, (Q, Q, 128), 2)
        for j in range(SPS):
            sloc = x_ref[SPS * t + j] % 128
            blk = a_refs[j][...]
            out_ref[j * Q:(j + 1) * Q, :] = jnp.sum(
                jnp.where(lane == sloc, blk, 0.0), axis=2)

    def mk_index_map(j):
        return lambda t, xref: (0, 0, xref[SPS * t + j] // 128)

    grid_spec = pltpu.PrefetchScalarGridSpec(
        num_scalar_prefetch=1,
        grid=(Ltc // SPS,),
        in_specs=[pl.BlockSpec((Q, Q, 128), mk_index_map(j))
                  for j in range(SPS)],
        out_specs=pl.BlockSpec((SPS * Q, Q), lambda t, xref: (t, 0)),
    )
    return pl.pallas_call(
        body,
        grid_spec=grid_spec,
        out_shape=jax.ShapeDtypeStruct((Ltc * Q, Q), jnp.float32),
    )


def _make_chain(L, Q, G, Ltc):
    T = L // G
    assert T * G == L and Ltc % T == 0
    Gtc = Ltc // T

    def body1(gtc_ref, init_ref, out_ref):
        def step_tc(t, xv):
            a = gtc_ref[pl.ds(t * Q, Q), :]
            return jnp.dot(xv, a, preferred_element_type=jnp.float32)

        out_ref[...] = lax.fori_loop(0, Ltc, step_tc, init_ref[...])

    def body2(gsc_ref, x_ref, final_ref, out_ref):
        def step_sc(t, xv):
            a = gsc_ref[pl.ds(t * Q, Q), :]
            return jnp.dot(xv, a, preferred_element_type=jnp.float32)

        x = lax.fori_loop(0, L - Ltc, step_sc, x_ref[...])
        out_ref[...] = jnp.sum(x * final_ref[...], keepdims=True)

    chain1 = pl.pallas_call(
        body1, out_shape=jax.ShapeDtypeStruct((1, Q), jnp.float32))
    chain2 = pl.pallas_call(
        body2, out_shape=jax.ShapeDtypeStruct((1, 1), jnp.float32))

    def run(g_tc, g_sc, init2d, final2d):
        return chain2(g_sc, chain1(g_tc, init2d), final2d)

    return run


def kernel(A, input, init, final):
    Q, V, _ = A.shape
    L = input.shape[0]
    Ltc = 90
    ap = jnp.transpose(A, (0, 2, 1))
    x = input.astype(jnp.int32)
    g_sc = _make_sc_gather(Q, V, L, Ltc, L - Ltc)(ap, x)
    g_tc = _make_tc_gather(Q, V, Ltc)(x, *([ap] * 10))
    y = _make_chain(L, Q, 20, Ltc)(
        g_tc, g_sc, init.reshape(1, Q), final.reshape(1, Q))
    return y.reshape(())

# --- scband reference (transcript-rebuilt; emitter-appended) ---
"""Pipeline reference for scband-wfsa-40441412059662 (READ-ONLY COPY).

The authoritative reference and input builder live on the scoring server;
editing this copy changes nothing except your own understanding.
"""

import jax, jax.numpy as jnp
import numpy as np

Q = 32
V = 100000
L = 200

def setup_inputs(seed: int = 0) -> dict:
    key = jax.random.key(seed)
    k1, k2 = jax.random.split(key)
    # Transition tensor A[state_from, symbol, state_to], scaled so spectral radius ~ 1
    A = jax.random.uniform(k1, (Q, V, Q), dtype=jnp.float32) * (2.0 / Q)
    inp = jax.random.randint(k2, (L,), 0, V)
    # init = one_hot(0, Q) in real semiring (from_exp is identity)
    init = jnp.zeros((Q,), dtype=jnp.float32).at[0].set(1.0)
    # final = full_like(init, semiring.one) = ones
    final = jnp.ones((Q,), dtype=jnp.float32)
    return {"A": A, "input": inp, "init": init, "final": final}

def reference(A, input, init, final):
    # WFSA.forward with RealSemiring: for each symbol x_t, gather A_t = A[:, x_t, :]
    # (an embedding lookup of a [Q,Q] matrix from the V-sized table),
    # then x = A_t.T @ x; finally y = x @ final.
    def step(x, x_t):
        A_t = A[:, x_t, :]  # gather: [Q, Q]
        x_new = A_t.T @ x
        return x_new, None
    x, _ = jax.lax.scan(step, init, input)
    y = x @ final
    return y

if __name__ == "__main__":
    import jax
    _d = setup_inputs()
    print(jax.jit(kernel)(*tuple(_d.values())))

</pallas_src>

<mosaic_0001>
#map = affine_map<(d0, d1) -> (0, 0, 0)>
#map1 = affine_map<(d0, d1) -> (0)>
#map2 = affine_map<(d0, d1) -> (0, 0)>
module attributes {stable_mosaic.version = 14 : i64} {
  func.func @gather(%arg0: i32, %arg1: i32, %arg2: memref<32x32x100000xf32, #tpu.memory_space<hbm>>, %arg3: memref<200xi32, #tpu.memory_space<hbm>>, %arg4: memref<3520x32xf32, #tpu.memory_space<hbm>>, %arg5: memref<232xi32, #tpu.memory_space<vmem>>, %arg6: memref<32x16x128xf32, #tpu.memory_space<vmem>>, %arg7: memref<32x32xf32, #tpu.memory_space<vmem>>) attributes {dimension_semantics = [#tpu.dimension_semantics<core_parallel>, #tpu.dimension_semantics<subcore_parallel>], iteration_bounds = array<i64: 2, 16>, scalar_prefetch = 0 : i64, scratch_operands = 3 : i64, tpu.core_type = #tpu.core_type<sc_vector_subcore>, window_params = [{transform_indices = #map}, {transform_indices = #map1}, {transform_indices = #map2}]} {
    %mul3A = arith.constant 2 : i32
    %mul3A_0 = arith.muli %arg1, %mul3A : i32
    %add3A = arith.addi %mul3A_0, %arg0 : i32
    %lt3A = arith.constant 14 : i32
    %lt3A_1 = arith.cmpi slt, %add3A, %lt3A : i32
    %jit3A = arith.constant 4 : i32
    %jit3A_2 = arith.constant 3 : i32
    %select_n3A = arith.select %lt3A_1, %jit3A, %jit3A_2 : i32
    %mul3A_3 = arith.constant 3 : i32
    %mul3A_4 = arith.muli %mul3A_3, %add3A : i32
    %min3A = arith.constant 14 : i32
    %min3A_5 = arith.minsi %add3A, %min3A : i32
    %add3A_6 = arith.addi %mul3A_4, %min3A_5 : i32
    "tpu.region"() ({
      %run_scoped3A = tpu.sem_alloc : memref<!tpu.dma_semaphore, #tpu.memory_space<semaphore_mem>>
      %dma_start3A = arith.constant 0 : i32
      %dma_start3A_27 = tpu.memref_slice %arg5[%dma_start3A] : memref<232xi32, #tpu.memory_space<vmem>> -> memref<200xi32, #tpu.memory_space<vmem>>
      %dma_start3A_28 = arith.constant 0 : i32
      %dma_start3A_29 = tpu.memref_slice %arg5[%dma_start3A_28] : memref<232xi32, #tpu.memory_space<vmem>> -> memref<200xi32, #tpu.memory_space<vmem>>
      tpu.enqueue_dma source(%arg3 : memref<200xi32, #tpu.memory_space<hbm>>) target(%dma_start3A_29 : memref<200xi32, #tpu.memory_space<vmem>>) target_semaphore(%run_scoped3A : memref<!tpu.dma_semaphore, #tpu.memory_space<semaphore_mem>>)
      %dma_wait3A = arith.constant 0 : i32
      %dma_wait3A_30 = tpu.memref_slice %arg5[%dma_wait3A] : memref<232xi32, #tpu.memory_space<vmem>> -> memref<200xi32, #tpu.memory_space<vmem>>
      %dma_wait3A_31 = arith.constant 0 : i32
      %dma_wait3A_32 = tpu.memref_slice %arg5[%dma_wait3A_31] : memref<232xi32, #tpu.memory_space<vmem>> -> memref<200xi32, #tpu.memory_space<vmem>>
      tpu.wait_dma2 semaphore(%run_scoped3A : memref<!tpu.dma_semaphore, #tpu.memory_space<semaphore_mem>>) src(%arg3 : memref<200xi32, #tpu.memory_space<hbm>>) dst(%dma_wait3A_32 : memref<200xi32, #tpu.memory_space<vmem>>)
      tpu.yield
    }) : () -> ()
    %add3A_7 = arith.constant 90 : i32
    %add3A_8 = arith.addi %add3A_7, %add3A_6 : i32
    %get3A = arith.index_cast %add3A_8 : i32 to index
    %get3A_9 = tpu.vector_load %arg5[%get3A] {strides = array<i32>} : memref<232xi32, #tpu.memory_space<vmem>>, vector<16xi32>,
    %iota3A = tpu.iota {dimensions = array<i32: 0>} : vector<16xi32>
    %gt3A = arith.constant 0 : i32
    %gt3A_10 = arith.cmpi sgt, %select_n3A, %gt3A : i32
    %convert_element_type3A = arith.extui %gt3A_10 : i1 to i32
    %cond3A = arith.constant 0 : i32
    %cond3A_11 = arith.cmpi ne, %convert_element_type3A, %cond3A : i32
    scf.if %cond3A_11 {
      %slice3A = vector.extract_strided_slice %get3A_9 {offsets = [0], sizes = [1], strides = [1]} : vector<16xi32> to vector<1xi32>
      %squeeze3A = vector.extract %slice3A[0] : i32 from vector<1xi32>
      %jit3A_27 = arith.constant 128 : i32
      %div3A = arith.divsi %squeeze3A, %jit3A_27 : i32
      %sign3A = arith.constant 0 : i32
      %sign3A_28 = arith.cmpi sgt, %squeeze3A, %sign3A : i32
      %sign3A_29 = arith.extui %sign3A_28 : i1 to i32
      %sign3A_30 = arith.constant 0 : i32
      %sign3A_31 = arith.cmpi slt, %squeeze3A, %sign3A_30 : i32
      %sign3A_32 = arith.extui %sign3A_31 : i1 to i32
      %sign3A_33 = arith.subi %sign3A_29, %sign3A_32 : i32
      %sign3A_34 = arith.constant 0 : i32
      %sign3A_35 = arith.cmpi sgt, %jit3A_27, %sign3A_34 : i32
      %sign3A_36 = arith.extui %sign3A_35 : i1 to i32
      %sign3A_37 = arith.constant 0 : i32
      %sign3A_38 = arith.cmpi slt, %jit3A_27, %sign3A_37 : i32
      %sign3A_39 = arith.extui %sign3A_38 : i1 to i32
      %sign3A_40 = arith.subi %sign3A_36, %sign3A_39 : i32
      %ne3A = arith.cmpi ne, %sign3A_33, %sign3A_40 : i32
      %rem3A = arith.remsi %squeeze3A, %jit3A_27 : i32
      %ne3A_41 = arith.constant 0 : i32
      %ne3A_42 = arith.cmpi ne, %rem3A, %ne3A_41 : i32
      %and3A = arith.andi %ne3A, %ne3A_42 : i1
      %sub3A = arith.constant 1 : i32
      %sub3A_43 = arith.subi %div3A, %sub3A : i32
      %select_n3A_44 = arith.select %and3A, %sub3A_43, %div3A : i32
      %mul3A_45 = arith.constant 128 : i32
      %mul3A_46 = arith.muli %select_n3A_44, %mul3A_45 : i32
      %multiple_of3A = tpu.assume_multiple %mul3A_46, 128 : i32
      %sub3A_47 = arith.subi %squeeze3A, %multiple_of3A : i32
      "tpu.region"() ({
        %run_scoped3A = tpu.sem_alloc : memref<!tpu.dma_semaphore, #tpu.memory_space<semaphore_mem>>
        %dma_start3A = arith.constant 0 : i32
        %dma_start3A_561 = arith.constant 0 : i32
        %dma_start3A_562 = tpu.memref_slice %arg2[%dma_start3A, %dma_start3A_561, %multiple_of3A] : memref<32x32x100000xf32, #tpu.memory_space<hbm>> -> memref<32x16x128xf32, #tpu.memory_space<hbm>>
        %dma_start3A_563 = arith.constant 0 : i32
        %dma_start3A_564 = arith.constant 0 : i32
        %dma_start3A_565 = tpu.memref_slice %arg2[%dma_start3A_563, %dma_start3A_564, %multiple_of3A] : memref<32x32x100000xf32, #tpu.memory_space<hbm>> -> memref<32x16x128xf32, #tpu.memory_space<hbm>>
        tpu.enqueue_dma source(%dma_start3A_565 : memref<32x16x128xf32, #tpu.memory_space<hbm>>) target(%arg6 : memref<32x16x128xf32, #tpu.memory_space<vmem>>) target_semaphore(%run_scoped3A : memref<!tpu.dma_semaphore, #tpu.memory_space<semaphore_mem>>)
        %dma_wait3A = arith.constant 0 : i32
        %dma_wait3A_566 = arith.constant 0 : i32
        %dma_wait3A_567 = tpu.memref_slice %arg2[%dma_wait3A, %dma_wait3A_566, %multiple_of3A] : memref<32x32x100000xf32, #tpu.memory_space<hbm>> -> memref<32x16x128xf32, #tpu.memory_space<hbm>>
        %dma_wait3A_568 = arith.constant 0 : i32
        %dma_wait3A_569 = arith.constant 0 : i32
        %dma_wait3A_570 = tpu.memref_slice %arg2[%dma_wait3A_568, %dma_wait3A_569, %multiple_of3A] : memref<32x32x100000xf32, #tpu.memory_space<hbm>> -> memref<32x16x128xf32, #tpu.memory_space<hbm>>
        tpu.wait_dma2 semaphore(%run_scoped3A : memref<!tpu.dma_semaphore, #tpu.memory_space<semaphore_mem>>) src(%dma_wait3A_570 : memref<32x16x128xf32, #tpu.memory_space<hbm>>) dst(%arg6 : memref<32x16x128xf32, #tpu.memory_space<vmem>>)
        tpu.yield
      }) : () -> ()
      %broadcast_in_dim3A = arith.constant 0 : i32
      %broadcast_in_dim3A_48 = vector.broadcast %broadcast_in_dim3A : i32 to vector<16xi32>
      %broadcast_in_dim3A_49 = vector.broadcast %sub3A_47 : i32 to vector<16xi32>
      %gather3A = tpu.vector_load_idx %arg6[%broadcast_in_dim3A_48, %iota3A, %broadcast_in_dim3A_49] : memref<32x16x128xf32, #tpu.memory_space<vmem>>[vector<16xi32>, vector<16xi32>, vector<16xi32>], vector<16xf32>,
      %swap3A = arith.constant 0 : i32
      %swap3A_50 = arith.index_cast %swap3A : i32 to index
      %swap3A_51 = arith.constant 0 : index
      %swap3A_52 = tpu.vector_load %arg7[%swap3A_50, %swap3A_51] {strides = array<i32>} : memref<32x32xf32, #tpu.memory_space<vmem>>, vector<16xf32>,
      tpu.vector_store %arg7[%swap3A_50, %swap3A_51], %gather3A {strides = array<i32>} : memref<32x32xf32, #tpu.memory_space<vmem>>, vector<16xf32>,
      %broadcast_in_dim3A_53 = arith.constant 1 : i32
      %broadcast_in_dim3A_54 = vector.broadcast %broadcast_in_dim3A_53 : i32 to vector<16xi32>
      %broadcast_in_dim3A_55 = vector.broadcast %sub3A_47 : i32 to vector<16xi32>
      %gather3A_56 = tpu.vector_load_idx %arg6[%broadcast_in_dim3A_54, %iota3A, %broadcast_in_dim3A_55] : memref<32x16x128xf32, #tpu.memory_space<vmem>>[vector<16xi32>, vector<16xi32>, vector<16xi32>], vector<16xf32>,
      %swap3A_57 = arith.constant 1 : i32
      %swap3A_58 = arith.index_cast %swap3A_57 : i32 to index
      %swap3A_59 = arith.constant 0 : index
      %swap3A_60 = tpu.vector_load %arg7[%swap3A_58, %swap3A_59] {strides = array<i32>} : memref<32x32xf32, #tpu.memory_space<vmem>>, vector<16xf32>,
      tpu.vector_store %arg7[%swap3A_58, %swap3A_59], %gather3A_56 {strides = array<i32>} : memref<32x32xf32, #tpu.memory_space<vmem>>, vector<16xf32>,
      %broadcast_in_dim3A_61 = arith.constant 2 : i32
      %broadcast_in_dim3A_62 = vector.broadcast %broadcast_in_dim3A_61 : i32 to vector<16xi32>
      %broadcast_in_dim3A_63 = vector.broadcast %sub3A_47 : i32 to vector<16xi32>
      %gather3A_64 = tpu.vector_load_idx %arg6[%broadcast_in_dim3A_62, %iota3A, %broadcast_in_dim3A_63] : memref<32x16x128xf32, #tpu.memory_space<vmem>>[vector<16xi32>, vector<16xi32>, vector<16xi32>], vector<16xf32>,
      %swap3A_65 = arith.constant 2 : i32
      %swap3A_66 = arith.index_cast %swap3A_65 : i32 to index
      %swap3A_67 = arith.constant 0 : index
      %swap3A_68 = tpu.vector_load %arg7[%swap3A_66, %swap3A_67] {strides = array<i32>} : memref<32x32xf32, #tpu.memory_space<vmem>>, vector<16xf32>,
      tpu.vector_store %arg7[%swap3A_66, %swap3A_67], %gather3A_64 {strides = array<i32>} : memref<32x32xf32, #tpu.memory_space<vmem>>, vector<16xf32>,
      %broadcast_in_dim3A_69 = arith.constant 3 : i32
      %broadcast_in_dim3A_70 = vector.broadcast %broadcast_in_dim3A_69 : i32 to vector<16xi32>
      %broadcast_in_dim3A_71 = vector.broadcast %sub3A_47 : i32 to vector<16xi32>
      %gather3A_72 = tpu.vector_load_idx %arg6[%broadcast_in_dim3A_70, %iota3A, %broadcast_in_dim3A_71] : memref<32x16x128xf32, #tpu.memory_space<vmem>>[vector<16xi32>, vector<16xi32>, vector<16xi32>], vector<16xf32>,
      %swap3A_73 = arith.constant 3 : i32
      %swap3A_74 = arith.index_cast %swap3A_73 : i32 to index
      %swap3A_75 = arith.constant 0 : index
      %swap3A_76 = tpu.vector_load %arg7[%swap3A_74, %swap3A_75] {strides = array<i32>} : memref<32x32xf32, #tpu.memory_space<vmem>>, vector<16xf32>,
      tpu.vector_store %arg7[%swap3A_74, %swap3A_75], %gather3A_72 {strides = array<i32>} : memref<32x32xf32, #tpu.memory_space<vmem>>, vector<16xf32>,
      %broadcast_in_dim3A_77 = arith.constant 4 : i32
      %broadcast_in_dim3A_78 = vector.broadcast %broadcast_in_dim3A_77 : i32 to vector<16xi32>
      %broadcast_in_dim3A_79 = vector.broadcast %sub3A_47 : i32 to vector<16xi32>
      %gather3A_80 = tpu.vector_load_idx %arg6[%broadcast_in_dim3A_78, %iota3A, %broadcast_in_dim3A_79] : memref<32x16x128xf32, #tpu.memory_space<vmem>>[vector<16xi32>, vector<16xi32>, vector<16xi32>], vector<16xf32>,
      %swap3A_81 = arith.constant 4 : i32
      %swap3A_82 = arith.index_cast %swap3A_81 : i32 to index
      %swap3A_83 = arith.constant 0 : index
      %swap3A_84 = tpu.vector_load %arg7[%swap3A_82, %swap3A_83] {strides = array<i32>} : memref<32x32xf32, #tpu.memory_space<vmem>>, vector<16xf32>,
      tpu.vector_store %arg7[%swap3A_82, %swap3A_83], %gather3A_80 {strides = array<i32>} : memref<32x32xf32, #tpu.memory_space<vmem>>, vector<16xf32>,
      %broadcast_in_dim3A_85 = arith.constant 5 : i32
      %broadcast_in_dim3A_86 = vector.broadcast %broadcast_in_dim3A_85 : i32 to vector<16xi32>
      %broadcast_in_dim3A_87 = vector.broadcast %sub3A_47 : i32 to vector<16xi32>
      %gather3A_88 = tpu.vector_load_idx %arg6[%broadcast_in_dim3A_86, %iota3A, %broadcast_in_dim3A_87] : memref<32x16x128xf32, #tpu.memory_space<vmem>>[vector<16xi32>, vector<16xi32>, vector<16xi32>], vector<16xf32>,
      %swap3A_89 = arith.constant 5 : i32
      %swap3A_90 = arith.index_cast %swap3A_89 : i32 to index
      %swap3A_91 = arith.constant 0 : index
      %swap3A_92 = tpu.vector_load %arg7[%swap3A_90, %swap3A_91] {strides = array<i32>} : memref<32x32xf32, #tpu.memory_space<vmem>>, vector<16xf32>,
      tpu.vector_store %arg7[%swap3A_90, %swap3A_91], %gather3A_88 {strides = array<i32>} : memref<32x32xf32, #tpu.memory_space<vmem>>, vector<16xf32>,
      %broadcast_in_dim3A_93 = arith.constant 6 : i32
      %broadcast_in_dim3A_94 = vector.broadcast %broadcast_in_dim3A_93 : i32 to vector<16xi32>
      %broadcast_in_dim3A_95 = vector.broadcast %sub3A_47 : i32 to vector<16xi32>
      %gather3A_96 = tpu.vector_load_idx %arg6[%broadcast_in_dim3A_94, %iota3A, %broadcast_in_dim3A_95] : memref<32x16x128xf32, #tpu.memory_space<vmem>>[vector<16xi32>, vector<16xi32>, vector<16xi32>], vector<16xf32>,
      %swap3A_97 = arith.constant 6 : i32
      %swap3A_98 = arith.index_cast %swap3A_97 : i32 to index
      %swap3A_99 = arith.constant 0 : index
      %swap3A_100 = tpu.vector_load %arg7[%swap3A_98, %swap3A_99] {strides = array<i32>} : memref<32x32xf32, #tpu.memory_space<vmem>>, vector<16xf32>,
      tpu.vector_store %arg7[%swap3A_98, %swap3A_99], %gather3A_96 {strides = array<i32>} : memref<32x32xf32, #tpu.memory_space<vmem>>, vector<16xf32>,
      %broadcast_in_dim3A_101 = arith.constant 7 : i32
      %broadcast_in_dim3A_102 = vector.broadcast %broadcast_in_dim3A_101 : i32 to vector<16xi32>
      %broadcast_in_dim3A_103 = vector.broadcast %sub3A_47 : i32 to vector<16xi32>
      %gather3A_104 = tpu.vector_load_idx %arg6[%broadcast_in_dim3A_102, %iota3A, %broadcast_in_dim3A_103] : memref<32x16x128xf32, #tpu.memory_space<vmem>>[vector<16xi32>, vector<16xi32>, vector<16xi32>], vector<16xf32>,
      %swap3A_105 = arith.constant 7 : i32
      %swap3A_106 = arith.index_cast %swap3A_105 : i32 to index
      %swap3A_107 = arith.constant 0 : index
      %swap3A_108 = tpu.vector_load %arg7[%swap3A_106, %swap3A_107] {strides = array<i32>} : memref<32x32xf32, #tpu.memory_space<vmem>>, vector<16xf32>,
      tpu.vector_store %arg7[%swap3A_106, %swap3A_107], %gather3A_104 {strides = array<i32>} : memref<32x32xf32, #tpu.memory_space<vmem>>, vector<16xf32>,
      %broadcast_in_dim3A_109 = arith.constant 8 : i32
      %broadcast_in_dim3A_110 = vector.broadcast %broadcast_in_dim3A_109 : i32 to vector<16xi32>
      %broadcast_in_dim3A_111 = vector.broadcast %sub3A_47 : i32 to vector<16xi32>
      %gather3A_112 = tpu.vector_load_idx %arg6[%broadcast_in_dim3A_110, %iota3A, %broadcast_in_dim3A_111] : memref<32x16x128xf32, #tpu.memory_space<vmem>>[vector<16xi32>, vector<16xi32>, vector<16xi32>], vector<16xf32>,
      %swap3A_113 = arith.constant 8 : i32
      %swap3A_114 = arith.index_cast %swap3A_113 : i32 to index
      %swap3A_115 = arith.constant 0 : index
      %swap3A_116 = tpu.vector_load %arg7[%swap3A_114, %swap3A_115] {strides = array<i32>} : memref<32x32xf32, #tpu.memory_space<vmem>>, vector<16xf32>,
      tpu.vector_store %arg7[%swap3A_114, %swap3A_115], %gather3A_112 {strides = array<i32>} : memref<32x32xf32, #tpu.memory_space<vmem>>, vector<16xf32>,
      %broadcast_in_dim3A_117 = arith.constant 9 : i32
      %broadcast_in_dim3A_118 = vector.broadcast %broadcast_in_dim3A_117 : i32 to vector<16xi32>
      %broadcast_in_dim3A_119 = vector.broadcast %sub3A_47 : i32 to vector<16xi32>
      %gather3A_120 = tpu.vector_load_idx %arg6[%broadcast_in_dim3A_118, %iota3A, %broadcast_in_dim3A_119] : memref<32x16x128xf32, #tpu.memory_space<vmem>>[vector<16xi32>, vector<16xi32>, vector<16xi32>], vector<16xf32>,
      %swap3A_121 = arith.constant 9 : i32
      %swap3A_122 = arith.index_cast %swap3A_121 : i32 to index
      %swap3A_123 = arith.constant 0 : index
      %swap3A_124 = tpu.vector_load %arg7[%swap3A_122, %swap3A_123] {strides = array<i32>} : memref<32x32xf32, #tpu.memory_space<vmem>>, vector<16xf32>,
      tpu.vector_store %arg7[%swap3A_122, %swap3A_123], %gather3A_120 {strides = array<i32>} : memref<32x32xf32, #tpu.memory_space<vmem>>, vector<16xf32>,
      %broadcast_in_dim3A_125 = arith.constant 10 : i32
      %broadcast_in_dim3A_126 = vector.broadcast %broadcast_in_dim3A_125 : i32 to vector<16xi32>
      %broadcast_in_dim3A_127 = vector.broadcast %sub3A_47 : i32 to vector<16xi32>
      %gather3A_128 = tpu.vector_load_idx %arg6[%broadcast_in_dim3A_126, %iota3A, %broadcast_in_dim3A_127] : memref<32x16x128xf32, #tpu.memory_space<vmem>>[vector<16xi32>, vector<16xi32>, vector<16xi32>], vector<16xf32>,
      %swap3A_129 = arith.constant 10 : i32
      %swap3A_130 = arith.index_cast %swap3A_129 : i32 to index
      %swap3A_131 = arith.constant 0 : index
      %swap3A_132 = tpu.vector_load %arg7[%swap3A_130, %swap3A_131] {strides = array<i32>} : memref<32x32xf32, #tpu.memory_space<vmem>>, vector<16xf32>,
      tpu.vector_store %arg7[%swap3A_130, %swap3A_131], %gather3A_128 {strides = array<i32>} : memref<32x32xf32, #tpu.memory_space<vmem>>, vector<16xf32>,
      %broadcast_in_dim3A_133 = arith.constant 11 : i32
      %broadcast_in_dim3A_134 = vector.broadcast %broadcast_in_dim3A_133 : i32 to vector<16xi32>
      %broadcast_in_dim3A_135 = vector.broadcast %sub3A_47 : i32 to vector<16xi32>
      %gather3A_136 = tpu.vector_load_idx %arg6[%broadcast_in_dim3A_134, %iota3A, %broadcast_in_dim3A_135] : memref<32x16x128xf32, #tpu.memory_space<vmem>>[vector<16xi32>, vector<16xi32>, vector<16xi32>], vector<16xf32>,
      %swap3A_137 = arith.constant 11 : i32
      %swap3A_138 = arith.index_cast %swap3A_137 : i32 to index
      %swap3A_139 = arith.constant 0 : index
      %swap3A_140 = tpu.vector_load %arg7[%swap3A_138, %swap3A_139] {strides = array<i32>} : memref<32x32xf32, #tpu.memory_space<vmem>>, vector<16xf32>,
      tpu.vector_store %arg7[%swap3A_138, %swap3A_139], %gather3A_136 {strides = array<i32>} : memref<32x32xf32, #tpu.memory_space<vmem>>, vector<16xf32>,
      %broadcast_in_dim3A_141 = arith.constant 12 : i32
      %broadcast_in_dim3A_142 = vector.broadcast %broadcast_in_dim3A_141 : i32 to vector<16xi32>
      %broadcast_in_dim3A_143 = vector.broadcast %sub3A_47 : i32 to vector<16xi32>
      %gather3A_144 = tpu.vector_load_idx %arg6[%broadcast_in_dim3A_142, %iota3A, %broadcast_in_dim3A_143] : memref<32x16x128xf32, #tpu.memory_space<vmem>>[vector<16xi32>, vector<16xi32>, vector<16xi32>], vector<16xf32>,
      %swap3A_145 = arith.constant 12 : i32
      %swap3A_146 = arith.index_cast %swap3A_145 : i32 to index
      %swap3A_147 = arith.constant 0 : index
      %swap3A_148 = tpu.vector_load %arg7[%swap3A_146, %swap3A_147] {strides = array<i32>} : memref<32x32xf32, #tpu.memory_space<vmem>>, vector<16xf32>,
      tpu.vector_store %arg7[%swap3A_146, %swap3A_147], %gather3A_144 {strides = array<i32>} : memref<32x32xf32, #tpu.memory_space<vmem>>, vector<16xf32>,
      %broadcast_in_dim3A_149 = arith.constant 13 : i32
      %broadcast_in_dim3A_150 = vector.broadcast %broadcast_in_dim3A_149 : i32 to vector<16xi32>
      %broadcast_in_dim3A_151 = vector.broadcast %sub3A_47 : i32 to vector<16xi32>
      %gather3A_152 = tpu.vector_load_idx %arg6[%broadcast_in_dim3A_150, %iota3A, %broadcast_in_dim3A_151] : memref<32x16x128xf32, #tpu.memory_space<vmem>>[vector<16xi32>, vector<16xi32>, vector<16xi32>], vector<16xf32>,
      %swap3A_153 = arith.constant 13 : i32
      %swap3A_154 = arith.index_cast %swap3A_153 : i32 to index
      %swap3A_155 = arith.constant 0 : index
      %swap3A_156 = tpu.vector_load %arg7[%swap3A_154, %swap3A_155] {strides = array<i32>} : memref<32x32xf32, #tpu.memory_space<vmem>>, vector<16xf32>,
      tpu.vector_store %arg7[%swap3A_154, %swap3A_155], %gather3A_152 {strides = array<i32>} : memref<32x32xf32, #tpu.memory_space<vmem>>, vector<16xf32>,
      %broadcast_in_dim3A_157 = arith.constant 14 : i32
      %broadcast_in_dim3A_158 = vector.broadcast %broadcast_in_dim3A_157 : i32 to vector<16xi32>
      %broadcast_in_dim3A_159 = vector.broadcast %sub3A_47 : i32 to vector<16xi32>
      %gather3A_160 = tpu.vector_load_idx %arg6[%broadcast_in_dim3A_158, %iota3A, %broadcast_in_dim3A_159] : memref<32x16x128xf32, #tpu.memory_space<vmem>>[vector<16xi32>, vector<16xi32>, vector<16xi32>], vector<16xf32>,
      %swap3A_161 = arith.constant 14 : i32
      %swap3A_162 = arith.index_cast %swap3A_161 : i32 to index
      %swap3A_163 = arith.constant 0 : index
      %swap3A_164 = tpu.vector_load %arg7[%swap3A_162, %swap3A_163] {strides = array<i32>} : memref<32x32xf32, #tpu.memory_space<vmem>>, vector<16xf32>,
      tpu.vector_store %arg7[%swap3A_162, %swap3A_163], %gather3A_160 {strides = array<i32>} : memref<32x32xf32, #tpu.memory_space<vmem>>, vector<16xf32>,
      %broadcast_in_dim3A_165 = arith.constant 15 : i32
      %broadcast_in_dim3A_166 = vector.broadcast %broadcast_in_dim3A_165 : i32 to vector<16xi32>
      %broadcast_in_dim3A_167 = vector.broadcast %sub3A_47 : i32 to vector<16xi32>
      %gather3A_168 = tpu.vector_load_idx %arg6[%broadcast_in_dim3A_166, %iota3A, %broadcast_in_dim3A_167] : memref<32x16x128xf32, #tpu.memory_space<vmem>>[vector<16xi32>, vector<16xi32>, vector<16xi32>], vector<16xf32>,
      %swap3A_169 = arith.constant 15 : i32
      %swap3A_170 = arith.index_cast %swap3A_169 : i32 to index
      %swap3A_171 = arith.constant 0 : index
      %swap3A_172 = tpu.vector_load %arg7[%swap3A_170, %swap3A_171] {strides = array<i32>} : memref<32x32xf32, #tpu.memory_space<vmem>>, vector<16xf32>,
      tpu.vector_store %arg7[%swap3A_170, %swap3A_171], %gather3A_168 {strides = array<i32>} : memref<32x32xf32, #tpu.memory_space<vmem>>, vector<16xf32>,
      %broadcast_in_dim3A_173 = arith.constant 16 : i32
      %broadcast_in_dim3A_174 = vector.broadcast %broadcast_in_dim3A_173 : i32 to vector<16xi32>
      %broadcast_in_dim3A_175 = vector.broadcast %sub3A_47 : i32 to vector<16xi32>
      %gather3A_176 = tpu.vector_load_idx %arg6[%broadcast_in_dim3A_174, %iota3A, %broadcast_in_dim3A_175] : memref<32x16x128xf32, #tpu.memory_space<vmem>>[vector<16xi32>, vector<16xi32>, vector<16xi32>], vector<16xf32>,
      %swap3A_177 = arith.constant 16 : i32
      %swap3A_178 = arith.index_cast %swap3A_177 : i32 to index
      %swap3A_179 = arith.constant 0 : index
      %swap3A_180 = tpu.vector_load %arg7[%swap3A_178, %swap3A_179] {strides = array<i32>} : memref<32x32xf32, #tpu.memory_space<vmem>>, vector<16xf32>,
      tpu.vector_store %arg7[%swap3A_178, %swap3A_179], %gather3A_176 {strides = array<i32>} : memref<32x32xf32, #tpu.memory_space<vmem>>, vector<16xf32>,
      %broadcast_in_dim3A_181 = arith.constant 17 : i32
      %broadcast_in_dim3A_182 = vector.broadcast %broadcast_in_dim3A_181 : i32 to vector<16xi32>
      %broadcast_in_dim3A_183 = vector.broadcast %sub3A_47 : i32 to vector<16xi32>
      %gather3A_184 = tpu.vector_load_idx %arg6[%broadcast_in_dim3A_182, %iota3A, %broadcast_in_dim3A_183] : memref<32x16x128xf32, #tpu.memory_space<vmem>>[vector<16xi32>, vector<16xi32>, vector<16xi32>], vector<16xf32>,
      %swap3A_185 = arith.constant 17 : i32
      %swap3A_186 = arith.index_cast %swap3A_185 : i32 to index
      %swap3A_187 = arith.constant 0 : index
      %swap3A_188 = tpu.vector_load %arg7[%swap3A_186, %swap3A_187] {strides = array<i32>} : memref<32x32xf32, #tpu.memory_space<vmem>>, vector<16xf32>,
      tpu.vector_store %arg7[%swap3A_186, %swap3A_187], %gather3A_184 {strides = array<i32>} : memref<32x32xf32, #tpu.memory_space<vmem>>, vector<16xf32>,
      %broadcast_in_dim3A_189 = arith.constant 18 : i32
      %broadcast_in_dim3A_190 = vector.broadcast %broadcast_in_dim3A_189 : i32 to vector<16xi32>
      %broadcast_in_dim3A_191 = vector.broadcast %sub3A_47 : i32 to vector<16xi32>
      %gather3A_192 = tpu.vector_load_idx %arg6[%broadcast_in_dim3A_190, %iota3A, %broadcast_in_dim3A_191] : memref<32x16x128xf32, #tpu.memory_space<vmem>>[vector<16xi32>, vector<16xi32>, vector<16xi32>], vector<16xf32>,
      %swap3A_193 = arith.constant 18 : i32
      %swap3A_194 = arith.index_cast %swap3A_193 : i32 to index
      %swap3A_195 = arith.constant 0 : index
      %swap3A_196 = tpu.vector_load %arg7[%swap3A_194, %swap3A_195] {strides = array<i32>} : memref<32x32xf32, #tpu.memory_space<vmem>>, vector<16xf32>,
      tpu.vector_store %arg7[%swap3A_194, %swap3A_195], %gather3A_192 {strides = array<i32>} : memref<32x32xf32, #tpu.memory_space<vmem>>, vector<16xf32>,
      %broadcast_in_dim3A_197 = arith.constant 19 : i32
      %broadcast_in_dim3A_198 = vector.broadcast %broadcast_in_dim3A_197 : i32 to vector<16xi32>
      %broadcast_in_dim3A_199 = vector.broadcast %sub3A_47 : i32 to vector<16xi32>
      %gather3A_200 = tpu.vector_load_idx %arg6[%broadcast_in_dim3A_198, %iota3A, %broadcast_in_dim3A_199] : memref<32x16x128xf32, #tpu.memory_space<vmem>>[vector<16xi32>, vector<16xi32>, vector<16xi32>], vector<16xf32>,
      %swap3A_201 = arith.constant 19 : i32
      %swap3A_202 = arith.index_cast %swap3A_201 : i32 to index
      %swap3A_203 = arith.constant 0 : index
      %swap3A_204 = tpu.vector_load %arg7[%swap3A_202, %swap3A_203] {strides = array<i32>} : memref<32x32xf32, #tpu.memory_space<vmem>>, vector<16xf32>,
      tpu.vector_store %arg7[%swap3A_202, %swap3A_203], %gather3A_200 {strides = array<i32>} : memref<32x32xf32, #tpu.memory_space<vmem>>, vector<16xf32>,
      %broadcast_in_dim3A_205 = arith.constant 20 : i32
      %broadcast_in_dim3A_206 = vector.broadcast %broadcast_in_dim3A_205 : i32 to vector<16xi32>
      %broadcast_in_dim3A_207 = vector.broadcast %sub3A_47 : i32 to vector<16xi32>
      %gather3A_208 = tpu.vector_load_idx %arg6[%broadcast_in_dim3A_206, %iota3A, %broadcast_in_dim3A_207] : memref<32x16x128xf32, #tpu.memory_space<vmem>>[vector<16xi32>, vector<16xi32>, vector<16xi32>], vector<16xf32>,
      %swap3A_209 = arith.constant 20 : i32
      %swap3A_210 = arith.index_cast %swap3A_209 : i32 to index
      %swap3A_211 = arith.constant 0 : index
      %swap3A_212 = tpu.vector_load %arg7[%swap3A_210, %swap3A_211] {strides = array<i32>} : memref<32x32xf32, #tpu.memory_space<vmem>>, vector<16xf32>,
      tpu.vector_store %arg7[%swap3A_210, %swap3A_211], %gather3A_208 {strides = array<i32>} : memref<32x32xf32, #tpu.memory_space<vmem>>, vector<16xf32>,
      %broadcast_in_dim3A_213 = arith.constant 21 : i32
      %broadcast_in_dim3A_214 = vector.broadcast %broadcast_in_dim3A_213 : i32 to vector<16xi32>
      %broadcast_in_dim3A_215 = vector.broadcast %sub3A_47 : i32 to vector<16xi32>
      %gather3A_216 = tpu.vector_load_idx %arg6[%broadcast_in_dim3A_214, %iota3A, %broadcast_in_dim3A_215] : memref<32x16x128xf32, #tpu.memory_space<vmem>>[vector<16xi32>, vector<16xi32>, vector<16xi32>], vector<16xf32>,
      %swap3A_217 = arith.constant 21 : i32
      %swap3A_218 = arith.index_cast %swap3A_217 : i32 to index
      %swap3A_219 = arith.constant 0 : index
      %swap3A_220 = tpu.vector_load %arg7[%swap3A_218, %swap3A_219] {strides = array<i32>} : memref<32x32xf32, #tpu.memory_space<vmem>>, vector<16xf32>,
      tpu.vector_store %arg7[%swap3A_218, %swap3A_219], %gather3A_216 {strides = array<i32>} : memref<32x32xf32, #tpu.memory_space<vmem>>, vector<16xf32>,
      %broadcast_in_dim3A_221 = arith.constant 22 : i32
      %broadcast_in_dim3A_222 = vector.broadcast %broadcast_in_dim3A_221 : i32 to vector<16xi32>
      %broadcast_in_dim3A_223 = vector.broadcast %sub3A_47 : i32 to vector<16xi32>
      %gather3A_224 = tpu.vector_load_idx %arg6[%broadcast_in_dim3A_222, %iota3A, %broadcast_in_dim3A_223] : memref<32x16x128xf32, #tpu.memory_space<vmem>>[vector<16xi32>, vector<16xi32>, vector<16xi32>], vector<16xf32>,
      %swap3A_225 = arith.constant 22 : i32
      %swap3A_226 = arith.index_cast %swap3A_225 : i32 to index
      %swap3A_227 = arith.constant 0 : index
      %swap3A_228 = tpu.vector_load %arg7[%swap3A_226, %swap3A_227] {strides = array<i32>} : memref<32x32xf32, #tpu.memory_space<vmem>>, vector<16xf32>,
      tpu.vector_store %arg7[%swap3A_226, %swap3A_227], %gather3A_224 {strides = array<i32>} : memref<32x32xf32, #tpu.memory_space<vmem>>, vector<16xf32>,
      %broadcast_in_dim3A_229 = arith.constant 23 : i32
      %broadcast_in_dim3A_230 = vector.broadcast %broadcast_in_dim3A_229 : i32 to vector<16xi32>
      %broadcast_in_dim3A_231 = vector.broadcast %sub3A_47 : i32 to vector<16xi32>
      %gather3A_232 = tpu.vector_load_idx %arg6[%broadcast_in_dim3A_230, %iota3A, %broadcast_in_dim3A_231] : memref<32x16x128xf32, #tpu.memory_space<vmem>>[vector<16xi32>, vector<16xi32>, vector<16xi32>], vector<16xf32>,
      %swap3A_233 = arith.constant 23 : i32
      %swap3A_234 = arith.index_cast %swap3A_233 : i32 to index
      %swap3A_235 = arith.constant 0 : index
      %swap3A_236 = tpu.vector_load %arg7[%swap3A_234, %swap3A_235] {strides = array<i32>} : memref<32x32xf32, #tpu.memory_space<vmem>>, vector<16xf32>,
      tpu.vector_store %arg7[%swap3A_234, %swap3A_235], %gather3A_232 {strides = array<i32>} : memref<32x32xf32, #tpu.memory_space<vmem>>, vector<16xf32>,
      %broadcast_in_dim3A_237 = arith.constant 24 : i32
      %broadcast_in_dim3A_238 = vector.broadcast %broadcast_in_dim3A_237 : i32 to vector<16xi32>
      %broadcast_in_dim3A_239 = vector.broadcast %sub3A_47 : i32 to vector<16xi32>
      %gather3A_240 = tpu.vector_load_idx %arg6[%broadcast_in_dim3A_238, %iota3A, %broadcast_in_dim3A_239] : memref<32x16x128xf32, #tpu.memory_space<vmem>>[vector<16xi32>, vector<16xi32>, vector<16xi32>], vector<16xf32>,
      %swap3A_241 = arith.constant 24 : i32
      %swap3A_242 = arith.index_cast %swap3A_241 : i32 to index
      %swap3A_243 = arith.constant 0 : index
      %swap3A_244 = tpu.vector_load %arg7[%swap3A_242, %swap3A_243] {strides = array<i32>} : memref<32x32xf32, #tpu.memory_space<vmem>>, vector<16xf32>,
      tpu.vector_store %arg7[%swap3A_242, %swap3A_243], %gather3A_240 {strides = array<i32>} : memref<32x32xf32, #tpu.memory_space<vmem>>, vector<16xf32>,
      %broadcast_in_dim3A_245 = arith.constant 25 : i32
      %broadcast_in_dim3A_246 = vector.broadcast %broadcast_in_dim3A_245 : i32 to vector<16xi32>
      %broadcast_in_dim3A_247 = vector.broadcast %sub3A_47 : i32 to vector<16xi32>
      %gather3A_248 = tpu.vector_load_idx %arg6[%broadcast_in_dim3A_246, %iota3A, %broadcast_in_dim3A_247] : memref<32x16x128xf32, #tpu.memory_space<vmem>>[vector<16xi32>, vector<16xi32>, vector<16xi32>], vector<16xf32>,
      %swap3A_249 = arith.constant 25 : i32
      %swap3A_250 = arith.index_cast %swap3A_249 : i32 to index
      %swap3A_251 = arith.constant 0 : index
      %swap3A_252 = tpu.vector_load %arg7[%swap3A_250, %swap3A_251] {strides = array<i32>} : memref<32x32xf32, #tpu.memory_space<vmem>>, vector<16xf32>,
      tpu.vector_store %arg7[%swap3A_250, %swap3A_251], %gather3A_248 {strides = array<i32>} : memref<32x32xf32, #tpu.memory_space<vmem>>, vector<16xf32>,
      %broadcast_in_dim3A_253 = arith.constant 26 : i32
      %broadcast_in_dim3A_254 = vector.broadcast %broadcast_in_dim3A_253 : i32 to vector<16xi32>
      %broadcast_in_dim3A_255 = vector.broadcast %sub3A_47 : i32 to vector<16xi32>
      %gather3A_256 = tpu.vector_load_idx %arg6[%broadcast_in_dim3A_254, %iota3A, %broadcast_in_dim3A_255] : memref<32x16x128xf32, #tpu.memory_space<vmem>>[vector<16xi32>, vector<16xi32>, vector<16xi32>], vector<16xf32>,
      %swap3A_257 = arith.constant 26 : i32
      %swap3A_258 = arith.index_cast %swap3A_257 : i32 to index
      %swap3A_259 = arith.constant 0 : index
      %swap3A_260 = tpu.vector_load %arg7[%swap3A_258, %swap3A_259] {strides = array<i32>} : memref<32x32xf32, #tpu.memory_space<vmem>>, vector<16xf32>,
      tpu.vector_store %arg7[%swap3A_258, %swap3A_259], %gather3A_256 {strides = array<i32>} : memref<32x32xf32, #tpu.memory_space<vmem>>, vector<16xf32>,
      %broadcast_in_dim3A_261 = arith.constant 27 : i32
      %broadcast_in_dim3A_262 = vector.broadcast %broadcast_in_dim3A_261 : i32 to vector<16xi32>
      %broadcast_in_dim3A_263 = vector.broadcast %sub3A_47 : i32 to vector<16xi32>
      %gather3A_264 = tpu.vector_load_idx %arg6[%broadcast_in_dim3A_262, %iota3A, %broadcast_in_dim3A_263] : memref<32x16x128xf32, #tpu.memory_space<vmem>>[vector<16xi32>, vector<16xi32>, vector<16xi32>], vector<16xf32>,
      %swap3A_265 = arith.constant 27 : i32
      %swap3A_266 = arith.index_cast %swap3A_265 : i32 to index
      %swap3A_267 = arith.constant 0 : index
      %swap3A_268 = tpu.vector_load %arg7[%swap3A_266, %swap3A_267] {strides = array<i32>} : memref<32x32xf32, #tpu.memory_space<vmem>>, vector<16xf32>,
      tpu.vector_store %arg7[%swap3A_266, %swap3A_267], %gather3A_264 {strides = array<i32>} : memref<32x32xf32, #tpu.memory_space<vmem>>, vector<16xf32>,
      %broadcast_in_dim3A_269 = arith.constant 28 : i32
      %broadcast_in_dim3A_270 = vector.broadcast %broadcast_in_dim3A_269 : i32 to vector<16xi32>
      %broadcast_in_dim3A_271 = vector.broadcast %sub3A_47 : i32 to vector<16xi32>
      %gather3A_272 = tpu.vector_load_idx %arg6[%broadcast_in_dim3A_270, %iota3A, %broadcast_in_dim3A_271] : memref<32x16x128xf32, #tpu.memory_space<vmem>>[vector<16xi32>, vector<16xi32>, vector<16xi32>], vector<16xf32>,
      %swap3A_273 = arith.constant 28 : i32
      %swap3A_274 = arith.index_cast %swap3A_273 : i32 to index
      %swap3A_275 = arith.constant 0 : index
      %swap3A_276 = tpu.vector_load %arg7[%swap3A_274, %swap3A_275] {strides = array<i32>} : memref<32x32xf32, #tpu.memory_space<vmem>>, vector<16xf32>,
      tpu.vector_store %arg7[%swap3A_274, %swap3A_275], %gather3A_272 {strides = array<i32>} : memref<32x32xf32, #tpu.memory_space<vmem>>, vector<16xf32>,
      %broadcast_in_dim3A_277 = arith.constant 29 : i32
      %broadcast_in_dim3A_278 = vector.broadcast %broadcast_in_dim3A_277 : i32 to vector<16xi32>
      %broadcast_in_dim3A_279 = vector.broadcast %sub3A_47 : i32 to vector<16xi32>
      %gather3A_280 = tpu.vector_load_idx %arg6[%broadcast_in_dim3A_278, %iota3A, %broadcast_in_dim3A_279] : memref<32x16x128xf32, #tpu.memory_space<vmem>>[vector<16xi32>, vector<16xi32>, vector<16xi32>], vector<16xf32>,
      %swap3A_281 = arith.constant 29 : i32
      %swap3A_282 = arith.index_cast %swap3A_281 : i32 to index
      %swap3A_283 = arith.constant 0 : index
      %swap3A_284 = tpu.vector_load %arg7[%swap3A_282, %swap3A_283] {strides = array<i32>} : memref<32x32xf32, #tpu.memory_space<vmem>>, vector<16xf32>,
      tpu.vector_store %arg7[%swap3A_282, %swap3A_283], %gather3A_280 {strides = array<i32>} : memref<32x32xf32, #tpu.memory_space<vmem>>, vector<16xf32>,
      %broadcast_in_dim3A_285 = arith.constant 30 : i32
      %broadcast_in_dim3A_286 = vector.broadcast %broadcast_in_dim3A_285 : i32 to vector<16xi32>
      %broadcast_in_dim3A_287 = vector.broadcast %sub3A_47 : i32 to vector<16xi32>
      %gather3A_288 = tpu.vector_load_idx %arg6[%broadcast_in_dim3A_286, %iota3A, %broadcast_in_dim3A_287] : memref<32x16x128xf32, #tpu.memory_space<vmem>>[vector<16xi32>, vector<16xi32>, vector<16xi32>], vector<16xf32>,
      %swap3A_289 = arith.constant 30 : i32
      %swap3A_290 = arith.index_cast %swap3A_289 : i32 to index
      %swap3A_291 = arith.constant 0 : index
      %swap3A_292 = tpu.vector_load %arg7[%swap3A_290, %swap3A_291] {strides = array<i32>} : memref<32x32xf32, #tpu.memory_space<vmem>>, vector<16xf32>,
      tpu.vector_store %arg7[%swap3A_290, %swap3A_291], %gather3A_288 {strides = array<i32>} : memref<32x32xf32, #tpu.memory_space<vmem>>, vector<16xf32>,
      %broadcast_in_dim3A_293 = arith.constant 31 : i32
      %broadcast_in_dim3A_294 = vector.broadcast %broadcast_in_dim3A_293 : i32 to vector<16xi32>
      %broadcast_in_dim3A_295 = vector.broadcast %sub3A_47 : i32 to vector<16xi32>
      %gather3A_296 = tpu.vector_load_idx %arg6[%broadcast_in_dim3A_294, %iota3A, %broadcast_in_dim3A_295] : memref<32x16x128xf32, #tpu.memory_space<vmem>>[vector<16xi32>, vector<16xi32>, vector<16xi32>], vector<16xf32>,
      %swap3A_297 = arith.constant 31 : i32
      %swap3A_298 = arith.index_cast %swap3A_297 : i32 to index
      %swap3A_299 = arith.constant 0 : index
      %swap3A_300 = tpu.vector_load %arg7[%swap3A_298, %swap3A_299] {strides = array<i32>} : memref<32x32xf32, #tpu.memory_space<vmem>>, vector<16xf32>,
      tpu.vector_store %arg7[%swap3A_298, %swap3A_299], %gather3A_296 {strides = array<i32>} : memref<32x32xf32, #tpu.memory_space<vmem>>, vector<16xf32>,
      "tpu.region"() ({
        %run_scoped3A = tpu.sem_alloc : memref<!tpu.dma_semaphore, #tpu.memory_space<semaphore_mem>>
        %dma_start3A = arith.constant 0 : i32
        %dma_start3A_561 = arith.constant 16 : i32
        %dma_start3A_562 = tpu.memref_slice %arg2[%dma_start3A, %dma_start3A_561, %multiple_of3A] : memref<32x32x100000xf32, #tpu.memory_space<hbm>> -> memref<32x16x128xf32, #tpu.memory_space<hbm>>
        %dma_start3A_563 = arith.constant 0 : i32
        %dma_start3A_564 = arith.constant 16 : i32
        %dma_start3A_565 = tpu.memref_slice %arg2[%dma_start3A_563, %dma_start3A_564, %multiple_of3A] : memref<32x32x100000xf32, #tpu.memory_space<hbm>> -> memref<32x16x128xf32, #tpu.memory_space<hbm>>
        tpu.enqueue_dma source(%dma_start3A_565 : memref<32x16x128xf32, #tpu.memory_space<hbm>>) target(%arg6 : memref<32x16x128xf32, #tpu.memory_space<vmem>>) target_semaphore(%run_scoped3A : memref<!tpu.dma_semaphore, #tpu.memory_space<semaphore_mem>>)
        %dma_wait3A = arith.constant 0 : i32
        %dma_wait3A_566 = arith.constant 16 : i32
        %dma_wait3A_567 = tpu.memref_slice %arg2[%dma_wait3A, %dma_wait3A_566, %multiple_of3A] : memref<32x32x100000xf32, #tpu.memory_space<hbm>> -> memref<32x16x128xf32, #tpu.memory_space<hbm>>
        %dma_wait3A_568 = arith.constant 0 : i32
        %dma_wait3A_569 = arith.constant 16 : i32
        %dma_wait3A_570 = tpu.memref_slice %arg2[%dma_wait3A_568, %dma_wait3A_569, %multiple_of3A] : memref<32x32x100000xf32, #tpu.memory_space<hbm>> -> memref<32x16x128xf32, #tpu.memory_space<hbm>>
        tpu.wait_dma2 semaphore(%run_scoped3A : memref<!tpu.dma_semaphore, #tpu.memory_space<semaphore_mem>>) src(%dma_wait3A_570 : memref<32x16x128xf32, #tpu.memory_space<hbm>>) dst(%arg6 : memref<32x16x128xf32, #tpu.memory_space<vmem>>)
        tpu.yield
      }) : () -> ()
      %broadcast_in_dim3A_301 = arith.constant 0 : i32
      %broadcast_in_dim3A_302 = vector.broadcast %broadcast_in_dim3A_301 : i32 to vector<16xi32>
      %broadcast_in_dim3A_303 = vector.broadcast %sub3A_47 : i32 to vector<16xi32>
      %gather3A_304 = tpu.vector_load_idx %arg6[%broadcast_in_dim3A_302, %iota3A, %broadcast_in_dim3A_303] : memref<32x16x128xf32, #tpu.memory_space<vmem>>[vector<16xi32>, vector<16xi32>, vector<16xi32>], vector<16xf32>,
      %swap3A_305 = arith.constant 0 : i32
      %swap3A_306 = arith.index_cast %swap3A_305 : i32 to index
      %swap3A_307 = arith.constant 16 : index
      %swap3A_308 = tpu.vector_load %arg7[%swap3A_306, %swap3A_307] {strides = array<i32>} : memref<32x32xf32, #tpu.memory_space<vmem>>, vector<16xf32>,
      tpu.vector_store %arg7[%swap3A_306, %swap3A_307], %gather3A_304 {strides = array<i32>} : memref<32x32xf32, #tpu.memory_space<vmem>>, vector<16xf32>,
      %broadcast_in_dim3A_309 = arith.constant 1 : i32
      %broadcast_in_dim3A_310 = vector.broadcast %broadcast_in_dim3A_309 : i32 to vector<16xi32>
      %broadcast_in_dim3A_311 = vector.broadcast %sub3A_47 : i32 to vector<16xi32>
      %gather3A_312 = tpu.vector_load_idx %arg6[%broadcast_in_dim3A_310, %iota3A, %broadcast_in_dim3A_311] : memref<32x16x128xf32, #tpu.memory_space<vmem>>[vector<16xi32>, vector<16xi32>, vector<16xi32>], vector<16xf32>,
      %swap3A_313 = arith.constant 1 : i32
      %swap3A_314 = arith.index_cast %swap3A_313 : i32 to index
      %swap3A_315 = arith.constant 16 : index
      %swap3A_316 = tpu.vector_load %arg7[%swap3A_314, %swap3A_315] {strides = array<i32>} : memref<32x32xf32, #tpu.memory_space<vmem>>, vector<16xf32>,
      tpu.vector_store %arg7[%swap3A_314, %swap3A_315], %gather3A_312 {strides = array<i32>} : memref<32x32xf32, #tpu.memory_space<vmem>>, vector<16xf32>,
      %broadcast_in_dim3A_317 = arith.constant 2 : i32
      %broadcast_in_dim3A_318 = vector.broadcast %broadcast_in_dim3A_317 : i32 to vector<16xi32>
      %broadcast_in_dim3A_319 = vector.broadcast %sub3A_47 : i32 to vector<16xi32>
      %gather3A_320 = tpu.vector_load_idx %arg6[%broadcast_in_dim3A_318, %iota3A, %broadcast_in_dim3A_319] : memref<32x16x128xf32, #tpu.memory_space<vmem>>[vector<16xi32>, vector<16xi32>, vector<16xi32>], vector<16xf32>,
      %swap3A_321 = arith.constant 2 : i32
      %swap3A_322 = arith.index_cast %swap3A_321 : i32 to index
      %swap3A_323 = arith.constant 16 : index
      %swap3A_324 = tpu.vector_load %arg7[%swap3A_322, %swap3A_323] {strides = array<i32>} : memref<32x32xf32, #tpu.memory_space<vmem>>, vector<16xf32>,
      tpu.vector_store %arg7[%swap3A_322, %swap3A_323], %gather3A_320 {strides = array<i32>} : memref<32x32xf32, #tpu.memory_space<vmem>>, vector<16xf32>,
      %broadcast_in_dim3A_325 = arith.constant 3 : i32
      %broadcast_in_dim3A_326 = vector.broadcast %broadcast_in_dim3A_325 : i32 to vector<16xi32>
      %broadcast_in_dim3A_327 = vector.broadcast %sub3A_47 : i32 to vector<16xi32>
      %gather3A_328 = tpu.vector_load_idx %arg6[%broadcast_in_dim3A_326, %iota3A, %broadcast_in_dim3A_327] : memref<32x16x128xf32, #tpu.memory_space<vmem>>[vector<16xi32>, vector<16xi32>, vector<16xi32>], vector<16xf32>,
      %swap3A_329 = arith.constant 3 : i32
      %swap3A_330 = arith.index_cast %swap3A_329 : i32 to index
      %swap3A_331 = arith.constant 16 : index
      %swap3A_332 = tpu.vector_load %arg7[%swap3A_330, %swap3A_331] {strides = array<i32>} : memref<32x32xf32, #tpu.memory_space<vmem>>, vector<16xf32>,
      tpu.vector_store %arg7[%swap3A_330, %swap3A_331], %gather3A_328 {strides = array<i32>} : memref<32x32xf32, #tpu.memory_space<vmem>>, vector<16xf32>,
      %broadcast_in_dim3A_333 = arith.constant 4 : i32
      %broadcast_in_dim3A_334 = vector.broadcast %broadcast_in_dim3A_333 : i32 to vector<16xi32>
      %broadcast_in_dim3A_335 = vector.broadcast %sub3A_47 : i32 to vector<16xi32>
      %gather3A_336 = tpu.vector_load_idx %arg6[%broadcast_in_dim3A_334, %iota3A, %broadcast_in_dim3A_335] : memref<32x16x128xf32, #tpu.memory_space<vmem>>[vector<16xi32>, vector<16xi32>, vector<16xi32>], vector<16xf32>,
      %swap3A_337 = arith.constant 4 : i32
      %swap3A_338 = arith.index_cast %swap3A_337 : i32 to index
      %swap3A_339 = arith.constant 16 : index
      %swap3A_340 = tpu.vector_load %arg7[%swap3A_338, %swap3A_339] {strides = array<i32>} : memref<32x32xf32, #tpu.memory_space<vmem>>, vector<16xf32>,
      tpu.vector_store %arg7[%swap3A_338, %swap3A_339], %gather3A_336 {strides = array<i32>} : memref<32x32xf32, #tpu.memory_space<vmem>>, vector<16xf32>,
      %broadcast_in_dim3A_341 = arith.constant 5 : i32
      %broadcast_in_dim3A_342 = vector.broadcast %broadcast_in_dim3A_341 : i32 to vector<16xi32>
      %broadcast_in_dim3A_343 = vector.broadcast %sub3A_47 : i32 to vector<16xi32>
      %gather3A_344 = tpu.vector_load_idx %arg6[%broadcast_in_dim3A_342, %iota3A, %broadcast_in_dim3A_343] : memref<32x16x128xf32, #tpu.memory_space<vmem>>[vector<16xi32>, vector<16xi32>, vector<16xi32>], vector<16xf32>,
      %swap3A_345 = arith.constant 5 : i32
      %swap3A_346 = arith.index_cast %swap3A_345 : i32 to index
      %swap3A_347 = arith.constant 16 : index
      %swap3A_348 = tpu.vector_load %arg7[%swap3A_346, %swap3A_347] {strides = array<i32>} : memref<32x32xf32, #tpu.memory_space<vmem>>, vector<16xf32>,
      tpu.vector_store %arg7[%swap3A_346, %swap3A_347], %gather3A_344 {strides = array<i32>} : memref<32x32xf32, #tpu.memory_space<vmem>>, vector<16xf32>,
      %broadcast_in_dim3A_349 = arith.constant 6 : i32
      %broadcast_in_dim3A_350 = vector.broadcast %broadcast_in_dim3A_349 : i32 to vector<16xi32>
      %broadcast_in_dim3A_351 = vector.broadcast %sub3A_47 : i32 to vector<16xi32>
      %gather3A_352 = tpu.vector_load_idx %arg6[%broadcast_in_dim3A_350, %iota3A, %broadcast_in_dim3A_351] : memref<32x16x128xf32, #tpu.memory_space<vmem>>[vector<16xi32>, vector<16xi32>, vector<16xi32>], vector<16xf32>,
      %swap3A_353 = arith.constant 6 : i32
      %swap3A_354 = arith.index_cast %swap3A_353 : i32 to index
      %swap3A_355 = arith.constant 16 : index
      %swap3A_356 = tpu.vector_load %arg7[%swap3A_354, %swap3A_355] {strides = array<i32>} : memref<32x32xf32, #tpu.memory_space<vmem>>, vector<16xf32>,
      tpu.vector_store %arg7[%swap3A_354, %swap3A_355], %gather3A_352 {strides = array<i32>} : memref<32x32xf32, #tpu.memory_space<vmem>>, vector<16xf32>,
      %broadcast_in_dim3A_357 = arith.constant 7 : i32
      %broadcast_in_dim3A_358 = vector.broadcast %broadcast_in_dim3A_357 : i32 to vector<16xi32>
      %broadcast_in_dim3A_359 = vector.broadcast %sub3A_47 : i32 to vector<16xi32>
      %gather3A_360 = tpu.vector_load_idx %arg6[%broadcast_in_dim3A_358, %iota3A, %broadcast_in_dim3A_359] : memref<32x16x128xf32, #tpu.memory_space<vmem>>[vector<16xi32>, vector<16xi32>, vector<16xi32>], vector<16xf32>,
      %swap3A_361 = arith.constant 7 : i32
      %swap3A_362 = arith.index_cast %swap3A_361 : i32 to index
      %swap3A_363 = arith.constant 16 : index
      %swap3A_364 = tpu.vector_load %arg7[%swap3A_362, %swap3A_363] {strides = array<i32>} : memref<32x32xf32, #tpu.memory_space<vmem>>, vector<16xf32>,
      tpu.vector_store %arg7[%swap3A_362, %swap3A_363], %gather3A_360 {strides = array<i32>} : memref<32x32xf32, #tpu.memory_space<vmem>>, vector<16xf32>,
      %broadcast_in_dim3A_365 = arith.constant 8 : i32
      %broadcast_in_dim3A_366 = vector.broadcast %broadcast_in_dim3A_365 : i32 to vector<16xi32>
      %broadcast_in_dim3A_367 = vector.broadcast %sub3A_47 : i32 to vector<16xi32>
      %gather3A_368 = tpu.vector_load_idx %arg6[%broadcast_in_dim3A_366, %iota3A, %broadcast_in_dim3A_367] : memref<32x16x128xf32, #tpu.memory_space<vmem>>[vector<16xi32>, vector<16xi32>, vector<16xi32>], vector<16xf32>,
      %swap3A_369 = arith.constant 8 : i32
      %swap3A_370 = arith.index_cast %swap3A_369 : i32 to index
      %swap3A_371 = arith.constant 16 : index
      %swap3A_372 = tpu.vector_load %arg7[%swap3A_370, %swap3A_371] {strides = array<i32>} : memref<32x32xf32, #tpu.memory_space<vmem>>, vector<16xf32>,
      tpu.vector_store %arg7[%swap3A_370, %swap3A_371], %gather3A_368 {strides = array<i32>} : memref<32x32xf32, #tpu.memory_space<vmem>>, vector<16xf32>,
      %broadcast_in_dim3A_373 = arith.constant 9 : i32
      %broadcast_in_dim3A_374 = vector.broadcast %broadcast_in_dim3A_373 : i32 to vector<16xi32>
      %broadcast_in_dim3A_375 = vector.broadcast %sub3A_47 : i32 to vector<16xi32>
      %gather3A_376 = tpu.vector_load_idx %arg6[%broadcast_in_dim3A_374, %iota3A, %broadcast_in_dim3A_375] : memref<32x16x128xf32, #tpu.memory_space<vmem>>[vector<16xi32>, vector<16xi32>, vector<16xi32>], vector<16xf32>,
      %swap3A_377 = arith.constant 9 : i32
      %swap3A_378 = arith.index_cast %swap3A_377 : i32 to index
      %swap3A_379 = arith.constant 16 : index
      %swap3A_380 = tpu.vector_load %arg7[%swap3A_378, %swap3A_379] {strides = array<i32>} : memref<32x32xf32, #tpu.memory_space<vmem>>, vector<16xf32>,
      tpu.vector_store %arg7[%swap3A_378, %swap3A_379], %gather3A_376 {strides = array<i32>} : memref<32x32xf32, #tpu.memory_space<vmem>>, vector<16xf32>,
      %broadcast_in_dim3A_381 = arith.constant 10 : i32
      %broadcast_in_dim3A_382 = vector.broadcast %broadcast_in_dim3A_381 : i32 to vector<16xi32>
      %broadcast_in_dim3A_383 = vector.broadcast %sub3A_47 : i32 to vector<16xi32>
      %gather3A_384 = tpu.vector_load_idx %arg6[%broadcast_in_dim3A_382, %iota3A, %broadcast_in_dim3A_383] : memref<32x16x128xf32, #tpu.memory_space<vmem>>[vector<16xi32>, vector<16xi32>, vector<16xi32>], vector<16xf32>,
      %swap3A_385 = arith.constant 10 : i32
      %swap3A_386 = arith.index_cast %swap3A_385 : i32 to index
      %swap3A_387 = arith.constant 16 : index
      %swap3A_388 = tpu.vector_load %arg7[%swap3A_386, %swap3A_387] {strides = array<i32>} : memref<32x32xf32, #tpu.memory_space<vmem>>, vector<16xf32>,
      tpu.vector_store %arg7[%swap3A_386, %swap3A_387], %gather3A_384 {strides = array<i32>} : memref<32x32xf32, #tpu.memory_space<vmem>>, vector<16xf32>,
      %broadcast_in_dim3A_389 = arith.constant 11 : i32
      %broadcast_in_dim3A_390 = vector.broadcast %broadcast_in_dim3A_389 : i32 to vector<16xi32>
      %broadcast_in_dim3A_391 = vector.broadcast %sub3A_47 : i32 to vector<16xi32>
      %gather3A_392 = tpu.vector_load_idx %arg6[%broadcast_in_dim3A_390, %iota3A, %broadcast_in_dim3A_391] : memref<32x16x128xf32, #tpu.memory_space<vmem>>[vector<16xi32>, vector<16xi32>, vector<16xi32>], vector<16xf32>,
      %swap3A_393 = arith.constant 11 : i32
      %swap3A_394 = arith.index_cast %swap3A_393 : i32 to index
      %swap3A_395 = arith.constant 16 : index
      %swap3A_396 = tpu.vector_load %arg7[%swap3A_394, %swap3A_395] {strides = array<i32>} : memref<32x32xf32, #tpu.memory_space<vmem>>, vector<16xf32>,
      tpu.vector_store %arg7[%swap3A_394, %swap3A_395], %gather3A_392 {strides = array<i32>} : memref<32x32xf32, #tpu.memory_space<vmem>>, vector<16xf32>,
      %broadcast_in_dim3A_397 = arith.constant 12 : i32
      %broadcast_in_dim3A_398 = vector.broadcast %broadcast_in_dim3A_397 : i32 to vector<16xi32>
      %broadcast_in_dim3A_399 = vector.broadcast %sub3A_47 : i32 to vector<16xi32>
      %gather3A_400 = tpu.vector_load_idx %arg6[%broadcast_in_dim3A_398, %iota3A, %broadcast_in_dim3A_399] : memref<32x16x128xf32, #tpu.memory_space<vmem>>[vector<16xi32>, vector<16xi32>, vector<16xi32>], vector<16xf32>,
      %swap3A_401 = arith.constant 12 : i32
      %swap3A_402 = arith.index_cast %swap3A_401 : i32 to index
      %swap3A_403 = arith.constant 16 : index
      %swap3A_404 = tpu.vector_load %arg7[%swap3A_402, %swap3A_403] {strides = array<i32>} : memref<32x32xf32, #tpu.memory_space<vmem>>, vector<16xf32>,
      tpu.vector_store %arg7[%swap3A_402, %swap3A_403], %gather3A_400 {strides = array<i32>} : memref<32x32xf32, #tpu.memory_space<vmem>>, vector<16xf32>,
      %broadcast_in_dim3A_405 = arith.constant 13 : i32
      %broadcast_in_dim3A_406 = vector.broadcast %broadcast_in_dim3A_405 : i32 to vector<16xi32>
      %broadcast_in_dim3A_407 = vector.broadcast %sub3A_47 : i32 to vector<16xi32>
      %gather3A_408 = tpu.vector_load_idx %arg6[%broadcast_in_dim3A_406, %iota3A, %broadcast_in_dim3A_407] : memref<32x16x128xf32, #tpu.memory_space<vmem>>[vector<16xi32>, vector<16xi32>, vector<16xi32>], vector<16xf32>,
      %swap3A_409 = arith.constant 13 : i32
      %swap3A_410 = arith.index_cast %swap3A_409 : i32 to index
      %swap3A_411 = arith.constant 16 : index
      %swap3A_412 = tpu.vector_load %arg7[%swap3A_410, %swap3A_411] {strides = array<i32>} : memref<32x32xf32, #tpu.memory_space<vmem>>, vector<16xf32>,
      tpu.vector_store %arg7[%swap3A_410, %swap3A_411], %gather3A_408 {strides = array<i32>} : memref<32x32xf32, #tpu.memory_space<vmem>>, vector<16xf32>,
      %broadcast_in_dim3A_413 = arith.constant 14 : i32
      %broadcast_in_dim3A_414 = vector.broadcast %broadcast_in_dim3A_413 : i32 to vector<16xi32>
      %broadcast_in_dim3A_415 = vector.broadcast %sub3A_47 : i32 to vector<16xi32>
      %gather3A_416 = tpu.vector_load_idx %arg6[%broadcast_in_dim3A_414, %iota3A, %broadcast_in_dim3A_415] : memref<32x16x128xf32, #tpu.memory_space<vmem>>[vector<16xi32>, vector<16xi32>, vector<16xi32>], vector<16xf32>,
      %swap3A_417 = arith.constant 14 : i32
      %swap3A_418 = arith.index_cast %swap3A_417 : i32 to index
      %swap3A_419 = arith.constant 16 : index
      %swap3A_420 = tpu.vector_load %arg7[%swap3A_418, %swap3A_419] {strides = array<i32>} : memref<32x32xf32, #tpu.memory_space<vmem>>, vector<16xf32>,
      tpu.vector_store %arg7[%swap3A_418, %swap3A_419], %gather3A_416 {strides = array<i32>} : memref<32x32xf32, #tpu.memory_space<vmem>>, vector<16xf32>,
      %broadcast_in_dim3A_421 = arith.constant 15 : i32
      %broadcast_in_dim3A_422 = vector.broadcast %broadcast_in_dim3A_421 : i32 to vector<16xi32>
      %broadcast_in_dim3A_423 = vector.broadcast %sub3A_47 : i32 to vector<16xi32>
      %gather3A_424 = tpu.vector_load_idx %arg6[%broadcast_in_dim3A_422, %iota3A, %broadcast_in_dim3A_423] : memref<32x16x128xf32, #tpu.memory_space<vmem>>[vector<16xi32>, vector<16xi32>, vector<16xi32>], vector<16xf32>,
      %swap3A_425 = arith.constant 15 : i32
      %swap3A_426 = arith.index_cast %swap3A_425 : i32 to index
      %swap3A_427 = arith.constant 16 : index
      %swap3A_428 = tpu.vector_load %arg7[%swap3A_426, %swap3A_427] {strides = array<i32>} : memref<32x32xf32, #tpu.memory_space<vmem>>, vector<16xf32>,
      tpu.vector_store %arg7[%swap3A_426, %swap3A_427], %gather3A_424 {strides = array<i32>} : memref<32x32xf32, #tpu.memory_space<vmem>>, vector<16xf32>,
      %broadcast_in_dim3A_429 = arith.constant 16 : i32
      %broadcast_in_dim3A_430 = vector.broadcast %broadcast_in_dim3A_429 : i32 to vector<16xi32>
      %broadcast_in_dim3A_431 = vector.broadcast %sub3A_47 : i32 to vector<16xi32>
      %gather3A_432 = tpu.vector_load_idx %arg6[%broadcast_in_dim3A_430, %iota3A, %broadcast_in_dim3A_431] : memref<32x16x128xf32, #tpu.memory_space<vmem>>[vector<16xi32>, vector<16xi32>, vector<16xi32>], vector<16xf32>,
      %swap3A_433 = arith.constant 16 : i32
      %swap3A_434 = arith.index_cast %swap3A_433 : i32 to index
      %swap3A_435 = arith.constant 16 : index
      %swap3A_436 = tpu.vector_load %arg7[%swap3A_434, %swap3A_435] {strides = array<i32>} : memref<32x32xf32, #tpu.memory_space<vmem>>, vector<16xf32>,
      tpu.vector_store %arg7[%swap3A_434, %swap3A_435], %gather3A_432 {strides = array<i32>} : memref<32x32xf32, #tpu.memory_space<vmem>>, vector<16xf32>,
      %broadcast_in_dim3A_437 = arith.constant 17 : i32
      %broadcast_in_dim3A_438 = vector.broadcast %broadcast_in_dim3A_437 : i32 to vector<16xi32>
      %broadcast_in_dim3A_439 = vector.broadcast %sub3A_47 : i32 to vector<16xi32>
      %gather3A_440 = tpu.vector_load_idx %arg6[%broadcast_in_dim3A_438, %iota3A, %broadcast_in_dim3A_439] : memref<32x16x128xf32, #tpu.memory_space<vmem>>[vector<16xi32>, vector<16xi32>, vector<16xi32>], vector<16xf32>,
      %swap3A_441 = arith.constant 17 : i32
      %swap3A_442 = arith.index_cast %swap3A_441 : i32 to index
      %swap3A_443 = arith.constant 16 : index
      %swap3A_444 = tpu.vector_load %arg7[%swap3A_442, %swap3A_443] {strides = array<i32>} : memref<32x32xf32, #tpu.memory_space<vmem>>, vector<16xf32>,
      tpu.vector_store %arg7[%swap3A_442, %swap3A_443], %gather3A_440 {strides = array<i32>} : memref<32x32xf32, #tpu.memory_space<vmem>>, vector<16xf32>,
      %broadcast_in_dim3A_445 = arith.constant 18 : i32
      %broadcast_in_dim3A_446 = vector.broadcast %broadcast_in_dim3A_445 : i32 to vector<16xi32>
      %broadcast_in_dim3A_447 = vector.broadcast %sub3A_47 : i32 to vector<16xi32>
      %gather3A_448 = tpu.vector_load_idx %arg6[%broadcast_in_dim3A_446, %iota3A, %broadcast_in_dim3A_447] : memref<32x16x128xf32, #tpu.memory_space<vmem>>[vector<16xi32>, vector<16xi32>, vector<16xi32>], vector<16xf32>,
      %swap3A_449 = arith.constant 18 : i32
      %swap3A_450 = arith.index_cast %swap3A_449 : i32 to index
      %swap3A_451 = arith.constant 16 : index
      %swap3A_452 = tpu.vector_load %arg7[%swap3A_450, %swap3A_451] {strides = array<i32>} : memref<32x32xf32, #tpu.memory_space<vmem>>, vector<16xf32>,
      tpu.vector_store %arg7[%swap3A_450, %swap3A_451], %gather3A_448 {strides = array<i32>} : memref<32x32xf32, #tpu.memory_space<vmem>>, vector<16xf32>,
      %broadcast_in_dim3A_453 = arith.constant 19 : i32
      %broadcast_in_dim3A_454 = vector.broadcast %broadcast_in_dim3A_453 : i32 to vector<16xi32>
      %broadcast_in_dim3A_455 = vector.broadcast %sub3A_47 : i32 to vector<16xi32>
      %gather3A_456 = tpu.vector_load_idx %arg6[%broadcast_in_dim3A_454, %iota3A, %broadcast_in_dim3A_455] : memref<32x16x128xf32, #tpu.memory_space<vmem>>[vector<16xi32>, vector<16xi32>, vector<16xi32>], vector<16xf32>,
      %swap3A_457 = arith.constant 19 : i32
      %swap3A_458 = arith.index_cast %swap3A_457 : i32 to index
      %swap3A_459 = arith.constant 16 : index
      %swap3A_460 = tpu.vector_load %arg7[%swap3A_458, %swap3A_459] {strides = array<i32>} : memref<32x32xf32, #tpu.memory_space<vmem>>, vector<16xf32>,
      tpu.vector_store %arg7[%swap3A_458, %swap3A_459], %gather3A_456 {strides = array<i32>} : memref<32x32xf32, #tpu.memory_space<vmem>>, vector<16xf32>,
      %broadcast_in_dim3A_461 = arith.constant 20 : i32
      %broadcast_in_dim3A_462 = vector.broadcast %broadcast_in_dim3A_461 : i32 to vector<16xi32>
      %broadcast_in_dim3A_463 = vector.broadcast %sub3A_47 : i32 to vector<16xi32>
      %gather3A_464 = tpu.vector_load_idx %arg6[%broadcast_in_dim3A_462, %iota3A, %broadcast_in_dim3A_463] : memref<32x16x128xf32, #tpu.memory_space<vmem>>[vector<16xi32>, vector<16xi32>, vector<16xi32>], vector<16xf32>,
      %swap3A_465 = arith.constant 20 : i32
      %swap3A_466 = arith.index_cast %swap3A_465 : i32 to index
      %swap3A_467 = arith.constant 16 : index
      %swap3A_468 = tpu.vector_load %arg7[%swap3A_466, %swap3A_467] {strides = array<i32>} : memref<32x32xf32, #tpu.memory_space<vmem>>, vector<16xf32>,
      tpu.vector_store %arg7[%swap3A_466, %swap3A_467], %gather3A_464 {strides = array<i32>} : memref<32x32xf32, #tpu.memory_space<vmem>>, vector<16xf32>,
      %broadcast_in_dim3A_469 = arith.constant 21 : i32
      %broadcast_in_dim3A_470 = vector.broadcast %broadcast_in_dim3A_469 : i32 to vector<16xi32>
      %broadcast_in_dim3A_471 = vector.broadcast %sub3A_47 : i32 to vector<16xi32>
      %gather3A_472 = tpu.vector_load_idx %arg6[%broadcast_in_dim3A_470, %iota3A, %broadcast_in_dim3A_471] : memref<32x16x128xf32, #tpu.memory_space<vmem>>[vector<16xi32>, vector<16xi32>, vector<16xi32>], vector<16xf32>,
      %swap3A_473 = arith.constant 21 : i32
      %swap3A_474 = arith.index_cast %swap3A_473 : i32 to index
      %swap3A_475 = arith.constant 16 : index
      %swap3A_476 = tpu.vector_load %arg7[%swap3A_474, %swap3A_475] {strides = array<i32>} : memref<32x32xf32, #tpu.memory_space<vmem>>, vector<16xf32>,
      tpu.vector_store %arg7[%swap3A_474, %swap3A_475], %gather3A_472 {strides = array<i32>} : memref<32x32xf32, #tpu.memory_space<vmem>>, vector<16xf32>,
      %broadcast_in_dim3A_477 = arith.constant 22 : i32
      %broadcast_in_dim3A_478 = vector.broadcast %broadcast_in_dim3A_477 : i32 to vector<16xi32>
      %broadcast_in_dim3A_479 = vector.broadcast %sub3A_47 : i32 to vector<16xi32>
      %gather3A_480 = tpu.vector_load_idx %arg6[%broadcast_in_dim3A_478, %iota3A, %broadcast_in_dim3A_479] : memref<32x16x128xf32, #tpu.memory_space<vmem>>[vector<16xi32>, vector<16xi32>, vector<16xi32>], vector<16xf32>,
      %swap3A_481 = arith.constant 22 : i32
      %swap3A_482 = arith.index_cast %swap3A_481 : i32 to index
      %swap3A_483 = arith.constant 16 : index
      %swap3A_484 = tpu.vector_load %arg7[%swap3A_482, %swap3A_483] {strides = array<i32>} : memref<32x32xf32, #tpu.memory_space<vmem>>, vector<16xf32>,
      tpu.vector_store %arg7[%swap3A_482, %swap3A_483], %gather3A_480 {strides = array<i32>} : memref<32x32xf32, #tpu.memory_space<vmem>>, vector<16xf32>,
      %broadcast_in_dim3A_485 = arith.constant 23 : i32
      %broadcast_in_dim3A_486 = vector.broadcast %broadcast_in_dim3A_485 : i32 to vector<16xi32>
      %broadcast_in_dim3A_487 = vector.broadcast %sub3A_47 : i32 to vector<16xi32>
      %gather3A_488 = tpu.vector_load_idx %arg6[%broadcast_in_dim3A_486, %iota3A, %broadcast_in_dim3A_487] : memref<32x16x128xf32, #tpu.memory_space<vmem>>[vector<16xi32>, vector<16xi32>, vector<16xi32>], vector<16xf32>,
      %swap3A_489 = arith.constant 23 : i32
      %swap3A_490 = arith.index_cast %swap3A_489 : i32 to index
      %swap3A_491 = arith.constant 16 : index
      %swap3A_492 = tpu.vector_load %arg7[%swap3A_490, %swap3A_491] {strides = array<i32>} : memref<32x32xf32, #tpu.memory_space<vmem>>, vector<16xf32>,
      tpu.vector_store %arg7[%swap3A_490, %swap3A_491], %gather3A_488 {strides = array<i32>} : memref<32x32xf32, #tpu.memory_space<vmem>>, vector<16xf32>,
      %broadcast_in_dim3A_493 = arith.constant 24 : i32
      %broadcast_in_dim3A_494 = vector.broadcast %broadcast_in_dim3A_493 : i32 to vector<16xi32>
      %broadcast_in_dim3A_495 = vector.broadcast %sub3A_47 : i32 to vector<16xi32>
      %gather3A_496 = tpu.vector_load_idx %arg6[%broadcast_in_dim3A_494, %iota3A, %broadcast_in_dim3A_495] : memref<32x16x128xf32, #tpu.memory_space<vmem>>[vector<16xi32>, vector<16xi32>, vector<16xi32>], vector<16xf32>,
      %swap3A_497 = arith.constant 24 : i32
      %swap3A_498 = arith.index_cast %swap3A_497 : i32 to index
      %swap3A_499 = arith.constant 16 : index
      %swap3A_500 = tpu.vector_load %arg7[%swap3A_498, %swap3A_499] {strides = array<i32>} : memref<32x32xf32, #tpu.memory_space<vmem>>, vector<16xf32>,
      tpu.vector_store %arg7[%swap3A_498, %swap3A_499], %gather3A_496 {strides = array<i32>} : memref<32x32xf32, #tpu.memory_space<vmem>>, vector<16xf32>,
      %broadcast_in_dim3A_501 = arith.constant 25 : i32
      %broadcast_in_dim3A_502 = vector.broadcast %broadcast_in_dim3A_501 : i32 to vector<16xi32>
      %broadcast_in_dim3A_503 = vector.broadcast %sub3A_47 : i32 to vector<16xi32>
      %gather3A_504 = tpu.vector_load_idx %arg6[%broadcast_in_dim3A_502, %iota3A, %broadcast_in_dim3A_503] : memref<32x16x128xf32, #tpu.memory_space<vmem>>[vector<16xi32>, vector<16xi32>, vector<16xi32>], vector<16xf32>,
      %swap3A_505 = arith.constant 25 : i32
      %swap3A_506 = arith.index_cast %swap3A_505 : i32 to index
      %swap3A_507 = arith.constant 16 : index
      %swap3A_508 = tpu.vector_load %arg7[%swap3A_506, %swap3A_507] {strides = array<i32>} : memref<32x32xf32, #tpu.memory_space<vmem>>, vector<16xf32>,
      tpu.vector_store %arg7[%swap3A_506, %swap3A_507], %gather3A_504 {strides = array<i32>} : memref<32x32xf32, #tpu.memory_space<vmem>>, vector<16xf32>,
      %broadcast_in_dim3A_509 = arith.constant 26 : i32
      %broadcast_in_dim3A_510 = vector.broadcast %broadcast_in_dim3A_509 : i32 to vector<16xi32>
      %broadcast_in_dim3A_511 = vector.broadcast %sub3A_47 : i32 to vector<16xi32>
      %gather3A_512 = tpu.vector_load_idx %arg6[%broadcast_in_dim3A_510, %iota3A, %broadcast_in_dim3A_511] : memref<32x16x128xf32, #tpu.memory_space<vmem>>[vector<16xi32>, vector<16xi32>, vector<16xi32>], vector<16xf32>,
      %swap3A_513 = arith.constant 26 : i32
      %swap3A_514 = arith.index_cast %swap3A_513 : i32 to index
      %swap3A_515 = arith.constant 16 : index
      %swap3A_516 = tpu.vector_load %arg7[%swap3A_514, %swap3A_515] {strides = array<i32>} : memref<32x32xf32, #tpu.memory_space<vmem>>, vector<16xf32>,
      tpu.vector_store %arg7[%swap3A_514, %swap3A_515], %gather3A_512 {strides = array<i32>} : memref<32x32xf32, #tpu.memory_space<vmem>>, vector<16xf32>,
      %broadcast_in_dim3A_517 = arith.constant 27 : i32
      %broadcast_in_dim3A_518 = vector.broadcast %broadcast_in_dim3A_517 : i32 to vector<16xi32>
      %broadcast_in_dim3A_519 = vector.broadcast %sub3A_47 : i32 to vector<16xi32>
      %gather3A_520 = tpu.vector_load_idx %arg6[%broadcast_in_dim3A_518, %iota3A, %broadcast_in_dim3A_519] : memref<32x16x128xf32, #tpu.memory_space<vmem>>[vector<16xi32>, vector<16xi32>, vector<16xi32>], vector<16xf32>,
      %swap3A_521 = arith.constant 27 : i32
      %swap3A_522 = arith.index_cast %swap3A_521 : i32 to index
      %swap3A_523 = arith.constant 16 : index
      %swap3A_524 = tpu.vector_load %arg7[%swap3A_522, %swap3A_523] {strides = array<i32>} : memref<32x32xf32, #tpu.memory_space<vmem>>, vector<16xf32>,
      tpu.vector_store %arg7[%swap3A_522, %swap3A_523], %gather3A_520 {strides = array<i32>} : memref<32x32xf32, #tpu.memory_space<vmem>>, vector<16xf32>,
      %broadcast_in_dim3A_525 = arith.constant 28 : i32
      %broadcast_in_dim3A_526 = vector.broadcast %broadcast_in_dim3A_525 : i32 to vector<16xi32>
      %broadcast_in_dim3A_527 = vector.broadcast %sub3A_47 : i32 to vector<16xi32>
      %gather3A_528 = tpu.vector_load_idx %arg6[%broadcast_in_dim3A_526, %iota3A, %broadcast_in_dim3A_527] : memref<32x16x128xf32, #tpu.memory_space<vmem>>[vector<16xi32>, vector<16xi32>, vector<16xi32>], vector<16xf32>,
      %swap3A_529 = arith.constant 28 : i32
      %swap3A_530 = arith.index_cast %swap3A_529 : i32 to index
      %swap3A_531 = arith.constant 16 : index
      %swap3A_532 = tpu.vector_load %arg7[%swap3A_530, %swap3A_531] {strides = array<i32>} : memref<32x32xf32, #tpu.memory_space<vmem>>, vector<16xf32>,
      tpu.vector_store %arg7[%swap3A_530, %swap3A_531], %gather3A_528 {strides = array<i32>} : memref<32x32xf32, #tpu.memory_space<vmem>>, vector<16xf32>,
      %broadcast_in_dim3A_533 = arith.constant 29 : i32
      %broadcast_in_dim3A_534 = vector.broadcast %broadcast_in_dim3A_533 : i32 to vector<16xi32>
      %broadcast_in_dim3A_535 = vector.broadcast %sub3A_47 : i32 to vector<16xi32>
      %gather3A_536 = tpu.vector_load_idx %arg6[%broadcast_in_dim3A_534, %iota3A, %broadcast_in_dim3A_535] : memref<32x16x128xf32, #tpu.memory_space<vmem>>[vector<16xi32>, vector<16xi32>, vector<16xi32>], vector<16xf32>,
      %swap3A_537 = arith.constant 29 : i32
      %swap3A_538 = arith.index_cast %swap3A_537 : i32 to index
      %swap3A_539 = arith.constant 16 : index
      %swap3A_540 = tpu.vector_load %arg7[%swap3A_538, %swap3A_539] {strides = array<i32>} : memref<32x32xf32, #tpu.memory_space<vmem>>, vector<16xf32>,
      tpu.vector_store %arg7[%swap3A_538, %swap3A_539], %gather3A_536 {strides = array<i32>} : memref<32x32xf32, #tpu.memory_space<vmem>>, vector<16xf32>,
      %broadcast_in_dim3A_541 = arith.constant 30 : i32
      %broadcast_in_dim3A_542 = vector.broadcast %broadcast_in_dim3A_541 : i32 to vector<16xi32>
      %broadcast_in_dim3A_543 = vector.broadcast %sub3A_47 : i32 to vector<16xi32>
      %gather3A_544 = tpu.vector_load_idx %arg6[%broadcast_in_dim3A_542, %iota3A, %broadcast_in_dim3A_543] : memref<32x16x128xf32, #tpu.memory_space<vmem>>[vector<16xi32>, vector<16xi32>, vector<16xi32>], vector<16xf32>,
      %swap3A_545 = arith.constant 30 : i32
      %swap3A_546 = arith.index_cast %swap3A_545 : i32 to index
      %swap3A_547 = arith.constant 16 : index
      %swap3A_548 = tpu.vector_load %arg7[%swap3A_546, %swap3A_547] {strides = array<i32>} : memref<32x32xf32, #tpu.memory_space<vmem>>, vector<16xf32>,
      tpu.vector_store %arg7[%swap3A_546, %swap3A_547], %gather3A_544 {strides = array<i32>} : memref<32x32xf32, #tpu.memory_space<vmem>>, vector<16xf32>,
      %broadcast_in_dim3A_549 = arith.constant 31 : i32
      %broadcast_in_dim3A_550 = vector.broadcast %broadcast_in_dim3A_549 : i32 to vector<16xi32>
      %broadcast_in_dim3A_551 = vector.broadcast %sub3A_47 : i32 to vector<16xi32>
      %gather3A_552 = tpu.vector_load_idx %arg6[%broadcast_in_dim3A_550, %iota3A, %broadcast_in_dim3A_551] : memref<32x16x128xf32, #tpu.memory_space<vmem>>[vector<16xi32>, vector<16xi32>, vector<16xi32>], vector<16xf32>,
      %swap3A_553 = arith.constant 31 : i32
      %swap3A_554 = arith.index_cast %swap3A_553 : i32 to index
      %swap3A_555 = arith.constant 16 : index
      %swap3A_556 = tpu.vector_load %arg7[%swap3A_554, %swap3A_555] {strides = array<i32>} : memref<32x32xf32, #tpu.memory_space<vmem>>, vector<16xf32>,
      tpu.vector_store %arg7[%swap3A_554, %swap3A_555], %gather3A_552 {strides = array<i32>} : memref<32x32xf32, #tpu.memory_space<vmem>>, vector<16xf32>,
      %add3A_557 = arith.constant 0 : i32
      %add3A_558 = arith.addi %add3A_6, %add3A_557 : i32
      %mul3A_559 = arith.constant 32 : i32
      %mul3A_560 = arith.muli %add3A_558, %mul3A_559 : i32
      "tpu.region"() ({
        %run_scoped3A = tpu.sem_alloc : memref<!tpu.dma_semaphore, #tpu.memory_space<semaphore_mem>>
        %dma_start3A = arith.constant 0 : i32
        %dma_start3A_561 = tpu.memref_slice %arg4[%mul3A_560, %dma_start3A] : memref<3520x32xf32, #tpu.memory_space<hbm>> -> memref<32x32xf32, #tpu.memory_space<hbm>>
        %dma_start3A_562 = arith.constant 0 : i32
        %dma_start3A_563 = tpu.memref_slice %arg4[%mul3A_560, %dma_start3A_562] : memref<3520x32xf32, #tpu.memory_space<hbm>> -> memref<32x32xf32, #tpu.memory_space<hbm>>
        tpu.enqueue_dma source(%arg7 : memref<32x32xf32, #tpu.memory_space<vmem>>) target(%dma_start3A_563 : memref<32x32xf32, #tpu.memory_space<hbm>>) target_semaphore(%run_scoped3A : memref<!tpu.dma_semaphore, #tpu.memory_space<semaphore_mem>>)
        %dma_wait3A = arith.constant 0 : i32
        %dma_wait3A_564 = tpu.memref_slice %arg4[%mul3A_560, %dma_wait3A] : memref<3520x32xf32, #tpu.memory_space<hbm>> -> memref<32x32xf32, #tpu.memory_space<hbm>>
        %dma_wait3A_565 = arith.constant 0 : i32
        %dma_wait3A_566 = tpu.memref_slice %arg4[%mul3A_560, %dma_wait3A_565] : memref<3520x32xf32, #tpu.memory_space<hbm>> -> memref<32x32xf32, #tpu.memory_space<hbm>>
        tpu.wait_dma2 semaphore(%run_scoped3A : memref<!tpu.dma_semaphore, #tpu.memory_space<semaphore_mem>>) src(%arg7 : memref<32x32xf32, #tpu.memory_space<vmem>>) dst(%dma_wait3A_566 : memref<32x32xf32, #tpu.memory_space<hbm>>)
        tpu.yield
      }) : () -> ()
    } else {
    }
    %gt3A_12 = arith.constant 1 : i32
    %gt3A_13 = arith.cmpi sgt, %select_n3A, %gt3A_12 : i32
    %convert_element_type3A_14 = arith.extui %gt3A_13 : i1 to i32
    %cond3A_15 = arith.constant 0 : i32
    %cond3A_16 = arith.cmpi ne, %convert_element_type3A_14, %cond3A_15 : i32
    scf.if %cond3A_16 {
      %slice3A = vector.extract_strided_slice %get3A_9 {offsets = [1], sizes = [1], strides = [1]} : vector<16xi32> to vector<1xi32>
      %squeeze3A = vector.extract %slice3A[0] : i32 from vector<1xi32>
      %jit3A_27 = arith.constant 128 : i32
      %div3A = arith.divsi %squeeze3A, %jit3A_27 : i32
      %sign3A = arith.constant 0 : i32
      %sign3A_28 = arith.cmpi sgt, %squeeze3A, %sign3A : i32
      %sign3A_29 = arith.extui %sign3A_28 : i1 to i32
      %sign3A_30 = arith.constant 0 : i32
      %sign3A_31 = arith.cmpi slt, %squeeze3A, %sign3A_30 : i32
      %sign3A_32 = arith.extui %sign3A_31 : i1 to i32
      %sign3A_33 = arith.subi %sign3A_29, %sign3A_32 : i32
      %sign3A_34 = arith.constant 0 : i32
      %sign3A_35 = arith.cmpi sgt, %jit3A_27, %sign3A_34 : i32
      %sign3A_36 = arith.extui %sign3A_35 : i1 to i32
      %sign3A_37 = arith.constant 0 : i32
      %sign3A_38 = arith.cmpi slt, %jit3A_27, %sign3A_37 : i32
      %sign3A_39 = arith.extui %sign3A_38 : i1 to i32
      %sign3A_40 = arith.subi %sign3A_36, %sign3A_39 : i32
      %ne3A = arith.cmpi ne, %sign3A_33, %sign3A_40 : i32
      %rem3A = arith.remsi %squeeze3A, %jit3A_27 : i32
      %ne3A_41 = arith.constant 0 : i32
      %ne3A_42 = arith.cmpi ne, %rem3A, %ne3A_41 : i32
      %and3A = arith.andi %ne3A, %ne3A_42 : i1
      %sub3A = arith.constant 1 : i32
      %sub3A_43 = arith.subi %div3A, %sub3A : i32
      %select_n3A_44 = arith.select %and3A, %sub3A_43, %div3A : i32
      %mul3A_45 = arith.constant 128 : i32
      %mul3A_46 = arith.muli %select_n3A_44, %mul3A_45 : i32
      %multiple_of3A = tpu.assume_multiple %mul3A_46, 128 : i32
      %sub3A_47 = arith.subi %squeeze3A, %multiple_of3A : i32
      "tpu.region"() ({
        %run_scoped3A = tpu.sem_alloc : memref<!tpu.dma_semaphore, #tpu.memory_space<semaphore_mem>>
        %dma_start3A = arith.constant 0 : i32
        %dma_start3A_561 = arith.constant 0 : i32
        %dma_start3A_562 = tpu.memref_slice %arg2[%dma_start3A, %dma_start3A_561, %multiple_of3A] : memref<32x32x100000xf32, #tpu.memory_space<hbm>> -> memref<32x16x128xf32, #tpu.memory_space<hbm>>
        %dma_start3A_563 = arith.constant 0 : i32
        %dma_start3A_564 = arith.constant 0 : i32
        %dma_start3A_565 = tpu.memref_slice %arg2[%dma_start3A_563, %dma_start3A_564, %multiple_of3A] : memref<32x32x100000xf32, #tpu.memory_space<hbm>> -> memref<32x16x128xf32, #tpu.memory_space<hbm>>
        tpu.enqueue_dma source(%dma_start3A_565 : memref<32x16x128xf32, #tpu.memory_space<hbm>>) target(%arg6 : memref<32x16x128xf32, #tpu.memory_space<vmem>>) target_semaphore(%run_scoped3A : memref<!tpu.dma_semaphore, #tpu.memory_space<semaphore_mem>>)
        %dma_wait3A = arith.constant 0 : i32
        %dma_wait3A_566 = arith.constant 0 : i32
        %dma_wait3A_567 = tpu.memref_slice %arg2[%dma_wait3A, %dma_wait3A_566, %multiple_of3A] : memref<32x32x100000xf32, #tpu.memory_space<hbm>> -> memref<32x16x128xf32, #tpu.memory_space<hbm>>
        %dma_wait3A_568 = arith.constant 0 : i32
        %dma_wait3A_569 = arith.constant 0 : i32
        %dma_wait3A_570 = tpu.memref_slice %arg2[%dma_wait3A_568, %dma_wait3A_569, %multiple_of3A] : memref<32x32x100000xf32, #tpu.memory_space<hbm>> -> memref<32x16x128xf32, #tpu.memory_space<hbm>>
        tpu.wait_dma2 semaphore(%run_scoped3A : memref<!tpu.dma_semaphore, #tpu.memory_space<semaphore_mem>>) src(%dma_wait3A_570 : memref<32x16x128xf32, #tpu.memory_space<hbm>>) dst(%arg6 : memref<32x16x128xf32, #tpu.memory_space<vmem>>)
        tpu.yield
      }) : () -> ()
      %broadcast_in_dim3A = arith.constant 0 : i32
      %broadcast_in_dim3A_48 = vector.broadcast %broadcast_in_dim3A : i32 to vector<16xi32>
      %broadcast_in_dim3A_49 = vector.broadcast %sub3A_47 : i32 to vector<16xi32>
      %gather3A = tpu.vector_load_idx %arg6[%broadcast_in_dim3A_48, %iota3A, %broadcast_in_dim3A_49] : memref<32x16x128xf32, #tpu.memory_space<vmem>>[vector<16xi32>, vector<16xi32>, vector<16xi32>], vector<16xf32>,
      %swap3A = arith.constant 0 : i32
      %swap3A_50 = arith.index_cast %swap3A : i32 to index
      %swap3A_51 = arith.constant 0 : index
      %swap3A_52 = tpu.vector_load %arg7[%swap3A_50, %swap3A_51] {strides = array<i32>} : memref<32x32xf32, #tpu.memory_space<vmem>>, vector<16xf32>,
      tpu.vector_store %arg7[%swap3A_50, %swap3A_51], %gather3A {strides = array<i32>} : memref<32x32xf32, #tpu.memory_space<vmem>>, vector<16xf32>,
      %broadcast_in_dim3A_53 = arith.constant 1 : i32
      %broadcast_in_dim3A_54 = vector.broadcast %broadcast_in_dim3A_53 : i32 to vector<16xi32>
      %broadcast_in_dim3A_55 = vector.broadcast %sub3A_47 : i32 to vector<16xi32>
      %gather3A_56 = tpu.vector_load_idx %arg6[%broadcast_in_dim3A_54, %iota3A, %broadcast_in_dim3A_55] : memref<32x16x128xf32, #tpu.memory_space<vmem>>[vector<16xi32>, vector<16xi32>, vector<16xi32>], vector<16xf32>,
      %swap3A_57 = arith.constant 1 : i32
      %swap3A_58 = arith.index_cast %swap3A_57 : i32 to index
      %swap3A_59 = arith.constant 0 : index
      %swap3A_60 = tpu.vector_load %arg7[%swap3A_58, %swap3A_59] {strides = array<i32>} : memref<32x32xf32, #tpu.memory_space<vmem>>, vector<16xf32>,
      tpu.vector_store %arg7[%swap3A_58, %swap3A_59], %gather3A_56 {strides = array<i32>} : memref<32x32xf32, #tpu.memory_space<vmem>>, vector<16xf32>,
      %broadcast_in_dim3A_61 = arith.constant 2 : i32
      %broadcast_in_dim3A_62 = vector.broadcast %broadcast_in_dim3A_61 : i32 to vector<16xi32>
      %broadcast_in_dim3A_63 = vector.broadcast %sub3A_47 : i32 to vector<16xi32>
      %gather3A_64 = tpu.vector_load_idx %arg6[%broadcast_in_dim3A_62, %iota3A, %broadcast_in_dim3A_63] : memref<32x16x128xf32, #tpu.memory_space<vmem>>[vector<16xi32>, vector<16xi32>, vector<16xi32>], vector<16xf32>,
      %swap3A_65 = arith.constant 2 : i32
      %swap3A_66 = arith.index_cast %swap3A_65 : i32 to index
      %swap3A_67 = arith.constant 0 : index
      %swap3A_68 = tpu.vector_load %arg7[%swap3A_66, %swap3A_67] {strides = array<i32>} : memref<32x32xf32, #tpu.memory_space<vmem>>, vector<16xf32>,
      tpu.vector_store %arg7[%swap3A_66, %swap3A_67], %gather3A_64 {strides = array<i32>} : memref<32x32xf32, #tpu.memory_space<vmem>>, vector<16xf32>,
      %broadcast_in_dim3A_69 = arith.constant 3 : i32
      %broadcast_in_dim3A_70 = vector.broadcast %broadcast_in_dim3A_69 : i32 to vector<16xi32>
      %broadcast_in_dim3A_71 = vector.broadcast %sub3A_47 : i32 to vector<16xi32>
      %gather3A_72 = tpu.vector_load_idx %arg6[%broadcast_in_dim3A_70, %iota3A, %broadcast_in_dim3A_71] : memref<32x16x128xf32, #tpu.memory_space<vmem>>[vector<16xi32>, vector<16xi32>, vector<16xi32>], vector<16xf32>,
      %swap3A_73 = arith.constant 3 : i32
      %swap3A_74 = arith.index_cast %swap3A_73 : i32 to index
      %swap3A_75 = arith.constant 0 : index
      %swap3A_76 = tpu.vector_load %arg7[%swap3A_74, %swap3A_75] {strides = array<i32>} : memref<32x32xf32, #tpu.memory_space<vmem>>, vector<16xf32>,
      tpu.vector_store %arg7[%swap3A_74, %swap3A_75], %gather3A_72 {strides = array<i32>} : memref<32x32xf32, #tpu.memory_space<vmem>>, vector<16xf32>,
      %broadcast_in_dim3A_77 = arith.constant 4 : i32
      %broadcast_in_dim3A_78 = vector.broadcast %broadcast_in_dim3A_77 : i32 to vector<16xi32>
      %broadcast_in_dim3A_79 = vector.broadcast %sub3A_47 : i32 to vector<16xi32>
      %gather3A_80 = tpu.vector_load_idx %arg6[%broadcast_in_dim3A_78, %iota3A, %broadcast_in_dim3A_79] : memref<32x16x128xf32, #tpu.memory_space<vmem>>[vector<16xi32>, vector<16xi32>, vector<16xi32>], vector<16xf32>,
      %swap3A_81 = arith.constant 4 : i32
      %swap3A_82 = arith.index_cast %swap3A_81 : i32 to index
      %swap3A_83 = arith.constant 0 : index
      %swap3A_84 = tpu.vector_load %arg7[%swap3A_82, %swap3A_83] {strides = array<i32>} : memref<32x32xf32, #tpu.memory_space<vmem>>, vector<16xf32>,
      tpu.vector_store %arg7[%swap3A_82, %swap3A_83], %gather3A_80 {strides = array<i32>} : memref<32x32xf32, #tpu.memory_space<vmem>>, vector<16xf32>,
      %broadcast_in_dim3A_85 = arith.constant 5 : i32
      %broadcast_in_dim3A_86 = vector.broadcast %broadcast_in_dim3A_85 : i32 to vector<16xi32>
      %broadcast_in_dim3A_87 = vector.broadcast %sub3A_47 : i32 to vector<16xi32>
      %gather3A_88 = tpu.vector_load_idx %arg6[%broadcast_in_dim3A_86, %iota3A, %broadcast_in_dim3A_87] : memref<32x16x128xf32, #tpu.memory_space<vmem>>[vector<16xi32>, vector<16xi32>, vector<16xi32>], vector<16xf32>,
      %swap3A_89 = arith.constant 5 : i32
      %swap3A_90 = arith.index_cast %swap3A_89 : i32 to index
      %swap3A_91 = arith.constant 0 : index
      %swap3A_92 = tpu.vector_load %arg7[%swap3A_90, %swap3A_91] {strides = array<i32>} : memref<32x32xf32, #tpu.memory_space<vmem>>, vector<16xf32>,
      tpu.vector_store %arg7[%swap3A_90, %swap3A_91], %gather3A_88 {strides = array<i32>} : memref<32x32xf32, #tpu.memory_space<vmem>>, vector<16xf32>,
      %broadcast_in_dim3A_93 = arith.constant 6 : i32
      %broadcast_in_dim3A_94 = vector.broadcast %broadcast_in_dim3A_93 : i32 to vector<16xi32>
      %broadcast_in_dim3A_95 = vector.broadcast %sub3A_47 : i32 to vector<16xi32>
      %gather3A_96 = tpu.vector_load_idx %arg6[%broadcast_in_dim3A_94, %iota3A, %broadcast_in_dim3A_95] : memref<32x16x128xf32, #tpu.memory_space<vmem>>[vector<16xi32>, vector<16xi32>, vector<16xi32>], vector<16xf32>,
      %swap3A_97 = arith.constant 6 : i32
      %swap3A_98 = arith.index_cast %swap3A_97 : i32 to index
      %swap3A_99 = arith.constant 0 : index
      %swap3A_100 = tpu.vector_load %arg7[%swap3A_98, %swap3A_99] {strides = array<i32>} : memref<32x32xf32, #tpu.memory_space<vmem>>, vector<16xf32>,
      tpu.vector_store %arg7[%swap3A_98, %swap3A_99], %gather3A_96 {strides = array<i32>} : memref<32x32xf32, #tpu.memory_space<vmem>>, vector<16xf32>,
      %broadcast_in_dim3A_101 = arith.constant 7 : i32
      %broadcast_in_dim3A_102 = vector.broadcast %broadcast_in_dim3A_101 : i32 to vector<16xi32>
      %broadcast_in_dim3A_103 = vector.broadcast %sub3A_47 : i32 to vector<16xi32>
      %gather3A_104 = tpu.vector_load_idx %arg6[%broadcast_in_dim3A_102, %iota3A, %broadcast_in_dim3A_103] : memref<32x16x128xf32, #tpu.memory_space<vmem>>[vector<16xi32>, vector<16xi32>, vector<16xi32>], vector<16xf32>,
      %swap3A_105 = arith.constant 7 : i32
      %swap3A_106 = arith.index_cast %swap3A_105 : i32 to index
      %swap3A_107 = arith.constant 0 : index
      %swap3A_108 = tpu.vector_load %arg7[%swap3A_106, %swap3A_107] {strides = array<i32>} : memref<32x32xf32, #tpu.memory_space<vmem>>, vector<16xf32>,
      tpu.vector_store %arg7[%swap3A_106, %swap3A_107], %gather3A_104 {strides = array<i32>} : memref<32x32xf32, #tpu.memory_space<vmem>>, vector<16xf32>,
      %broadcast_in_dim3A_109 = arith.constant 8 : i32
      %broadcast_in_dim3A_110 = vector.broadcast %broadcast_in_dim3A_109 : i32 to vector<16xi32>
      %broadcast_in_dim3A_111 = vector.broadcast %sub3A_47 : i32 to vector<16xi32>
      %gather3A_112 = tpu.vector_load_idx %arg6[%broadcast_in_dim3A_110, %iota3A, %broadcast_in_dim3A_111] : memref<32x16x128xf32, #tpu.memory_space<vmem>>[vector<16xi32>, vector<16xi32>, vector<16xi32>], vector<16xf32>,
      %swap3A_113 = arith.constant 8 : i32
      %swap3A_114 = arith.index_cast %swap3A_113 : i32 to index
      %swap3A_115 = arith.constant 0 : index
      %swap3A_116 = tpu.vector_load %arg7[%swap3A_114, %swap3A_115] {strides = array<i32>} : memref<32x32xf32, #tpu.memory_space<vmem>>, vector<16xf32>,
      tpu.vector_store %arg7[%swap3A_114, %swap3A_115], %gather3A_112 {strides = array<i32>} : memref<32x32xf32, #tpu.memory_space<vmem>>, vector<16xf32>,
      %broadcast_in_dim3A_117 = arith.constant 9 : i32
      %broadcast_in_dim3A_118 = vector.broadcast %broadcast_in_dim3A_117 : i32 to vector<16xi32>
      %broadcast_in_dim3A_119 = vector.broadcast %sub3A_47 : i32 to vector<16xi32>
      %gather3A_120 = tpu.vector_load_idx %arg6[%broadcast_in_dim3A_118, %iota3A, %broadcast_in_dim3A_119] : memref<32x16x128xf32, #tpu.memory_space<vmem>>[vector<16xi32>, vector<16xi32>, vector<16xi32>], vector<16xf32>,
      %swap3A_121 = arith.constant 9 : i32
      %swap3A_122 = arith.index_cast %swap3A_121 : i32 to index
      %swap3A_123 = arith.constant 0 : index
      %swap3A_124 = tpu.vector_load %arg7[%swap3A_122, %swap3A_123] {strides = array<i32>} : memref<32x32xf32, #tpu.memory_space<vmem>>, vector<16xf32>,
      tpu.vector_store %arg7[%swap3A_122, %swap3A_123], %gather3A_120 {strides = array<i32>} : memref<32x32xf32, #tpu.memory_space<vmem>>, vector<16xf32>,
      %broadcast_in_dim3A_125 = arith.constant 10 : i32
      %broadcast_in_dim3A_126 = vector.broadcast %broadcast_in_dim3A_125 : i32 to vector<16xi32>
      %broadcast_in_dim3A_127 = vector.broadcast %sub3A_47 : i32 to vector<16xi32>
      %gather3A_128 = tpu.vector_load_idx %arg6[%broadcast_in_dim3A_126, %iota3A, %broadcast_in_dim3A_127] : memref<32x16x128xf32, #tpu.memory_space<vmem>>[vector<16xi32>, vector<16xi32>, vector<16xi32>], vector<16xf32>,
      %swap3A_129 = arith.constant 10 : i32
      %swap3A_130 = arith.index_cast %swap3A_129 : i32 to index
      %swap3A_131 = arith.constant 0 : index
      %swap3A_132 = tpu.vector_load %arg7[%swap3A_130, %swap3A_131] {strides = array<i32>} : memref<32x32xf32, #tpu.memory_space<vmem>>, vector<16xf32>,
      tpu.vector_store %arg7[%swap3A_130, %swap3A_131], %gather3A_128 {strides = array<i32>} : memref<32x32xf32, #tpu.memory_space<vmem>>, vector<16xf32>,
      %broadcast_in_dim3A_133 = arith.constant 11 : i32
      %broadcast_in_dim3A_134 = vector.broadcast %broadcast_in_dim3A_133 : i32 to vector<16xi32>
      %broadcast_in_dim3A_135 = vector.broadcast %sub3A_47 : i32 to vector<16xi32>
      %gather3A_136 = tpu.vector_load_idx %arg6[%broadcast_in_dim3A_134, %iota3A, %broadcast_in_dim3A_135] : memref<32x16x128xf32, #tpu.memory_space<vmem>>[vector<16xi32>, vector<16xi32>, vector<16xi32>], vector<16xf32>,
      %swap3A_137 = arith.constant 11 : i32
      %swap3A_138 = arith.index_cast %swap3A_137 : i32 to index
      %swap3A_139 = arith.constant 0 : index
      %swap3A_140 = tpu.vector_load %arg7[%swap3A_138, %swap3A_139] {strides = array<i32>} : memref<32x32xf32, #tpu.memory_space<vmem>>, vector<16xf32>,
      tpu.vector_store %arg7[%swap3A_138, %swap3A_139], %gather3A_136 {strides = array<i32>} : memref<32x32xf32, #tpu.memory_space<vmem>>, vector<16xf32>,
      %broadcast_in_dim3A_141 = arith.constant 12 : i32
      %broadcast_in_dim3A_142 = vector.broadcast %broadcast_in_dim3A_141 : i32 to vector<16xi32>
      %broadcast_in_dim3A_143 = vector.broadcast %sub3A_47 : i32 to vector<16xi32>
      %gather3A_144 = tpu.vector_load_idx %arg6[%broadcast_in_dim3A_142, %iota3A, %broadcast_in_dim3A_143] : memref<32x16x128xf32, #tpu.memory_space<vmem>>[vector<16xi32>, vector<16xi32>, vector<16xi32>], vector<16xf32>,
      %swap3A_145 = arith.constant 12 : i32
      %swap3A_146 = arith.index_cast %swap3A_145 : i32 to index
      %swap3A_147 = arith.constant 0 : index
      %swap3A_148 = tpu.vector_load %arg7[%swap3A_146, %swap3A_147] {strides = array<i32>} : memref<32x32xf32, #tpu.memory_space<vmem>>, vector<16xf32>,
      tpu.vector_store %arg7[%swap3A_146, %swap3A_147], %gather3A_144 {strides = array<i32>} : memref<32x32xf32, #tpu.memory_space<vmem>>, vector<16xf32>,
      %broadcast_in_dim3A_149 = arith.constant 13 : i32
      %broadcast_in_dim3A_150 = vector.broadcast %broadcast_in_dim3A_149 : i32 to vector<16xi32>
      %broadcast_in_dim3A_151 = vector.broadcast %sub3A_47 : i32 to vector<16xi32>
      %gather3A_152 = tpu.vector_load_idx %arg6[%broadcast_in_dim3A_150, %iota3A, %broadcast_in_dim3A_151] : memref<32x16x128xf32, #tpu.memory_space<vmem>>[vector<16xi32>, vector<16xi32>, vector<16xi32>], vector<16xf32>,
      %swap3A_153 = arith.constant 13 : i32
      %swap3A_154 = arith.index_cast %swap3A_153 : i32 to index
      %swap3A_155 = arith.constant 0 : index
      %swap3A_156 = tpu.vector_load %arg7[%swap3A_154, %swap3A_155] {strides = array<i32>} : memref<32x32xf32, #tpu.memory_space<vmem>>, vector<16xf32>,
      tpu.vector_store %arg7[%swap3A_154, %swap3A_155], %gather3A_152 {strides = array<i32>} : memref<32x32xf32, #tpu.memory_space<vmem>>, vector<16xf32>,
      %broadcast_in_dim3A_157 = arith.constant 14 : i32
      %broadcast_in_dim3A_158 = vector.broadcast %broadcast_in_dim3A_157 : i32 to vector<16xi32>
      %broadcast_in_dim3A_159 = vector.broadcast %sub3A_47 : i32 to vector<16xi32>
      %gather3A_160 = tpu.vector_load_idx %arg6[%broadcast_in_dim3A_158, %iota3A, %broadcast_in_dim3A_159] : memref<32x16x128xf32, #tpu.memory_space<vmem>>[vector<16xi32>, vector<16xi32>, vector<16xi32>], vector<16xf32>,
      %swap3A_161 = arith.constant 14 : i32
      %swap3A_162 = arith.index_cast %swap3A_161 : i32 to index
      %swap3A_163 = arith.constant 0 : index
      %swap3A_164 = tpu.vector_load %arg7[%swap3A_162, %swap3A_163] {strides = array<i32>} : memref<32x32xf32, #tpu.memory_space<vmem>>, vector<16xf32>,
      tpu.vector_store %arg7[%swap3A_162, %swap3A_163], %gather3A_160 {strides = array<i32>} : memref<32x32xf32, #tpu.memory_space<vmem>>, vector<16xf32>,
      %broadcast_in_dim3A_165 = arith.constant 15 : i32
      %broadcast_in_dim3A_166 = vector.broadcast %broadcast_in_dim3A_165 : i32 to vector<16xi32>
      %broadcast_in_dim3A_167 = vector.broadcast %sub3A_47 : i32 to vector<16xi32>
      %gather3A_168 = tpu.vector_load_idx %arg6[%broadcast_in_dim3A_166, %iota3A, %broadcast_in_dim3A_167] : memref<32x16x128xf32, #tpu.memory_space<vmem>>[vector<16xi32>, vector<16xi32>, vector<16xi32>], vector<16xf32>,
      %swap3A_169 = arith.constant 15 : i32
      %swap3A_170 = arith.index_cast %swap3A_169 : i32 to index
      %swap3A_171 = arith.constant 0 : index
      %swap3A_172 = tpu.vector_load %arg7[%swap3A_170, %swap3A_171] {strides = array<i32>} : memref<32x32xf32, #tpu.memory_space<vmem>>, vector<16xf32>,
      tpu.vector_store %arg7[%swap3A_170, %swap3A_171], %gather3A_168 {strides = array<i32>} : memref<32x32xf32, #tpu.memory_space<vmem>>, vector<16xf32>,
      %broadcast_in_dim3A_173 = arith.constant 16 : i32
      %broadcast_in_dim3A_174 = vector.broadcast %broadcast_in_dim3A_173 : i32 to vector<16xi32>
      %broadcast_in_dim3A_175 = vector.broadcast %sub3A_47 : i32 to vector<16xi32>
      %gather3A_176 = tpu.vector_load_idx %arg6[%broadcast_in_dim3A_174, %iota3A, %broadcast_in_dim3A_175] : memref<32x16x128xf32, #tpu.memory_space<vmem>>[vector<16xi32>, vector<16xi32>, vector<16xi32>], vector<16xf32>,
      %swap3A_177 = arith.constant 16 : i32
      %swap3A_178 = arith.index_cast %swap3A_177 : i32 to index
      %swap3A_179 = arith.constant 0 : index
      %swap3A_180 = tpu.vector_load %arg7[%swap3A_178, %swap3A_179] {strides = array<i32>} : memref<32x32xf32, #tpu.memory_space<vmem>>, vector<16xf32>,
      tpu.vector_store %arg7[%swap3A_178, %swap3A_179], %gather3A_176 {strides = array<i32>} : memref<32x32xf32, #tpu.memory_space<vmem>>, vector<16xf32>,
      %broadcast_in_dim3A_181 = arith.constant 17 : i32
      %broadcast_in_dim3A_182 = vector.broadcast %broadcast_in_dim3A_181 : i32 to vector<16xi32>
      %broadcast_in_dim3A_183 = vector.broadcast %sub3A_47 : i32 to vector<16xi32>
      %gather3A_184 = tpu.vector_load_idx %arg6[%broadcast_in_dim3A_182, %iota3A, %broadcast_in_dim3A_183] : memref<32x16x128xf32, #tpu.memory_space<vmem>>[vector<16xi32>, vector<16xi32>, vector<16xi32>], vector<16xf32>,
      %swap3A_185 = arith.constant 17 : i32
      %swap3A_186 = arith.index_cast %swap3A_185 : i32 to index
      %swap3A_187 = arith.constant 0 : index
      %swap3A_188 = tpu.vector_load %arg7[%swap3A_186, %swap3A_187] {strides = array<i32>} : memref<32x32xf32, #tpu.memory_space<vmem>>, vector<16xf32>,
      tpu.vector_store %arg7[%swap3A_186, %swap3A_187], %gather3A_184 {strides = array<i32>} : memref<32x32xf32, #tpu.memory_space<vmem>>, vector<16xf32>,
      %broadcast_in_dim3A_189 = arith.constant 18 : i32
      %broadcast_in_dim3A_190 = vector.broadcast %broadcast_in_dim3A_189 : i32 to vector<16xi32>
      %broadcast_in_dim3A_191 = vector.broadcast %sub3A_47 : i32 to vector<16xi32>
      %gather3A_192 = tpu.vector_load_idx %arg6[%broadcast_in_dim3A_190, %iota3A, %broadcast_in_dim3A_191] : memref<32x16x128xf32, #tpu.memory_space<vmem>>[vector<16xi32>, vector<16xi32>, vector<16xi32>], vector<16xf32>,
      %swap3A_193 = arith.constant 18 : i32
      %swap3A_194 = arith.index_cast %swap3A_193 : i32 to index
      %swap3A_195 = arith.constant 0 : index
      %swap3A_196 = tpu.vector_load %arg7[%swap3A_194, %swap3A_195] {strides = array<i32>} : memref<32x32xf32, #tpu.memory_space<vmem>>, vector<16xf32>,
      tpu.vector_store %arg7[%swap3A_194, %swap3A_195], %gather3A_192 {strides = array<i32>} : memref<32x32xf32, #tpu.memory_space<vmem>>, vector<16xf32>,
      %broadcast_in_dim3A_197 = arith.constant 19 : i32
      %broadcast_in_dim3A_198 = vector.broadcast %broadcast_in_dim3A_197 : i32 to vector<16xi32>
      %broadcast_in_dim3A_199 = vector.broadcast %sub3A_47 : i32 to vector<16xi32>
      %gather3A_200 = tpu.vector_load_idx %arg6[%broadcast_in_dim3A_198, %iota3A, %broadcast_in_dim3A_199] : memref<32x16x128xf32, #tpu.memory_space<vmem>>[vector<16xi32>, vector<16xi32>, vector<16xi32>], vector<16xf32>,
      %swap3A_201 = arith.constant 19 : i32
      %swap3A_202 = arith.index_cast %swap3A_201 : i32 to index
      %swap3A_203 = arith.constant 0 : index
      %swap3A_204 = tpu.vector_load %arg7[%swap3A_202, %swap3A_203] {strides = array<i32>} : memref<32x32xf32, #tpu.memory_space<vmem>>, vector<16xf32>,
      tpu.vector_store %arg7[%swap3A_202, %swap3A_203], %gather3A_200 {strides = array<i32>} : memref<32x32xf32, #tpu.memory_space<vmem>>, vector<16xf32>,
      %broadcast_in_dim3A_205 = arith.constant 20 : i32
      %broadcast_in_dim3A_206 = vector.broadcast %broadcast_in_dim3A_205 : i32 to vector<16xi32>
      %broadcast_in_dim3A_207 = vector.broadcast %sub3A_47 : i32 to vector<16xi32>
      %gather3A_208 = tpu.vector_load_idx %arg6[%broadcast_in_dim3A_206, %iota3A, %broadcast_in_dim3A_207] : memref<32x16x128xf32, #tpu.memory_space<vmem>>[vector<16xi32>, vector<16xi32>, vector<16xi32>], vector<16xf32>,
      %swap3A_209 = arith.constant 20 : i32
      %swap3A_210 = arith.index_cast %swap3A_209 : i32 to index
      %swap3A_211 = arith.constant 0 : index
      %swap3A_212 = tpu.vector_load %arg7[%swap3A_210, %swap3A_211] {strides = array<i32>} : memref<32x32xf32, #tpu.memory_space<vmem>>, vector<16xf32>,
      tpu.vector_store %arg7[%swap3A_210, %swap3A_211], %gather3A_208 {strides = array<i32>} : memref<32x32xf32, #tpu.memory_space<vmem>>, vector<16xf32>,
      %broadcast_in_dim3A_213 = arith.constant 21 : i32
      %broadcast_in_dim3A_214 = vector.broadcast %broadcast_in_dim3A_213 : i32 to vector<16xi32>
      %broadcast_in_dim3A_215 = vector.broadcast %sub3A_47 : i32 to vector<16xi32>
      %gather3A_216 = tpu.vector_load_idx %arg6[%broadcast_in_dim3A_214, %iota3A, %broadcast_in_dim3A_215] : memref<32x16x128xf32, #tpu.memory_space<vmem>>[vector<16xi32>, vector<16xi32>, vector<16xi32>], vector<16xf32>,
      %swap3A_217 = arith.constant 21 : i32
      %swap3A_218 = arith.index_cast %swap3A_217 : i32 to index
      %swap3A_219 = arith.constant 0 : index
      %swap3A_220 = tpu.vector_load %arg7[%swap3A_218, %swap3A_219] {strides = array<i32>} : memref<32x32xf32, #tpu.memory_space<vmem>>, vector<16xf32>,
      tpu.vector_store %arg7[%swap3A_218, %swap3A_219], %gather3A_216 {strides = array<i32>} : memref<32x32xf32, #tpu.memory_space<vmem>>, vector<16xf32>,
      %broadcast_in_dim3A_221 = arith.constant 22 : i32
      %broadcast_in_dim3A_222 = vector.broadcast %broadcast_in_dim3A_221 : i32 to vector<16xi32>
      %broadcast_in_dim3A_223 = vector.broadcast %sub3A_47 : i32 to vector<16xi32>
      %gather3A_224 = tpu.vector_load_idx %arg6[%broadcast_in_dim3A_222, %iota3A, %broadcast_in_dim3A_223] : memref<32x16x128xf32, #tpu.memory_space<vmem>>[vector<16xi32>, vector<16xi32>, vector<16xi32>], vector<16xf32>,
      %swap3A_225 = arith.constant 22 : i32
      %swap3A_226 = arith.index_cast %swap3A_225 : i32 to index
      %swap3A_227 = arith.constant 0 : index
      %swap3A_228 = tpu.vector_load %arg7[%swap3A_226, %swap3A_227] {strides = array<i32>} : memref<32x32xf32, #tpu.memory_space<vmem>>, vector<16xf32>,
      tpu.vector_store %arg7[%swap3A_226, %swap3A_227], %gather3A_224 {strides = array<i32>} : memref<32x32xf32, #tpu.memory_space<vmem>>, vector<16xf32>,
      %broadcast_in_dim3A_229 = arith.constant 23 : i32
      %broadcast_in_dim3A_230 = vector.broadcast %broadcast_in_dim3A_229 : i32 to vector<16xi32>
      %broadcast_in_dim3A_231 = vector.broadcast %sub3A_47 : i32 to vector<16xi32>
      %gather3A_232 = tpu.vector_load_idx %arg6[%broadcast_in_dim3A_230, %iota3A, %broadcast_in_dim3A_231] : memref<32x16x128xf32, #tpu.memory_space<vmem>>[vector<16xi32>, vector<16xi32>, vector<16xi32>], vector<16xf32>,
      %swap3A_233 = arith.constant 23 : i32
      %swap3A_234 = arith.index_cast %swap3A_233 : i32 to index
      %swap3A_235 = arith.constant 0 : index
      %swap3A_236 = tpu.vector_load %arg7[%swap3A_234, %swap3A_235] {strides = array<i32>} : memref<32x32xf32, #tpu.memory_space<vmem>>, vector<16xf32>,
      tpu.vector_store %arg7[%swap3A_234, %swap3A_235], %gather3A_232 {strides = array<i32>} : memref<32x32xf32, #tpu.memory_space<vmem>>, vector<16xf32>,
      %broadcast_in_dim3A_237 = arith.constant 24 : i32
      %broadcast_in_dim3A_238 = vector.broadcast %broadcast_in_dim3A_237 : i32 to vector<16xi32>
      %broadcast_in_dim3A_239 = vector.broadcast %sub3A_47 : i32 to vector<16xi32>
      %gather3A_240 = tpu.vector_load_idx %arg6[%broadcast_in_dim3A_238, %iota3A, %broadcast_in_dim3A_239] : memref<32x16x128xf32, #tpu.memory_space<vmem>>[vector<16xi32>, vector<16xi32>, vector<16xi32>], vector<16xf32>,
      %swap3A_241 = arith.constant 24 : i32
      %swap3A_242 = arith.index_cast %swap3A_241 : i32 to index
      %swap3A_243 = arith.constant 0 : index
      %swap3A_244 = tpu.vector_load %arg7[%swap3A_242, %swap3A_243] {strides = array<i32>} : memref<32x32xf32, #tpu.memory_space<vmem>>, vector<16xf32>,
      tpu.vector_store %arg7[%swap3A_242, %swap3A_243], %gather3A_240 {strides = array<i32>} : memref<32x32xf32, #tpu.memory_space<vmem>>, vector<16xf32>,
      %broadcast_in_dim3A_245 = arith.constant 25 : i32
      %broadcast_in_dim3A_246 = vector.broadcast %broadcast_in_dim3A_245 : i32 to vector<16xi32>
      %broadcast_in_dim3A_247 = vector.broadcast %sub3A_47 : i32 to vector<16xi32>
      %gather3A_248 = tpu.vector_load_idx %arg6[%broadcast_in_dim3A_246, %iota3A, %broadcast_in_dim3A_247] : memref<32x16x128xf32, #tpu.memory_space<vmem>>[vector<16xi32>, vector<16xi32>, vector<16xi32>], vector<16xf32>,
      %swap3A_249 = arith.constant 25 : i32
      %swap3A_250 = arith.index_cast %swap3A_249 : i32 to index
      %swap3A_251 = arith.constant 0 : index
      %swap3A_252 = tpu.vector_load %arg7[%swap3A_250, %swap3A_251] {strides = array<i32>} : memref<32x32xf32, #tpu.memory_space<vmem>>, vector<16xf32>,
      tpu.vector_store %arg7[%swap3A_250, %swap3A_251], %gather3A_248 {strides = array<i32>} : memref<32x32xf32, #tpu.memory_space<vmem>>, vector<16xf32>,
      %broadcast_in_dim3A_253 = arith.constant 26 : i32
      %broadcast_in_dim3A_254 = vector.broadcast %broadcast_in_dim3A_253 : i32 to vector<16xi32>
      %broadcast_in_dim3A_255 = vector.broadcast %sub3A_47 : i32 to vector<16xi32>
      %gather3A_256 = tpu.vector_load_idx %arg6[%broadcast_in_dim3A_254, %iota3A, %broadcast_in_dim3A_255] : memref<32x16x128xf32, #tpu.memory_space<vmem>>[vector<16xi32>, vector<16xi32>, vector<16xi32>], vector<16xf32>,
      %swap3A_257 = arith.constant 26 : i32
      %swap3A_258 = arith.index_cast %swap3A_257 : i32 to index
      %swap3A_259 = arith.constant 0 : index
      %swap3A_260 = tpu.vector_load %arg7[%swap3A_258, %swap3A_259] {strides = array<i32>} : memref<32x32xf32, #tpu.memory_space<vmem>>, vector<16xf32>,
      tpu.vector_store %arg7[%swap3A_258, %swap3A_259], %gather3A_256 {strides = array<i32>} : memref<32x32xf32, #tpu.memory_space<vmem>>, vector<16xf32>,
      %broadcast_in_dim3A_261 = arith.constant 27 : i32
      %broadcast_in_dim3A_262 = vector.broadcast %broadcast_in_dim3A_261 : i32 to vector<16xi32>
      %broadcast_in_dim3A_263 = vector.broadcast %sub3A_47 : i32 to vector<16xi32>
      %gather3A_264 = tpu.vector_load_idx %arg6[%broadcast_in_dim3A_262, %iota3A, %broadcast_in_dim3A_263] : memref<32x16x128xf32, #tpu.memory_space<vmem>>[vector<16xi32>, vector<16xi32>, vector<16xi32>], vector<16xf32>,
      %swap3A_265 = arith.constant 27 : i32
      %swap3A_266 = arith.index_cast %swap3A_265 : i32 to index
      %swap3A_267 = arith.constant 0 : index
      %swap3A_268 = tpu.vector_load %arg7[%swap3A_266, %swap3A_267] {strides = array<i32>} : memref<32x32xf32, #tpu.memory_space<vmem>>, vector<16xf32>,
      tpu.vector_store %arg7[%swap3A_266, %swap3A_267], %gather3A_264 {strides = array<i32>} : memref<32x32xf32, #tpu.memory_space<vmem>>, vector<16xf32>,
      %broadcast_in_dim3A_269 = arith.constant 28 : i32
      %broadcast_in_dim3A_270 = vector.broadcast %broadcast_in_dim3A_269 : i32 to vector<16xi32>
      %broadcast_in_dim3A_271 = vector.broadcast %sub3A_47 : i32 to vector<16xi32>
      %gather3A_272 = tpu.vector_load_idx %arg6[%broadcast_in_dim3A_270, %iota3A, %broadcast_in_dim3A_271] : memref<32x16x128xf32, #tpu.memory_space<vmem>>[vector<16xi32>, vector<16xi32>, vector<16xi32>], vector<16xf32>,
      %swap3A_273 = arith.constant 28 : i32
      %swap3A_274 = arith.index_cast %swap3A_273 : i32 to index
      %swap3A_275 = arith.constant 0 : index
      %swap3A_276 = tpu.vector_load %arg7[%swap3A_274, %swap3A_275] {strides = array<i32>} : memref<32x32xf32, #tpu.memory_space<vmem>>, vector<16xf32>,
      tpu.vector_store %arg7[%swap3A_274, %swap3A_275], %gather3A_272 {strides = array<i32>} : memref<32x32xf32, #tpu.memory_space<vmem>>, vector<16xf32>,
      %broadcast_in_dim3A_277 = arith.constant 29 : i32
      %broadcast_in_dim3A_278 = vector.broadcast %broadcast_in_dim3A_277 : i32 to vector<16xi32>
      %broadcast_in_dim3A_279 = vector.broadcast %sub3A_47 : i32 to vector<16xi32>
      %gather3A_280 = tpu.vector_load_idx %arg6[%broadcast_in_dim3A_278, %iota3A, %broadcast_in_dim3A_279] : memref<32x16x128xf32, #tpu.memory_space<vmem>>[vector<16xi32>, vector<16xi32>, vector<16xi32>], vector<16xf32>,
      %swap3A_281 = arith.constant 29 : i32
      %swap3A_282 = arith.index_cast %swap3A_281 : i32 to index
      %swap3A_283 = arith.constant 0 : index
      %swap3A_284 = tpu.vector_load %arg7[%swap3A_282, %swap3A_283] {strides = array<i32>} : memref<32x32xf32, #tpu.memory_space<vmem>>, vector<16xf32>,
      tpu.vector_store %arg7[%swap3A_282, %swap3A_283], %gather3A_280 {strides = array<i32>} : memref<32x32xf32, #tpu.memory_space<vmem>>, vector<16xf32>,
      %broadcast_in_dim3A_285 = arith.constant 30 : i32
      %broadcast_in_dim3A_286 = vector.broadcast %broadcast_in_dim3A_285 : i32 to vector<16xi32>
      %broadcast_in_dim3A_287 = vector.broadcast %sub3A_47 : i32 to vector<16xi32>
      %gather3A_288 = tpu.vector_load_idx %arg6[%broadcast_in_dim3A_286, %iota3A, %broadcast_in_dim3A_287] : memref<32x16x128xf32, #tpu.memory_space<vmem>>[vector<16xi32>, vector<16xi32>, vector<16xi32>], vector<16xf32>,
      %swap3A_289 = arith.constant 30 : i32
      %swap3A_290 = arith.index_cast %swap3A_289 : i32 to index
      %swap3A_291 = arith.constant 0 : index
      %swap3A_292 = tpu.vector_load %arg7[%swap3A_290, %swap3A_291] {strides = array<i32>} : memref<32x32xf32, #tpu.memory_space<vmem>>, vector<16xf32>,
      tpu.vector_store %arg7[%swap3A_290, %swap3A_291], %gather3A_288 {strides = array<i32>} : memref<32x32xf32, #tpu.memory_space<vmem>>, vector<16xf32>,
      %broadcast_in_dim3A_293 = arith.constant 31 : i32
      %broadcast_in_dim3A_294 = vector.broadcast %broadcast_in_dim3A_293 : i32 to vector<16xi32>
      %broadcast_in_dim3A_295 = vector.broadcast %sub3A_47 : i32 to vector<16xi32>
      %gather3A_296 = tpu.vector_load_idx %arg6[%broadcast_in_dim3A_294, %iota3A, %broadcast_in_dim3A_295] : memref<32x16x128xf32, #tpu.memory_space<vmem>>[vector<16xi32>, vector<16xi32>, vector<16xi32>], vector<16xf32>,
      %swap3A_297 = arith.constant 31 : i32
      %swap3A_298 = arith.index_cast %swap3A_297 : i32 to index
      %swap3A_299 = arith.constant 0 : index
      %swap3A_300 = tpu.vector_load %arg7[%swap3A_298, %swap3A_299] {strides = array<i32>} : memref<32x32xf32, #tpu.memory_space<vmem>>, vector<16xf32>,
      tpu.vector_store %arg7[%swap3A_298, %swap3A_299], %gather3A_296 {strides = array<i32>} : memref<32x32xf32, #tpu.memory_space<vmem>>, vector<16xf32>,
      "tpu.region"() ({
        %run_scoped3A = tpu.sem_alloc : memref<!tpu.dma_semaphore, #tpu.memory_space<semaphore_mem>>
        %dma_start3A = arith.constant 0 : i32
        %dma_start3A_561 = arith.constant 16 : i32
        %dma_start3A_562 = tpu.memref_slice %arg2[%dma_start3A, %dma_start3A_561, %multiple_of3A] : memref<32x32x100000xf32, #tpu.memory_space<hbm>> -> memref<32x16x128xf32, #tpu.memory_space<hbm>>
        %dma_start3A_563 = arith.constant 0 : i32
        %dma_start3A_564 = arith.constant 16 : i32
        %dma_start3A_565 = tpu.memref_slice %arg2[%dma_start3A_563, %dma_start3A_564, %multiple_of3A] : memref<32x32x100000xf32, #tpu.memory_space<hbm>> -> memref<32x16x128xf32, #tpu.memory_space<hbm>>
        tpu.enqueue_dma source(%dma_start3A_565 : memref<32x16x128xf32, #tpu.memory_space<hbm>>) target(%arg6 : memref<32x16x128xf32, #tpu.memory_space<vmem>>) target_semaphore(%run_scoped3A : memref<!tpu.dma_semaphore, #tpu.memory_space<semaphore_mem>>)
        %dma_wait3A = arith.constant 0 : i32
        %dma_wait3A_566 = arith.constant 16 : i32
        %dma_wait3A_567 = tpu.memref_slice %arg2[%dma_wait3A, %dma_wait3A_566, %multiple_of3A] : memref<32x32x100000xf32, #tpu.memory_space<hbm>> -> memref<32x16x128xf32, #tpu.memory_space<hbm>>
        %dma_wait3A_568 = arith.constant 0 : i32
        %dma_wait3A_569 = arith.constant 16 : i32
        %dma_wait3A_570 = tpu.memref_slice %arg2[%dma_wait3A_568, %dma_wait3A_569, %multiple_of3A] : memref<32x32x100000xf32, #tpu.memory_space<hbm>> -> memref<32x16x128xf32, #tpu.memory_space<hbm>>
        tpu.wait_dma2 semaphore(%run_scoped3A : memref<!tpu.dma_semaphore, #tpu.memory_space<semaphore_mem>>) src(%dma_wait3A_570 : memref<32x16x128xf32, #tpu.memory_space<hbm>>) dst(%arg6 : memref<32x16x128xf32, #tpu.memory_space<vmem>>)
        tpu.yield
      }) : () -> ()
      %broadcast_in_dim3A_301 = arith.constant 0 : i32
      %broadcast_in_dim3A_302 = vector.broadcast %broadcast_in_dim3A_301 : i32 to vector<16xi32>
      %broadcast_in_dim3A_303 = vector.broadcast %sub3A_47 : i32 to vector<16xi32>
      %gather3A_304 = tpu.vector_load_idx %arg6[%broadcast_in_dim3A_302, %iota3A, %broadcast_in_dim3A_303] : memref<32x16x128xf32, #tpu.memory_space<vmem>>[vector<16xi32>, vector<16xi32>, vector<16xi32>], vector<16xf32>,
      %swap3A_305 = arith.constant 0 : i32
      %swap3A_306 = arith.index_cast %swap3A_305 : i32 to index
      %swap3A_307 = arith.constant 16 : index
      %swap3A_308 = tpu.vector_load %arg7[%swap3A_306, %swap3A_307] {strides = array<i32>} : memref<32x32xf32, #tpu.memory_space<vmem>>, vector<16xf32>,
      tpu.vector_store %arg7[%swap3A_306, %swap3A_307], %gather3A_304 {strides = array<i32>} : memref<32x32xf32, #tpu.memory_space<vmem>>, vector<16xf32>,
      %broadcast_in_dim3A_309 = arith.constant 1 : i32
      %broadcast_in_dim3A_310 = vector.broadcast %broadcast_in_dim3A_309 : i32 to vector<16xi32>
      %broadcast_in_dim3A_311 = vector.broadcast %sub3A_47 : i32 to vector<16xi32>
      %gather3A_312 = tpu.vector_load_idx %arg6[%broadcast_in_dim3A_310, %iota3A, %broadcast_in_dim3A_311] : memref<32x16x128xf32, #tpu.memory_space<vmem>>[vector<16xi32>, vector<16xi32>, vector<16xi32>], vector<16xf32>,
      %swap3A_313 = arith.constant 1 : i32
      %swap3A_314 = arith.index_cast %swap3A_313 : i32 to index
      %swap3A_315 = arith.constant 16 : index
      %swap3A_316 = tpu.vector_load %arg7[%swap3A_314, %swap3A_315] {strides = array<i32>} : memref<32x32xf32, #tpu.memory_space<vmem>>, vector<16xf32>,
      tpu.vector_store %arg7[%swap3A_314, %swap3A_315], %gather3A_312 {strides = array<i32>} : memref<32x32xf32, #tpu.memory_space<vmem>>, vector<16xf32>,
      %broadcast_in_dim3A_317 = arith.constant 2 : i32
      %broadcast_in_dim3A_318 = vector.broadcast %broadcast_in_dim3A_317 : i32 to vector<16xi32>
      %broadcast_in_dim3A_319 = vector.broadcast %sub3A_47 : i32 to vector<16xi32>
      %gather3A_320 = tpu.vector_load_idx %arg6[%broadcast_in_dim3A_318, %iota3A, %broadcast_in_dim3A_319] : memref<32x16x128xf32, #tpu.memory_space<vmem>>[vector<16xi32>, vector<16xi32>, vector<16xi32>], vector<16xf32>,
      %swap3A_321 = arith.constant 2 : i32
      %swap3A_322 = arith.index_cast %swap3A_321 : i32 to index
      %swap3A_323 = arith.constant 16 : index
      %swap3A_324 = tpu.vector_load %arg7[%swap3A_322, %swap3A_323] {strides = array<i32>} : memref<32x32xf32, #tpu.memory_space<vmem>>, vector<16xf32>,
      tpu.vector_store %arg7[%swap3A_322, %swap3A_323], %gather3A_320 {strides = array<i32>} : memref<32x32xf32, #tpu.memory_space<vmem>>, vector<16xf32>,
      %broadcast_in_dim3A_325 = arith.constant 3 : i32
      %broadcast_in_dim3A_326 = vector.broadcast %broadcast_in_dim3A_325 : i32 to vector<16xi32>
      %broadcast_in_dim3A_327 = vector.broadcast %sub3A_47 : i32 to vector<16xi32>
      %gather3A_328 = tpu.vector_load_idx %arg6[%broadcast_in_dim3A_326, %iota3A, %broadcast_in_dim3A_327] : memref<32x16x128xf32, #tpu.memory_space<vmem>>[vector<16xi32>, vector<16xi32>, vector<16xi32>], vector<16xf32>,
      %swap3A_329 = arith.constant 3 : i32
      %swap3A_330 = arith.index_cast %swap3A_329 : i32 to index
      %swap3A_331 = arith.constant 16 : index
      %swap3A_332 = tpu.vector_load %arg7[%swap3A_330, %swap3A_331] {strides = array<i32>} : memref<32x32xf32, #tpu.memory_space<vmem>>, vector<16xf32>,
      tpu.vector_store %arg7[%swap3A_330, %swap3A_331], %gather3A_328 {strides = array<i32>} : memref<32x32xf32, #tpu.memory_space<vmem>>, vector<16xf32>,
      %broadcast_in_dim3A_333 = arith.constant 4 : i32
      %broadcast_in_dim3A_334 = vector.broadcast %broadcast_in_dim3A_333 : i32 to vector<16xi32>
      %broadcast_in_dim3A_335 = vector.broadcast %sub3A_47 : i32 to vector<16xi32>
      %gather3A_336 = tpu.vector_load_idx %arg6[%broadcast_in_dim3A_334, %iota3A, %broadcast_in_dim3A_335] : memref<32x16x128xf32, #tpu.memory_space<vmem>>[vector<16xi32>, vector<16xi32>, vector<16xi32>], vector<16xf32>,
      %swap3A_337 = arith.constant 4 : i32
      %swap3A_338 = arith.index_cast %swap3A_337 : i32 to index
      %swap3A_339 = arith.constant 16 : index
      %swap3A_340 = tpu.vector_load %arg7[%swap3A_338, %swap3A_339] {strides = array<i32>} : memref<32x32xf32, #tpu.memory_space<vmem>>, vector<16xf32>,
      tpu.vector_store %arg7[%swap3A_338, %swap3A_339], %gather3A_336 {strides = array<i32>} : memref<32x32xf32, #tpu.memory_space<vmem>>, vector<16xf32>,
      %broadcast_in_dim3A_341 = arith.constant 5 : i32
      %broadcast_in_dim3A_342 = vector.broadcast %broadcast_in_dim3A_341 : i32 to vector<16xi32>
      %broadcast_in_dim3A_343 = vector.broadcast %sub3A_47 : i32 to vector<16xi32>
      %gather3A_344 = tpu.vector_load_idx %arg6[%broadcast_in_dim3A_342, %iota3A, %broadcast_in_dim3A_343] : memref<32x16x128xf32, #tpu.memory_space<vmem>>[vector<16xi32>, vector<16xi32>, vector<16xi32>], vector<16xf32>,
      %swap3A_345 = arith.constant 5 : i32
      %swap3A_346 = arith.index_cast %swap3A_345 : i32 to index
      %swap3A_347 = arith.constant 16 : index
      %swap3A_348 = tpu.vector_load %arg7[%swap3A_346, %swap3A_347] {strides = array<i32>} : memref<32x32xf32, #tpu.memory_space<vmem>>, vector<16xf32>,
      tpu.vector_store %arg7[%swap3A_346, %swap3A_347], %gather3A_344 {strides = array<i32>} : memref<32x32xf32, #tpu.memory_space<vmem>>, vector<16xf32>,
      %broadcast_in_dim3A_349 = arith.constant 6 : i32
      %broadcast_in_dim3A_350 = vector.broadcast %broadcast_in_dim3A_349 : i32 to vector<16xi32>
      %broadcast_in_dim3A_351 = vector.broadcast %sub3A_47 : i32 to vector<16xi32>
      %gather3A_352 = tpu.vector_load_idx %arg6[%broadcast_in_dim3A_350, %iota3A, %broadcast_in_dim3A_351] : memref<32x16x128xf32, #tpu.memory_space<vmem>>[vector<16xi32>, vector<16xi32>, vector<16xi32>], vector<16xf32>,
      %swap3A_353 = arith.constant 6 : i32
      %swap3A_354 = arith.index_cast %swap3A_353 : i32 to index
      %swap3A_355 = arith.constant 16 : index
      %swap3A_356 = tpu.vector_load %arg7[%swap3A_354, %swap3A_355] {strides = array<i32>} : memref<32x32xf32, #tpu.memory_space<vmem>>, vector<16xf32>,
      tpu.vector_store %arg7[%swap3A_354, %swap3A_355], %gather3A_352 {strides = array<i32>} : memref<32x32xf32, #tpu.memory_space<vmem>>, vector<16xf32>,
      %broadcast_in_dim3A_357 = arith.constant 7 : i32
      %broadcast_in_dim3A_358 = vector.broadcast %broadcast_in_dim3A_357 : i32 to vector<16xi32>
      %broadcast_in_dim3A_359 = vector.broadcast %sub3A_47 : i32 to vector<16xi32>
      %gather3A_360 = tpu.vector_load_idx %arg6[%broadcast_in_dim3A_358, %iota3A, %broadcast_in_dim3A_359] : memref<32x16x128xf32, #tpu.memory_space<vmem>>[vector<16xi32>, vector<16xi32>, vector<16xi32>], vector<16xf32>,
      %swap3A_361 = arith.constant 7 : i32
      %swap3A_362 = arith.index_cast %swap3A_361 : i32 to index
      %swap3A_363 = arith.constant 16 : index
      %swap3A_364 = tpu.vector_load %arg7[%swap3A_362, %swap3A_363] {strides = array<i32>} : memref<32x32xf32, #tpu.memory_space<vmem>>, vector<16xf32>,
      tpu.vector_store %arg7[%swap3A_362, %swap3A_363], %gather3A_360 {strides = array<i32>} : memref<32x32xf32, #tpu.memory_space<vmem>>, vector<16xf32>,
      %broadcast_in_dim3A_365 = arith.constant 8 : i32
      %broadcast_in_dim3A_366 = vector.broadcast %broadcast_in_dim3A_365 : i32 to vector<16xi32>
      %broadcast_in_dim3A_367 = vector.broadcast %sub3A_47 : i32 to vector<16xi32>
      %gather3A_368 = tpu.vector_load_idx %arg6[%broadcast_in_dim3A_366, %iota3A, %broadcast_in_dim3A_367] : memref<32x16x128xf32, #tpu.memory_space<vmem>>[vector<16xi32>, vector<16xi32>, vector<16xi32>], vector<16xf32>,
      %swap3A_369 = arith.constant 8 : i32
      %swap3A_370 = arith.index_cast %swap3A_369 : i32 to index
      %swap3A_371 = arith.constant 16 : index
      %swap3A_372 = tpu.vector_load %arg7[%swap3A_370, %swap3A_371] {strides = array<i32>} : memref<32x32xf32, #tpu.memory_space<vmem>>, vector<16xf32>,
      tpu.vector_store %arg7[%swap3A_370, %swap3A_371], %gather3A_368 {strides = array<i32>} : memref<32x32xf32, #tpu.memory_space<vmem>>, vector<16xf32>,
      %broadcast_in_dim3A_373 = arith.constant 9 : i32
      %broadcast_in_dim3A_374 = vector.broadcast %broadcast_in_dim3A_373 : i32 to vector<16xi32>
      %broadcast_in_dim3A_375 = vector.broadcast %sub3A_47 : i32 to vector<16xi32>
      %gather3A_376 = tpu.vector_load_idx %arg6[%broadcast_in_dim3A_374, %iota3A, %broadcast_in_dim3A_375] : memref<32x16x128xf32, #tpu.memory_space<vmem>>[vector<16xi32>, vector<16xi32>, vector<16xi32>], vector<16xf32>,
      %swap3A_377 = arith.constant 9 : i32
      %swap3A_378 = arith.index_cast %swap3A_377 : i32 to index
      %swap3A_379 = arith.constant 16 : index
      %swap3A_380 = tpu.vector_load %arg7[%swap3A_378, %swap3A_379] {strides = array<i32>} : memref<32x32xf32, #tpu.memory_space<vmem>>, vector<16xf32>,
      tpu.vector_store %arg7[%swap3A_378, %swap3A_379], %gather3A_376 {strides = array<i32>} : memref<32x32xf32, #tpu.memory_space<vmem>>, vector<16xf32>,
      %broadcast_in_dim3A_381 = arith.constant 10 : i32
      %broadcast_in_dim3A_382 = vector.broadcast %broadcast_in_dim3A_381 : i32 to vector<16xi32>
      %broadcast_in_dim3A_383 = vector.broadcast %sub3A_47 : i32 to vector<16xi32>
      %gather3A_384 = tpu.vector_load_idx %arg6[%broadcast_in_dim3A_382, %iota3A, %broadcast_in_dim3A_383] : memref<32x16x128xf32, #tpu.memory_space<vmem>>[vector<16xi32>, vector<16xi32>, vector<16xi32>], vector<16xf32>,
      %swap3A_385 = arith.constant 10 : i32
      %swap3A_386 = arith.index_cast %swap3A_385 : i32 to index
      %swap3A_387 = arith.constant 16 : index
      %swap3A_388 = tpu.vector_load %arg7[%swap3A_386, %swap3A_387] {strides = array<i32>} : memref<32x32xf32, #tpu.memory_space<vmem>>, vector<16xf32>,
      tpu.vector_store %arg7[%swap3A_386, %swap3A_387], %gather3A_384 {strides = array<i32>} : memref<32x32xf32, #tpu.memory_space<vmem>>, vector<16xf32>,
      %broadcast_in_dim3A_389 = arith.constant 11 : i32
      %broadcast_in_dim3A_390 = vector.broadcast %broadcast_in_dim3A_389 : i32 to vector<16xi32>
      %broadcast_in_dim3A_391 = vector.broadcast %sub3A_47 : i32 to vector<16xi32>
      %gather3A_392 = tpu.vector_load_idx %arg6[%broadcast_in_dim3A_390, %iota3A, %broadcast_in_dim3A_391] : memref<32x16x128xf32, #tpu.memory_space<vmem>>[vector<16xi32>, vector<16xi32>, vector<16xi32>], vector<16xf32>,
      %swap3A_393 = arith.constant 11 : i32
      %swap3A_394 = arith.index_cast %swap3A_393 : i32 to index
      %swap3A_395 = arith.constant 16 : index
      %swap3A_396 = tpu.vector_load %arg7[%swap3A_394, %swap3A_395] {strides = array<i32>} : memref<32x32xf32, #tpu.memory_space<vmem>>, vector<16xf32>,
      tpu.vector_store %arg7[%swap3A_394, %swap3A_395], %gather3A_392 {strides = array<i32>} : memref<32x32xf32, #tpu.memory_space<vmem>>, vector<16xf32>,
      %broadcast_in_dim3A_397 = arith.constant 12 : i32
      %broadcast_in_dim3A_398 = vector.broadcast %broadcast_in_dim3A_397 : i32 to vector<16xi32>
      %broadcast_in_dim3A_399 = vector.broadcast %sub3A_47 : i32 to vector<16xi32>
      %gather3A_400 = tpu.vector_load_idx %arg6[%broadcast_in_dim3A_398, %iota3A, %broadcast_in_dim3A_399] : memref<32x16x128xf32, #tpu.memory_space<vmem>>[vector<16xi32>, vector<16xi32>, vector<16xi32>], vector<16xf32>,
      %swap3A_401 = arith.constant 12 : i32
      %swap3A_402 = arith.index_cast %swap3A_401 : i32 to index
      %swap3A_403 = arith.constant 16 : index
      %swap3A_404 = tpu.vector_load %arg7[%swap3A_402, %swap3A_403] {strides = array<i32>} : memref<32x32xf32, #tpu.memory_space<vmem>>, vector<16xf32>,
      tpu.vector_store %arg7[%swap3A_402, %swap3A_403], %gather3A_400 {strides = array<i32>} : memref<32x32xf32, #tpu.memory_space<vmem>>, vector<16xf32>,
      %broadcast_in_dim3A_405 = arith.constant 13 : i32
      %broadcast_in_dim3A_406 = vector.broadcast %broadcast_in_dim3A_405 : i32 to vector<16xi32>
      %broadcast_in_dim3A_407 = vector.broadcast %sub3A_47 : i32 to vector<16xi32>
      %gather3A_408 = tpu.vector_load_idx %arg6[%broadcast_in_dim3A_406, %iota3A, %broadcast_in_dim3A_407] : memref<32x16x128xf32, #tpu.memory_space<vmem>>[vector<16xi32>, vector<16xi32>, vector<16xi32>], vector<16xf32>,
      %swap3A_409 = arith.constant 13 : i32
      %swap3A_410 = arith.index_cast %swap3A_409 : i32 to index
      %swap3A_411 = arith.constant 16 : index
      %swap3A_412 = tpu.vector_load %arg7[%swap3A_410, %swap3A_411] {strides = array<i32>} : memref<32x32xf32, #tpu.memory_space<vmem>>, vector<16xf32>,
      tpu.vector_store %arg7[%swap3A_410, %swap3A_411], %gather3A_408 {strides = array<i32>} : memref<32x32xf32, #tpu.memory_space<vmem>>, vector<16xf32>,
      %broadcast_in_dim3A_413 = arith.constant 14 : i32
      %broadcast_in_dim3A_414 = vector.broadcast %broadcast_in_dim3A_413 : i32 to vector<16xi32>
      %broadcast_in_dim3A_415 = vector.broadcast %sub3A_47 : i32 to vector<16xi32>
      %gather3A_416 = tpu.vector_load_idx %arg6[%broadcast_in_dim3A_414, %iota3A, %broadcast_in_dim3A_415] : memref<32x16x128xf32, #tpu.memory_space<vmem>>[vector<16xi32>, vector<16xi32>, vector<16xi32>], vector<16xf32>,
      %swap3A_417 = arith.constant 14 : i32
      %swap3A_418 = arith.index_cast %swap3A_417 : i32 to index
      %swap3A_419 = arith.constant 16 : index
      %swap3A_420 = tpu.vector_load %arg7[%swap3A_418, %swap3A_419] {strides = array<i32>} : memref<32x32xf32, #tpu.memory_space<vmem>>, vector<16xf32>,
      tpu.vector_store %arg7[%swap3A_418, %swap3A_419], %gather3A_416 {strides = array<i32>} : memref<32x32xf32, #tpu.memory_space<vmem>>, vector<16xf32>,
      %broadcast_in_dim3A_421 = arith.constant 15 : i32
      %broadcast_in_dim3A_422 = vector.broadcast %broadcast_in_dim3A_421 : i32 to vector<16xi32>
      %broadcast_in_dim3A_423 = vector.broadcast %sub3A_47 : i32 to vector<16xi32>
      %gather3A_424 = tpu.vector_load_idx %arg6[%broadcast_in_dim3A_422, %iota3A, %broadcast_in_dim3A_423] : memref<32x16x128xf32, #tpu.memory_space<vmem>>[vector<16xi32>, vector<16xi32>, vector<16xi32>], vector<16xf32>,
      %swap3A_425 = arith.constant 15 : i32
      %swap3A_426 = arith.index_cast %swap3A_425 : i32 to index
      %swap3A_427 = arith.constant 16 : index
      %swap3A_428 = tpu.vector_load %arg7[%swap3A_426, %swap3A_427] {strides = array<i32>} : memref<32x32xf32, #tpu.memory_space<vmem>>, vector<16xf32>,
      tpu.vector_store %arg7[%swap3A_426, %swap3A_427], %gather3A_424 {strides = array<i32>} : memref<32x32xf32, #tpu.memory_space<vmem>>, vector<16xf32>,
      %broadcast_in_dim3A_429 = arith.constant 16 : i32
      %broadcast_in_dim3A_430 = vector.broadcast %broadcast_in_dim3A_429 : i32 to vector<16xi32>
      %broadcast_in_dim3A_431 = vector.broadcast %sub3A_47 : i32 to vector<16xi32>
      %gather3A_432 = tpu.vector_load_idx %arg6[%broadcast_in_dim3A_430, %iota3A, %broadcast_in_dim3A_431] : memref<32x16x128xf32, #tpu.memory_space<vmem>>[vector<16xi32>, vector<16xi32>, vector<16xi32>], vector<16xf32>,
      %swap3A_433 = arith.constant 16 : i32
      %swap3A_434 = arith.index_cast %swap3A_433 : i32 to index
      %swap3A_435 = arith.constant 16 : index
      %swap3A_436 = tpu.vector_load %arg7[%swap3A_434, %swap3A_435] {strides = array<i32>} : memref<32x32xf32, #tpu.memory_space<vmem>>, vector<16xf32>,
      tpu.vector_store %arg7[%swap3A_434, %swap3A_435], %gather3A_432 {strides = array<i32>} : memref<32x32xf32, #tpu.memory_space<vmem>>, vector<16xf32>,
      %broadcast_in_dim3A_437 = arith.constant 17 : i32
      %broadcast_in_dim3A_438 = vector.broadcast %broadcast_in_dim3A_437 : i32 to vector<16xi32>
      %broadcast_in_dim3A_439 = vector.broadcast %sub3A_47 : i32 to vector<16xi32>
      %gather3A_440 = tpu.vector_load_idx %arg6[%broadcast_in_dim3A_438, %iota3A, %broadcast_in_dim3A_439] : memref<32x16x128xf32, #tpu.memory_space<vmem>>[vector<16xi32>, vector<16xi32>, vector<16xi32>], vector<16xf32>,
      %swap3A_441 = arith.constant 17 : i32
      %swap3A_442 = arith.index_cast %swap3A_441 : i32 to index
      %swap3A_443 = arith.constant 16 : index
      %swap3A_444 = tpu.vector_load %arg7[%swap3A_442, %swap3A_443] {strides = array<i32>} : memref<32x32xf32, #tpu.memory_space<vmem>>, vector<16xf32>,
      tpu.vector_store %arg7[%swap3A_442, %swap3A_443], %gather3A_440 {strides = array<i32>} : memref<32x32xf32, #tpu.memory_space<vmem>>, vector<16xf32>,
      %broadcast_in_dim3A_445 = arith.constant 18 : i32
      %broadcast_in_dim3A_446 = vector.broadcast %broadcast_in_dim3A_445 : i32 to vector<16xi32>
      %broadcast_in_dim3A_447 = vector.broadcast %sub3A_47 : i32 to vector<16xi32>
      %gather3A_448 = tpu.vector_load_idx %arg6[%broadcast_in_dim3A_446, %iota3A, %broadcast_in_dim3A_447] : memref<32x16x128xf32, #tpu.memory_space<vmem>>[vector<16xi32>, vector<16xi32>, vector<16xi32>], vector<16xf32>,
      %swap3A_449 = arith.constant 18 : i32
      %swap3A_450 = arith.index_cast %swap3A_449 : i32 to index
      %swap3A_451 = arith.constant 16 : index
      %swap3A_452 = tpu.vector_load %arg7[%swap3A_450, %swap3A_451] {strides = array<i32>} : memref<32x32xf32, #tpu.memory_space<vmem>>, vector<16xf32>,
      tpu.vector_store %arg7[%swap3A_450, %swap3A_451], %gather3A_448 {strides = array<i32>} : memref<32x32xf32, #tpu.memory_space<vmem>>, vector<16xf32>,
      %broadcast_in_dim3A_453 = arith.constant 19 : i32
      %broadcast_in_dim3A_454 = vector.broadcast %broadcast_in_dim3A_453 : i32 to vector<16xi32>
      %broadcast_in_dim3A_455 = vector.broadcast %sub3A_47 : i32 to vector<16xi32>
      %gather3A_456 = tpu.vector_load_idx %arg6[%broadcast_in_dim3A_454, %iota3A, %broadcast_in_dim3A_455] : memref<32x16x128xf32, #tpu.memory_space<vmem>>[vector<16xi32>, vector<16xi32>, vector<16xi32>], vector<16xf32>,
      %swap3A_457 = arith.constant 19 : i32
      %swap3A_458 = arith.index_cast %swap3A_457 : i32 to index
      %swap3A_459 = arith.constant 16 : index
      %swap3A_460 = tpu.vector_load %arg7[%swap3A_458, %swap3A_459] {strides = array<i32>} : memref<32x32xf32, #tpu.memory_space<vmem>>, vector<16xf32>,
      tpu.vector_store %arg7[%swap3A_458, %swap3A_459], %gather3A_456 {strides = array<i32>} : memref<32x32xf32, #tpu.memory_space<vmem>>, vector<16xf32>,
      %broadcast_in_dim3A_461 = arith.constant 20 : i32
      %broadcast_in_dim3A_462 = vector.broadcast %broadcast_in_dim3A_461 : i32 to vector<16xi32>
      %broadcast_in_dim3A_463 = vector.broadcast %sub3A_47 : i32 to vector<16xi32>
      %gather3A_464 = tpu.vector_load_idx %arg6[%broadcast_in_dim3A_462, %iota3A, %broadcast_in_dim3A_463] : memref<32x16x128xf32, #tpu.memory_space<vmem>>[vector<16xi32>, vector<16xi32>, vector<16xi32>], vector<16xf32>,
      %swap3A_465 = arith.constant 20 : i32
      %swap3A_466 = arith.index_cast %swap3A_465 : i32 to index
      %swap3A_467 = arith.constant 16 : index
      %swap3A_468 = tpu.vector_load %arg7[%swap3A_466, %swap3A_467] {strides = array<i32>} : memref<32x32xf32, #tpu.memory_space<vmem>>, vector<16xf32>,
      tpu.vector_store %arg7[%swap3A_466, %swap3A_467], %gather3A_464 {strides = array<i32>} : memref<32x32xf32, #tpu.memory_space<vmem>>, vector<16xf32>,
      %broadcast_in_dim3A_469 = arith.constant 21 : i32
      %broadcast_in_dim3A_470 = vector.broadcast %broadcast_in_dim3A_469 : i32 to vector<16xi32>
      %broadcast_in_dim3A_471 = vector.broadcast %sub3A_47 : i32 to vector<16xi32>
      %gather3A_472 = tpu.vector_load_idx %arg6[%broadcast_in_dim3A_470, %iota3A, %broadcast_in_dim3A_471] : memref<32x16x128xf32, #tpu.memory_space<vmem>>[vector<16xi32>, vector<16xi32>, vector<16xi32>], vector<16xf32>,
      %swap3A_473 = arith.constant 21 : i32
      %swap3A_474 = arith.index_cast %swap3A_473 : i32 to index
      %swap3A_475 = arith.constant 16 : index
      %swap3A_476 = tpu.vector_load %arg7[%swap3A_474, %swap3A_475] {strides = array<i32>} : memref<32x32xf32, #tpu.memory_space<vmem>>, vector<16xf32>,
      tpu.vector_store %arg7[%swap3A_474, %swap3A_475], %gather3A_472 {strides = array<i32>} : memref<32x32xf32, #tpu.memory_space<vmem>>, vector<16xf32>,
      %broadcast_in_dim3A_477 = arith.constant 22 : i32
      %broadcast_in_dim3A_478 = vector.broadcast %broadcast_in_dim3A_477 : i32 to vector<16xi32>
      %broadcast_in_dim3A_479 = vector.broadcast %sub3A_47 : i32 to vector<16xi32>
      %gather3A_480 = tpu.vector_load_idx %arg6[%broadcast_in_dim3A_478, %iota3A, %broadcast_in_dim3A_479] : memref<32x16x128xf32, #tpu.memory_space<vmem>>[vector<16xi32>, vector<16xi32>, vector<16xi32>], vector<16xf32>,
      %swap3A_481 = arith.constant 22 : i32
      %swap3A_482 = arith.index_cast %swap3A_481 : i32 to index
      %swap3A_483 = arith.constant 16 : index
      %swap3A_484 = tpu.vector_load %arg7[%swap3A_482, %swap3A_483] {strides = array<i32>} : memref<32x32xf32, #tpu.memory_space<vmem>>, vector<16xf32>,
      tpu.vector_store %arg7[%swap3A_482, %swap3A_483], %gather3A_480 {strides = array<i32>} : memref<32x32xf32, #tpu.memory_space<vmem>>, vector<16xf32>,
      %broadcast_in_dim3A_485 = arith.constant 23 : i32
      %broadcast_in_dim3A_486 = vector.broadcast %broadcast_in_dim3A_485 : i32 to vector<16xi32>
      %broadcast_in_dim3A_487 = vector.broadcast %sub3A_47 : i32 to vector<16xi32>
      %gather3A_488 = tpu.vector_load_idx %arg6[%broadcast_in_dim3A_486, %iota3A, %broadcast_in_dim3A_487] : memref<32x16x128xf32, #tpu.memory_space<vmem>>[vector<16xi32>, vector<16xi32>, vector<16xi32>], vector<16xf32>,
      %swap3A_489 = arith.constant 23 : i32
      %swap3A_490 = arith.index_cast %swap3A_489 : i32 to index
      %swap3A_491 = arith.constant 16 : index
      %swap3A_492 = tpu.vector_load %arg7[%swap3A_490, %swap3A_491] {strides = array<i32>} : memref<32x32xf32, #tpu.memory_space<vmem>>, vector<16xf32>,
      tpu.vector_store %arg7[%swap3A_490, %swap3A_491], %gather3A_488 {strides = array<i32>} : memref<32x32xf32, #tpu.memory_space<vmem>>, vector<16xf32>,
      %broadcast_in_dim3A_493 = arith.constant 24 : i32
      %broadcast_in_dim3A_494 = vector.broadcast %broadcast_in_dim3A_493 : i32 to vector<16xi32>
      %broadcast_in_dim3A_495 = vector.broadcast %sub3A_47 : i32 to vector<16xi32>
      %gather3A_496 = tpu.vector_load_idx %arg6[%broadcast_in_dim3A_494, %iota3A, %broadcast_in_dim3A_495] : memref<32x16x128xf32, #tpu.memory_space<vmem>>[vector<16xi32>, vector<16xi32>, vector<16xi32>], vector<16xf32>,
      %swap3A_497 = arith.constant 24 : i32
      %swap3A_498 = arith.index_cast %swap3A_497 : i32 to index
      %swap3A_499 = arith.constant 16 : index
      %swap3A_500 = tpu.vector_load %arg7[%swap3A_498, %swap3A_499] {strides = array<i32>} : memref<32x32xf32, #tpu.memory_space<vmem>>, vector<16xf32>,
      tpu.vector_store %arg7[%swap3A_498, %swap3A_499], %gather3A_496 {strides = array<i32>} : memref<32x32xf32, #tpu.memory_space<vmem>>, vector<16xf32>,
      %broadcast_in_dim3A_501 = arith.constant 25 : i32
      %broadcast_in_dim3A_502 = vector.broadcast %broadcast_in_dim3A_501 : i32 to vector<16xi32>
      %broadcast_in_dim3A_503 = vector.broadcast %sub3A_47 : i32 to vector<16xi32>
      %gather3A_504 = tpu.vector_load_idx %arg6[%broadcast_in_dim3A_502, %iota3A, %broadcast_in_dim3A_503] : memref<32x16x128xf32, #tpu.memory_space<vmem>>[vector<16xi32>, vector<16xi32>, vector<16xi32>], vector<16xf32>,
      %swap3A_505 = arith.constant 25 : i32
      %swap3A_506 = arith.index_cast %swap3A_505 : i32 to index
      %swap3A_507 = arith.constant 16 : index
      %swap3A_508 = tpu.vector_load %arg7[%swap3A_506, %swap3A_507] {strides = array<i32>} : memref<32x32xf32, #tpu.memory_space<vmem>>, vector<16xf32>,
      tpu.vector_store %arg7[%swap3A_506, %swap3A_507], %gather3A_504 {strides = array<i32>} : memref<32x32xf32, #tpu.memory_space<vmem>>, vector<16xf32>,
      %broadcast_in_dim3A_509 = arith.constant 26 : i32
      %broadcast_in_dim3A_510 = vector.broadcast %broadcast_in_dim3A_509 : i32 to vector<16xi32>
      %broadcast_in_dim3A_511 = vector.broadcast %sub3A_47 : i32 to vector<16xi32>
      %gather3A_512 = tpu.vector_load_idx %arg6[%broadcast_in_dim3A_510, %iota3A, %broadcast_in_dim3A_511] : memref<32x16x128xf32, #tpu.memory_space<vmem>>[vector<16xi32>, vector<16xi32>, vector<16xi32>], vector<16xf32>,
      %swap3A_513 = arith.constant 26 : i32
      %swap3A_514 = arith.index_cast %swap3A_513 : i32 to index
      %swap3A_515 = arith.constant 16 : index
      %swap3A_516 = tpu.vector_load %arg7[%swap3A_514, %swap3A_515] {strides = array<i32>} : memref<32x32xf32, #tpu.memory_space<vmem>>, vector<16xf32>,
      tpu.vector_store %arg7[%swap3A_514, %swap3A_515], %gather3A_512 {strides = array<i32>} : memref<32x32xf32, #tpu.memory_space<vmem>>, vector<16xf32>,
      %broadcast_in_dim3A_517 = arith.constant 27 : i32
      %broadcast_in_dim3A_518 = vector.broadcast %broadcast_in_dim3A_517 : i32 to vector<16xi32>
      %broadcast_in_dim3A_519 = vector.broadcast %sub3A_47 : i32 to vector<16xi32>
      %gather3A_520 = tpu.vector_load_idx %arg6[%broadcast_in_dim3A_518, %iota3A, %broadcast_in_dim3A_519] : memref<32x16x128xf32, #tpu.memory_space<vmem>>[vector<16xi32>, vector<16xi32>, vector<16xi32>], vector<16xf32>,
      %swap3A_521 = arith.constant 27 : i32
      %swap3A_522 = arith.index_cast %swap3A_521 : i32 to index
      %swap3A_523 = arith.constant 16 : index
      %swap3A_524 = tpu.vector_load %arg7[%swap3A_522, %swap3A_523] {strides = array<i32>} : memref<32x32xf32, #tpu.memory_space<vmem>>, vector<16xf32>,
      tpu.vector_store %arg7[%swap3A_522, %swap3A_523], %gather3A_520 {strides = array<i32>} : memref<32x32xf32, #tpu.memory_space<vmem>>, vector<16xf32>,
      %broadcast_in_dim3A_525 = arith.constant 28 : i32
      %broadcast_in_dim3A_526 = vector.broadcast %broadcast_in_dim3A_525 : i32 to vector<16xi32>
      %broadcast_in_dim3A_527 = vector.broadcast %sub3A_47 : i32 to vector<16xi32>
      %gather3A_528 = tpu.vector_load_idx %arg6[%broadcast_in_dim3A_526, %iota3A, %broadcast_in_dim3A_527] : memref<32x16x128xf32, #tpu.memory_space<vmem>>[vector<16xi32>, vector<16xi32>, vector<16xi32>], vector<16xf32>,
      %swap3A_529 = arith.constant 28 : i32
      %swap3A_530 = arith.index_cast %swap3A_529 : i32 to index
      %swap3A_531 = arith.constant 16 : index
      %swap3A_532 = tpu.vector_load %arg7[%swap3A_530, %swap3A_531] {strides = array<i32>} : memref<32x32xf32, #tpu.memory_space<vmem>>, vector<16xf32>,
      tpu.vector_store %arg7[%swap3A_530, %swap3A_531], %gather3A_528 {strides = array<i32>} : memref<32x32xf32, #tpu.memory_space<vmem>>, vector<16xf32>,
      %broadcast_in_dim3A_533 = arith.constant 29 : i32
      %broadcast_in_dim3A_534 = vector.broadcast %broadcast_in_dim3A_533 : i32 to vector<16xi32>
      %broadcast_in_dim3A_535 = vector.broadcast %sub3A_47 : i32 to vector<16xi32>
      %gather3A_536 = tpu.vector_load_idx %arg6[%broadcast_in_dim3A_534, %iota3A, %broadcast_in_dim3A_535] : memref<32x16x128xf32, #tpu.memory_space<vmem>>[vector<16xi32>, vector<16xi32>, vector<16xi32>], vector<16xf32>,
      %swap3A_537 = arith.constant 29 : i32
      %swap3A_538 = arith.index_cast %swap3A_537 : i32 to index
      %swap3A_539 = arith.constant 16 : index
      %swap3A_540 = tpu.vector_load %arg7[%swap3A_538, %swap3A_539] {strides = array<i32>} : memref<32x32xf32, #tpu.memory_space<vmem>>, vector<16xf32>,
      tpu.vector_store %arg7[%swap3A_538, %swap3A_539], %gather3A_536 {strides = array<i32>} : memref<32x32xf32, #tpu.memory_space<vmem>>, vector<16xf32>,
      %broadcast_in_dim3A_541 = arith.constant 30 : i32
      %broadcast_in_dim3A_542 = vector.broadcast %broadcast_in_dim3A_541 : i32 to vector<16xi32>
      %broadcast_in_dim3A_543 = vector.broadcast %sub3A_47 : i32 to vector<16xi32>
      %gather3A_544 = tpu.vector_load_idx %arg6[%broadcast_in_dim3A_542, %iota3A, %broadcast_in_dim3A_543] : memref<32x16x128xf32, #tpu.memory_space<vmem>>[vector<16xi32>, vector<16xi32>, vector<16xi32>], vector<16xf32>,
      %swap3A_545 = arith.constant 30 : i32
      %swap3A_546 = arith.index_cast %swap3A_545 : i32 to index
      %swap3A_547 = arith.constant 16 : index
      %swap3A_548 = tpu.vector_load %arg7[%swap3A_546, %swap3A_547] {strides = array<i32>} : memref<32x32xf32, #tpu.memory_space<vmem>>, vector<16xf32>,
      tpu.vector_store %arg7[%swap3A_546, %swap3A_547], %gather3A_544 {strides = array<i32>} : memref<32x32xf32, #tpu.memory_space<vmem>>, vector<16xf32>,
      %broadcast_in_dim3A_549 = arith.constant 31 : i32
      %broadcast_in_dim3A_550 = vector.broadcast %broadcast_in_dim3A_549 : i32 to vector<16xi32>
      %broadcast_in_dim3A_551 = vector.broadcast %sub3A_47 : i32 to vector<16xi32>
      %gather3A_552 = tpu.vector_load_idx %arg6[%broadcast_in_dim3A_550, %iota3A, %broadcast_in_dim3A_551] : memref<32x16x128xf32, #tpu.memory_space<vmem>>[vector<16xi32>, vector<16xi32>, vector<16xi32>], vector<16xf32>,
      %swap3A_553 = arith.constant 31 : i32
      %swap3A_554 = arith.index_cast %swap3A_553 : i32 to index
      %swap3A_555 = arith.constant 16 : index
      %swap3A_556 = tpu.vector_load %arg7[%swap3A_554, %swap3A_555] {strides = array<i32>} : memref<32x32xf32, #tpu.memory_space<vmem>>, vector<16xf32>,
      tpu.vector_store %arg7[%swap3A_554, %swap3A_555], %gather3A_552 {strides = array<i32>} : memref<32x32xf32, #tpu.memory_space<vmem>>, vector<16xf32>,
      %add3A_557 = arith.constant 1 : i32
      %add3A_558 = arith.addi %add3A_6, %add3A_557 : i32
      %mul3A_559 = arith.constant 32 : i32
      %mul3A_560 = arith.muli %add3A_558, %mul3A_559 : i32
      "tpu.region"() ({
        %run_scoped3A = tpu.sem_alloc : memref<!tpu.dma_semaphore, #tpu.memory_space<semaphore_mem>>
        %dma_start3A = arith.constant 0 : i32
        %dma_start3A_561 = tpu.memref_slice %arg4[%mul3A_560, %dma_start3A] : memref<3520x32xf32, #tpu.memory_space<hbm>> -> memref<32x32xf32, #tpu.memory_space<hbm>>
        %dma_start3A_562 = arith.constant 0 : i32
        %dma_start3A_563 = tpu.memref_slice %arg4[%mul3A_560, %dma_start3A_562] : memref<3520x32xf32, #tpu.memory_space<hbm>> -> memref<32x32xf32, #tpu.memory_space<hbm>>
        tpu.enqueue_dma source(%arg7 : memref<32x32xf32, #tpu.memory_space<vmem>>) target(%dma_start3A_563 : memref<32x32xf32, #tpu.memory_space<hbm>>) target_semaphore(%run_scoped3A : memref<!tpu.dma_semaphore, #tpu.memory_space<semaphore_mem>>)
        %dma_wait3A = arith.constant 0 : i32
        %dma_wait3A_564 = tpu.memref_slice %arg4[%mul3A_560, %dma_wait3A] : memref<3520x32xf32, #tpu.memory_space<hbm>> -> memref<32x32xf32, #tpu.memory_space<hbm>>
        %dma_wait3A_565 = arith.constant 0 : i32
        %dma_wait3A_566 = tpu.memref_slice %arg4[%mul3A_560, %dma_wait3A_565] : memref<3520x32xf32, #tpu.memory_space<hbm>> -> memref<32x32xf32, #tpu.memory_space<hbm>>
        tpu.wait_dma2 semaphore(%run_scoped3A : memref<!tpu.dma_semaphore, #tpu.memory_space<semaphore_mem>>) src(%arg7 : memref<32x32xf32, #tpu.memory_space<vmem>>) dst(%dma_wait3A_566 : memref<32x32xf32, #tpu.memory_space<hbm>>)
        tpu.yield
      }) : () -> ()
    } else {
    }
    %gt3A_17 = arith.constant 2 : i32
    %gt3A_18 = arith.cmpi sgt, %select_n3A, %gt3A_17 : i32
    %convert_element_type3A_19 = arith.extui %gt3A_18 : i1 to i32
    %cond3A_20 = arith.constant 0 : i32
    %cond3A_21 = arith.cmpi ne, %convert_element_type3A_19, %cond3A_20 : i32
    scf.if %cond3A_21 {
      %slice3A = vector.extract_strided_slice %get3A_9 {offsets = [2], sizes = [1], strides = [1]} : vector<16xi32> to vector<1xi32>
      %squeeze3A = vector.extract %slice3A[0] : i32 from vector<1xi32>
      %jit3A_27 = arith.constant 128 : i32
      %div3A = arith.divsi %squeeze3A, %jit3A_27 : i32
      %sign3A = arith.constant 0 : i32
      %sign3A_28 = arith.cmpi sgt, %squeeze3A, %sign3A : i32
      %sign3A_29 = arith.extui %sign3A_28 : i1 to i32
      %sign3A_30 = arith.constant 0 : i32
      %sign3A_31 = arith.cmpi slt, %squeeze3A, %sign3A_30 : i32
      %sign3A_32 = arith.extui %sign3A_31 : i1 to i32
      %sign3A_33 = arith.subi %sign3A_29, %sign3A_32 : i32
      %sign3A_34 = arith.constant 0 : i32
      %sign3A_35 = arith.cmpi sgt, %jit3A_27, %sign3A_34 : i32
      %sign3A_36 = arith.extui %sign3A_35 : i1 to i32
      %sign3A_37 = arith.constant 0 : i32
      %sign3A_38 = arith.cmpi slt, %jit3A_27, %sign3A_37 : i32
      %sign3A_39 = arith.extui %sign3A_38 : i1 to i32
      %sign3A_40 = arith.subi %sign3A_36, %sign3A_39 : i32
      %ne3A = arith.cmpi ne, %sign3A_33, %sign3A_40 : i32
      %rem3A = arith.remsi %squeeze3A, %jit3A_27 : i32
      %ne3A_41 = arith.constant 0 : i32
      %ne3A_42 = arith.cmpi ne, %rem3A, %ne3A_41 : i32
      %and3A = arith.andi %ne3A, %ne3A_42 : i1
      %sub3A = arith.constant 1 : i32
      %sub3A_43 = arith.subi %div3A, %sub3A : i32
      %select_n3A_44 = arith.select %and3A, %sub3A_43, %div3A : i32
      %mul3A_45 = arith.constant 128 : i32
      %mul3A_46 = arith.muli %select_n3A_44, %mul3A_45 : i32
      %multiple_of3A = tpu.assume_multiple %mul3A_46, 128 : i32
      %sub3A_47 = arith.subi %squeeze3A, %multiple_of3A : i32
      "tpu.region"() ({
        %run_scoped3A = tpu.sem_alloc : memref<!tpu.dma_semaphore, #tpu.memory_space<semaphore_mem>>
        %dma_start3A = arith.constant 0 : i32
        %dma_start3A_561 = arith.constant 0 : i32
        %dma_start3A_562 = tpu.memref_slice %arg2[%dma_start3A, %dma_start3A_561, %multiple_of3A] : memref<32x32x100000xf32, #tpu.memory_space<hbm>> -> memref<32x16x128xf32, #tpu.memory_space<hbm>>
        %dma_start3A_563 = arith.constant 0 : i32
        %dma_start3A_564 = arith.constant 0 : i32
        %dma_start3A_565 = tpu.memref_slice %arg2[%dma_start3A_563, %dma_start3A_564, %multiple_of3A] : memref<32x32x100000xf32, #tpu.memory_space<hbm>> -> memref<32x16x128xf32, #tpu.memory_space<hbm>>
        tpu.enqueue_dma source(%dma_start3A_565 : memref<32x16x128xf32, #tpu.memory_space<hbm>>) target(%arg6 : memref<32x16x128xf32, #tpu.memory_space<vmem>>) target_semaphore(%run_scoped3A : memref<!tpu.dma_semaphore, #tpu.memory_space<semaphore_mem>>)
        %dma_wait3A = arith.constant 0 : i32
        %dma_wait3A_566 = arith.constant 0 : i32
        %dma_wait3A_567 = tpu.memref_slice %arg2[%dma_wait3A, %dma_wait3A_566, %multiple_of3A] : memref<32x32x100000xf32, #tpu.memory_space<hbm>> -> memref<32x16x128xf32, #tpu.memory_space<hbm>>
        %dma_wait3A_568 = arith.constant 0 : i32
        %dma_wait3A_569 = arith.constant 0 : i32
        %dma_wait3A_570 = tpu.memref_slice %arg2[%dma_wait3A_568, %dma_wait3A_569, %multiple_of3A] : memref<32x32x100000xf32, #tpu.memory_space<hbm>> -> memref<32x16x128xf32, #tpu.memory_space<hbm>>
        tpu.wait_dma2 semaphore(%run_scoped3A : memref<!tpu.dma_semaphore, #tpu.memory_space<semaphore_mem>>) src(%dma_wait3A_570 : memref<32x16x128xf32, #tpu.memory_space<hbm>>) dst(%arg6 : memref<32x16x128xf32, #tpu.memory_space<vmem>>)
        tpu.yield
      }) : () -> ()
      %broadcast_in_dim3A = arith.constant 0 : i32
      %broadcast_in_dim3A_48 = vector.broadcast %broadcast_in_dim3A : i32 to vector<16xi32>
      %broadcast_in_dim3A_49 = vector.broadcast %sub3A_47 : i32 to vector<16xi32>
      %gather3A = tpu.vector_load_idx %arg6[%broadcast_in_dim3A_48, %iota3A, %broadcast_in_dim3A_49] : memref<32x16x128xf32, #tpu.memory_space<vmem>>[vector<16xi32>, vector<16xi32>, vector<16xi32>], vector<16xf32>,
      %swap3A = arith.constant 0 : i32
      %swap3A_50 = arith.index_cast %swap3A : i32 to index
      %swap3A_51 = arith.constant 0 : index
      %swap3A_52 = tpu.vector_load %arg7[%swap3A_50, %swap3A_51] {strides = array<i32>} : memref<32x32xf32, #tpu.memory_space<vmem>>, vector<16xf32>,
      tpu.vector_store %arg7[%swap3A_50, %swap3A_51], %gather3A {strides = array<i32>} : memref<32x32xf32, #tpu.memory_space<vmem>>, vector<16xf32>,
      %broadcast_in_dim3A_53 = arith.constant 1 : i32
      %broadcast_in_dim3A_54 = vector.broadcast %broadcast_in_dim3A_53 : i32 to vector<16xi32>
      %broadcast_in_dim3A_55 = vector.broadcast %sub3A_47 : i32 to vector<16xi32>
      %gather3A_56 = tpu.vector_load_idx %arg6[%broadcast_in_dim3A_54, %iota3A, %broadcast_in_dim3A_55] : memref<32x16x128xf32, #tpu.memory_space<vmem>>[vector<16xi32>, vector<16xi32>, vector<16xi32>], vector<16xf32>,
      %swap3A_57 = arith.constant 1 : i32
      %swap3A_58 = arith.index_cast %swap3A_57 : i32 to index
      %swap3A_59 = arith.constant 0 : index
      %swap3A_60 = tpu.vector_load %arg7[%swap3A_58, %swap3A_59] {strides = array<i32>} : memref<32x32xf32, #tpu.memory_space<vmem>>, vector<16xf32>,
      tpu.vector_store %arg7[%swap3A_58, %swap3A_59], %gather3A_56 {strides = array<i32>} : memref<32x32xf32, #tpu.memory_space<vmem>>, vector<16xf32>,
      %broadcast_in_dim3A_61 = arith.constant 2 : i32
      %broadcast_in_dim3A_62 = vector.broadcast %broadcast_in_dim3A_61 : i32 to vector<16xi32>
      %broadcast_in_dim3A_63 = vector.broadcast %sub3A_47 : i32 to vector<16xi32>
      %gather3A_64 = tpu.vector_load_idx %arg6[%broadcast_in_dim3A_62, %iota3A, %broadcast_in_dim3A_63] : memref<32x16x128xf32, #tpu.memory_space<vmem>>[vector<16xi32>, vector<16xi32>, vector<16xi32>], vector<16xf32>,
      %swap3A_65 = arith.constant 2 : i32
      %swap3A_66 = arith.index_cast %swap3A_65 : i32 to index
      %swap3A_67 = arith.constant 0 : index
      %swap3A_68 = tpu.vector_load %arg7[%swap3A_66, %swap3A_67] {strides = array<i32>} : memref<32x32xf32, #tpu.memory_space<vmem>>, vector<16xf32>,
      tpu.vector_store %arg7[%swap3A_66, %swap3A_67], %gather3A_64 {strides = array<i32>} : memref<32x32xf32, #tpu.memory_space<vmem>>, vector<16xf32>,
      %broadcast_in_dim3A_69 = arith.constant 3 : i32
      %broadcast_in_dim3A_70 = vector.broadcast %broadcast_in_dim3A_69 : i32 to vector<16xi32>
      %broadcast_in_dim3A_71 = vector.broadcast %sub3A_47 : i32 to vector<16xi32>
      %gather3A_72 = tpu.vector_load_idx %arg6[%broadcast_in_dim3A_70, %iota3A, %broadcast_in_dim3A_71] : memref<32x16x128xf32, #tpu.memory_space<vmem>>[vector<16xi32>, vector<16xi32>, vector<16xi32>], vector<16xf32>,
      %swap3A_73 = arith.constant 3 : i32
      %swap3A_74 = arith.index_cast %swap3A_73 : i32 to index
      %swap3A_75 = arith.constant 0 : index
      %swap3A_76 = tpu.vector_load %arg7[%swap3A_74, %swap3A_75] {strides = array<i32>} : memref<32x32xf32, #tpu.memory_space<vmem>>, vector<16xf32>,
      tpu.vector_store %arg7[%swap3A_74, %swap3A_75], %gather3A_72 {strides = array<i32>} : memref<32x32xf32, #tpu.memory_space<vmem>>, vector<16xf32>,
      %broadcast_in_dim3A_77 = arith.constant 4 : i32
      %broadcast_in_dim3A_78 = vector.broadcast %broadcast_in_dim3A_77 : i32 to vector<16xi32>
      %broadcast_in_dim3A_79 = vector.broadcast %sub3A_47 : i32 to vector<16xi32>
      %gather3A_80 = tpu.vector_load_idx %arg6[%broadcast_in_dim3A_78, %iota3A, %broadcast_in_dim3A_79] : memref<32x16x128xf32, #tpu.memory_space<vmem>>[vector<16xi32>, vector<16xi32>, vector<16xi32>], vector<16xf32>,
      %swap3A_81 = arith.constant 4 : i32
      %swap3A_82 = arith.index_cast %swap3A_81 : i32 to index
      %swap3A_83 = arith.constant 0 : index
      %swap3A_84 = tpu.vector_load %arg7[%swap3A_82, %swap3A_83] {strides = array<i32>} : memref<32x32xf32, #tpu.memory_space<vmem>>, vector<16xf32>,
      tpu.vector_store %arg7[%swap3A_82, %swap3A_83], %gather3A_80 {strides = array<i32>} : memref<32x32xf32, #tpu.memory_space<vmem>>, vector<16xf32>,
      %broadcast_in_dim3A_85 = arith.constant 5 : i32
      %broadcast_in_dim3A_86 = vector.broadcast %broadcast_in_dim3A_85 : i32 to vector<16xi32>
      %broadcast_in_dim3A_87 = vector.broadcast %sub3A_47 : i32 to vector<16xi32>
      %gather3A_88 = tpu.vector_load_idx %arg6[%broadcast_in_dim3A_86, %iota3A, %broadcast_in_dim3A_87] : memref<32x16x128xf32, #tpu.memory_space<vmem>>[vector<16xi32>, vector<16xi32>, vector<16xi32>], vector<16xf32>,
      %swap3A_89 = arith.constant 5 : i32
      %swap3A_90 = arith.index_cast %swap3A_89 : i32 to index
      %swap3A_91 = arith.constant 0 : index
      %swap3A_92 = tpu.vector_load %arg7[%swap3A_90, %swap3A_91] {strides = array<i32>} : memref<32x32xf32, #tpu.memory_space<vmem>>, vector<16xf32>,
      tpu.vector_store %arg7[%swap3A_90, %swap3A_91], %gather3A_88 {strides = array<i32>} : memref<32x32xf32, #tpu.memory_space<vmem>>, vector<16xf32>,
      %broadcast_in_dim3A_93 = arith.constant 6 : i32
      %broadcast_in_dim3A_94 = vector.broadcast %broadcast_in_dim3A_93 : i32 to vector<16xi32>
      %broadcast_in_dim3A_95 = vector.broadcast %sub3A_47 : i32 to vector<16xi32>
      %gather3A_96 = tpu.vector_load_idx %arg6[%broadcast_in_dim3A_94, %iota3A, %broadcast_in_dim3A_95] : memref<32x16x128xf32, #tpu.memory_space<vmem>>[vector<16xi32>, vector<16xi32>, vector<16xi32>], vector<16xf32>,
      %swap3A_97 = arith.constant 6 : i32
      %swap3A_98 = arith.index_cast %swap3A_97 : i32 to index
      %swap3A_99 = arith.constant 0 : index
      %swap3A_100 = tpu.vector_load %arg7[%swap3A_98, %swap3A_99] {strides = array<i32>} : memref<32x32xf32, #tpu.memory_space<vmem>>, vector<16xf32>,
      tpu.vector_store %arg7[%swap3A_98, %swap3A_99], %gather3A_96 {strides = array<i32>} : memref<32x32xf32, #tpu.memory_space<vmem>>, vector<16xf32>,
      %broadcast_in_dim3A_101 = arith.constant 7 : i32
      %broadcast_in_dim3A_102 = vector.broadcast %broadcast_in_dim3A_101 : i32 to vector<16xi32>
      %broadcast_in_dim3A_103 = vector.broadcast %sub3A_47 : i32 to vector<16xi32>
      %gather3A_104 = tpu.vector_load_idx %arg6[%broadcast_in_dim3A_102, %iota3A, %broadcast_in_dim3A_103] : memref<32x16x128xf32, #tpu.memory_space<vmem>>[vector<16xi32>, vector<16xi32>, vector<16xi32>], vector<16xf32>,
      %swap3A_105 = arith.constant 7 : i32
      %swap3A_106 = arith.index_cast %swap3A_105 : i32 to index
      %swap3A_107 = arith.constant 0 : index
      %swap3A_108 = tpu.vector_load %arg7[%swap3A_106, %swap3A_107] {strides = array<i32>} : memref<32x32xf32, #tpu.memory_space<vmem>>, vector<16xf32>,
      tpu.vector_store %arg7[%swap3A_106, %swap3A_107], %gather3A_104 {strides = array<i32>} : memref<32x32xf32, #tpu.memory_space<vmem>>, vector<16xf32>,
      %broadcast_in_dim3A_109 = arith.constant 8 : i32
      %broadcast_in_dim3A_110 = vector.broadcast %broadcast_in_dim3A_109 : i32 to vector<16xi32>
      %broadcast_in_dim3A_111 = vector.broadcast %sub3A_47 : i32 to vector<16xi32>
      %gather3A_112 = tpu.vector_load_idx %arg6[%broadcast_in_dim3A_110, %iota3A, %broadcast_in_dim3A_111] : memref<32x16x128xf32, #tpu.memory_space<vmem>>[vector<16xi32>, vector<16xi32>, vector<16xi32>], vector<16xf32>,
      %swap3A_113 = arith.constant 8 : i32
      %swap3A_114 = arith.index_cast %swap3A_113 : i32 to index
      %swap3A_115 = arith.constant 0 : index
      %swap3A_116 = tpu.vector_load %arg7[%swap3A_114, %swap3A_115] {strides = array<i32>} : memref<32x32xf32, #tpu.memory_space<vmem>>, vector<16xf32>,
      tpu.vector_store %arg7[%swap3A_114, %swap3A_115], %gather3A_112 {strides = array<i32>} : memref<32x32xf32, #tpu.memory_space<vmem>>, vector<16xf32>,
      %broadcast_in_dim3A_117 = arith.constant 9 : i32
      %broadcast_in_dim3A_118 = vector.broadcast %broadcast_in_dim3A_117 : i32 to vector<16xi32>
      %broadcast_in_dim3A_119 = vector.broadcast %sub3A_47 : i32 to vector<16xi32>
      %gather3A_120 = tpu.vector_load_idx %arg6[%broadcast_in_dim3A_118, %iota3A, %broadcast_in_dim3A_119] : memref<32x16x128xf32, #tpu.memory_space<vmem>>[vector<16xi32>, vector<16xi32>, vector<16xi32>], vector<16xf32>,
      %swap3A_121 = arith.constant 9 : i32
      %swap3A_122 = arith.index_cast %swap3A_121 : i32 to index
      %swap3A_123 = arith.constant 0 : index
      %swap3A_124 = tpu.vector_load %arg7[%swap3A_122, %swap3A_123] {strides = array<i32>} : memref<32x32xf32, #tpu.memory_space<vmem>>, vector<16xf32>,
      tpu.vector_store %arg7[%swap3A_122, %swap3A_123], %gather3A_120 {strides = array<i32>} : memref<32x32xf32, #tpu.memory_space<vmem>>, vector<16xf32>,
      %broadcast_in_dim3A_125 = arith.constant 10 : i32
      %broadcast_in_dim3A_126 = vector.broadcast %broadcast_in_dim3A_125 : i32 to vector<16xi32>
      %broadcast_in_dim3A_127 = vector.broadcast %sub3A_47 : i32 to vector<16xi32>
      %gather3A_128 = tpu.vector_load_idx %arg6[%broadcast_in_dim3A_126, %iota3A, %broadcast_in_dim3A_127] : memref<32x16x128xf32, #tpu.memory_space<vmem>>[vector<16xi32>, vector<16xi32>, vector<16xi32>], vector<16xf32>,
      %swap3A_129 = arith.constant 10 : i32
      %swap3A_130 = arith.index_cast %swap3A_129 : i32 to index
      %swap3A_131 = arith.constant 0 : index
      %swap3A_132 = tpu.vector_load %arg7[%swap3A_130, %swap3A_131] {strides = array<i32>} : memref<32x32xf32, #tpu.memory_space<vmem>>, vector<16xf32>,
      tpu.vector_store %arg7[%swap3A_130, %swap3A_131], %gather3A_128 {strides = array<i32>} : memref<32x32xf32, #tpu.memory_space<vmem>>, vector<16xf32>,
      %broadcast_in_dim3A_133 = arith.constant 11 : i32
      %broadcast_in_dim3A_134 = vector.broadcast %broadcast_in_dim3A_133 : i32 to vector<16xi32>
      %broadcast_in_dim3A_135 = vector.broadcast %sub3A_47 : i32 to vector<16xi32>
      %gather3A_136 = tpu.vector_load_idx %arg6[%broadcast_in_dim3A_134, %iota3A, %broadcast_in_dim3A_135] : memref<32x16x128xf32, #tpu.memory_space<vmem>>[vector<16xi32>, vector<16xi32>, vector<16xi32>], vector<16xf32>,
      %swap3A_137 = arith.constant 11 : i32
      %swap3A_138 = arith.index_cast %swap3A_137 : i32 to index
      %swap3A_139 = arith.constant 0 : index
      %swap3A_140 = tpu.vector_load %arg7[%swap3A_138, %swap3A_139] {strides = array<i32>} : memref<32x32xf32, #tpu.memory_space<vmem>>, vector<16xf32>,
      tpu.vector_store %arg7[%swap3A_138, %swap3A_139], %gather3A_136 {strides = array<i32>} : memref<32x32xf32, #tpu.memory_space<vmem>>, vector<16xf32>,
      %broadcast_in_dim3A_141 = arith.constant 12 : i32
      %broadcast_in_dim3A_142 = vector.broadcast %broadcast_in_dim3A_141 : i32 to vector<16xi32>
      %broadcast_in_dim3A_143 = vector.broadcast %sub3A_47 : i32 to vector<16xi32>
      %gather3A_144 = tpu.vector_load_idx %arg6[%broadcast_in_dim3A_142, %iota3A, %broadcast_in_dim3A_143] : memref<32x16x128xf32, #tpu.memory_space<vmem>>[vector<16xi32>, vector<16xi32>, vector<16xi32>], vector<16xf32>,
      %swap3A_145 = arith.constant 12 : i32
      %swap3A_146 = arith.index_cast %swap3A_145 : i32 to index
      %swap3A_147 = arith.constant 0 : index
      %swap3A_148 = tpu.vector_load %arg7[%swap3A_146, %swap3A_147] {strides = array<i32>} : memref<32x32xf32, #tpu.memory_space<vmem>>, vector<16xf32>,
      tpu.vector_store %arg7[%swap3A_146, %swap3A_147], %gather3A_144 {strides = array<i32>} : memref<32x32xf32, #tpu.memory_space<vmem>>, vector<16xf32>,
      %broadcast_in_dim3A_149 = arith.constant 13 : i32
      %broadcast_in_dim3A_150 = vector.broadcast %broadcast_in_dim3A_149 : i32 to vector<16xi32>
      %broadcast_in_dim3A_151 = vector.broadcast %sub3A_47 : i32 to vector<16xi32>
      %gather3A_152 = tpu.vector_load_idx %arg6[%broadcast_in_dim3A_150, %iota3A, %broadcast_in_dim3A_151] : memref<32x16x128xf32, #tpu.memory_space<vmem>>[vector<16xi32>, vector<16xi32>, vector<16xi32>], vector<16xf32>,
      %swap3A_153 = arith.constant 13 : i32
      %swap3A_154 = arith.index_cast %swap3A_153 : i32 to index
      %swap3A_155 = arith.constant 0 : index
      %swap3A_156 = tpu.vector_load %arg7[%swap3A_154, %swap3A_155] {strides = array<i32>} : memref<32x32xf32, #tpu.memory_space<vmem>>, vector<16xf32>,
      tpu.vector_store %arg7[%swap3A_154, %swap3A_155], %gather3A_152 {strides = array<i32>} : memref<32x32xf32, #tpu.memory_space<vmem>>, vector<16xf32>,
      %broadcast_in_dim3A_157 = arith.constant 14 : i32
      %broadcast_in_dim3A_158 = vector.broadcast %broadcast_in_dim3A_157 : i32 to vector<16xi32>
      %broadcast_in_dim3A_159 = vector.broadcast %sub3A_47 : i32 to vector<16xi32>
      %gather3A_160 = tpu.vector_load_idx %arg6[%broadcast_in_dim3A_158, %iota3A, %broadcast_in_dim3A_159] : memref<32x16x128xf32, #tpu.memory_space<vmem>>[vector<16xi32>, vector<16xi32>, vector<16xi32>], vector<16xf32>,
      %swap3A_161 = arith.constant 14 : i32
      %swap3A_162 = arith.index_cast %swap3A_161 : i32 to index
      %swap3A_163 = arith.constant 0 : index
      %swap3A_164 = tpu.vector_load %arg7[%swap3A_162, %swap3A_163] {strides = array<i32>} : memref<32x32xf32, #tpu.memory_space<vmem>>, vector<16xf32>,
      tpu.vector_store %arg7[%swap3A_162, %swap3A_163], %gather3A_160 {strides = array<i32>} : memref<32x32xf32, #tpu.memory_space<vmem>>, vector<16xf32>,
      %broadcast_in_dim3A_165 = arith.constant 15 : i32
      %broadcast_in_dim3A_166 = vector.broadcast %broadcast_in_dim3A_165 : i32 to vector<16xi32>
      %broadcast_in_dim3A_167 = vector.broadcast %sub3A_47 : i32 to vector<16xi32>
      %gather3A_168 = tpu.vector_load_idx %arg6[%broadcast_in_dim3A_166, %iota3A, %broadcast_in_dim3A_167] : memref<32x16x128xf32, #tpu.memory_space<vmem>>[vector<16xi32>, vector<16xi32>, vector<16xi32>], vector<16xf32>,
      %swap3A_169 = arith.constant 15 : i32
      %swap3A_170 = arith.index_cast %swap3A_169 : i32 to index
      %swap3A_171 = arith.constant 0 : index
      %swap3A_172 = tpu.vector_load %arg7[%swap3A_170, %swap3A_171] {strides = array<i32>} : memref<32x32xf32, #tpu.memory_space<vmem>>, vector<16xf32>,
      tpu.vector_store %arg7[%swap3A_170, %swap3A_171], %gather3A_168 {strides = array<i32>} : memref<32x32xf32, #tpu.memory_space<vmem>>, vector<16xf32>,
      %broadcast_in_dim3A_173 = arith.constant 16 : i32
      %broadcast_in_dim3A_174 = vector.broadcast %broadcast_in_dim3A_173 : i32 to vector<16xi32>
      %broadcast_in_dim3A_175 = vector.broadcast %sub3A_47 : i32 to vector<16xi32>
      %gather3A_176 = tpu.vector_load_idx %arg6[%broadcast_in_dim3A_174, %iota3A, %broadcast_in_dim3A_175] : memref<32x16x128xf32, #tpu.memory_space<vmem>>[vector<16xi32>, vector<16xi32>, vector<16xi32>], vector<16xf32>,
      %swap3A_177 = arith.constant 16 : i32
      %swap3A_178 = arith.index_cast %swap3A_177 : i32 to index
      %swap3A_179 = arith.constant 0 : index
      %swap3A_180 = tpu.vector_load %arg7[%swap3A_178, %swap3A_179] {strides = array<i32>} : memref<32x32xf32, #tpu.memory_space<vmem>>, vector<16xf32>,
      tpu.vector_store %arg7[%swap3A_178, %swap3A_179], %gather3A_176 {strides = array<i32>} : memref<32x32xf32, #tpu.memory_space<vmem>>, vector<16xf32>,
      %broadcast_in_dim3A_181 = arith.constant 17 : i32
      %broadcast_in_dim3A_182 = vector.broadcast %broadcast_in_dim3A_181 : i32 to vector<16xi32>
      %broadcast_in_dim3A_183 = vector.broadcast %sub3A_47 : i32 to vector<16xi32>
      %gather3A_184 = tpu.vector_load_idx %arg6[%broadcast_in_dim3A_182, %iota3A, %broadcast_in_dim3A_183] : memref<32x16x128xf32, #tpu.memory_space<vmem>>[vector<16xi32>, vector<16xi32>, vector<16xi32>], vector<16xf32>,
      %swap3A_185 = arith.constant 17 : i32
      %swap3A_186 = arith.index_cast %swap3A_185 : i32 to index
      %swap3A_187 = arith.constant 0 : index
      %swap3A_188 = tpu.vector_load %arg7[%swap3A_186, %swap3A_187] {strides = array<i32>} : memref<32x32xf32, #tpu.memory_space<vmem>>, vector<16xf32>,
      tpu.vector_store %arg7[%swap3A_186, %swap3A_187], %gather3A_184 {strides = array<i32>} : memref<32x32xf32, #tpu.memory_space<vmem>>, vector<16xf32>,
      %broadcast_in_dim3A_189 = arith.constant 18 : i32
      %broadcast_in_dim3A_190 = vector.broadcast %broadcast_in_dim3A_189 : i32 to vector<16xi32>
      %broadcast_in_dim3A_191 = vector.broadcast %sub3A_47 : i32 to vector<16xi32>
      %gather3A_192 = tpu.vector_load_idx %arg6[%broadcast_in_dim3A_190, %iota3A, %broadcast_in_dim3A_191] : memref<32x16x128xf32, #tpu.memory_space<vmem>>[vector<16xi32>, vector<16xi32>, vector<16xi32>], vector<16xf32>,
      %swap3A_193 = arith.constant 18 : i32
      %swap3A_194 = arith.index_cast %swap3A_193 : i32 to index
      %swap3A_195 = arith.constant 0 : index
      %swap3A_196 = tpu.vector_load %arg7[%swap3A_194, %swap3A_195] {strides = array<i32>} : memref<32x32xf32, #tpu.memory_space<vmem>>, vector<16xf32>,
      tpu.vector_store %arg7[%swap3A_194, %swap3A_195], %gather3A_192 {strides = array<i32>} : memref<32x32xf32, #tpu.memory_space<vmem>>, vector<16xf32>,
      %broadcast_in_dim3A_197 = arith.constant 19 : i32
      %broadcast_in_dim3A_198 = vector.broadcast %broadcast_in_dim3A_197 : i32 to vector<16xi32>
      %broadcast_in_dim3A_199 = vector.broadcast %sub3A_47 : i32 to vector<16xi32>
      %gather3A_200 = tpu.vector_load_idx %arg6[%broadcast_in_dim3A_198, %iota3A, %broadcast_in_dim3A_199] : memref<32x16x128xf32, #tpu.memory_space<vmem>>[vector<16xi32>, vector<16xi32>, vector<16xi32>], vector<16xf32>,
      %swap3A_201 = arith.constant 19 : i32
      %swap3A_202 = arith.index_cast %swap3A_201 : i32 to index
      %swap3A_203 = arith.constant 0 : index
      %swap3A_204 = tpu.vector_load %arg7[%swap3A_202, %swap3A_203] {strides = array<i32>} : memref<32x32xf32, #tpu.memory_space<vmem>>, vector<16xf32>,
      tpu.vector_store %arg7[%swap3A_202, %swap3A_203], %gather3A_200 {strides = array<i32>} : memref<32x32xf32, #tpu.memory_space<vmem>>, vector<16xf32>,
      %broadcast_in_dim3A_205 = arith.constant 20 : i32
      %broadcast_in_dim3A_206 = vector.broadcast %broadcast_in_dim3A_205 : i32 to vector<16xi32>
      %broadcast_in_dim3A_207 = vector.broadcast %sub3A_47 : i32 to vector<16xi32>
      %gather3A_208 = tpu.vector_load_idx %arg6[%broadcast_in_dim3A_206, %iota3A, %broadcast_in_dim3A_207] : memref<32x16x128xf32, #tpu.memory_space<vmem>>[vector<16xi32>, vector<16xi32>, vector<16xi32>], vector<16xf32>,
      %swap3A_209 = arith.constant 20 : i32
      %swap3A_210 = arith.index_cast %swap3A_209 : i32 to index
      %swap3A_211 = arith.constant 0 : index
      %swap3A_212 = tpu.vector_load %arg7[%swap3A_210, %swap3A_211] {strides = array<i32>} : memref<32x32xf32, #tpu.memory_space<vmem>>, vector<16xf32>,
      tpu.vector_store %arg7[%swap3A_210, %swap3A_211], %gather3A_208 {strides = array<i32>} : memref<32x32xf32, #tpu.memory_space<vmem>>, vector<16xf32>,
      %broadcast_in_dim3A_213 = arith.constant 21 : i32
      %broadcast_in_dim3A_214 = vector.broadcast %broadcast_in_dim3A_213 : i32 to vector<16xi32>
      %broadcast_in_dim3A_215 = vector.broadcast %sub3A_47 : i32 to vector<16xi32>
      %gather3A_216 = tpu.vector_load_idx %arg6[%broadcast_in_dim3A_214, %iota3A, %broadcast_in_dim3A_215] : memref<32x16x128xf32, #tpu.memory_space<vmem>>[vector<16xi32>, vector<16xi32>, vector<16xi32>], vector<16xf32>,
      %swap3A_217 = arith.constant 21 : i32
      %swap3A_218 = arith.index_cast %swap3A_217 : i32 to index
      %swap3A_219 = arith.constant 0 : index
      %swap3A_220 = tpu.vector_load %arg7[%swap3A_218, %swap3A_219] {strides = array<i32>} : memref<32x32xf32, #tpu.memory_space<vmem>>, vector<16xf32>,
      tpu.vector_store %arg7[%swap3A_218, %swap3A_219], %gather3A_216 {strides = array<i32>} : memref<32x32xf32, #tpu.memory_space<vmem>>, vector<16xf32>,
      %broadcast_in_dim3A_221 = arith.constant 22 : i32
      %broadcast_in_dim3A_222 = vector.broadcast %broadcast_in_dim3A_221 : i32 to vector<16xi32>
      %broadcast_in_dim3A_223 = vector.broadcast %sub3A_47 : i32 to vector<16xi32>
      %gather3A_224 = tpu.vector_load_idx %arg6[%broadcast_in_dim3A_222, %iota3A, %broadcast_in_dim3A_223] : memref<32x16x128xf32, #tpu.memory_space<vmem>>[vector<16xi32>, vector<16xi32>, vector<16xi32>], vector<16xf32>,
      %swap3A_225 = arith.constant 22 : i32
      %swap3A_226 = arith.index_cast %swap3A_225 : i32 to index
      %swap3A_227 = arith.constant 0 : index
      %swap3A_228 = tpu.vector_load %arg7[%swap3A_226, %swap3A_227] {strides = array<i32>} : memref<32x32xf32, #tpu.memory_space<vmem>>, vector<16xf32>,
      tpu.vector_store %arg7[%swap3A_226, %swap3A_227], %gather3A_224 {strides = array<i32>} : memref<32x32xf32, #tpu.memory_space<vmem>>, vector<16xf32>,
      %broadcast_in_dim3A_229 = arith.constant 23 : i32
      %broadcast_in_dim3A_230 = vector.broadcast %broadcast_in_dim3A_229 : i32 to vector<16xi32>
      %broadcast_in_dim3A_231 = vector.broadcast %sub3A_47 : i32 to vector<16xi32>
      %gather3A_232 = tpu.vector_load_idx %arg6[%broadcast_in_dim3A_230, %iota3A, %broadcast_in_dim3A_231] : memref<32x16x128xf32, #tpu.memory_space<vmem>>[vector<16xi32>, vector<16xi32>, vector<16xi32>], vector<16xf32>,
      %swap3A_233 = arith.constant 23 : i32
      %swap3A_234 = arith.index_cast %swap3A_233 : i32 to index
      %swap3A_235 = arith.constant 0 : index
      %swap3A_236 = tpu.vector_load %arg7[%swap3A_234, %swap3A_235] {strides = array<i32>} : memref<32x32xf32, #tpu.memory_space<vmem>>, vector<16xf32>,
      tpu.vector_store %arg7[%swap3A_234, %swap3A_235], %gather3A_232 {strides = array<i32>} : memref<32x32xf32, #tpu.memory_space<vmem>>, vector<16xf32>,
      %broadcast_in_dim3A_237 = arith.constant 24 : i32
      %broadcast_in_dim3A_238 = vector.broadcast %broadcast_in_dim3A_237 : i32 to vector<16xi32>
      %broadcast_in_dim3A_239 = vector.broadcast %sub3A_47 : i32 to vector<16xi32>
      %gather3A_240 = tpu.vector_load_idx %arg6[%broadcast_in_dim3A_238, %iota3A, %broadcast_in_dim3A_239] : memref<32x16x128xf32, #tpu.memory_space<vmem>>[vector<16xi32>, vector<16xi32>, vector<16xi32>], vector<16xf32>,
      %swap3A_241 = arith.constant 24 : i32
      %swap3A_242 = arith.index_cast %swap3A_241 : i32 to index
      %swap3A_243 = arith.constant 0 : index
      %swap3A_244 = tpu.vector_load %arg7[%swap3A_242, %swap3A_243] {strides = array<i32>} : memref<32x32xf32, #tpu.memory_space<vmem>>, vector<16xf32>,
      tpu.vector_store %arg7[%swap3A_242, %swap3A_243], %gather3A_240 {strides = array<i32>} : memref<32x32xf32, #tpu.memory_space<vmem>>, vector<16xf32>,
      %broadcast_in_dim3A_245 = arith.constant 25 : i32
      %broadcast_in_dim3A_246 = vector.broadcast %broadcast_in_dim3A_245 : i32 to vector<16xi32>
      %broadcast_in_dim3A_247 = vector.broadcast %sub3A_47 : i32 to vector<16xi32>
      %gather3A_248 = tpu.vector_load_idx %arg6[%broadcast_in_dim3A_246, %iota3A, %broadcast_in_dim3A_247] : memref<32x16x128xf32, #tpu.memory_space<vmem>>[vector<16xi32>, vector<16xi32>, vector<16xi32>], vector<16xf32>,
      %swap3A_249 = arith.constant 25 : i32
      %swap3A_250 = arith.index_cast %swap3A_249 : i32 to index
      %swap3A_251 = arith.constant 0 : index
      %swap3A_252 = tpu.vector_load %arg7[%swap3A_250, %swap3A_251] {strides = array<i32>} : memref<32x32xf32, #tpu.memory_space<vmem>>, vector<16xf32>,
      tpu.vector_store %arg7[%swap3A_250, %swap3A_251], %gather3A_248 {strides = array<i32>} : memref<32x32xf32, #tpu.memory_space<vmem>>, vector<16xf32>,
      %broadcast_in_dim3A_253 = arith.constant 26 : i32
      %broadcast_in_dim3A_254 = vector.broadcast %broadcast_in_dim3A_253 : i32 to vector<16xi32>
      %broadcast_in_dim3A_255 = vector.broadcast %sub3A_47 : i32 to vector<16xi32>
      %gather3A_256 = tpu.vector_load_idx %arg6[%broadcast_in_dim3A_254, %iota3A, %broadcast_in_dim3A_255] : memref<32x16x128xf32, #tpu.memory_space<vmem>>[vector<16xi32>, vector<16xi32>, vector<16xi32>], vector<16xf32>,
      %swap3A_257 = arith.constant 26 : i32
      %swap3A_258 = arith.index_cast %swap3A_257 : i32 to index
      %swap3A_259 = arith.constant 0 : index
      %swap3A_260 = tpu.vector_load %arg7[%swap3A_258, %swap3A_259] {strides = array<i32>} : memref<32x32xf32, #tpu.memory_space<vmem>>, vector<16xf32>,
      tpu.vector_store %arg7[%swap3A_258, %swap3A_259], %gather3A_256 {strides = array<i32>} : memref<32x32xf32, #tpu.memory_space<vmem>>, vector<16xf32>,
      %broadcast_in_dim3A_261 = arith.constant 27 : i32
      %broadcast_in_dim3A_262 = vector.broadcast %broadcast_in_dim3A_261 : i32 to vector<16xi32>
      %broadcast_in_dim3A_263 = vector.broadcast %sub3A_47 : i32 to vector<16xi32>
      %gather3A_264 = tpu.vector_load_idx %arg6[%broadcast_in_dim3A_262, %iota3A, %broadcast_in_dim3A_263] : memref<32x16x128xf32, #tpu.memory_space<vmem>>[vector<16xi32>, vector<16xi32>, vector<16xi32>], vector<16xf32>,
      %swap3A_265 = arith.constant 27 : i32
      %swap3A_266 = arith.index_cast %swap3A_265 : i32 to index
      %swap3A_267 = arith.constant 0 : index
      %swap3A_268 = tpu.vector_load %arg7[%swap3A_266, %swap3A_267] {strides = array<i32>} : memref<32x32xf32, #tpu.memory_space<vmem>>, vector<16xf32>,
      tpu.vector_store %arg7[%swap3A_266, %swap3A_267], %gather3A_264 {strides = array<i32>} : memref<32x32xf32, #tpu.memory_space<vmem>>, vector<16xf32>,
      %broadcast_in_dim3A_269 = arith.constant 28 : i32
      %broadcast_in_dim3A_270 = vector.broadcast %broadcast_in_dim3A_269 : i32 to vector<16xi32>
      %broadcast_in_dim3A_271 = vector.broadcast %sub3A_47 : i32 to vector<16xi32>
      %gather3A_272 = tpu.vector_load_idx %arg6[%broadcast_in_dim3A_270, %iota3A, %broadcast_in_dim3A_271] : memref<32x16x128xf32, #tpu.memory_space<vmem>>[vector<16xi32>, vector<16xi32>, vector<16xi32>], vector<16xf32>,
      %swap3A_273 = arith.constant 28 : i32
      %swap3A_274 = arith.index_cast %swap3A_273 : i32 to index
      %swap3A_275 = arith.constant 0 : index
      %swap3A_276 = tpu.vector_load %arg7[%swap3A_274, %swap3A_275] {strides = array<i32>} : memref<32x32xf32, #tpu.memory_space<vmem>>, vector<16xf32>,
      tpu.vector_store %arg7[%swap3A_274, %swap3A_275], %gather3A_272 {strides = array<i32>} : memref<32x32xf32, #tpu.memory_space<vmem>>, vector<16xf32>,
      %broadcast_in_dim3A_277 = arith.constant 29 : i32
      %broadcast_in_dim3A_278 = vector.broadcast %broadcast_in_dim3A_277 : i32 to vector<16xi32>
      %broadcast_in_dim3A_279 = vector.broadcast %sub3A_47 : i32 to vector<16xi32>
      %gather3A_280 = tpu.vector_load_idx %arg6[%broadcast_in_dim3A_278, %iota3A, %broadcast_in_dim3A_279] : memref<32x16x128xf32, #tpu.memory_space<vmem>>[vector<16xi32>, vector<16xi32>, vector<16xi32>], vector<16xf32>,
      %swap3A_281 = arith.constant 29 : i32
      %swap3A_282 = arith.index_cast %swap3A_281 : i32 to index
      %swap3A_283 = arith.constant 0 : index
      %swap3A_284 = tpu.vector_load %arg7[%swap3A_282, %swap3A_283] {strides = array<i32>} : memref<32x32xf32, #tpu.memory_space<vmem>>, vector<16xf32>,
      tpu.vector_store %arg7[%swap3A_282, %swap3A_283], %gather3A_280 {strides = array<i32>} : memref<32x32xf32, #tpu.memory_space<vmem>>, vector<16xf32>,
      %broadcast_in_dim3A_285 = arith.constant 30 : i32
      %broadcast_in_dim3A_286 = vector.broadcast %broadcast_in_dim3A_285 : i32 to vector<16xi32>
      %broadcast_in_dim3A_287 = vector.broadcast %sub3A_47 : i32 to vector<16xi32>
      %gather3A_288 = tpu.vector_load_idx %arg6[%broadcast_in_dim3A_286, %iota3A, %broadcast_in_dim3A_287] : memref<32x16x128xf32, #tpu.memory_space<vmem>>[vector<16xi32>, vector<16xi32>, vector<16xi32>], vector<16xf32>,
      %swap3A_289 = arith.constant 30 : i32
      %swap3A_290 = arith.index_cast %swap3A_289 : i32 to index
      %swap3A_291 = arith.constant 0 : index
      %swap3A_292 = tpu.vector_load %arg7[%swap3A_290, %swap3A_291] {strides = array<i32>} : memref<32x32xf32, #tpu.memory_space<vmem>>, vector<16xf32>,
      tpu.vector_store %arg7[%swap3A_290, %swap3A_291], %gather3A_288 {strides = array<i32>} : memref<32x32xf32, #tpu.memory_space<vmem>>, vector<16xf32>,
      %broadcast_in_dim3A_293 = arith.constant 31 : i32
      %broadcast_in_dim3A_294 = vector.broadcast %broadcast_in_dim3A_293 : i32 to vector<16xi32>
      %broadcast_in_dim3A_295 = vector.broadcast %sub3A_47 : i32 to vector<16xi32>
      %gather3A_296 = tpu.vector_load_idx %arg6[%broadcast_in_dim3A_294, %iota3A, %broadcast_in_dim3A_295] : memref<32x16x128xf32, #tpu.memory_space<vmem>>[vector<16xi32>, vector<16xi32>, vector<16xi32>], vector<16xf32>,
      %swap3A_297 = arith.constant 31 : i32
      %swap3A_298 = arith.index_cast %swap3A_297 : i32 to index
      %swap3A_299 = arith.constant 0 : index
      %swap3A_300 = tpu.vector_load %arg7[%swap3A_298, %swap3A_299] {strides = array<i32>} : memref<32x32xf32, #tpu.memory_space<vmem>>, vector<16xf32>,
      tpu.vector_store %arg7[%swap3A_298, %swap3A_299], %gather3A_296 {strides = array<i32>} : memref<32x32xf32, #tpu.memory_space<vmem>>, vector<16xf32>,
      "tpu.region"() ({
        %run_scoped3A = tpu.sem_alloc : memref<!tpu.dma_semaphore, #tpu.memory_space<semaphore_mem>>
        %dma_start3A = arith.constant 0 : i32
        %dma_start3A_561 = arith.constant 16 : i32
        %dma_start3A_562 = tpu.memref_slice %arg2[%dma_start3A, %dma_start3A_561, %multiple_of3A] : memref<32x32x100000xf32, #tpu.memory_space<hbm>> -> memref<32x16x128xf32, #tpu.memory_space<hbm>>
        %dma_start3A_563 = arith.constant 0 : i32
        %dma_start3A_564 = arith.constant 16 : i32
        %dma_start3A_565 = tpu.memref_slice %arg2[%dma_start3A_563, %dma_start3A_564, %multiple_of3A] : memref<32x32x100000xf32, #tpu.memory_space<hbm>> -> memref<32x16x128xf32, #tpu.memory_space<hbm>>
        tpu.enqueue_dma source(%dma_start3A_565 : memref<32x16x128xf32, #tpu.memory_space<hbm>>) target(%arg6 : memref<32x16x128xf32, #tpu.memory_space<vmem>>) target_semaphore(%run_scoped3A : memref<!tpu.dma_semaphore, #tpu.memory_space<semaphore_mem>>)
        %dma_wait3A = arith.constant 0 : i32
        %dma_wait3A_566 = arith.constant 16 : i32
        %dma_wait3A_567 = tpu.memref_slice %arg2[%dma_wait3A, %dma_wait3A_566, %multiple_of3A] : memref<32x32x100000xf32, #tpu.memory_space<hbm>> -> memref<32x16x128xf32, #tpu.memory_space<hbm>>
        %dma_wait3A_568 = arith.constant 0 : i32
        %dma_wait3A_569 = arith.constant 16 : i32
        %dma_wait3A_570 = tpu.memref_slice %arg2[%dma_wait3A_568, %dma_wait3A_569, %multiple_of3A] : memref<32x32x100000xf32, #tpu.memory_space<hbm>> -> memref<32x16x128xf32, #tpu.memory_space<hbm>>
        tpu.wait_dma2 semaphore(%run_scoped3A : memref<!tpu.dma_semaphore, #tpu.memory_space<semaphore_mem>>) src(%dma_wait3A_570 : memref<32x16x128xf32, #tpu.memory_space<hbm>>) dst(%arg6 : memref<32x16x128xf32, #tpu.memory_space<vmem>>)
        tpu.yield
      }) : () -> ()
      %broadcast_in_dim3A_301 = arith.constant 0 : i32
      %broadcast_in_dim3A_302 = vector.broadcast %broadcast_in_dim3A_301 : i32 to vector<16xi32>
      %broadcast_in_dim3A_303 = vector.broadcast %sub3A_47 : i32 to vector<16xi32>
      %gather3A_304 = tpu.vector_load_idx %arg6[%broadcast_in_dim3A_302, %iota3A, %broadcast_in_dim3A_303] : memref<32x16x128xf32, #tpu.memory_space<vmem>>[vector<16xi32>, vector<16xi32>, vector<16xi32>], vector<16xf32>,
      %swap3A_305 = arith.constant 0 : i32
      %swap3A_306 = arith.index_cast %swap3A_305 : i32 to index
      %swap3A_307 = arith.constant 16 : index
      %swap3A_308 = tpu.vector_load %arg7[%swap3A_306, %swap3A_307] {strides = array<i32>} : memref<32x32xf32, #tpu.memory_space<vmem>>, vector<16xf32>,
      tpu.vector_store %arg7[%swap3A_306, %swap3A_307], %gather3A_304 {strides = array<i32>} : memref<32x32xf32, #tpu.memory_space<vmem>>, vector<16xf32>,
      %broadcast_in_dim3A_309 = arith.constant 1 : i32
      %broadcast_in_dim3A_310 = vector.broadcast %broadcast_in_dim3A_309 : i32 to vector<16xi32>
      %broadcast_in_dim3A_311 = vector.broadcast %sub3A_47 : i32 to vector<16xi32>
      %gather3A_312 = tpu.vector_load_idx %arg6[%broadcast_in_dim3A_310, %iota3A, %broadcast_in_dim3A_311] : memref<32x16x128xf32, #tpu.memory_space<vmem>>[vector<16xi32>, vector<16xi32>, vector<16xi32>], vector<16xf32>,
      %swap3A_313 = arith.constant 1 : i32
      %swap3A_314 = arith.index_cast %swap3A_313 : i32 to index
      %swap3A_315 = arith.constant 16 : index
      %swap3A_316 = tpu.vector_load %arg7[%swap3A_314, %swap3A_315] {strides = array<i32>} : memref<32x32xf32, #tpu.memory_space<vmem>>, vector<16xf32>,
      tpu.vector_store %arg7[%swap3A_314, %swap3A_315], %gather3A_312 {strides = array<i32>} : memref<32x32xf32, #tpu.memory_space<vmem>>, vector<16xf32>,
      %broadcast_in_dim3A_317 = arith.constant 2 : i32
      %broadcast_in_dim3A_318 = vector.broadcast %broadcast_in_dim3A_317 : i32 to vector<16xi32>
      %broadcast_in_dim3A_319 = vector.broadcast %sub3A_47 : i32 to vector<16xi32>
      %gather3A_320 = tpu.vector_load_idx %arg6[%broadcast_in_dim3A_318, %iota3A, %broadcast_in_dim3A_319] : memref<32x16x128xf32, #tpu.memory_space<vmem>>[vector<16xi32>, vector<16xi32>, vector<16xi32>], vector<16xf32>,
      %swap3A_321 = arith.constant 2 : i32
      %swap3A_322 = arith.index_cast %swap3A_321 : i32 to index
      %swap3A_323 = arith.constant 16 : index
      %swap3A_324 = tpu.vector_load %arg7[%swap3A_322, %swap3A_323] {strides = array<i32>} : memref<32x32xf32, #tpu.memory_space<vmem>>, vector<16xf32>,
      tpu.vector_store %arg7[%swap3A_322, %swap3A_323], %gather3A_320 {strides = array<i32>} : memref<32x32xf32, #tpu.memory_space<vmem>>, vector<16xf32>,
      %broadcast_in_dim3A_325 = arith.constant 3 : i32
      %broadcast_in_dim3A_326 = vector.broadcast %broadcast_in_dim3A_325 : i32 to vector<16xi32>
      %broadcast_in_dim3A_327 = vector.broadcast %sub3A_47 : i32 to vector<16xi32>
      %gather3A_328 = tpu.vector_load_idx %arg6[%broadcast_in_dim3A_326, %iota3A, %broadcast_in_dim3A_327] : memref<32x16x128xf32, #tpu.memory_space<vmem>>[vector<16xi32>, vector<16xi32>, vector<16xi32>], vector<16xf32>,
      %swap3A_329 = arith.constant 3 : i32
      %swap3A_330 = arith.index_cast %swap3A_329 : i32 to index
      %swap3A_331 = arith.constant 16 : index
      %swap3A_332 = tpu.vector_load %arg7[%swap3A_330, %swap3A_331] {strides = array<i32>} : memref<32x32xf32, #tpu.memory_space<vmem>>, vector<16xf32>,
      tpu.vector_store %arg7[%swap3A_330, %swap3A_331], %gather3A_328 {strides = array<i32>} : memref<32x32xf32, #tpu.memory_space<vmem>>, vector<16xf32>,
      %broadcast_in_dim3A_333 = arith.constant 4 : i32
      %broadcast_in_dim3A_334 = vector.broadcast %broadcast_in_dim3A_333 : i32 to vector<16xi32>
      %broadcast_in_dim3A_335 = vector.broadcast %sub3A_47 : i32 to vector<16xi32>
      %gather3A_336 = tpu.vector_load_idx %arg6[%broadcast_in_dim3A_334, %iota3A, %broadcast_in_dim3A_335] : memref<32x16x128xf32, #tpu.memory_space<vmem>>[vector<16xi32>, vector<16xi32>, vector<16xi32>], vector<16xf32>,
      %swap3A_337 = arith.constant 4 : i32
      %swap3A_338 = arith.index_cast %swap3A_337 : i32 to index
      %swap3A_339 = arith.constant 16 : index
      %swap3A_340 = tpu.vector_load %arg7[%swap3A_338, %swap3A_339] {strides = array<i32>} : memref<32x32xf32, #tpu.memory_space<vmem>>, vector<16xf32>,
      tpu.vector_store %arg7[%swap3A_338, %swap3A_339], %gather3A_336 {strides = array<i32>} : memref<32x32xf32, #tpu.memory_space<vmem>>, vector<16xf32>,
      %broadcast_in_dim3A_341 = arith.constant 5 : i32
      %broadcast_in_dim3A_342 = vector.broadcast %broadcast_in_dim3A_341 : i32 to vector<16xi32>
      %broadcast_in_dim3A_343 = vector.broadcast %sub3A_47 : i32 to vector<16xi32>
      %gather3A_344 = tpu.vector_load_idx %arg6[%broadcast_in_dim3A_342, %iota3A, %broadcast_in_dim3A_343] : memref<32x16x128xf32, #tpu.memory_space<vmem>>[vector<16xi32>, vector<16xi32>, vector<16xi32>], vector<16xf32>,
      %swap3A_345 = arith.constant 5 : i32
      %swap3A_346 = arith.index_cast %swap3A_345 : i32 to index
      %swap3A_347 = arith.constant 16 : index
      %swap3A_348 = tpu.vector_load %arg7[%swap3A_346, %swap3A_347] {strides = array<i32>} : memref<32x32xf32, #tpu.memory_space<vmem>>, vector<16xf32>,
      tpu.vector_store %arg7[%swap3A_346, %swap3A_347], %gather3A_344 {strides = array<i32>} : memref<32x32xf32, #tpu.memory_space<vmem>>, vector<16xf32>,
      %broadcast_in_dim3A_349 = arith.constant 6 : i32
      %broadcast_in_dim3A_350 = vector.broadcast %broadcast_in_dim3A_349 : i32 to vector<16xi32>
      %broadcast_in_dim3A_351 = vector.broadcast %sub3A_47 : i32 to vector<16xi32>
      %gather3A_352 = tpu.vector_load_idx %arg6[%broadcast_in_dim3A_350, %iota3A, %broadcast_in_dim3A_351] : memref<32x16x128xf32, #tpu.memory_space<vmem>>[vector<16xi32>, vector<16xi32>, vector<16xi32>], vector<16xf32>,
      %swap3A_353 = arith.constant 6 : i32
      %swap3A_354 = arith.index_cast %swap3A_353 : i32 to index
      %swap3A_355 = arith.constant 16 : index
      %swap3A_356 = tpu.vector_load %arg7[%swap3A_354, %swap3A_355] {strides = array<i32>} : memref<32x32xf32, #tpu.memory_space<vmem>>, vector<16xf32>,
      tpu.vector_store %arg7[%swap3A_354, %swap3A_355], %gather3A_352 {strides = array<i32>} : memref<32x32xf32, #tpu.memory_space<vmem>>, vector<16xf32>,
      %broadcast_in_dim3A_357 = arith.constant 7 : i32
      %broadcast_in_dim3A_358 = vector.broadcast %broadcast_in_dim3A_357 : i32 to vector<16xi32>
      %broadcast_in_dim3A_359 = vector.broadcast %sub3A_47 : i32 to vector<16xi32>
      %gather3A_360 = tpu.vector_load_idx %arg6[%broadcast_in_dim3A_358, %iota3A, %broadcast_in_dim3A_359] : memref<32x16x128xf32, #tpu.memory_space<vmem>>[vector<16xi32>, vector<16xi32>, vector<16xi32>], vector<16xf32>,
      %swap3A_361 = arith.constant 7 : i32
      %swap3A_362 = arith.index_cast %swap3A_361 : i32 to index
      %swap3A_363 = arith.constant 16 : index
      %swap3A_364 = tpu.vector_load %arg7[%swap3A_362, %swap3A_363] {strides = array<i32>} : memref<32x32xf32, #tpu.memory_space<vmem>>, vector<16xf32>,
      tpu.vector_store %arg7[%swap3A_362, %swap3A_363], %gather3A_360 {strides = array<i32>} : memref<32x32xf32, #tpu.memory_space<vmem>>, vector<16xf32>,
      %broadcast_in_dim3A_365 = arith.constant 8 : i32
      %broadcast_in_dim3A_366 = vector.broadcast %broadcast_in_dim3A_365 : i32 to vector<16xi32>
      %broadcast_in_dim3A_367 = vector.broadcast %sub3A_47 : i32 to vector<16xi32>
      %gather3A_368 = tpu.vector_load_idx %arg6[%broadcast_in_dim3A_366, %iota3A, %broadcast_in_dim3A_367] : memref<32x16x128xf32, #tpu.memory_space<vmem>>[vector<16xi32>, vector<16xi32>, vector<16xi32>], vector<16xf32>,
      %swap3A_369 = arith.constant 8 : i32
      %swap3A_370 = arith.index_cast %swap3A_369 : i32 to index
      %swap3A_371 = arith.constant 16 : index
      %swap3A_372 = tpu.vector_load %arg7[%swap3A_370, %swap3A_371] {strides = array<i32>} : memref<32x32xf32, #tpu.memory_space<vmem>>, vector<16xf32>,
      tpu.vector_store %arg7[%swap3A_370, %swap3A_371], %gather3A_368 {strides = array<i32>} : memref<32x32xf32, #tpu.memory_space<vmem>>, vector<16xf32>,
      %broadcast_in_dim3A_373 = arith.constant 9 : i32
      %broadcast_in_dim3A_374 = vector.broadcast %broadcast_in_dim3A_373 : i32 to vector<16xi32>
      %broadcast_in_dim3A_375 = vector.broadcast %sub3A_47 : i32 to vector<16xi32>
      %gather3A_376 = tpu.vector_load_idx %arg6[%broadcast_in_dim3A_374, %iota3A, %broadcast_in_dim3A_375] : memref<32x16x128xf32, #tpu.memory_space<vmem>>[vector<16xi32>, vector<16xi32>, vector<16xi32>], vector<16xf32>,
      %swap3A_377 = arith.constant 9 : i32
      %swap3A_378 = arith.index_cast %swap3A_377 : i32 to index
      %swap3A_379 = arith.constant 16 : index
      %swap3A_380 = tpu.vector_load %arg7[%swap3A_378, %swap3A_379] {strides = array<i32>} : memref<32x32xf32, #tpu.memory_space<vmem>>, vector<16xf32>,
      tpu.vector_store %arg7[%swap3A_378, %swap3A_379], %gather3A_376 {strides = array<i32>} : memref<32x32xf32, #tpu.memory_space<vmem>>, vector<16xf32>,
      %broadcast_in_dim3A_381 = arith.constant 10 : i32
      %broadcast_in_dim3A_382 = vector.broadcast %broadcast_in_dim3A_381 : i32 to vector<16xi32>
      %broadcast_in_dim3A_383 = vector.broadcast %sub3A_47 : i32 to vector<16xi32>
      %gather3A_384 = tpu.vector_load_idx %arg6[%broadcast_in_dim3A_382, %iota3A, %broadcast_in_dim3A_383] : memref<32x16x128xf32, #tpu.memory_space<vmem>>[vector<16xi32>, vector<16xi32>, vector<16xi32>], vector<16xf32>,
      %swap3A_385 = arith.constant 10 : i32
      %swap3A_386 = arith.index_cast %swap3A_385 : i32 to index
      %swap3A_387 = arith.constant 16 : index
      %swap3A_388 = tpu.vector_load %arg7[%swap3A_386, %swap3A_387] {strides = array<i32>} : memref<32x32xf32, #tpu.memory_space<vmem>>, vector<16xf32>,
      tpu.vector_store %arg7[%swap3A_386, %swap3A_387], %gather3A_384 {strides = array<i32>} : memref<32x32xf32, #tpu.memory_space<vmem>>, vector<16xf32>,
      %broadcast_in_dim3A_389 = arith.constant 11 : i32
      %broadcast_in_dim3A_390 = vector.broadcast %broadcast_in_dim3A_389 : i32 to vector<16xi32>
      %broadcast_in_dim3A_391 = vector.broadcast %sub3A_47 : i32 to vector<16xi32>
      %gather3A_392 = tpu.vector_load_idx %arg6[%broadcast_in_dim3A_390, %iota3A, %broadcast_in_dim3A_391] : memref<32x16x128xf32, #tpu.memory_space<vmem>>[vector<16xi32>, vector<16xi32>, vector<16xi32>], vector<16xf32>,
      %swap3A_393 = arith.constant 11 : i32
      %swap3A_394 = arith.index_cast %swap3A_393 : i32 to index
      %swap3A_395 = arith.constant 16 : index
      %swap3A_396 = tpu.vector_load %arg7[%swap3A_394, %swap3A_395] {strides = array<i32>} : memref<32x32xf32, #tpu.memory_space<vmem>>, vector<16xf32>,
      tpu.vector_store %arg7[%swap3A_394, %swap3A_395], %gather3A_392 {strides = array<i32>} : memref<32x32xf32, #tpu.memory_space<vmem>>, vector<16xf32>,
      %broadcast_in_dim3A_397 = arith.constant 12 : i32
      %broadcast_in_dim3A_398 = vector.broadcast %broadcast_in_dim3A_397 : i32 to vector<16xi32>
      %broadcast_in_dim3A_399 = vector.broadcast %sub3A_47 : i32 to vector<16xi32>
      %gather3A_400 = tpu.vector_load_idx %arg6[%broadcast_in_dim3A_398, %iota3A, %broadcast_in_dim3A_399] : memref<32x16x128xf32, #tpu.memory_space<vmem>>[vector<16xi32>, vector<16xi32>, vector<16xi32>], vector<16xf32>,
      %swap3A_401 = arith.constant 12 : i32
      %swap3A_402 = arith.index_cast %swap3A_401 : i32 to index
      %swap3A_403 = arith.constant 16 : index
      %swap3A_404 = tpu.vector_load %arg7[%swap3A_402, %swap3A_403] {strides = array<i32>} : memref<32x32xf32, #tpu.memory_space<vmem>>, vector<16xf32>,
      tpu.vector_store %arg7[%swap3A_402, %swap3A_403], %gather3A_400 {strides = array<i32>} : memref<32x32xf32, #tpu.memory_space<vmem>>, vector<16xf32>,
      %broadcast_in_dim3A_405 = arith.constant 13 : i32
      %broadcast_in_dim3A_406 = vector.broadcast %broadcast_in_dim3A_405 : i32 to vector<16xi32>
      %broadcast_in_dim3A_407 = vector.broadcast %sub3A_47 : i32 to vector<16xi32>
      %gather3A_408 = tpu.vector_load_idx %arg6[%broadcast_in_dim3A_406, %iota3A, %broadcast_in_dim3A_407] : memref<32x16x128xf32, #tpu.memory_space<vmem>>[vector<16xi32>, vector<16xi32>, vector<16xi32>], vector<16xf32>,
      %swap3A_409 = arith.constant 13 : i32
      %swap3A_410 = arith.index_cast %swap3A_409 : i32 to index
      %swap3A_411 = arith.constant 16 : index
      %swap3A_412 = tpu.vector_load %arg7[%swap3A_410, %swap3A_411] {strides = array<i32>} : memref<32x32xf32, #tpu.memory_space<vmem>>, vector<16xf32>,
      tpu.vector_store %arg7[%swap3A_410, %swap3A_411], %gather3A_408 {strides = array<i32>} : memref<32x32xf32, #tpu.memory_space<vmem>>, vector<16xf32>,
      %broadcast_in_dim3A_413 = arith.constant 14 : i32
      %broadcast_in_dim3A_414 = vector.broadcast %broadcast_in_dim3A_413 : i32 to vector<16xi32>
      %broadcast_in_dim3A_415 = vector.broadcast %sub3A_47 : i32 to vector<16xi32>
      %gather3A_416 = tpu.vector_load_idx %arg6[%broadcast_in_dim3A_414, %iota3A, %broadcast_in_dim3A_415] : memref<32x16x128xf32, #tpu.memory_space<vmem>>[vector<16xi32>, vector<16xi32>, vector<16xi32>], vector<16xf32>,
      %swap3A_417 = arith.constant 14 : i32
      %swap3A_418 = arith.index_cast %swap3A_417 : i32 to index
      %swap3A_419 = arith.constant 16 : index
      %swap3A_420 = tpu.vector_load %arg7[%swap3A_418, %swap3A_419] {strides = array<i32>} : memref<32x32xf32, #tpu.memory_space<vmem>>, vector<16xf32>,
      tpu.vector_store %arg7[%swap3A_418, %swap3A_419], %gather3A_416 {strides = array<i32>} : memref<32x32xf32, #tpu.memory_space<vmem>>, vector<16xf32>,
      %broadcast_in_dim3A_421 = arith.constant 15 : i32
      %broadcast_in_dim3A_422 = vector.broadcast %broadcast_in_dim3A_421 : i32 to vector<16xi32>
      %broadcast_in_dim3A_423 = vector.broadcast %sub3A_47 : i32 to vector<16xi32>
      %gather3A_424 = tpu.vector_load_idx %arg6[%broadcast_in_dim3A_422, %iota3A, %broadcast_in_dim3A_423] : memref<32x16x128xf32, #tpu.memory_space<vmem>>[vector<16xi32>, vector<16xi32>, vector<16xi32>], vector<16xf32>,
      %swap3A_425 = arith.constant 15 : i32
      %swap3A_426 = arith.index_cast %swap3A_425 : i32 to index
      %swap3A_427 = arith.constant 16 : index
      %swap3A_428 = tpu.vector_load %arg7[%swap3A_426, %swap3A_427] {strides = array<i32>} : memref<32x32xf32, #tpu.memory_space<vmem>>, vector<16xf32>,
      tpu.vector_store %arg7[%swap3A_426, %swap3A_427], %gather3A_424 {strides = array<i32>} : memref<32x32xf32, #tpu.memory_space<vmem>>, vector<16xf32>,
      %broadcast_in_dim3A_429 = arith.constant 16 : i32
      %broadcast_in_dim3A_430 = vector.broadcast %broadcast_in_dim3A_429 : i32 to vector<16xi32>
      %broadcast_in_dim3A_431 = vector.broadcast %sub3A_47 : i32 to vector<16xi32>
      %gather3A_432 = tpu.vector_load_idx %arg6[%broadcast_in_dim3A_430, %iota3A, %broadcast_in_dim3A_431] : memref<32x16x128xf32, #tpu.memory_space<vmem>>[vector<16xi32>, vector<16xi32>, vector<16xi32>], vector<16xf32>,
      %swap3A_433 = arith.constant 16 : i32
      %swap3A_434 = arith.index_cast %swap3A_433 : i32 to index
      %swap3A_435 = arith.constant 16 : index
      %swap3A_436 = tpu.vector_load %arg7[%swap3A_434, %swap3A_435] {strides = array<i32>} : memref<32x32xf32, #tpu.memory_space<vmem>>, vector<16xf32>,
      tpu.vector_store %arg7[%swap3A_434, %swap3A_435], %gather3A_432 {strides = array<i32>} : memref<32x32xf32, #tpu.memory_space<vmem>>, vector<16xf32>,
      %broadcast_in_dim3A_437 = arith.constant 17 : i32
      %broadcast_in_dim3A_438 = vector.broadcast %broadcast_in_dim3A_437 : i32 to vector<16xi32>
      %broadcast_in_dim3A_439 = vector.broadcast %sub3A_47 : i32 to vector<16xi32>
      %gather3A_440 = tpu.vector_load_idx %arg6[%broadcast_in_dim3A_438, %iota3A, %broadcast_in_dim3A_439] : memref<32x16x128xf32, #tpu.memory_space<vmem>>[vector<16xi32>, vector<16xi32>, vector<16xi32>], vector<16xf32>,
      %swap3A_441 = arith.constant 17 : i32
      %swap3A_442 = arith.index_cast %swap3A_441 : i32 to index
      %swap3A_443 = arith.constant 16 : index
      %swap3A_444 = tpu.vector_load %arg7[%swap3A_442, %swap3A_443] {strides = array<i32>} : memref<32x32xf32, #tpu.memory_space<vmem>>, vector<16xf32>,
      tpu.vector_store %arg7[%swap3A_442, %swap3A_443], %gather3A_440 {strides = array<i32>} : memref<32x32xf32, #tpu.memory_space<vmem>>, vector<16xf32>,
      %broadcast_in_dim3A_445 = arith.constant 18 : i32
      %broadcast_in_dim3A_446 = vector.broadcast %broadcast_in_dim3A_445 : i32 to vector<16xi32>
      %broadcast_in_dim3A_447 = vector.broadcast %sub3A_47 : i32 to vector<16xi32>
      %gather3A_448 = tpu.vector_load_idx %arg6[%broadcast_in_dim3A_446, %iota3A, %broadcast_in_dim3A_447] : memref<32x16x128xf32, #tpu.memory_space<vmem>>[vector<16xi32>, vector<16xi32>, vector<16xi32>], vector<16xf32>,
      %swap3A_449 = arith.constant 18 : i32
      %swap3A_450 = arith.index_cast %swap3A_449 : i32 to index
      %swap3A_451 = arith.constant 16 : index
      %swap3A_452 = tpu.vector_load %arg7[%swap3A_450, %swap3A_451] {strides = array<i32>} : memref<32x32xf32, #tpu.memory_space<vmem>>, vector<16xf32>,
      tpu.vector_store %arg7[%swap3A_450, %swap3A_451], %gather3A_448 {strides = array<i32>} : memref<32x32xf32, #tpu.memory_space<vmem>>, vector<16xf32>,
      %broadcast_in_dim3A_453 = arith.constant 19 : i32
      %broadcast_in_dim3A_454 = vector.broadcast %broadcast_in_dim3A_453 : i32 to vector<16xi32>
      %broadcast_in_dim3A_455 = vector.broadcast %sub3A_47 : i32 to vector<16xi32>
      %gather3A_456 = tpu.vector_load_idx %arg6[%broadcast_in_dim3A_454, %iota3A, %broadcast_in_dim3A_455] : memref<32x16x128xf32, #tpu.memory_space<vmem>>[vector<16xi32>, vector<16xi32>, vector<16xi32>], vector<16xf32>,
      %swap3A_457 = arith.constant 19 : i32
      %swap3A_458 = arith.index_cast %swap3A_457 : i32 to index
      %swap3A_459 = arith.constant 16 : index
      %swap3A_460 = tpu.vector_load %arg7[%swap3A_458, %swap3A_459] {strides = array<i32>} : memref<32x32xf32, #tpu.memory_space<vmem>>, vector<16xf32>,
      tpu.vector_store %arg7[%swap3A_458, %swap3A_459], %gather3A_456 {strides = array<i32>} : memref<32x32xf32, #tpu.memory_space<vmem>>, vector<16xf32>,
      %broadcast_in_dim3A_461 = arith.constant 20 : i32
      %broadcast_in_dim3A_462 = vector.broadcast %broadcast_in_dim3A_461 : i32 to vector<16xi32>
      %broadcast_in_dim3A_463 = vector.broadcast %sub3A_47 : i32 to vector<16xi32>
      %gather3A_464 = tpu.vector_load_idx %arg6[%broadcast_in_dim3A_462, %iota3A, %broadcast_in_dim3A_463] : memref<32x16x128xf32, #tpu.memory_space<vmem>>[vector<16xi32>, vector<16xi32>, vector<16xi32>], vector<16xf32>,
      %swap3A_465 = arith.constant 20 : i32
      %swap3A_466 = arith.index_cast %swap3A_465 : i32 to index
      %swap3A_467 = arith.constant 16 : index
      %swap3A_468 = tpu.vector_load %arg7[%swap3A_466, %swap3A_467] {strides = array<i32>} : memref<32x32xf32, #tpu.memory_space<vmem>>, vector<16xf32>,
      tpu.vector_store %arg7[%swap3A_466, %swap3A_467], %gather3A_464 {strides = array<i32>} : memref<32x32xf32, #tpu.memory_space<vmem>>, vector<16xf32>,
      %broadcast_in_dim3A_469 = arith.constant 21 : i32
      %broadcast_in_dim3A_470 = vector.broadcast %broadcast_in_dim3A_469 : i32 to vector<16xi32>
      %broadcast_in_dim3A_471 = vector.broadcast %sub3A_47 : i32 to vector<16xi32>
      %gather3A_472 = tpu.vector_load_idx %arg6[%broadcast_in_dim3A_470, %iota3A, %broadcast_in_dim3A_471] : memref<32x16x128xf32, #tpu.memory_space<vmem>>[vector<16xi32>, vector<16xi32>, vector<16xi32>], vector<16xf32>,
      %swap3A_473 = arith.constant 21 : i32
      %swap3A_474 = arith.index_cast %swap3A_473 : i32 to index
      %swap3A_475 = arith.constant 16 : index
      %swap3A_476 = tpu.vector_load %arg7[%swap3A_474, %swap3A_475] {strides = array<i32>} : memref<32x32xf32, #tpu.memory_space<vmem>>, vector<16xf32>,
      tpu.vector_store %arg7[%swap3A_474, %swap3A_475], %gather3A_472 {strides = array<i32>} : memref<32x32xf32, #tpu.memory_space<vmem>>, vector<16xf32>,
      %broadcast_in_dim3A_477 = arith.constant 22 : i32
      %broadcast_in_dim3A_478 = vector.broadcast %broadcast_in_dim3A_477 : i32 to vector<16xi32>
      %broadcast_in_dim3A_479 = vector.broadcast %sub3A_47 : i32 to vector<16xi32>
      %gather3A_480 = tpu.vector_load_idx %arg6[%broadcast_in_dim3A_478, %iota3A, %broadcast_in_dim3A_479] : memref<32x16x128xf32, #tpu.memory_space<vmem>>[vector<16xi32>, vector<16xi32>, vector<16xi32>], vector<16xf32>,
      %swap3A_481 = arith.constant 22 : i32
      %swap3A_482 = arith.index_cast %swap3A_481 : i32 to index
      %swap3A_483 = arith.constant 16 : index
      %swap3A_484 = tpu.vector_load %arg7[%swap3A_482, %swap3A_483] {strides = array<i32>} : memref<32x32xf32, #tpu.memory_space<vmem>>, vector<16xf32>,
      tpu.vector_store %arg7[%swap3A_482, %swap3A_483], %gather3A_480 {strides = array<i32>} : memref<32x32xf32, #tpu.memory_space<vmem>>, vector<16xf32>,
      %broadcast_in_dim3A_485 = arith.constant 23 : i32
      %broadcast_in_dim3A_486 = vector.broadcast %broadcast_in_dim3A_485 : i32 to vector<16xi32>
      %broadcast_in_dim3A_487 = vector.broadcast %sub3A_47 : i32 to vector<16xi32>
      %gather3A_488 = tpu.vector_load_idx %arg6[%broadcast_in_dim3A_486, %iota3A, %broadcast_in_dim3A_487] : memref<32x16x128xf32, #tpu.memory_space<vmem>>[vector<16xi32>, vector<16xi32>, vector<16xi32>], vector<16xf32>,
      %swap3A_489 = arith.constant 23 : i32
      %swap3A_490 = arith.index_cast %swap3A_489 : i32 to index
      %swap3A_491 = arith.constant 16 : index
      %swap3A_492 = tpu.vector_load %arg7[%swap3A_490, %swap3A_491] {strides = array<i32>} : memref<32x32xf32, #tpu.memory_space<vmem>>, vector<16xf32>,
      tpu.vector_store %arg7[%swap3A_490, %swap3A_491], %gather3A_488 {strides = array<i32>} : memref<32x32xf32, #tpu.memory_space<vmem>>, vector<16xf32>,
      %broadcast_in_dim3A_493 = arith.constant 24 : i32
      %broadcast_in_dim3A_494 = vector.broadcast %broadcast_in_dim3A_493 : i32 to vector<16xi32>
      %broadcast_in_dim3A_495 = vector.broadcast %sub3A_47 : i32 to vector<16xi32>
      %gather3A_496 = tpu.vector_load_idx %arg6[%broadcast_in_dim3A_494, %iota3A, %broadcast_in_dim3A_495] : memref<32x16x128xf32, #tpu.memory_space<vmem>>[vector<16xi32>, vector<16xi32>, vector<16xi32>], vector<16xf32>,
      %swap3A_497 = arith.constant 24 : i32
      %swap3A_498 = arith.index_cast %swap3A_497 : i32 to index
      %swap3A_499 = arith.constant 16 : index
      %swap3A_500 = tpu.vector_load %arg7[%swap3A_498, %swap3A_499] {strides = array<i32>} : memref<32x32xf32, #tpu.memory_space<vmem>>, vector<16xf32>,
      tpu.vector_store %arg7[%swap3A_498, %swap3A_499], %gather3A_496 {strides = array<i32>} : memref<32x32xf32, #tpu.memory_space<vmem>>, vector<16xf32>,
      %broadcast_in_dim3A_501 = arith.constant 25 : i32
      %broadcast_in_dim3A_502 = vector.broadcast %broadcast_in_dim3A_501 : i32 to vector<16xi32>
      %broadcast_in_dim3A_503 = vector.broadcast %sub3A_47 : i32 to vector<16xi32>
      %gather3A_504 = tpu.vector_load_idx %arg6[%broadcast_in_dim3A_502, %iota3A, %broadcast_in_dim3A_503] : memref<32x16x128xf32, #tpu.memory_space<vmem>>[vector<16xi32>, vector<16xi32>, vector<16xi32>], vector<16xf32>,
      %swap3A_505 = arith.constant 25 : i32
      %swap3A_506 = arith.index_cast %swap3A_505 : i32 to index
      %swap3A_507 = arith.constant 16 : index
      %swap3A_508 = tpu.vector_load %arg7[%swap3A_506, %swap3A_507] {strides = array<i32>} : memref<32x32xf32, #tpu.memory_space<vmem>>, vector<16xf32>,
      tpu.vector_store %arg7[%swap3A_506, %swap3A_507], %gather3A_504 {strides = array<i32>} : memref<32x32xf32, #tpu.memory_space<vmem>>, vector<16xf32>,
      %broadcast_in_dim3A_509 = arith.constant 26 : i32
      %broadcast_in_dim3A_510 = vector.broadcast %broadcast_in_dim3A_509 : i32 to vector<16xi32>
      %broadcast_in_dim3A_511 = vector.broadcast %sub3A_47 : i32 to vector<16xi32>
      %gather3A_512 = tpu.vector_load_idx %arg6[%broadcast_in_dim3A_510, %iota3A, %broadcast_in_dim3A_511] : memref<32x16x128xf32, #tpu.memory_space<vmem>>[vector<16xi32>, vector<16xi32>, vector<16xi32>], vector<16xf32>,
      %swap3A_513 = arith.constant 26 : i32
      %swap3A_514 = arith.index_cast %swap3A_513 : i32 to index
      %swap3A_515 = arith.constant 16 : index
      %swap3A_516 = tpu.vector_load %arg7[%swap3A_514, %swap3A_515] {strides = array<i32>} : memref<32x32xf32, #tpu.memory_space<vmem>>, vector<16xf32>,
      tpu.vector_store %arg7[%swap3A_514, %swap3A_515], %gather3A_512 {strides = array<i32>} : memref<32x32xf32, #tpu.memory_space<vmem>>, vector<16xf32>,
      %broadcast_in_dim3A_517 = arith.constant 27 : i32
      %broadcast_in_dim3A_518 = vector.broadcast %broadcast_in_dim3A_517 : i32 to vector<16xi32>
      %broadcast_in_dim3A_519 = vector.broadcast %sub3A_47 : i32 to vector<16xi32>
      %gather3A_520 = tpu.vector_load_idx %arg6[%broadcast_in_dim3A_518, %iota3A, %broadcast_in_dim3A_519] : memref<32x16x128xf32, #tpu.memory_space<vmem>>[vector<16xi32>, vector<16xi32>, vector<16xi32>], vector<16xf32>,
      %swap3A_521 = arith.constant 27 : i32
      %swap3A_522 = arith.index_cast %swap3A_521 : i32 to index
      %swap3A_523 = arith.constant 16 : index
      %swap3A_524 = tpu.vector_load %arg7[%swap3A_522, %swap3A_523] {strides = array<i32>} : memref<32x32xf32, #tpu.memory_space<vmem>>, vector<16xf32>,
      tpu.vector_store %arg7[%swap3A_522, %swap3A_523], %gather3A_520 {strides = array<i32>} : memref<32x32xf32, #tpu.memory_space<vmem>>, vector<16xf32>,
      %broadcast_in_dim3A_525 = arith.constant 28 : i32
      %broadcast_in_dim3A_526 = vector.broadcast %broadcast_in_dim3A_525 : i32 to vector<16xi32>
      %broadcast_in_dim3A_527 = vector.broadcast %sub3A_47 : i32 to vector<16xi32>
      %gather3A_528 = tpu.vector_load_idx %arg6[%broadcast_in_dim3A_526, %iota3A, %broadcast_in_dim3A_527] : memref<32x16x128xf32, #tpu.memory_space<vmem>>[vector<16xi32>, vector<16xi32>, vector<16xi32>], vector<16xf32>,
      %swap3A_529 = arith.constant 28 : i32
      %swap3A_530 = arith.index_cast %swap3A_529 : i32 to index
      %swap3A_531 = arith.constant 16 : index
      %swap3A_532 = tpu.vector_load %arg7[%swap3A_530, %swap3A_531] {strides = array<i32>} : memref<32x32xf32, #tpu.memory_space<vmem>>, vector<16xf32>,
      tpu.vector_store %arg7[%swap3A_530, %swap3A_531], %gather3A_528 {strides = array<i32>} : memref<32x32xf32, #tpu.memory_space<vmem>>, vector<16xf32>,
      %broadcast_in_dim3A_533 = arith.constant 29 : i32
      %broadcast_in_dim3A_534 = vector.broadcast %broadcast_in_dim3A_533 : i32 to vector<16xi32>
      %broadcast_in_dim3A_535 = vector.broadcast %sub3A_47 : i32 to vector<16xi32>
      %gather3A_536 = tpu.vector_load_idx %arg6[%broadcast_in_dim3A_534, %iota3A, %broadcast_in_dim3A_535] : memref<32x16x128xf32, #tpu.memory_space<vmem>>[vector<16xi32>, vector<16xi32>, vector<16xi32>], vector<16xf32>,
      %swap3A_537 = arith.constant 29 : i32
      %swap3A_538 = arith.index_cast %swap3A_537 : i32 to index
      %swap3A_539 = arith.constant 16 : index
      %swap3A_540 = tpu.vector_load %arg7[%swap3A_538, %swap3A_539] {strides = array<i32>} : memref<32x32xf32, #tpu.memory_space<vmem>>, vector<16xf32>,
      tpu.vector_store %arg7[%swap3A_538, %swap3A_539], %gather3A_536 {strides = array<i32>} : memref<32x32xf32, #tpu.memory_space<vmem>>, vector<16xf32>,
      %broadcast_in_dim3A_541 = arith.constant 30 : i32
      %broadcast_in_dim3A_542 = vector.broadcast %broadcast_in_dim3A_541 : i32 to vector<16xi32>
      %broadcast_in_dim3A_543 = vector.broadcast %sub3A_47 : i32 to vector<16xi32>
      %gather3A_544 = tpu.vector_load_idx %arg6[%broadcast_in_dim3A_542, %iota3A, %broadcast_in_dim3A_543] : memref<32x16x128xf32, #tpu.memory_space<vmem>>[vector<16xi32>, vector<16xi32>, vector<16xi32>], vector<16xf32>,
      %swap3A_545 = arith.constant 30 : i32
      %swap3A_546 = arith.index_cast %swap3A_545 : i32 to index
      %swap3A_547 = arith.constant 16 : index
      %swap3A_548 = tpu.vector_load %arg7[%swap3A_546, %swap3A_547] {strides = array<i32>} : memref<32x32xf32, #tpu.memory_space<vmem>>, vector<16xf32>,
      tpu.vector_store %arg7[%swap3A_546, %swap3A_547], %gather3A_544 {strides = array<i32>} : memref<32x32xf32, #tpu.memory_space<vmem>>, vector<16xf32>,
      %broadcast_in_dim3A_549 = arith.constant 31 : i32
      %broadcast_in_dim3A_550 = vector.broadcast %broadcast_in_dim3A_549 : i32 to vector<16xi32>
      %broadcast_in_dim3A_551 = vector.broadcast %sub3A_47 : i32 to vector<16xi32>
      %gather3A_552 = tpu.vector_load_idx %arg6[%broadcast_in_dim3A_550, %iota3A, %broadcast_in_dim3A_551] : memref<32x16x128xf32, #tpu.memory_space<vmem>>[vector<16xi32>, vector<16xi32>, vector<16xi32>], vector<16xf32>,
      %swap3A_553 = arith.constant 31 : i32
      %swap3A_554 = arith.index_cast %swap3A_553 : i32 to index
      %swap3A_555 = arith.constant 16 : index
      %swap3A_556 = tpu.vector_load %arg7[%swap3A_554, %swap3A_555] {strides = array<i32>} : memref<32x32xf32, #tpu.memory_space<vmem>>, vector<16xf32>,
      tpu.vector_store %arg7[%swap3A_554, %swap3A_555], %gather3A_552 {strides = array<i32>} : memref<32x32xf32, #tpu.memory_space<vmem>>, vector<16xf32>,
      %add3A_557 = arith.constant 2 : i32
      %add3A_558 = arith.addi %add3A_6, %add3A_557 : i32
      %mul3A_559 = arith.constant 32 : i32
      %mul3A_560 = arith.muli %add3A_558, %mul3A_559 : i32
      "tpu.region"() ({
        %run_scoped3A = tpu.sem_alloc : memref<!tpu.dma_semaphore, #tpu.memory_space<semaphore_mem>>
        %dma_start3A = arith.constant 0 : i32
        %dma_start3A_561 = tpu.memref_slice %arg4[%mul3A_560, %dma_start3A] : memref<3520x32xf32, #tpu.memory_space<hbm>> -> memref<32x32xf32, #tpu.memory_space<hbm>>
        %dma_start3A_562 = arith.constant 0 : i32
        %dma_start3A_563 = tpu.memref_slice %arg4[%mul3A_560, %dma_start3A_562] : memref<3520x32xf32, #tpu.memory_space<hbm>> -> memref<32x32xf32, #tpu.memory_space<hbm>>
        tpu.enqueue_dma source(%arg7 : memref<32x32xf32, #tpu.memory_space<vmem>>) target(%dma_start3A_563 : memref<32x32xf32, #tpu.memory_space<hbm>>) target_semaphore(%run_scoped3A : memref<!tpu.dma_semaphore, #tpu.memory_space<semaphore_mem>>)
        %dma_wait3A = arith.constant 0 : i32
        %dma_wait3A_564 = tpu.memref_slice %arg4[%mul3A_560, %dma_wait3A] : memref<3520x32xf32, #tpu.memory_space<hbm>> -> memref<32x32xf32, #tpu.memory_space<hbm>>
        %dma_wait3A_565 = arith.constant 0 : i32
        %dma_wait3A_566 = tpu.memref_slice %arg4[%mul3A_560, %dma_wait3A_565] : memref<3520x32xf32, #tpu.memory_space<hbm>> -> memref<32x32xf32, #tpu.memory_space<hbm>>
        tpu.wait_dma2 semaphore(%run_scoped3A : memref<!tpu.dma_semaphore, #tpu.memory_space<semaphore_mem>>) src(%arg7 : memref<32x32xf32, #tpu.memory_space<vmem>>) dst(%dma_wait3A_566 : memref<32x32xf32, #tpu.memory_space<hbm>>)
        tpu.yield
      }) : () -> ()
    } else {
    }
    %gt3A_22 = arith.constant 3 : i32
    %gt3A_23 = arith.cmpi sgt, %select_n3A, %gt3A_22 : i32
    %convert_element_type3A_24 = arith.extui %gt3A_23 : i1 to i32
    %cond3A_25 = arith.constant 0 : i32
    %cond3A_26 = arith.cmpi ne, %convert_element_type3A_24, %cond3A_25 : i32
    scf.if %cond3A_26 {
      %slice3A = vector.extract_strided_slice %get3A_9 {offsets = [3], sizes = [1], strides = [1]} : vector<16xi32> to vector<1xi32>
      %squeeze3A = vector.extract %slice3A[0] : i32 from vector<1xi32>
      %jit3A_27 = arith.constant 128 : i32
      %div3A = arith.divsi %squeeze3A, %jit3A_27 : i32
      %sign3A = arith.constant 0 : i32
      %sign3A_28 = arith.cmpi sgt, %squeeze3A, %sign3A : i32
      %sign3A_29 = arith.extui %sign3A_28 : i1 to i32
      %sign3A_30 = arith.constant 0 : i32
      %sign3A_31 = arith.cmpi slt, %squeeze3A, %sign3A_30 : i32
      %sign3A_32 = arith.extui %sign3A_31 : i1 to i32
      %sign3A_33 = arith.subi %sign3A_29, %sign3A_32 : i32
      %sign3A_34 = arith.constant 0 : i32
      %sign3A_35 = arith.cmpi sgt, %jit3A_27, %sign3A_34 : i32
      %sign3A_36 = arith.extui %sign3A_35 : i1 to i32
      %sign3A_37 = arith.constant 0 : i32
      %sign3A_38 = arith.cmpi slt, %jit3A_27, %sign3A_37 : i32
      %sign3A_39 = arith.extui %sign3A_38 : i1 to i32
      %sign3A_40 = arith.subi %sign3A_36, %sign3A_39 : i32
      %ne3A = arith.cmpi ne, %sign3A_33, %sign3A_40 : i32
      %rem3A = arith.remsi %squeeze3A, %jit3A_27 : i32
      %ne3A_41 = arith.constant 0 : i32
      %ne3A_42 = arith.cmpi ne, %rem3A, %ne3A_41 : i32
      %and3A = arith.andi %ne3A, %ne3A_42 : i1
      %sub3A = arith.constant 1 : i32
      %sub3A_43 = arith.subi %div3A, %sub3A : i32
      %select_n3A_44 = arith.select %and3A, %sub3A_43, %div3A : i32
      %mul3A_45 = arith.constant 128 : i32
      %mul3A_46 = arith.muli %select_n3A_44, %mul3A_45 : i32
      %multiple_of3A = tpu.assume_multiple %mul3A_46, 128 : i32
      %sub3A_47 = arith.subi %squeeze3A, %multiple_of3A : i32
      "tpu.region"() ({
        %run_scoped3A = tpu.sem_alloc : memref<!tpu.dma_semaphore, #tpu.memory_space<semaphore_mem>>
        %dma_start3A = arith.constant 0 : i32
        %dma_start3A_561 = arith.constant 0 : i32
        %dma_start3A_562 = tpu.memref_slice %arg2[%dma_start3A, %dma_start3A_561, %multiple_of3A] : memref<32x32x100000xf32, #tpu.memory_space<hbm>> -> memref<32x16x128xf32, #tpu.memory_space<hbm>>
        %dma_start3A_563 = arith.constant 0 : i32
        %dma_start3A_564 = arith.constant 0 : i32
        %dma_start3A_565 = tpu.memref_slice %arg2[%dma_start3A_563, %dma_start3A_564, %multiple_of3A] : memref<32x32x100000xf32, #tpu.memory_space<hbm>> -> memref<32x16x128xf32, #tpu.memory_space<hbm>>
        tpu.enqueue_dma source(%dma_start3A_565 : memref<32x16x128xf32, #tpu.memory_space<hbm>>) target(%arg6 : memref<32x16x128xf32, #tpu.memory_space<vmem>>) target_semaphore(%run_scoped3A : memref<!tpu.dma_semaphore, #tpu.memory_space<semaphore_mem>>)
        %dma_wait3A = arith.constant 0 : i32
        %dma_wait3A_566 = arith.constant 0 : i32
        %dma_wait3A_567 = tpu.memref_slice %arg2[%dma_wait3A, %dma_wait3A_566, %multiple_of3A] : memref<32x32x100000xf32, #tpu.memory_space<hbm>> -> memref<32x16x128xf32, #tpu.memory_space<hbm>>
        %dma_wait3A_568 = arith.constant 0 : i32
        %dma_wait3A_569 = arith.constant 0 : i32
        %dma_wait3A_570 = tpu.memref_slice %arg2[%dma_wait3A_568, %dma_wait3A_569, %multiple_of3A] : memref<32x32x100000xf32, #tpu.memory_space<hbm>> -> memref<32x16x128xf32, #tpu.memory_space<hbm>>
        tpu.wait_dma2 semaphore(%run_scoped3A : memref<!tpu.dma_semaphore, #tpu.memory_space<semaphore_mem>>) src(%dma_wait3A_570 : memref<32x16x128xf32, #tpu.memory_space<hbm>>) dst(%arg6 : memref<32x16x128xf32, #tpu.memory_space<vmem>>)
        tpu.yield
      }) : () -> ()
      %broadcast_in_dim3A = arith.constant 0 : i32
      %broadcast_in_dim3A_48 = vector.broadcast %broadcast_in_dim3A : i32 to vector<16xi32>
      %broadcast_in_dim3A_49 = vector.broadcast %sub3A_47 : i32 to vector<16xi32>
      %gather3A = tpu.vector_load_idx %arg6[%broadcast_in_dim3A_48, %iota3A, %broadcast_in_dim3A_49] : memref<32x16x128xf32, #tpu.memory_space<vmem>>[vector<16xi32>, vector<16xi32>, vector<16xi32>], vector<16xf32>,
      %swap3A = arith.constant 0 : i32
      %swap3A_50 = arith.index_cast %swap3A : i32 to index
      %swap3A_51 = arith.constant 0 : index
      %swap3A_52 = tpu.vector_load %arg7[%swap3A_50, %swap3A_51] {strides = array<i32>} : memref<32x32xf32, #tpu.memory_space<vmem>>, vector<16xf32>,
      tpu.vector_store %arg7[%swap3A_50, %swap3A_51], %gather3A {strides = array<i32>} : memref<32x32xf32, #tpu.memory_space<vmem>>, vector<16xf32>,
      %broadcast_in_dim3A_53 = arith.constant 1 : i32
      %broadcast_in_dim3A_54 = vector.broadcast %broadcast_in_dim3A_53 : i32 to vector<16xi32>
      %broadcast_in_dim3A_55 = vector.broadcast %sub3A_47 : i32 to vector<16xi32>
      %gather3A_56 = tpu.vector_load_idx %arg6[%broadcast_in_dim3A_54, %iota3A, %broadcast_in_dim3A_55] : memref<32x16x128xf32, #tpu.memory_space<vmem>>[vector<16xi32>, vector<16xi32>, vector<16xi32>], vector<16xf32>,
      %swap3A_57 = arith.constant 1 : i32
      %swap3A_58 = arith.index_cast %swap3A_57 : i32 to index
      %swap3A_59 = arith.constant 0 : index
      %swap3A_60 = tpu.vector_load %arg7[%swap3A_58, %swap3A_59] {strides = array<i32>} : memref<32x32xf32, #tpu.memory_space<vmem>>, vector<16xf32>,
      tpu.vector_store %arg7[%swap3A_58, %swap3A_59], %gather3A_56 {strides = array<i32>} : memref<32x32xf32, #tpu.memory_space<vmem>>, vector<16xf32>,
      %broadcast_in_dim3A_61 = arith.constant 2 : i32
      %broadcast_in_dim3A_62 = vector.broadcast %broadcast_in_dim3A_61 : i32 to vector<16xi32>
      %broadcast_in_dim3A_63 = vector.broadcast %sub3A_47 : i32 to vector<16xi32>
      %gather3A_64 = tpu.vector_load_idx %arg6[%broadcast_in_dim3A_62, %iota3A, %broadcast_in_dim3A_63] : memref<32x16x128xf32, #tpu.memory_space<vmem>>[vector<16xi32>, vector<16xi32>, vector<16xi32>], vector<16xf32>,
      %swap3A_65 = arith.constant 2 : i32
      %swap3A_66 = arith.index_cast %swap3A_65 : i32 to index
      %swap3A_67 = arith.constant 0 : index
      %swap3A_68 = tpu.vector_load %arg7[%swap3A_66, %swap3A_67] {strides = array<i32>} : memref<32x32xf32, #tpu.memory_space<vmem>>, vector<16xf32>,
      tpu.vector_store %arg7[%swap3A_66, %swap3A_67], %gather3A_64 {strides = array<i32>} : memref<32x32xf32, #tpu.memory_space<vmem>>, vector<16xf32>,
      %broadcast_in_dim3A_69 = arith.constant 3 : i32
      %broadcast_in_dim3A_70 = vector.broadcast %broadcast_in_dim3A_69 : i32 to vector<16xi32>
      %broadcast_in_dim3A_71 = vector.broadcast %sub3A_47 : i32 to vector<16xi32>
      %gather3A_72 = tpu.vector_load_idx %arg6[%broadcast_in_dim3A_70, %iota3A, %broadcast_in_dim3A_71] : memref<32x16x128xf32, #tpu.memory_space<vmem>>[vector<16xi32>, vector<16xi32>, vector<16xi32>], vector<16xf32>,
      %swap3A_73 = arith.constant 3 : i32
      %swap3A_74 = arith.index_cast %swap3A_73 : i32 to index
      %swap3A_75 = arith.constant 0 : index
      %swap3A_76 = tpu.vector_load %arg7[%swap3A_74, %swap3A_75] {strides = array<i32>} : memref<32x32xf32, #tpu.memory_space<vmem>>, vector<16xf32>,
      tpu.vector_store %arg7[%swap3A_74, %swap3A_75], %gather3A_72 {strides = array<i32>} : memref<32x32xf32, #tpu.memory_space<vmem>>, vector<16xf32>,
      %broadcast_in_dim3A_77 = arith.constant 4 : i32
      %broadcast_in_dim3A_78 = vector.broadcast %broadcast_in_dim3A_77 : i32 to vector<16xi32>
      %broadcast_in_dim3A_79 = vector.broadcast %sub3A_47 : i32 to vector<16xi32>
      %gather3A_80 = tpu.vector_load_idx %arg6[%broadcast_in_dim3A_78, %iota3A, %broadcast_in_dim3A_79] : memref<32x16x128xf32, #tpu.memory_space<vmem>>[vector<16xi32>, vector<16xi32>, vector<16xi32>], vector<16xf32>,
      %swap3A_81 = arith.constant 4 : i32
      %swap3A_82 = arith.index_cast %swap3A_81 : i32 to index
      %swap3A_83 = arith.constant 0 : index
      %swap3A_84 = tpu.vector_load %arg7[%swap3A_82, %swap3A_83] {strides = array<i32>} : memref<32x32xf32, #tpu.memory_space<vmem>>, vector<16xf32>,
      tpu.vector_store %arg7[%swap3A_82, %swap3A_83], %gather3A_80 {strides = array<i32>} : memref<32x32xf32, #tpu.memory_space<vmem>>, vector<16xf32>,
      %broadcast_in_dim3A_85 = arith.constant 5 : i32
      %broadcast_in_dim3A_86 = vector.broadcast %broadcast_in_dim3A_85 : i32 to vector<16xi32>
      %broadcast_in_dim3A_87 = vector.broadcast %sub3A_47 : i32 to vector<16xi32>
      %gather3A_88 = tpu.vector_load_idx %arg6[%broadcast_in_dim3A_86, %iota3A, %broadcast_in_dim3A_87] : memref<32x16x128xf32, #tpu.memory_space<vmem>>[vector<16xi32>, vector<16xi32>, vector<16xi32>], vector<16xf32>,
      %swap3A_89 = arith.constant 5 : i32
      %swap3A_90 = arith.index_cast %swap3A_89 : i32 to index
      %swap3A_91 = arith.constant 0 : index
      %swap3A_92 = tpu.vector_load %arg7[%swap3A_90, %swap3A_91] {strides = array<i32>} : memref<32x32xf32, #tpu.memory_space<vmem>>, vector<16xf32>,
      tpu.vector_store %arg7[%swap3A_90, %swap3A_91], %gather3A_88 {strides = array<i32>} : memref<32x32xf32, #tpu.memory_space<vmem>>, vector<16xf32>,
      %broadcast_in_dim3A_93 = arith.constant 6 : i32
      %broadcast_in_dim3A_94 = vector.broadcast %broadcast_in_dim3A_93 : i32 to vector<16xi32>
      %broadcast_in_dim3A_95 = vector.broadcast %sub3A_47 : i32 to vector<16xi32>
      %gather3A_96 = tpu.vector_load_idx %arg6[%broadcast_in_dim3A_94, %iota3A, %broadcast_in_dim3A_95] : memref<32x16x128xf32, #tpu.memory_space<vmem>>[vector<16xi32>, vector<16xi32>, vector<16xi32>], vector<16xf32>,
      %swap3A_97 = arith.constant 6 : i32
      %swap3A_98 = arith.index_cast %swap3A_97 : i32 to index
      %swap3A_99 = arith.constant 0 : index
      %swap3A_100 = tpu.vector_load %arg7[%swap3A_98, %swap3A_99] {strides = array<i32>} : memref<32x32xf32, #tpu.memory_space<vmem>>, vector<16xf32>,
      tpu.vector_store %arg7[%swap3A_98, %swap3A_99], %gather3A_96 {strides = array<i32>} : memref<32x32xf32, #tpu.memory_space<vmem>>, vector<16xf32>,
      %broadcast_in_dim3A_101 = arith.constant 7 : i32
      %broadcast_in_dim3A_102 = vector.broadcast %broadcast_in_dim3A_101 : i32 to vector<16xi32>
      %broadcast_in_dim3A_103 = vector.broadcast %sub3A_47 : i32 to vector<16xi32>
      %gather3A_104 = tpu.vector_load_idx %arg6[%broadcast_in_dim3A_102, %iota3A, %broadcast_in_dim3A_103] : memref<32x16x128xf32, #tpu.memory_space<vmem>>[vector<16xi32>, vector<16xi32>, vector<16xi32>], vector<16xf32>,
      %swap3A_105 = arith.constant 7 : i32
      %swap3A_106 = arith.index_cast %swap3A_105 : i32 to index
      %swap3A_107 = arith.constant 0 : index
      %swap3A_108 = tpu.vector_load %arg7[%swap3A_106, %swap3A_107] {strides = array<i32>} : memref<32x32xf32, #tpu.memory_space<vmem>>, vector<16xf32>,
      tpu.vector_store %arg7[%swap3A_106, %swap3A_107], %gather3A_104 {strides = array<i32>} : memref<32x32xf32, #tpu.memory_space<vmem>>, vector<16xf32>,
      %broadcast_in_dim3A_109 = arith.constant 8 : i32
      %broadcast_in_dim3A_110 = vector.broadcast %broadcast_in_dim3A_109 : i32 to vector<16xi32>
      %broadcast_in_dim3A_111 = vector.broadcast %sub3A_47 : i32 to vector<16xi32>
      %gather3A_112 = tpu.vector_load_idx %arg6[%broadcast_in_dim3A_110, %iota3A, %broadcast_in_dim3A_111] : memref<32x16x128xf32, #tpu.memory_space<vmem>>[vector<16xi32>, vector<16xi32>, vector<16xi32>], vector<16xf32>,
      %swap3A_113 = arith.constant 8 : i32
      %swap3A_114 = arith.index_cast %swap3A_113 : i32 to index
      %swap3A_115 = arith.constant 0 : index
      %swap3A_116 = tpu.vector_load %arg7[%swap3A_114, %swap3A_115] {strides = array<i32>} : memref<32x32xf32, #tpu.memory_space<vmem>>, vector<16xf32>,
      tpu.vector_store %arg7[%swap3A_114, %swap3A_115], %gather3A_112 {strides = array<i32>} : memref<32x32xf32, #tpu.memory_space<vmem>>, vector<16xf32>,
      %broadcast_in_dim3A_117 = arith.constant 9 : i32
      %broadcast_in_dim3A_118 = vector.broadcast %broadcast_in_dim3A_117 : i32 to vector<16xi32>
      %broadcast_in_dim3A_119 = vector.broadcast %sub3A_47 : i32 to vector<16xi32>
      %gather3A_120 = tpu.vector_load_idx %arg6[%broadcast_in_dim3A_118, %iota3A, %broadcast_in_dim3A_119] : memref<32x16x128xf32, #tpu.memory_space<vmem>>[vector<16xi32>, vector<16xi32>, vector<16xi32>], vector<16xf32>,
      %swap3A_121 = arith.constant 9 : i32
      %swap3A_122 = arith.index_cast %swap3A_121 : i32 to index
      %swap3A_123 = arith.constant 0 : index
      %swap3A_124 = tpu.vector_load %arg7[%swap3A_122, %swap3A_123] {strides = array<i32>} : memref<32x32xf32, #tpu.memory_space<vmem>>, vector<16xf32>,
      tpu.vector_store %arg7[%swap3A_122, %swap3A_123], %gather3A_120 {strides = array<i32>} : memref<32x32xf32, #tpu.memory_space<vmem>>, vector<16xf32>,
      %broadcast_in_dim3A_125 = arith.constant 10 : i32
      %broadcast_in_dim3A_126 = vector.broadcast %broadcast_in_dim3A_125 : i32 to vector<16xi32>
      %broadcast_in_dim3A_127 = vector.broadcast %sub3A_47 : i32 to vector<16xi32>
      %gather3A_128 = tpu.vector_load_idx %arg6[%broadcast_in_dim3A_126, %iota3A, %broadcast_in_dim3A_127] : memref<32x16x128xf32, #tpu.memory_space<vmem>>[vector<16xi32>, vector<16xi32>, vector<16xi32>], vector<16xf32>,
      %swap3A_129 = arith.constant 10 : i32
      %swap3A_130 = arith.index_cast %swap3A_129 : i32 to index
      %swap3A_131 = arith.constant 0 : index
      %swap3A_132 = tpu.vector_load %arg7[%swap3A_130, %swap3A_131] {strides = array<i32>} : memref<32x32xf32, #tpu.memory_space<vmem>>, vector<16xf32>,
      tpu.vector_store %arg7[%swap3A_130, %swap3A_131], %gather3A_128 {strides = array<i32>} : memref<32x32xf32, #tpu.memory_space<vmem>>, vector<16xf32>,
      %broadcast_in_dim3A_133 = arith.constant 11 : i32
      %broadcast_in_dim3A_134 = vector.broadcast %broadcast_in_dim3A_133 : i32 to vector<16xi32>
      %broadcast_in_dim3A_135 = vector.broadcast %sub3A_47 : i32 to vector<16xi32>
      %gather3A_136 = tpu.vector_load_idx %arg6[%broadcast_in_dim3A_134, %iota3A, %broadcast_in_dim3A_135] : memref<32x16x128xf32, #tpu.memory_space<vmem>>[vector<16xi32>, vector<16xi32>, vector<16xi32>], vector<16xf32>,
      %swap3A_137 = arith.constant 11 : i32
      %swap3A_138 = arith.index_cast %swap3A_137 : i32 to index
      %swap3A_139 = arith.constant 0 : index
      %swap3A_140 = tpu.vector_load %arg7[%swap3A_138, %swap3A_139] {strides = array<i32>} : memref<32x32xf32, #tpu.memory_space<vmem>>, vector<16xf32>,
      tpu.vector_store %arg7[%swap3A_138, %swap3A_139], %gather3A_136 {strides = array<i32>} : memref<32x32xf32, #tpu.memory_space<vmem>>, vector<16xf32>,
      %broadcast_in_dim3A_141 = arith.constant 12 : i32
      %broadcast_in_dim3A_142 = vector.broadcast %broadcast_in_dim3A_141 : i32 to vector<16xi32>
      %broadcast_in_dim3A_143 = vector.broadcast %sub3A_47 : i32 to vector<16xi32>
      %gather3A_144 = tpu.vector_load_idx %arg6[%broadcast_in_dim3A_142, %iota3A, %broadcast_in_dim3A_143] : memref<32x16x128xf32, #tpu.memory_space<vmem>>[vector<16xi32>, vector<16xi32>, vector<16xi32>], vector<16xf32>,
      %swap3A_145 = arith.constant 12 : i32
      %swap3A_146 = arith.index_cast %swap3A_145 : i32 to index
      %swap3A_147 = arith.constant 0 : index
      %swap3A_148 = tpu.vector_load %arg7[%swap3A_146, %swap3A_147] {strides = array<i32>} : memref<32x32xf32, #tpu.memory_space<vmem>>, vector<16xf32>,
      tpu.vector_store %arg7[%swap3A_146, %swap3A_147], %gather3A_144 {strides = array<i32>} : memref<32x32xf32, #tpu.memory_space<vmem>>, vector<16xf32>,
      %broadcast_in_dim3A_149 = arith.constant 13 : i32
      %broadcast_in_dim3A_150 = vector.broadcast %broadcast_in_dim3A_149 : i32 to vector<16xi32>
      %broadcast_in_dim3A_151 = vector.broadcast %sub3A_47 : i32 to vector<16xi32>
      %gather3A_152 = tpu.vector_load_idx %arg6[%broadcast_in_dim3A_150, %iota3A, %broadcast_in_dim3A_151] : memref<32x16x128xf32, #tpu.memory_space<vmem>>[vector<16xi32>, vector<16xi32>, vector<16xi32>], vector<16xf32>,
      %swap3A_153 = arith.constant 13 : i32
      %swap3A_154 = arith.index_cast %swap3A_153 : i32 to index
      %swap3A_155 = arith.constant 0 : index
      %swap3A_156 = tpu.vector_load %arg7[%swap3A_154, %swap3A_155] {strides = array<i32>} : memref<32x32xf32, #tpu.memory_space<vmem>>, vector<16xf32>,
      tpu.vector_store %arg7[%swap3A_154, %swap3A_155], %gather3A_152 {strides = array<i32>} : memref<32x32xf32, #tpu.memory_space<vmem>>, vector<16xf32>,
      %broadcast_in_dim3A_157 = arith.constant 14 : i32
      %broadcast_in_dim3A_158 = vector.broadcast %broadcast_in_dim3A_157 : i32 to vector<16xi32>
      %broadcast_in_dim3A_159 = vector.broadcast %sub3A_47 : i32 to vector<16xi32>
      %gather3A_160 = tpu.vector_load_idx %arg6[%broadcast_in_dim3A_158, %iota3A, %broadcast_in_dim3A_159] : memref<32x16x128xf32, #tpu.memory_space<vmem>>[vector<16xi32>, vector<16xi32>, vector<16xi32>], vector<16xf32>,
      %swap3A_161 = arith.constant 14 : i32
      %swap3A_162 = arith.index_cast %swap3A_161 : i32 to index
      %swap3A_163 = arith.constant 0 : index
      %swap3A_164 = tpu.vector_load %arg7[%swap3A_162, %swap3A_163] {strides = array<i32>} : memref<32x32xf32, #tpu.memory_space<vmem>>, vector<16xf32>,
      tpu.vector_store %arg7[%swap3A_162, %swap3A_163], %gather3A_160 {strides = array<i32>} : memref<32x32xf32, #tpu.memory_space<vmem>>, vector<16xf32>,
      %broadcast_in_dim3A_165 = arith.constant 15 : i32
      %broadcast_in_dim3A_166 = vector.broadcast %broadcast_in_dim3A_165 : i32 to vector<16xi32>
      %broadcast_in_dim3A_167 = vector.broadcast %sub3A_47 : i32 to vector<16xi32>
      %gather3A_168 = tpu.vector_load_idx %arg6[%broadcast_in_dim3A_166, %iota3A, %broadcast_in_dim3A_167] : memref<32x16x128xf32, #tpu.memory_space<vmem>>[vector<16xi32>, vector<16xi32>, vector<16xi32>], vector<16xf32>,
      %swap3A_169 = arith.constant 15 : i32
      %swap3A_170 = arith.index_cast %swap3A_169 : i32 to index
      %swap3A_171 = arith.constant 0 : index
      %swap3A_172 = tpu.vector_load %arg7[%swap3A_170, %swap3A_171] {strides = array<i32>} : memref<32x32xf32, #tpu.memory_space<vmem>>, vector<16xf32>,
      tpu.vector_store %arg7[%swap3A_170, %swap3A_171], %gather3A_168 {strides = array<i32>} : memref<32x32xf32, #tpu.memory_space<vmem>>, vector<16xf32>,
      %broadcast_in_dim3A_173 = arith.constant 16 : i32
      %broadcast_in_dim3A_174 = vector.broadcast %broadcast_in_dim3A_173 : i32 to vector<16xi32>
      %broadcast_in_dim3A_175 = vector.broadcast %sub3A_47 : i32 to vector<16xi32>
      %gather3A_176 = tpu.vector_load_idx %arg6[%broadcast_in_dim3A_174, %iota3A, %broadcast_in_dim3A_175] : memref<32x16x128xf32, #tpu.memory_space<vmem>>[vector<16xi32>, vector<16xi32>, vector<16xi32>], vector<16xf32>,
      %swap3A_177 = arith.constant 16 : i32
      %swap3A_178 = arith.index_cast %swap3A_177 : i32 to index
      %swap3A_179 = arith.constant 0 : index
      %swap3A_180 = tpu.vector_load %arg7[%swap3A_178, %swap3A_179] {strides = array<i32>} : memref<32x32xf32, #tpu.memory_space<vmem>>, vector<16xf32>,
      tpu.vector_store %arg7[%swap3A_178, %swap3A_179], %gather3A_176 {strides = array<i32>} : memref<32x32xf32, #tpu.memory_space<vmem>>, vector<16xf32>,
      %broadcast_in_dim3A_181 = arith.constant 17 : i32
      %broadcast_in_dim3A_182 = vector.broadcast %broadcast_in_dim3A_181 : i32 to vector<16xi32>
      %broadcast_in_dim3A_183 = vector.broadcast %sub3A_47 : i32 to vector<16xi32>
      %gather3A_184 = tpu.vector_load_idx %arg6[%broadcast_in_dim3A_182, %iota3A, %broadcast_in_dim3A_183] : memref<32x16x128xf32, #tpu.memory_space<vmem>>[vector<16xi32>, vector<16xi32>, vector<16xi32>], vector<16xf32>,
      %swap3A_185 = arith.constant 17 : i32
      %swap3A_186 = arith.index_cast %swap3A_185 : i32 to index
      %swap3A_187 = arith.constant 0 : index
      %swap3A_188 = tpu.vector_load %arg7[%swap3A_186, %swap3A_187] {strides = array<i32>} : memref<32x32xf32, #tpu.memory_space<vmem>>, vector<16xf32>,
      tpu.vector_store %arg7[%swap3A_186, %swap3A_187], %gather3A_184 {strides = array<i32>} : memref<32x32xf32, #tpu.memory_space<vmem>>, vector<16xf32>,
      %broadcast_in_dim3A_189 = arith.constant 18 : i32
      %broadcast_in_dim3A_190 = vector.broadcast %broadcast_in_dim3A_189 : i32 to vector<16xi32>
      %broadcast_in_dim3A_191 = vector.broadcast %sub3A_47 : i32 to vector<16xi32>
      %gather3A_192 = tpu.vector_load_idx %arg6[%broadcast_in_dim3A_190, %iota3A, %broadcast_in_dim3A_191] : memref<32x16x128xf32, #tpu.memory_space<vmem>>[vector<16xi32>, vector<16xi32>, vector<16xi32>], vector<16xf32>,
      %swap3A_193 = arith.constant 18 : i32
      %swap3A_194 = arith.index_cast %swap3A_193 : i32 to index
      %swap3A_195 = arith.constant 0 : index
      %swap3A_196 = tpu.vector_load %arg7[%swap3A_194, %swap3A_195] {strides = array<i32>} : memref<32x32xf32, #tpu.memory_space<vmem>>, vector<16xf32>,
      tpu.vector_store %arg7[%swap3A_194, %swap3A_195], %gather3A_192 {strides = array<i32>} : memref<32x32xf32, #tpu.memory_space<vmem>>, vector<16xf32>,
      %broadcast_in_dim3A_197 = arith.constant 19 : i32
      %broadcast_in_dim3A_198 = vector.broadcast %broadcast_in_dim3A_197 : i32 to vector<16xi32>
      %broadcast_in_dim3A_199 = vector.broadcast %sub3A_47 : i32 to vector<16xi32>
      %gather3A_200 = tpu.vector_load_idx %arg6[%broadcast_in_dim3A_198, %iota3A, %broadcast_in_dim3A_199] : memref<32x16x128xf32, #tpu.memory_space<vmem>>[vector<16xi32>, vector<16xi32>, vector<16xi32>], vector<16xf32>,
      %swap3A_201 = arith.constant 19 : i32
      %swap3A_202 = arith.index_cast %swap3A_201 : i32 to index
      %swap3A_203 = arith.constant 0 : index
      %swap3A_204 = tpu.vector_load %arg7[%swap3A_202, %swap3A_203] {strides = array<i32>} : memref<32x32xf32, #tpu.memory_space<vmem>>, vector<16xf32>,
      tpu.vector_store %arg7[%swap3A_202, %swap3A_203], %gather3A_200 {strides = array<i32>} : memref<32x32xf32, #tpu.memory_space<vmem>>, vector<16xf32>,
      %broadcast_in_dim3A_205 = arith.constant 20 : i32
      %broadcast_in_dim3A_206 = vector.broadcast %broadcast_in_dim3A_205 : i32 to vector<16xi32>
      %broadcast_in_dim3A_207 = vector.broadcast %sub3A_47 : i32 to vector<16xi32>
      %gather3A_208 = tpu.vector_load_idx %arg6[%broadcast_in_dim3A_206, %iota3A, %broadcast_in_dim3A_207] : memref<32x16x128xf32, #tpu.memory_space<vmem>>[vector<16xi32>, vector<16xi32>, vector<16xi32>], vector<16xf32>,
      %swap3A_209 = arith.constant 20 : i32
      %swap3A_210 = arith.index_cast %swap3A_209 : i32 to index
      %swap3A_211 = arith.constant 0 : index
      %swap3A_212 = tpu.vector_load %arg7[%swap3A_210, %swap3A_211] {strides = array<i32>} : memref<32x32xf32, #tpu.memory_space<vmem>>, vector<16xf32>,
      tpu.vector_store %arg7[%swap3A_210, %swap3A_211], %gather3A_208 {strides = array<i32>} : memref<32x32xf32, #tpu.memory_space<vmem>>, vector<16xf32>,
      %broadcast_in_dim3A_213 = arith.constant 21 : i32
      %broadcast_in_dim3A_214 = vector.broadcast %broadcast_in_dim3A_213 : i32 to vector<16xi32>
      %broadcast_in_dim3A_215 = vector.broadcast %sub3A_47 : i32 to vector<16xi32>
      %gather3A_216 = tpu.vector_load_idx %arg6[%broadcast_in_dim3A_214, %iota3A, %broadcast_in_dim3A_215] : memref<32x16x128xf32, #tpu.memory_space<vmem>>[vector<16xi32>, vector<16xi32>, vector<16xi32>], vector<16xf32>,
      %swap3A_217 = arith.constant 21 : i32
      %swap3A_218 = arith.index_cast %swap3A_217 : i32 to index
      %swap3A_219 = arith.constant 0 : index
      %swap3A_220 = tpu.vector_load %arg7[%swap3A_218, %swap3A_219] {strides = array<i32>} : memref<32x32xf32, #tpu.memory_space<vmem>>, vector<16xf32>,
      tpu.vector_store %arg7[%swap3A_218, %swap3A_219], %gather3A_216 {strides = array<i32>} : memref<32x32xf32, #tpu.memory_space<vmem>>, vector<16xf32>,
      %broadcast_in_dim3A_221 = arith.constant 22 : i32
      %broadcast_in_dim3A_222 = vector.broadcast %broadcast_in_dim3A_221 : i32 to vector<16xi32>
      %broadcast_in_dim3A_223 = vector.broadcast %sub3A_47 : i32 to vector<16xi32>
      %gather3A_224 = tpu.vector_load_idx %arg6[%broadcast_in_dim3A_222, %iota3A, %broadcast_in_dim3A_223] : memref<32x16x128xf32, #tpu.memory_space<vmem>>[vector<16xi32>, vector<16xi32>, vector<16xi32>], vector<16xf32>,
      %swap3A_225 = arith.constant 22 : i32
      %swap3A_226 = arith.index_cast %swap3A_225 : i32 to index
      %swap3A_227 = arith.constant 0 : index
      %swap3A_228 = tpu.vector_load %arg7[%swap3A_226, %swap3A_227] {strides = array<i32>} : memref<32x32xf32, #tpu.memory_space<vmem>>, vector<16xf32>,
      tpu.vector_store %arg7[%swap3A_226, %swap3A_227], %gather3A_224 {strides = array<i32>} : memref<32x32xf32, #tpu.memory_space<vmem>>, vector<16xf32>,
      %broadcast_in_dim3A_229 = arith.constant 23 : i32
      %broadcast_in_dim3A_230 = vector.broadcast %broadcast_in_dim3A_229 : i32 to vector<16xi32>
      %broadcast_in_dim3A_231 = vector.broadcast %sub3A_47 : i32 to vector<16xi32>
      %gather3A_232 = tpu.vector_load_idx %arg6[%broadcast_in_dim3A_230, %iota3A, %broadcast_in_dim3A_231] : memref<32x16x128xf32, #tpu.memory_space<vmem>>[vector<16xi32>, vector<16xi32>, vector<16xi32>], vector<16xf32>,
      %swap3A_233 = arith.constant 23 : i32
      %swap3A_234 = arith.index_cast %swap3A_233 : i32 to index
      %swap3A_235 = arith.constant 0 : index
      %swap3A_236 = tpu.vector_load %arg7[%swap3A_234, %swap3A_235] {strides = array<i32>} : memref<32x32xf32, #tpu.memory_space<vmem>>, vector<16xf32>,
      tpu.vector_store %arg7[%swap3A_234, %swap3A_235], %gather3A_232 {strides = array<i32>} : memref<32x32xf32, #tpu.memory_space<vmem>>, vector<16xf32>,
      %broadcast_in_dim3A_237 = arith.constant 24 : i32
      %broadcast_in_dim3A_238 = vector.broadcast %broadcast_in_dim3A_237 : i32 to vector<16xi32>
      %broadcast_in_dim3A_239 = vector.broadcast %sub3A_47 : i32 to vector<16xi32>
      %gather3A_240 = tpu.vector_load_idx %arg6[%broadcast_in_dim3A_238, %iota3A, %broadcast_in_dim3A_239] : memref<32x16x128xf32, #tpu.memory_space<vmem>>[vector<16xi32>, vector<16xi32>, vector<16xi32>], vector<16xf32>,
      %swap3A_241 = arith.constant 24 : i32
      %swap3A_242 = arith.index_cast %swap3A_241 : i32 to index
      %swap3A_243 = arith.constant 0 : index
      %swap3A_244 = tpu.vector_load %arg7[%swap3A_242, %swap3A_243] {strides = array<i32>} : memref<32x32xf32, #tpu.memory_space<vmem>>, vector<16xf32>,
      tpu.vector_store %arg7[%swap3A_242, %swap3A_243], %gather3A_240 {strides = array<i32>} : memref<32x32xf32, #tpu.memory_space<vmem>>, vector<16xf32>,
      %broadcast_in_dim3A_245 = arith.constant 25 : i32
      %broadcast_in_dim3A_246 = vector.broadcast %broadcast_in_dim3A_245 : i32 to vector<16xi32>
      %broadcast_in_dim3A_247 = vector.broadcast %sub3A_47 : i32 to vector<16xi32>
      %gather3A_248 = tpu.vector_load_idx %arg6[%broadcast_in_dim3A_246, %iota3A, %broadcast_in_dim3A_247] : memref<32x16x128xf32, #tpu.memory_space<vmem>>[vector<16xi32>, vector<16xi32>, vector<16xi32>], vector<16xf32>,
      %swap3A_249 = arith.constant 25 : i32
      %swap3A_250 = arith.index_cast %swap3A_249 : i32 to index
      %swap3A_251 = arith.constant 0 : index
      %swap3A_252 = tpu.vector_load %arg7[%swap3A_250, %swap3A_251] {strides = array<i32>} : memref<32x32xf32, #tpu.memory_space<vmem>>, vector<16xf32>,
      tpu.vector_store %arg7[%swap3A_250, %swap3A_251], %gather3A_248 {strides = array<i32>} : memref<32x32xf32, #tpu.memory_space<vmem>>, vector<16xf32>,
      %broadcast_in_dim3A_253 = arith.constant 26 : i32
      %broadcast_in_dim3A_254 = vector.broadcast %broadcast_in_dim3A_253 : i32 to vector<16xi32>
      %broadcast_in_dim3A_255 = vector.broadcast %sub3A_47 : i32 to vector<16xi32>
      %gather3A_256 = tpu.vector_load_idx %arg6[%broadcast_in_dim3A_254, %iota3A, %broadcast_in_dim3A_255] : memref<32x16x128xf32, #tpu.memory_space<vmem>>[vector<16xi32>, vector<16xi32>, vector<16xi32>], vector<16xf32>,
      %swap3A_257 = arith.constant 26 : i32
      %swap3A_258 = arith.index_cast %swap3A_257 : i32 to index
      %swap3A_259 = arith.constant 0 : index
      %swap3A_260 = tpu.vector_load %arg7[%swap3A_258, %swap3A_259] {strides = array<i32>} : memref<32x32xf32, #tpu.memory_space<vmem>>, vector<16xf32>,
      tpu.vector_store %arg7[%swap3A_258, %swap3A_259], %gather3A_256 {strides = array<i32>} : memref<32x32xf32, #tpu.memory_space<vmem>>, vector<16xf32>,
      %broadcast_in_dim3A_261 = arith.constant 27 : i32
      %broadcast_in_dim3A_262 = vector.broadcast %broadcast_in_dim3A_261 : i32 to vector<16xi32>
      %broadcast_in_dim3A_263 = vector.broadcast %sub3A_47 : i32 to vector<16xi32>
      %gather3A_264 = tpu.vector_load_idx %arg6[%broadcast_in_dim3A_262, %iota3A, %broadcast_in_dim3A_263] : memref<32x16x128xf32, #tpu.memory_space<vmem>>[vector<16xi32>, vector<16xi32>, vector<16xi32>], vector<16xf32>,
      %swap3A_265 = arith.constant 27 : i32
      %swap3A_266 = arith.index_cast %swap3A_265 : i32 to index
      %swap3A_267 = arith.constant 0 : index
      %swap3A_268 = tpu.vector_load %arg7[%swap3A_266, %swap3A_267] {strides = array<i32>} : memref<32x32xf32, #tpu.memory_space<vmem>>, vector<16xf32>,
      tpu.vector_store %arg7[%swap3A_266, %swap3A_267], %gather3A_264 {strides = array<i32>} : memref<32x32xf32, #tpu.memory_space<vmem>>, vector<16xf32>,
      %broadcast_in_dim3A_269 = arith.constant 28 : i32
      %broadcast_in_dim3A_270 = vector.broadcast %broadcast_in_dim3A_269 : i32 to vector<16xi32>
      %broadcast_in_dim3A_271 = vector.broadcast %sub3A_47 : i32 to vector<16xi32>
      %gather3A_272 = tpu.vector_load_idx %arg6[%broadcast_in_dim3A_270, %iota3A, %broadcast_in_dim3A_271] : memref<32x16x128xf32, #tpu.memory_space<vmem>>[vector<16xi32>, vector<16xi32>, vector<16xi32>], vector<16xf32>,
      %swap3A_273 = arith.constant 28 : i32
      %swap3A_274 = arith.index_cast %swap3A_273 : i32 to index
      %swap3A_275 = arith.constant 0 : index
      %swap3A_276 = tpu.vector_load %arg7[%swap3A_274, %swap3A_275] {strides = array<i32>} : memref<32x32xf32, #tpu.memory_space<vmem>>, vector<16xf32>,
      tpu.vector_store %arg7[%swap3A_274, %swap3A_275], %gather3A_272 {strides = array<i32>} : memref<32x32xf32, #tpu.memory_space<vmem>>, vector<16xf32>,
      %broadcast_in_dim3A_277 = arith.constant 29 : i32
      %broadcast_in_dim3A_278 = vector.broadcast %broadcast_in_dim3A_277 : i32 to vector<16xi32>
      %broadcast_in_dim3A_279 = vector.broadcast %sub3A_47 : i32 to vector<16xi32>
      %gather3A_280 = tpu.vector_load_idx %arg6[%broadcast_in_dim3A_278, %iota3A, %broadcast_in_dim3A_279] : memref<32x16x128xf32, #tpu.memory_space<vmem>>[vector<16xi32>, vector<16xi32>, vector<16xi32>], vector<16xf32>,
      %swap3A_281 = arith.constant 29 : i32
      %swap3A_282 = arith.index_cast %swap3A_281 : i32 to index
      %swap3A_283 = arith.constant 0 : index
      %swap3A_284 = tpu.vector_load %arg7[%swap3A_282, %swap3A_283] {strides = array<i32>} : memref<32x32xf32, #tpu.memory_space<vmem>>, vector<16xf32>,
      tpu.vector_store %arg7[%swap3A_282, %swap3A_283], %gather3A_280 {strides = array<i32>} : memref<32x32xf32, #tpu.memory_space<vmem>>, vector<16xf32>,
      %broadcast_in_dim3A_285 = arith.constant 30 : i32
      %broadcast_in_dim3A_286 = vector.broadcast %broadcast_in_dim3A_285 : i32 to vector<16xi32>
      %broadcast_in_dim3A_287 = vector.broadcast %sub3A_47 : i32 to vector<16xi32>
      %gather3A_288 = tpu.vector_load_idx %arg6[%broadcast_in_dim3A_286, %iota3A, %broadcast_in_dim3A_287] : memref<32x16x128xf32, #tpu.memory_space<vmem>>[vector<16xi32>, vector<16xi32>, vector<16xi32>], vector<16xf32>,
      %swap3A_289 = arith.constant 30 : i32
      %swap3A_290 = arith.index_cast %swap3A_289 : i32 to index
      %swap3A_291 = arith.constant 0 : index
      %swap3A_292 = tpu.vector_load %arg7[%swap3A_290, %swap3A_291] {strides = array<i32>} : memref<32x32xf32, #tpu.memory_space<vmem>>, vector<16xf32>,
      tpu.vector_store %arg7[%swap3A_290, %swap3A_291], %gather3A_288 {strides = array<i32>} : memref<32x32xf32, #tpu.memory_space<vmem>>, vector<16xf32>,
      %broadcast_in_dim3A_293 = arith.constant 31 : i32
      %broadcast_in_dim3A_294 = vector.broadcast %broadcast_in_dim3A_293 : i32 to vector<16xi32>
      %broadcast_in_dim3A_295 = vector.broadcast %sub3A_47 : i32 to vector<16xi32>
      %gather3A_296 = tpu.vector_load_idx %arg6[%broadcast_in_dim3A_294, %iota3A, %broadcast_in_dim3A_295] : memref<32x16x128xf32, #tpu.memory_space<vmem>>[vector<16xi32>, vector<16xi32>, vector<16xi32>], vector<16xf32>,
      %swap3A_297 = arith.constant 31 : i32
      %swap3A_298 = arith.index_cast %swap3A_297 : i32 to index
      %swap3A_299 = arith.constant 0 : index
      %swap3A_300 = tpu.vector_load %arg7[%swap3A_298, %swap3A_299] {strides = array<i32>} : memref<32x32xf32, #tpu.memory_space<vmem>>, vector<16xf32>,
      tpu.vector_store %arg7[%swap3A_298, %swap3A_299], %gather3A_296 {strides = array<i32>} : memref<32x32xf32, #tpu.memory_space<vmem>>, vector<16xf32>,
      "tpu.region"() ({
        %run_scoped3A = tpu.sem_alloc : memref<!tpu.dma_semaphore, #tpu.memory_space<semaphore_mem>>
        %dma_start3A = arith.constant 0 : i32
        %dma_start3A_561 = arith.constant 16 : i32
        %dma_start3A_562 = tpu.memref_slice %arg2[%dma_start3A, %dma_start3A_561, %multiple_of3A] : memref<32x32x100000xf32, #tpu.memory_space<hbm>> -> memref<32x16x128xf32, #tpu.memory_space<hbm>>
        %dma_start3A_563 = arith.constant 0 : i32
        %dma_start3A_564 = arith.constant 16 : i32
        %dma_start3A_565 = tpu.memref_slice %arg2[%dma_start3A_563, %dma_start3A_564, %multiple_of3A] : memref<32x32x100000xf32, #tpu.memory_space<hbm>> -> memref<32x16x128xf32, #tpu.memory_space<hbm>>
        tpu.enqueue_dma source(%dma_start3A_565 : memref<32x16x128xf32, #tpu.memory_space<hbm>>) target(%arg6 : memref<32x16x128xf32, #tpu.memory_space<vmem>>) target_semaphore(%run_scoped3A : memref<!tpu.dma_semaphore, #tpu.memory_space<semaphore_mem>>)
        %dma_wait3A = arith.constant 0 : i32
        %dma_wait3A_566 = arith.constant 16 : i32
        %dma_wait3A_567 = tpu.memref_slice %arg2[%dma_wait3A, %dma_wait3A_566, %multiple_of3A] : memref<32x32x100000xf32, #tpu.memory_space<hbm>> -> memref<32x16x128xf32, #tpu.memory_space<hbm>>
        %dma_wait3A_568 = arith.constant 0 : i32
        %dma_wait3A_569 = arith.constant 16 : i32
        %dma_wait3A_570 = tpu.memref_slice %arg2[%dma_wait3A_568, %dma_wait3A_569, %multiple_of3A] : memref<32x32x100000xf32, #tpu.memory_space<hbm>> -> memref<32x16x128xf32, #tpu.memory_space<hbm>>
        tpu.wait_dma2 semaphore(%run_scoped3A : memref<!tpu.dma_semaphore, #tpu.memory_space<semaphore_mem>>) src(%dma_wait3A_570 : memref<32x16x128xf32, #tpu.memory_space<hbm>>) dst(%arg6 : memref<32x16x128xf32, #tpu.memory_space<vmem>>)
        tpu.yield
      }) : () -> ()
      %broadcast_in_dim3A_301 = arith.constant 0 : i32
      %broadcast_in_dim3A_302 = vector.broadcast %broadcast_in_dim3A_301 : i32 to vector<16xi32>
      %broadcast_in_dim3A_303 = vector.broadcast %sub3A_47 : i32 to vector<16xi32>
      %gather3A_304 = tpu.vector_load_idx %arg6[%broadcast_in_dim3A_302, %iota3A, %broadcast_in_dim3A_303] : memref<32x16x128xf32, #tpu.memory_space<vmem>>[vector<16xi32>, vector<16xi32>, vector<16xi32>], vector<16xf32>,
      %swap3A_305 = arith.constant 0 : i32
      %swap3A_306 = arith.index_cast %swap3A_305 : i32 to index
      %swap3A_307 = arith.constant 16 : index
      %swap3A_308 = tpu.vector_load %arg7[%swap3A_306, %swap3A_307] {strides = array<i32>} : memref<32x32xf32, #tpu.memory_space<vmem>>, vector<16xf32>,
      tpu.vector_store %arg7[%swap3A_306, %swap3A_307], %gather3A_304 {strides = array<i32>} : memref<32x32xf32, #tpu.memory_space<vmem>>, vector<16xf32>,
      %broadcast_in_dim3A_309 = arith.constant 1 : i32
      %broadcast_in_dim3A_310 = vector.broadcast %broadcast_in_dim3A_309 : i32 to vector<16xi32>
      %broadcast_in_dim3A_311 = vector.broadcast %sub3A_47 : i32 to vector<16xi32>
      %gather3A_312 = tpu.vector_load_idx %arg6[%broadcast_in_dim3A_310, %iota3A, %broadcast_in_dim3A_311] : memref<32x16x128xf32, #tpu.memory_space<vmem>>[vector<16xi32>, vector<16xi32>, vector<16xi32>], vector<16xf32>,
      %swap3A_313 = arith.constant 1 : i32
      %swap3A_314 = arith.index_cast %swap3A_313 : i32 to index
      %swap3A_315 = arith.constant 16 : index
      %swap3A_316 = tpu.vector_load %arg7[%swap3A_314, %swap3A_315] {strides = array<i32>} : memref<32x32xf32, #tpu.memory_space<vmem>>, vector<16xf32>,
      tpu.vector_store %arg7[%swap3A_314, %swap3A_315], %gather3A_312 {strides = array<i32>} : memref<32x32xf32, #tpu.memory_space<vmem>>, vector<16xf32>,
      %broadcast_in_dim3A_317 = arith.constant 2 : i32
      %broadcast_in_dim3A_318 = vector.broadcast %broadcast_in_dim3A_317 : i32 to vector<16xi32>
      %broadcast_in_dim3A_319 = vector.broadcast %sub3A_47 : i32 to vector<16xi32>
      %gather3A_320 = tpu.vector_load_idx %arg6[%broadcast_in_dim3A_318, %iota3A, %broadcast_in_dim3A_319] : memref<32x16x128xf32, #tpu.memory_space<vmem>>[vector<16xi32>, vector<16xi32>, vector<16xi32>], vector<16xf32>,
      %swap3A_321 = arith.constant 2 : i32
      %swap3A_322 = arith.index_cast %swap3A_321 : i32 to index
      %swap3A_323 = arith.constant 16 : index
      %swap3A_324 = tpu.vector_load %arg7[%swap3A_322, %swap3A_323] {strides = array<i32>} : memref<32x32xf32, #tpu.memory_space<vmem>>, vector<16xf32>,
      tpu.vector_store %arg7[%swap3A_322, %swap3A_323], %gather3A_320 {strides = array<i32>} : memref<32x32xf32, #tpu.memory_space<vmem>>, vector<16xf32>,
      %broadcast_in_dim3A_325 = arith.constant 3 : i32
      %broadcast_in_dim3A_326 = vector.broadcast %broadcast_in_dim3A_325 : i32 to vector<16xi32>
      %broadcast_in_dim3A_327 = vector.broadcast %sub3A_47 : i32 to vector<16xi32>
      %gather3A_328 = tpu.vector_load_idx %arg6[%broadcast_in_dim3A_326, %iota3A, %broadcast_in_dim3A_327] : memref<32x16x128xf32, #tpu.memory_space<vmem>>[vector<16xi32>, vector<16xi32>, vector<16xi32>], vector<16xf32>,
      %swap3A_329 = arith.constant 3 : i32
      %swap3A_330 = arith.index_cast %swap3A_329 : i32 to index
      %swap3A_331 = arith.constant 16 : index
      %swap3A_332 = tpu.vector_load %arg7[%swap3A_330, %swap3A_331] {strides = array<i32>} : memref<32x32xf32, #tpu.memory_space<vmem>>, vector<16xf32>,
      tpu.vector_store %arg7[%swap3A_330, %swap3A_331], %gather3A_328 {strides = array<i32>} : memref<32x32xf32, #tpu.memory_space<vmem>>, vector<16xf32>,
      %broadcast_in_dim3A_333 = arith.constant 4 : i32
      %broadcast_in_dim3A_334 = vector.broadcast %broadcast_in_dim3A_333 : i32 to vector<16xi32>
      %broadcast_in_dim3A_335 = vector.broadcast %sub3A_47 : i32 to vector<16xi32>
      %gather3A_336 = tpu.vector_load_idx %arg6[%broadcast_in_dim3A_334, %iota3A, %broadcast_in_dim3A_335] : memref<32x16x128xf32, #tpu.memory_space<vmem>>[vector<16xi32>, vector<16xi32>, vector<16xi32>], vector<16xf32>,
      %swap3A_337 = arith.constant 4 : i32
      %swap3A_338 = arith.index_cast %swap3A_337 : i32 to index
      %swap3A_339 = arith.constant 16 : index
      %swap3A_340 = tpu.vector_load %arg7[%swap3A_338, %swap3A_339] {strides = array<i32>} : memref<32x32xf32, #tpu.memory_space<vmem>>, vector<16xf32>,
      tpu.vector_store %arg7[%swap3A_338, %swap3A_339], %gather3A_336 {strides = array<i32>} : memref<32x32xf32, #tpu.memory_space<vmem>>, vector<16xf32>,
      %broadcast_in_dim3A_341 = arith.constant 5 : i32
      %broadcast_in_dim3A_342 = vector.broadcast %broadcast_in_dim3A_341 : i32 to vector<16xi32>
      %broadcast_in_dim3A_343 = vector.broadcast %sub3A_47 : i32 to vector<16xi32>
      %gather3A_344 = tpu.vector_load_idx %arg6[%broadcast_in_dim3A_342, %iota3A, %broadcast_in_dim3A_343] : memref<32x16x128xf32, #tpu.memory_space<vmem>>[vector<16xi32>, vector<16xi32>, vector<16xi32>], vector<16xf32>,
      %swap3A_345 = arith.constant 5 : i32
      %swap3A_346 = arith.index_cast %swap3A_345 : i32 to index
      %swap3A_347 = arith.constant 16 : index
      %swap3A_348 = tpu.vector_load %arg7[%swap3A_346, %swap3A_347] {strides = array<i32>} : memref<32x32xf32, #tpu.memory_space<vmem>>, vector<16xf32>,
      tpu.vector_store %arg7[%swap3A_346, %swap3A_347], %gather3A_344 {strides = array<i32>} : memref<32x32xf32, #tpu.memory_space<vmem>>, vector<16xf32>,
      %broadcast_in_dim3A_349 = arith.constant 6 : i32
      %broadcast_in_dim3A_350 = vector.broadcast %broadcast_in_dim3A_349 : i32 to vector<16xi32>
      %broadcast_in_dim3A_351 = vector.broadcast %sub3A_47 : i32 to vector<16xi32>
      %gather3A_352 = tpu.vector_load_idx %arg6[%broadcast_in_dim3A_350, %iota3A, %broadcast_in_dim3A_351] : memref<32x16x128xf32, #tpu.memory_space<vmem>>[vector<16xi32>, vector<16xi32>, vector<16xi32>], vector<16xf32>,
      %swap3A_353 = arith.constant 6 : i32
      %swap3A_354 = arith.index_cast %swap3A_353 : i32 to index
      %swap3A_355 = arith.constant 16 : index
      %swap3A_356 = tpu.vector_load %arg7[%swap3A_354, %swap3A_355] {strides = array<i32>} : memref<32x32xf32, #tpu.memory_space<vmem>>, vector<16xf32>,
      tpu.vector_store %arg7[%swap3A_354, %swap3A_355], %gather3A_352 {strides = array<i32>} : memref<32x32xf32, #tpu.memory_space<vmem>>, vector<16xf32>,
      %broadcast_in_dim3A_357 = arith.constant 7 : i32
      %broadcast_in_dim3A_358 = vector.broadcast %broadcast_in_dim3A_357 : i32 to vector<16xi32>
      %broadcast_in_dim3A_359 = vector.broadcast %sub3A_47 : i32 to vector<16xi32>
      %gather3A_360 = tpu.vector_load_idx %arg6[%broadcast_in_dim3A_358, %iota3A, %broadcast_in_dim3A_359] : memref<32x16x128xf32, #tpu.memory_space<vmem>>[vector<16xi32>, vector<16xi32>, vector<16xi32>], vector<16xf32>,
      %swap3A_361 = arith.constant 7 : i32
      %swap3A_362 = arith.index_cast %swap3A_361 : i32 to index
      %swap3A_363 = arith.constant 16 : index
      %swap3A_364 = tpu.vector_load %arg7[%swap3A_362, %swap3A_363] {strides = array<i32>} : memref<32x32xf32, #tpu.memory_space<vmem>>, vector<16xf32>,
      tpu.vector_store %arg7[%swap3A_362, %swap3A_363], %gather3A_360 {strides = array<i32>} : memref<32x32xf32, #tpu.memory_space<vmem>>, vector<16xf32>,
      %broadcast_in_dim3A_365 = arith.constant 8 : i32
      %broadcast_in_dim3A_366 = vector.broadcast %broadcast_in_dim3A_365 : i32 to vector<16xi32>
      %broadcast_in_dim3A_367 = vector.broadcast %sub3A_47 : i32 to vector<16xi32>
      %gather3A_368 = tpu.vector_load_idx %arg6[%broadcast_in_dim3A_366, %iota3A, %broadcast_in_dim3A_367] : memref<32x16x128xf32, #tpu.memory_space<vmem>>[vector<16xi32>, vector<16xi32>, vector<16xi32>], vector<16xf32>,
      %swap3A_369 = arith.constant 8 : i32
      %swap3A_370 = arith.index_cast %swap3A_369 : i32 to index
      %swap3A_371 = arith.constant 16 : index
      %swap3A_372 = tpu.vector_load %arg7[%swap3A_370, %swap3A_371] {strides = array<i32>} : memref<32x32xf32, #tpu.memory_space<vmem>>, vector<16xf32>,
      tpu.vector_store %arg7[%swap3A_370, %swap3A_371], %gather3A_368 {strides = array<i32>} : memref<32x32xf32, #tpu.memory_space<vmem>>, vector<16xf32>,
      %broadcast_in_dim3A_373 = arith.constant 9 : i32
      %broadcast_in_dim3A_374 = vector.broadcast %broadcast_in_dim3A_373 : i32 to vector<16xi32>
      %broadcast_in_dim3A_375 = vector.broadcast %sub3A_47 : i32 to vector<16xi32>
      %gather3A_376 = tpu.vector_load_idx %arg6[%broadcast_in_dim3A_374, %iota3A, %broadcast_in_dim3A_375] : memref<32x16x128xf32, #tpu.memory_space<vmem>>[vector<16xi32>, vector<16xi32>, vector<16xi32>], vector<16xf32>,
      %swap3A_377 = arith.constant 9 : i32
      %swap3A_378 = arith.index_cast %swap3A_377 : i32 to index
      %swap3A_379 = arith.constant 16 : index
      %swap3A_380 = tpu.vector_load %arg7[%swap3A_378, %swap3A_379] {strides = array<i32>} : memref<32x32xf32, #tpu.memory_space<vmem>>, vector<16xf32>,
      tpu.vector_store %arg7[%swap3A_378, %swap3A_379], %gather3A_376 {strides = array<i32>} : memref<32x32xf32, #tpu.memory_space<vmem>>, vector<16xf32>,
      %broadcast_in_dim3A_381 = arith.constant 10 : i32
      %broadcast_in_dim3A_382 = vector.broadcast %broadcast_in_dim3A_381 : i32 to vector<16xi32>
      %broadcast_in_dim3A_383 = vector.broadcast %sub3A_47 : i32 to vector<16xi32>
      %gather3A_384 = tpu.vector_load_idx %arg6[%broadcast_in_dim3A_382, %iota3A, %broadcast_in_dim3A_383] : memref<32x16x128xf32, #tpu.memory_space<vmem>>[vector<16xi32>, vector<16xi32>, vector<16xi32>], vector<16xf32>,
      %swap3A_385 = arith.constant 10 : i32
      %swap3A_386 = arith.index_cast %swap3A_385 : i32 to index
      %swap3A_387 = arith.constant 16 : index
      %swap3A_388 = tpu.vector_load %arg7[%swap3A_386, %swap3A_387] {strides = array<i32>} : memref<32x32xf32, #tpu.memory_space<vmem>>, vector<16xf32>,
      tpu.vector_store %arg7[%swap3A_386, %swap3A_387], %gather3A_384 {strides = array<i32>} : memref<32x32xf32, #tpu.memory_space<vmem>>, vector<16xf32>,
      %broadcast_in_dim3A_389 = arith.constant 11 : i32
      %broadcast_in_dim3A_390 = vector.broadcast %broadcast_in_dim3A_389 : i32 to vector<16xi32>
      %broadcast_in_dim3A_391 = vector.broadcast %sub3A_47 : i32 to vector<16xi32>
      %gather3A_392 = tpu.vector_load_idx %arg6[%broadcast_in_dim3A_390, %iota3A, %broadcast_in_dim3A_391] : memref<32x16x128xf32, #tpu.memory_space<vmem>>[vector<16xi32>, vector<16xi32>, vector<16xi32>], vector<16xf32>,
      %swap3A_393 = arith.constant 11 : i32
      %swap3A_394 = arith.index_cast %swap3A_393 : i32 to index
      %swap3A_395 = arith.constant 16 : index
      %swap3A_396 = tpu.vector_load %arg7[%swap3A_394, %swap3A_395] {strides = array<i32>} : memref<32x32xf32, #tpu.memory_space<vmem>>, vector<16xf32>,
      tpu.vector_store %arg7[%swap3A_394, %swap3A_395], %gather3A_392 {strides = array<i32>} : memref<32x32xf32, #tpu.memory_space<vmem>>, vector<16xf32>,
      %broadcast_in_dim3A_397 = arith.constant 12 : i32
      %broadcast_in_dim3A_398 = vector.broadcast %broadcast_in_dim3A_397 : i32 to vector<16xi32>
      %broadcast_in_dim3A_399 = vector.broadcast %sub3A_47 : i32 to vector<16xi32>
      %gather3A_400 = tpu.vector_load_idx %arg6[%broadcast_in_dim3A_398, %iota3A, %broadcast_in_dim3A_399] : memref<32x16x128xf32, #tpu.memory_space<vmem>>[vector<16xi32>, vector<16xi32>, vector<16xi32>], vector<16xf32>,
      %swap3A_401 = arith.constant 12 : i32
      %swap3A_402 = arith.index_cast %swap3A_401 : i32 to index
      %swap3A_403 = arith.constant 16 : index
      %swap3A_404 = tpu.vector_load %arg7[%swap3A_402, %swap3A_403] {strides = array<i32>} : memref<32x32xf32, #tpu.memory_space<vmem>>, vector<16xf32>,
      tpu.vector_store %arg7[%swap3A_402, %swap3A_403], %gather3A_400 {strides = array<i32>} : memref<32x32xf32, #tpu.memory_space<vmem>>, vector<16xf32>,
      %broadcast_in_dim3A_405 = arith.constant 13 : i32
      %broadcast_in_dim3A_406 = vector.broadcast %broadcast_in_dim3A_405 : i32 to vector<16xi32>
      %broadcast_in_dim3A_407 = vector.broadcast %sub3A_47 : i32 to vector<16xi32>
      %gather3A_408 = tpu.vector_load_idx %arg6[%broadcast_in_dim3A_406, %iota3A, %broadcast_in_dim3A_407] : memref<32x16x128xf32, #tpu.memory_space<vmem>>[vector<16xi32>, vector<16xi32>, vector<16xi32>], vector<16xf32>,
      %swap3A_409 = arith.constant 13 : i32
      %swap3A_410 = arith.index_cast %swap3A_409 : i32 to index
      %swap3A_411 = arith.constant 16 : index
      %swap3A_412 = tpu.vector_load %arg7[%swap3A_410, %swap3A_411] {strides = array<i32>} : memref<32x32xf32, #tpu.memory_space<vmem>>, vector<16xf32>,
      tpu.vector_store %arg7[%swap3A_410, %swap3A_411], %gather3A_408 {strides = array<i32>} : memref<32x32xf32, #tpu.memory_space<vmem>>, vector<16xf32>,
      %broadcast_in_dim3A_413 = arith.constant 14 : i32
      %broadcast_in_dim3A_414 = vector.broadcast %broadcast_in_dim3A_413 : i32 to vector<16xi32>
      %broadcast_in_dim3A_415 = vector.broadcast %sub3A_47 : i32 to vector<16xi32>
      %gather3A_416 = tpu.vector_load_idx %arg6[%broadcast_in_dim3A_414, %iota3A, %broadcast_in_dim3A_415] : memref<32x16x128xf32, #tpu.memory_space<vmem>>[vector<16xi32>, vector<16xi32>, vector<16xi32>], vector<16xf32>,
      %swap3A_417 = arith.constant 14 : i32
      %swap3A_418 = arith.index_cast %swap3A_417 : i32 to index
      %swap3A_419 = arith.constant 16 : index
      %swap3A_420 = tpu.vector_load %arg7[%swap3A_418, %swap3A_419] {strides = array<i32>} : memref<32x32xf32, #tpu.memory_space<vmem>>, vector<16xf32>,
      tpu.vector_store %arg7[%swap3A_418, %swap3A_419], %gather3A_416 {strides = array<i32>} : memref<32x32xf32, #tpu.memory_space<vmem>>, vector<16xf32>,
      %broadcast_in_dim3A_421 = arith.constant 15 : i32
      %broadcast_in_dim3A_422 = vector.broadcast %broadcast_in_dim3A_421 : i32 to vector<16xi32>
      %broadcast_in_dim3A_423 = vector.broadcast %sub3A_47 : i32 to vector<16xi32>
      %gather3A_424 = tpu.vector_load_idx %arg6[%broadcast_in_dim3A_422, %iota3A, %broadcast_in_dim3A_423] : memref<32x16x128xf32, #tpu.memory_space<vmem>>[vector<16xi32>, vector<16xi32>, vector<16xi32>], vector<16xf32>,
      %swap3A_425 = arith.constant 15 : i32
      %swap3A_426 = arith.index_cast %swap3A_425 : i32 to index
      %swap3A_427 = arith.constant 16 : index
      %swap3A_428 = tpu.vector_load %arg7[%swap3A_426, %swap3A_427] {strides = array<i32>} : memref<32x32xf32, #tpu.memory_space<vmem>>, vector<16xf32>,
      tpu.vector_store %arg7[%swap3A_426, %swap3A_427], %gather3A_424 {strides = array<i32>} : memref<32x32xf32, #tpu.memory_space<vmem>>, vector<16xf32>,
      %broadcast_in_dim3A_429 = arith.constant 16 : i32
      %broadcast_in_dim3A_430 = vector.broadcast %broadcast_in_dim3A_429 : i32 to vector<16xi32>
      %broadcast_in_dim3A_431 = vector.broadcast %sub3A_47 : i32 to vector<16xi32>
      %gather3A_432 = tpu.vector_load_idx %arg6[%broadcast_in_dim3A_430, %iota3A, %broadcast_in_dim3A_431] : memref<32x16x128xf32, #tpu.memory_space<vmem>>[vector<16xi32>, vector<16xi32>, vector<16xi32>], vector<16xf32>,
      %swap3A_433 = arith.constant 16 : i32
      %swap3A_434 = arith.index_cast %swap3A_433 : i32 to index
      %swap3A_435 = arith.constant 16 : index
      %swap3A_436 = tpu.vector_load %arg7[%swap3A_434, %swap3A_435] {strides = array<i32>} : memref<32x32xf32, #tpu.memory_space<vmem>>, vector<16xf32>,
      tpu.vector_store %arg7[%swap3A_434, %swap3A_435], %gather3A_432 {strides = array<i32>} : memref<32x32xf32, #tpu.memory_space<vmem>>, vector<16xf32>,
      %broadcast_in_dim3A_437 = arith.constant 17 : i32
      %broadcast_in_dim3A_438 = vector.broadcast %broadcast_in_dim3A_437 : i32 to vector<16xi32>
      %broadcast_in_dim3A_439 = vector.broadcast %sub3A_47 : i32 to vector<16xi32>
      %gather3A_440 = tpu.vector_load_idx %arg6[%broadcast_in_dim3A_438, %iota3A, %broadcast_in_dim3A_439] : memref<32x16x128xf32, #tpu.memory_space<vmem>>[vector<16xi32>, vector<16xi32>, vector<16xi32>], vector<16xf32>,
      %swap3A_441 = arith.constant 17 : i32
      %swap3A_442 = arith.index_cast %swap3A_441 : i32 to index
      %swap3A_443 = arith.constant 16 : index
      %swap3A_444 = tpu.vector_load %arg7[%swap3A_442, %swap3A_443] {strides = array<i32>} : memref<32x32xf32, #tpu.memory_space<vmem>>, vector<16xf32>,
      tpu.vector_store %arg7[%swap3A_442, %swap3A_443], %gather3A_440 {strides = array<i32>} : memref<32x32xf32, #tpu.memory_space<vmem>>, vector<16xf32>,
      %broadcast_in_dim3A_445 = arith.constant 18 : i32
      %broadcast_in_dim3A_446 = vector.broadcast %broadcast_in_dim3A_445 : i32 to vector<16xi32>
      %broadcast_in_dim3A_447 = vector.broadcast %sub3A_47 : i32 to vector<16xi32>
      %gather3A_448 = tpu.vector_load_idx %arg6[%broadcast_in_dim3A_446, %iota3A, %broadcast_in_dim3A_447] : memref<32x16x128xf32, #tpu.memory_space<vmem>>[vector<16xi32>, vector<16xi32>, vector<16xi32>], vector<16xf32>,
      %swap3A_449 = arith.constant 18 : i32
      %swap3A_450 = arith.index_cast %swap3A_449 : i32 to index
      %swap3A_451 = arith.constant 16 : index
      %swap3A_452 = tpu.vector_load %arg7[%swap3A_450, %swap3A_451] {strides = array<i32>} : memref<32x32xf32, #tpu.memory_space<vmem>>, vector<16xf32>,
      tpu.vector_store %arg7[%swap3A_450, %swap3A_451], %gather3A_448 {strides = array<i32>} : memref<32x32xf32, #tpu.memory_space<vmem>>, vector<16xf32>,
      %broadcast_in_dim3A_453 = arith.constant 19 : i32
      %broadcast_in_dim3A_454 = vector.broadcast %broadcast_in_dim3A_453 : i32 to vector<16xi32>
      %broadcast_in_dim3A_455 = vector.broadcast %sub3A_47 : i32 to vector<16xi32>
      %gather3A_456 = tpu.vector_load_idx %arg6[%broadcast_in_dim3A_454, %iota3A, %broadcast_in_dim3A_455] : memref<32x16x128xf32, #tpu.memory_space<vmem>>[vector<16xi32>, vector<16xi32>, vector<16xi32>], vector<16xf32>,
      %swap3A_457 = arith.constant 19 : i32
      %swap3A_458 = arith.index_cast %swap3A_457 : i32 to index
      %swap3A_459 = arith.constant 16 : index
      %swap3A_460 = tpu.vector_load %arg7[%swap3A_458, %swap3A_459] {strides = array<i32>} : memref<32x32xf32, #tpu.memory_space<vmem>>, vector<16xf32>,
      tpu.vector_store %arg7[%swap3A_458, %swap3A_459], %gather3A_456 {strides = array<i32>} : memref<32x32xf32, #tpu.memory_space<vmem>>, vector<16xf32>,
      %broadcast_in_dim3A_461 = arith.constant 20 : i32
      %broadcast_in_dim3A_462 = vector.broadcast %broadcast_in_dim3A_461 : i32 to vector<16xi32>
      %broadcast_in_dim3A_463 = vector.broadcast %sub3A_47 : i32 to vector<16xi32>
      %gather3A_464 = tpu.vector_load_idx %arg6[%broadcast_in_dim3A_462, %iota3A, %broadcast_in_dim3A_463] : memref<32x16x128xf32, #tpu.memory_space<vmem>>[vector<16xi32>, vector<16xi32>, vector<16xi32>], vector<16xf32>,
      %swap3A_465 = arith.constant 20 : i32
      %swap3A_466 = arith.index_cast %swap3A_465 : i32 to index
      %swap3A_467 = arith.constant 16 : index
      %swap3A_468 = tpu.vector_load %arg7[%swap3A_466, %swap3A_467] {strides = array<i32>} : memref<32x32xf32, #tpu.memory_space<vmem>>, vector<16xf32>,
      tpu.vector_store %arg7[%swap3A_466, %swap3A_467], %gather3A_464 {strides = array<i32>} : memref<32x32xf32, #tpu.memory_space<vmem>>, vector<16xf32>,
      %broadcast_in_dim3A_469 = arith.constant 21 : i32
      %broadcast_in_dim3A_470 = vector.broadcast %broadcast_in_dim3A_469 : i32 to vector<16xi32>
      %broadcast_in_dim3A_471 = vector.broadcast %sub3A_47 : i32 to vector<16xi32>
      %gather3A_472 = tpu.vector_load_idx %arg6[%broadcast_in_dim3A_470, %iota3A, %broadcast_in_dim3A_471] : memref<32x16x128xf32, #tpu.memory_space<vmem>>[vector<16xi32>, vector<16xi32>, vector<16xi32>], vector<16xf32>,
      %swap3A_473 = arith.constant 21 : i32
      %swap3A_474 = arith.index_cast %swap3A_473 : i32 to index
      %swap3A_475 = arith.constant 16 : index
      %swap3A_476 = tpu.vector_load %arg7[%swap3A_474, %swap3A_475] {strides = array<i32>} : memref<32x32xf32, #tpu.memory_space<vmem>>, vector<16xf32>,
      tpu.vector_store %arg7[%swap3A_474, %swap3A_475], %gather3A_472 {strides = array<i32>} : memref<32x32xf32, #tpu.memory_space<vmem>>, vector<16xf32>,
      %broadcast_in_dim3A_477 = arith.constant 22 : i32
      %broadcast_in_dim3A_478 = vector.broadcast %broadcast_in_dim3A_477 : i32 to vector<16xi32>
      %broadcast_in_dim3A_479 = vector.broadcast %sub3A_47 : i32 to vector<16xi32>
      %gather3A_480 = tpu.vector_load_idx %arg6[%broadcast_in_dim3A_478, %iota3A, %broadcast_in_dim3A_479] : memref<32x16x128xf32, #tpu.memory_space<vmem>>[vector<16xi32>, vector<16xi32>, vector<16xi32>], vector<16xf32>,
      %swap3A_481 = arith.constant 22 : i32
      %swap3A_482 = arith.index_cast %swap3A_481 : i32 to index
      %swap3A_483 = arith.constant 16 : index
      %swap3A_484 = tpu.vector_load %arg7[%swap3A_482, %swap3A_483] {strides = array<i32>} : memref<32x32xf32, #tpu.memory_space<vmem>>, vector<16xf32>,
      tpu.vector_store %arg7[%swap3A_482, %swap3A_483], %gather3A_480 {strides = array<i32>} : memref<32x32xf32, #tpu.memory_space<vmem>>, vector<16xf32>,
      %broadcast_in_dim3A_485 = arith.constant 23 : i32
      %broadcast_in_dim3A_486 = vector.broadcast %broadcast_in_dim3A_485 : i32 to vector<16xi32>
      %broadcast_in_dim3A_487 = vector.broadcast %sub3A_47 : i32 to vector<16xi32>
      %gather3A_488 = tpu.vector_load_idx %arg6[%broadcast_in_dim3A_486, %iota3A, %broadcast_in_dim3A_487] : memref<32x16x128xf32, #tpu.memory_space<vmem>>[vector<16xi32>, vector<16xi32>, vector<16xi32>], vector<16xf32>,
      %swap3A_489 = arith.constant 23 : i32
      %swap3A_490 = arith.index_cast %swap3A_489 : i32 to index
      %swap3A_491 = arith.constant 16 : index
      %swap3A_492 = tpu.vector_load %arg7[%swap3A_490, %swap3A_491] {strides = array<i32>} : memref<32x32xf32, #tpu.memory_space<vmem>>, vector<16xf32>,
      tpu.vector_store %arg7[%swap3A_490, %swap3A_491], %gather3A_488 {strides = array<i32>} : memref<32x32xf32, #tpu.memory_space<vmem>>, vector<16xf32>,
      %broadcast_in_dim3A_493 = arith.constant 24 : i32
      %broadcast_in_dim3A_494 = vector.broadcast %broadcast_in_dim3A_493 : i32 to vector<16xi32>
      %broadcast_in_dim3A_495 = vector.broadcast %sub3A_47 : i32 to vector<16xi32>
      %gather3A_496 = tpu.vector_load_idx %arg6[%broadcast_in_dim3A_494, %iota3A, %broadcast_in_dim3A_495] : memref<32x16x128xf32, #tpu.memory_space<vmem>>[vector<16xi32>, vector<16xi32>, vector<16xi32>], vector<16xf32>,
      %swap3A_497 = arith.constant 24 : i32
      %swap3A_498 = arith.index_cast %swap3A_497 : i32 to index
      %swap3A_499 = arith.constant 16 : index
      %swap3A_500 = tpu.vector_load %arg7[%swap3A_498, %swap3A_499] {strides = array<i32>} : memref<32x32xf32, #tpu.memory_space<vmem>>, vector<16xf32>,
      tpu.vector_store %arg7[%swap3A_498, %swap3A_499], %gather3A_496 {strides = array<i32>} : memref<32x32xf32, #tpu.memory_space<vmem>>, vector<16xf32>,
      %broadcast_in_dim3A_501 = arith.constant 25 : i32
      %broadcast_in_dim3A_502 = vector.broadcast %broadcast_in_dim3A_501 : i32 to vector<16xi32>
      %broadcast_in_dim3A_503 = vector.broadcast %sub3A_47 : i32 to vector<16xi32>
      %gather3A_504 = tpu.vector_load_idx %arg6[%broadcast_in_dim3A_502, %iota3A, %broadcast_in_dim3A_503] : memref<32x16x128xf32, #tpu.memory_space<vmem>>[vector<16xi32>, vector<16xi32>, vector<16xi32>], vector<16xf32>,
      %swap3A_505 = arith.constant 25 : i32
      %swap3A_506 = arith.index_cast %swap3A_505 : i32 to index
      %swap3A_507 = arith.constant 16 : index
      %swap3A_508 = tpu.vector_load %arg7[%swap3A_506, %swap3A_507] {strides = array<i32>} : memref<32x32xf32, #tpu.memory_space<vmem>>, vector<16xf32>,
      tpu.vector_store %arg7[%swap3A_506, %swap3A_507], %gather3A_504 {strides = array<i32>} : memref<32x32xf32, #tpu.memory_space<vmem>>, vector<16xf32>,
      %broadcast_in_dim3A_509 = arith.constant 26 : i32
      %broadcast_in_dim3A_510 = vector.broadcast %broadcast_in_dim3A_509 : i32 to vector<16xi32>
      %broadcast_in_dim3A_511 = vector.broadcast %sub3A_47 : i32 to vector<16xi32>
      %gather3A_512 = tpu.vector_load_idx %arg6[%broadcast_in_dim3A_510, %iota3A, %broadcast_in_dim3A_511] : memref<32x16x128xf32, #tpu.memory_space<vmem>>[vector<16xi32>, vector<16xi32>, vector<16xi32>], vector<16xf32>,
      %swap3A_513 = arith.constant 26 : i32
      %swap3A_514 = arith.index_cast %swap3A_513 : i32 to index
      %swap3A_515 = arith.constant 16 : index
      %swap3A_516 = tpu.vector_load %arg7[%swap3A_514, %swap3A_515] {strides = array<i32>} : memref<32x32xf32, #tpu.memory_space<vmem>>, vector<16xf32>,
      tpu.vector_store %arg7[%swap3A_514, %swap3A_515], %gather3A_512 {strides = array<i32>} : memref<32x32xf32, #tpu.memory_space<vmem>>, vector<16xf32>,
      %broadcast_in_dim3A_517 = arith.constant 27 : i32
      %broadcast_in_dim3A_518 = vector.broadcast %broadcast_in_dim3A_517 : i32 to vector<16xi32>
      %broadcast_in_dim3A_519 = vector.broadcast %sub3A_47 : i32 to vector<16xi32>
      %gather3A_520 = tpu.vector_load_idx %arg6[%broadcast_in_dim3A_518, %iota3A, %broadcast_in_dim3A_519] : memref<32x16x128xf32, #tpu.memory_space<vmem>>[vector<16xi32>, vector<16xi32>, vector<16xi32>], vector<16xf32>,
      %swap3A_521 = arith.constant 27 : i32
      %swap3A_522 = arith.index_cast %swap3A_521 : i32 to index
      %swap3A_523 = arith.constant 16 : index
      %swap3A_524 = tpu.vector_load %arg7[%swap3A_522, %swap3A_523] {strides = array<i32>} : memref<32x32xf32, #tpu.memory_space<vmem>>, vector<16xf32>,
      tpu.vector_store %arg7[%swap3A_522, %swap3A_523], %gather3A_520 {strides = array<i32>} : memref<32x32xf32, #tpu.memory_space<vmem>>, vector<16xf32>,
      %broadcast_in_dim3A_525 = arith.constant 28 : i32
      %broadcast_in_dim3A_526 = vector.broadcast %broadcast_in_dim3A_525 : i32 to vector<16xi32>
      %broadcast_in_dim3A_527 = vector.broadcast %sub3A_47 : i32 to vector<16xi32>
      %gather3A_528 = tpu.vector_load_idx %arg6[%broadcast_in_dim3A_526, %iota3A, %broadcast_in_dim3A_527] : memref<32x16x128xf32, #tpu.memory_space<vmem>>[vector<16xi32>, vector<16xi32>, vector<16xi32>], vector<16xf32>,
      %swap3A_529 = arith.constant 28 : i32
      %swap3A_530 = arith.index_cast %swap3A_529 : i32 to index
      %swap3A_531 = arith.constant 16 : index
      %swap3A_532 = tpu.vector_load %arg7[%swap3A_530, %swap3A_531] {strides = array<i32>} : memref<32x32xf32, #tpu.memory_space<vmem>>, vector<16xf32>,
      tpu.vector_store %arg7[%swap3A_530, %swap3A_531], %gather3A_528 {strides = array<i32>} : memref<32x32xf32, #tpu.memory_space<vmem>>, vector<16xf32>,
      %broadcast_in_dim3A_533 = arith.constant 29 : i32
      %broadcast_in_dim3A_534 = vector.broadcast %broadcast_in_dim3A_533 : i32 to vector<16xi32>
      %broadcast_in_dim3A_535 = vector.broadcast %sub3A_47 : i32 to vector<16xi32>
      %gather3A_536 = tpu.vector_load_idx %arg6[%broadcast_in_dim3A_534, %iota3A, %broadcast_in_dim3A_535] : memref<32x16x128xf32, #tpu.memory_space<vmem>>[vector<16xi32>, vector<16xi32>, vector<16xi32>], vector<16xf32>,
      %swap3A_537 = arith.constant 29 : i32
      %swap3A_538 = arith.index_cast %swap3A_537 : i32 to index
      %swap3A_539 = arith.constant 16 : index
      %swap3A_540 = tpu.vector_load %arg7[%swap3A_538, %swap3A_539] {strides = array<i32>} : memref<32x32xf32, #tpu.memory_space<vmem>>, vector<16xf32>,
      tpu.vector_store %arg7[%swap3A_538, %swap3A_539], %gather3A_536 {strides = array<i32>} : memref<32x32xf32, #tpu.memory_space<vmem>>, vector<16xf32>,
      %broadcast_in_dim3A_541 = arith.constant 30 : i32
      %broadcast_in_dim3A_542 = vector.broadcast %broadcast_in_dim3A_541 : i32 to vector<16xi32>
      %broadcast_in_dim3A_543 = vector.broadcast %sub3A_47 : i32 to vector<16xi32>
      %gather3A_544 = tpu.vector_load_idx %arg6[%broadcast_in_dim3A_542, %iota3A, %broadcast_in_dim3A_543] : memref<32x16x128xf32, #tpu.memory_space<vmem>>[vector<16xi32>, vector<16xi32>, vector<16xi32>], vector<16xf32>,
      %swap3A_545 = arith.constant 30 : i32
      %swap3A_546 = arith.index_cast %swap3A_545 : i32 to index
      %swap3A_547 = arith.constant 16 : index
      %swap3A_548 = tpu.vector_load %arg7[%swap3A_546, %swap3A_547] {strides = array<i32>} : memref<32x32xf32, #tpu.memory_space<vmem>>, vector<16xf32>,
      tpu.vector_store %arg7[%swap3A_546, %swap3A_547], %gather3A_544 {strides = array<i32>} : memref<32x32xf32, #tpu.memory_space<vmem>>, vector<16xf32>,
      %broadcast_in_dim3A_549 = arith.constant 31 : i32
      %broadcast_in_dim3A_550 = vector.broadcast %broadcast_in_dim3A_549 : i32 to vector<16xi32>
      %broadcast_in_dim3A_551 = vector.broadcast %sub3A_47 : i32 to vector<16xi32>
      %gather3A_552 = tpu.vector_load_idx %arg6[%broadcast_in_dim3A_550, %iota3A, %broadcast_in_dim3A_551] : memref<32x16x128xf32, #tpu.memory_space<vmem>>[vector<16xi32>, vector<16xi32>, vector<16xi32>], vector<16xf32>,
      %swap3A_553 = arith.constant 31 : i32
      %swap3A_554 = arith.index_cast %swap3A_553 : i32 to index
      %swap3A_555 = arith.constant 16 : index
      %swap3A_556 = tpu.vector_load %arg7[%swap3A_554, %swap3A_555] {strides = array<i32>} : memref<32x32xf32, #tpu.memory_space<vmem>>, vector<16xf32>,
      tpu.vector_store %arg7[%swap3A_554, %swap3A_555], %gather3A_552 {strides = array<i32>} : memref<32x32xf32, #tpu.memory_space<vmem>>, vector<16xf32>,
      %add3A_557 = arith.constant 3 : i32
      %add3A_558 = arith.addi %add3A_6, %add3A_557 : i32
      %mul3A_559 = arith.constant 32 : i32
      %mul3A_560 = arith.muli %add3A_558, %mul3A_559 : i32
      "tpu.region"() ({
        %run_scoped3A = tpu.sem_alloc : memref<!tpu.dma_semaphore, #tpu.memory_space<semaphore_mem>>
        %dma_start3A = arith.constant 0 : i32
        %dma_start3A_561 = tpu.memref_slice %arg4[%mul3A_560, %dma_start3A] : memref<3520x32xf32, #tpu.memory_space<hbm>> -> memref<32x32xf32, #tpu.memory_space<hbm>>
        %dma_start3A_562 = arith.constant 0 : i32
        %dma_start3A_563 = tpu.memref_slice %arg4[%mul3A_560, %dma_start3A_562] : memref<3520x32xf32, #tpu.memory_space<hbm>> -> memref<32x32xf32, #tpu.memory_space<hbm>>
        tpu.enqueue_dma source(%arg7 : memref<32x32xf32, #tpu.memory_space<vmem>>) target(%dma_start3A_563 : memref<32x32xf32, #tpu.memory_space<hbm>>) target_semaphore(%run_scoped3A : memref<!tpu.dma_semaphore, #tpu.memory_space<semaphore_mem>>)
        %dma_wait3A = arith.constant 0 : i32
        %dma_wait3A_564 = tpu.memref_slice %arg4[%mul3A_560, %dma_wait3A] : memref<3520x32xf32, #tpu.memory_space<hbm>> -> memref<32x32xf32, #tpu.memory_space<hbm>>
        %dma_wait3A_565 = arith.constant 0 : i32
        %dma_wait3A_566 = tpu.memref_slice %arg4[%mul3A_560, %dma_wait3A_565] : memref<3520x32xf32, #tpu.memory_space<hbm>> -> memref<32x32xf32, #tpu.memory_space<hbm>>
        tpu.wait_dma2 semaphore(%run_scoped3A : memref<!tpu.dma_semaphore, #tpu.memory_space<semaphore_mem>>) src(%arg7 : memref<32x32xf32, #tpu.memory_space<vmem>>) dst(%dma_wait3A_566 : memref<32x32xf32, #tpu.memory_space<hbm>>)
        tpu.yield
      }) : () -> ()
    } else {
    }
    return
  }
}

module attributes {stable_mosaic.version = 14 : i64} {
  func.func @body2(%arg0: memref<3520x32xf32, #tpu.memory_space<vmem>>, %arg1: memref<1x32xf32, #tpu.memory_space<vmem>>, %arg2: memref<1x32xf32, #tpu.memory_space<vmem>>, %arg3: memref<1x1xf32, #tpu.memory_space<vmem>>) attributes {dimension_semantics = [], scalar_prefetch = 0 : i64, scratch_operands = 0 : i64, tpu.core_type = #tpu.core_type<tc>} {
    %get3A = arith.constant 0 : index
    %get3A_0 = arith.constant 0 : index
    %get3A_1 = vector.load %arg1[%get3A, %get3A_0] : memref<1x32xf32, #tpu.memory_space<vmem>>, vector<1x32xf32>
    %scan3A = arith.constant 0 : i32
    %scan3A_2 = arith.constant 110 : i32
    %scan3A_3 = arith.addi %scan3A, %scan3A_2 : i32
    %scan3A_4 = arith.constant 1 : i32
    %scan3A_5 = scf.for %scan3A_16 = %scan3A to %scan3A_3 step %scan3A_4 iter_args(%scan3A_17 = %get3A_1) -> (vector<1x32xf32>)  : i32 {
      %mul3A_18 = arith.constant 32 : i32
      %mul3A_19 = arith.muli %scan3A_16, %mul3A_18 : i32
      %get3A_20 = arith.index_cast %mul3A_19 : i32 to index
      %get3A_21 = arith.constant 0 : index
      %get3A_22 = vector.load %arg0[%get3A_20, %get3A_21] : memref<3520x32xf32, #tpu.memory_space<vmem>>, vector<32x32xf32>
      %dot_general3A = arith.constant dense<0.000000e+00> : vector<1x32xf32>
      %dot_general3A_23 = tpu.matmul %scan3A_17, %get3A_22, %dot_general3A {dimension_numbers = #tpu.dot_dimension_numbers<[1], [0], [0], [1], [0, 0, 1, 1], [], []>, transpose_lhs_hint = false} : vector<1x32xf32>, vector<32x32xf32>, vector<1x32xf32> -> vector<1x32xf32>
      scf.yield %dot_general3A_23 : vector<1x32xf32>
    }
    %scan3A_6 = arith.constant 110 : i32
    %get3A_7 = arith.constant 0 : index
    %get3A_8 = arith.constant 0 : index
    %get3A_9 = vector.load %arg2[%get3A_7, %get3A_8] : memref<1x32xf32, #tpu.memory_space<vmem>>, vector<1x32xf32>
    %mul3A = arith.mulf %scan3A_5, %get3A_9 : vector<1x32xf32>
    %reduce_sum3A = vector.shape_cast %mul3A : vector<1x32xf32> to vector<1x1x32xf32>
    %reduce_sum3A_10 = arith.constant dense<0.000000e+00> : vector<1xf32>
    %reduce_sum3A_11 = vector.multi_reduction <add>, %reduce_sum3A, %reduce_sum3A_10 [1, 2] : vector<1x1x32xf32> to vector<1xf32>
    %reduce_sum3A_12 = vector.shape_cast %reduce_sum3A_11 : vector<1xf32> to vector<1x1x1xf32>
    %reduce_sum3A_13 = vector.extract %reduce_sum3A_12[0, 0, 0] : f32 from vector<1x1x1xf32>
    %broadcast_in_dim3A = vector.broadcast %reduce_sum3A_13 : f32 to vector<1x1xf32>
    %swap3A = arith.constant 0 : index
    %swap3A_14 = arith.constant 0 : index
    %swap3A_15 = vector.load %arg3[%swap3A, %swap3A_14] : memref<1x1xf32, #tpu.memory_space<vmem>>, vector<1x1xf32>
    tpu.vector_store %arg3[%swap3A, %swap3A_14], %broadcast_in_dim3A {strides = array<i32>} : memref<1x1xf32, #tpu.memory_space<vmem>>, vector<1x1xf32>,
    return
  }
}

module attributes {stable_mosaic.version = 14 : i64} {
  func.func @body1(%arg0: memref<2880x32xf32, #tpu.memory_space<vmem>>, %arg1: memref<1x32xf32, #tpu.memory_space<vmem>>, %arg2: memref<1x32xf32, #tpu.memory_space<vmem>>) attributes {dimension_semantics = [], scalar_prefetch = 0 : i64, scratch_operands = 0 : i64, tpu.core_type = #tpu.core_type<tc>} {
    %get3A = arith.constant 0 : index
    %get3A_0 = arith.constant 0 : index
    %get3A_1 = vector.load %arg1[%get3A, %get3A_0] : memref<1x32xf32, #tpu.memory_space<vmem>>, vector<1x32xf32>
    %scan3A = arith.constant 0 : i32
    %scan3A_2 = arith.constant 90 : i32
    %scan3A_3 = arith.addi %scan3A, %scan3A_2 : i32
    %scan3A_4 = arith.constant 1 : i32
    %scan3A_5 = scf.for %scan3A_9 = %scan3A to %scan3A_3 step %scan3A_4 iter_args(%scan3A_10 = %get3A_1) -> (vector<1x32xf32>)  : i32 {
      %mul3A = arith.constant 32 : i32
      %mul3A_11 = arith.muli %scan3A_9, %mul3A : i32
      %get3A_12 = arith.index_cast %mul3A_11 : i32 to index
      %get3A_13 = arith.constant 0 : index
      %get3A_14 = vector.load %arg0[%get3A_12, %get3A_13] : memref<2880x32xf32, #tpu.memory_space<vmem>>, vector<32x32xf32>
      %dot_general3A = arith.constant dense<0.000000e+00> : vector<1x32xf32>
      %dot_general3A_15 = tpu.matmul %scan3A_10, %get3A_14, %dot_general3A {dimension_numbers = #tpu.dot_dimension_numbers<[1], [0], [0], [1], [0, 0, 1, 1], [], []>, transpose_lhs_hint = false} : vector<1x32xf32>, vector<32x32xf32>, vector<1x32xf32> -> vector<1x32xf32>
      scf.yield %dot_general3A_15 : vector<1x32xf32>
    }
    %scan3A_6 = arith.constant 90 : i32
    %swap3A = arith.constant 0 : index
    %swap3A_7 = arith.constant 0 : index
    %swap3A_8 = vector.load %arg2[%swap3A, %swap3A_7] : memref<1x32xf32, #tpu.memory_space<vmem>>, vector<1x32xf32>
    tpu.vector_store %arg2[%swap3A, %swap3A_7], %scan3A_5 {strides = array<i32>} : memref<1x32xf32, #tpu.memory_space<vmem>>, vector<1x32xf32>,
    return
  }
}

module attributes {stable_mosaic.version = 14 : i64} {
  func.func @body(%arg0: i32, %arg1: memref<200xi32, #tpu.memory_space<smem>>, %arg2: memref<32x32x128xf32, #tpu.memory_space<vmem>>, %arg3: memref<32x32x128xf32, #tpu.memory_space<vmem>>, %arg4: memref<32x32x128xf32, #tpu.memory_space<vmem>>, %arg5: memref<32x32x128xf32, #tpu.memory_space<vmem>>, %arg6: memref<32x32x128xf32, #tpu.memory_space<vmem>>, %arg7: memref<32x32x128xf32, #tpu.memory_space<vmem>>, %arg8: memref<32x32x128xf32, #tpu.memory_space<vmem>>, %arg9: memref<32x32x128xf32, #tpu.memory_space<vmem>>, %arg10: memref<32x32x128xf32, #tpu.memory_space<vmem>>, %arg11: memref<32x32x128xf32, #tpu.memory_space<vmem>>, %arg12: memref<320x32xf32, #tpu.memory_space<vmem>>) attributes {dimension_semantics = [#tpu.dimension_semantics<arbitrary>], iteration_bounds = array<i64: 9>, scalar_prefetch = 1 : i64, scratch_operands = 0 : i64, tpu.core_type = #tpu.core_type<tc>, window_params = [{transform_indices = @transform_0, window_bounds = array<i64: 32, 32, 128>}, {transform_indices = @transform_1, window_bounds = array<i64: 32, 32, 128>}, {transform_indices = @transform_2, window_bounds = array<i64: 32, 32, 128>}, {transform_indices = @transform_3, window_bounds = array<i64: 32, 32, 128>}, {transform_indices = @transform_4, window_bounds = array<i64: 32, 32, 128>}, {transform_indices = @transform_5, window_bounds = array<i64: 32, 32, 128>}, {transform_indices = @transform_6, window_bounds = array<i64: 32, 32, 128>}, {transform_indices = @transform_7, window_bounds = array<i64: 32, 32, 128>}, {transform_indices = @transform_8, window_bounds = array<i64: 32, 32, 128>}, {transform_indices = @transform_9, window_bounds = array<i64: 32, 32, 128>}, {transform_indices = @transform_10, window_bounds = array<i64: 320, 32>}]} {
    %iota3A = tpu.iota {dimensions = array<i32: 2>} : vector<32x32x128xi32>
    %mul3A = arith.constant 10 : i32
    %mul3A_0 = arith.muli %mul3A, %arg0 : i32
    %add3A = arith.constant 0 : i32
    %add3A_1 = arith.addi %mul3A_0, %add3A : i32
    %get3A = arith.index_cast %add3A_1 : i32 to index
    %get3A_2 = memref.load %arg1[%get3A] : memref<200xi32, #tpu.memory_space<smem>>
    %jit3A = arith.constant 128 : i32
    %eq3A = arith.constant 0 : i32
    %eq3A_3 = arith.cmpi eq, %jit3A, %eq3A : i32
    %jit3A_4 = arith.constant 1 : i32
    %select_n3A = arith.select %eq3A_3, %jit3A_4, %jit3A : i32
    %rem3A = arith.remsi %get3A_2, %select_n3A : i32
    %ne3A = arith.constant 0 : i32
    %ne3A_5 = arith.cmpi ne, %rem3A, %ne3A : i32
    %lt3A = arith.constant 0 : i32
    %lt3A_6 = arith.cmpi slt, %rem3A, %lt3A : i32
    %lt3A_7 = arith.constant 0 : i32
    %lt3A_8 = arith.cmpi slt, %select_n3A, %lt3A_7 : i32
    %ne3A_9 = arith.xori %lt3A_6, %lt3A_8 : i1
    %and3A = arith.andi %ne3A_9, %ne3A_5 : i1
    %add3A_10 = arith.addi %rem3A, %select_n3A : i32
    %select_n3A_11 = arith.select %and3A, %add3A_10, %rem3A : i32
    %get3A_12 = arith.constant 0 : index
    %get3A_13 = arith.constant 0 : index
    %get3A_14 = arith.constant 0 : index
    %get3A_15 = vector.load %arg2[%get3A_12, %get3A_13, %get3A_14] : memref<32x32x128xf32, #tpu.memory_space<vmem>>, vector<32x32x128xf32>
    %eq3A_16 = vector.broadcast %select_n3A_11 : i32 to vector<32x32x128xi32>
    %eq3A_17 = arith.cmpi eq, %iota3A, %eq3A_16 : vector<32x32x128xi32>
    %jit3A_18 = arith.constant 0.000000e+00 : f32
    %broadcast_in_dim3A = vector.broadcast %jit3A_18 : f32 to vector<32x32x128xf32>
    %select_n3A_19 = arith.select %eq3A_17, %get3A_15, %broadcast_in_dim3A : vector<32x32x128xi1>, vector<32x32x128xf32>
    %reduce_sum3A = arith.constant dense<0.000000e+00> : vector<32x32xf32>
    %reduce_sum3A_20 = vector.multi_reduction <add>, %select_n3A_19, %reduce_sum3A [2] : vector<32x32x128xf32> to vector<32x32xf32>
    %swap3A = arith.constant 0 : index
    %swap3A_21 = arith.constant 0 : index
    %swap3A_22 = vector.load %arg12[%swap3A, %swap3A_21] : memref<320x32xf32, #tpu.memory_space<vmem>>, vector<32x32xf32>
    tpu.vector_store %arg12[%swap3A, %swap3A_21], %reduce_sum3A_20 {strides = array<i32>} : memref<320x32xf32, #tpu.memory_space<vmem>>, vector<32x32xf32>,
    %mul3A_23 = arith.constant 10 : i32
    %mul3A_24 = arith.muli %mul3A_23, %arg0 : i32
    %add3A_25 = arith.constant 1 : i32
    %add3A_26 = arith.addi %mul3A_24, %add3A_25 : i32
    %get3A_27 = arith.index_cast %add3A_26 : i32 to index
    %get3A_28 = memref.load %arg1[%get3A_27] : memref<200xi32, #tpu.memory_space<smem>>
    %jit3A_29 = arith.constant 128 : i32
    %eq3A_30 = arith.constant 0 : i32
    %eq3A_31 = arith.cmpi eq, %jit3A_29, %eq3A_30 : i32
    %jit3A_32 = arith.constant 1 : i32
    %select_n3A_33 = arith.select %eq3A_31, %jit3A_32, %jit3A_29 : i32
    %rem3A_34 = arith.remsi %get3A_28, %select_n3A_33 : i32
    %ne3A_35 = arith.constant 0 : i32
    %ne3A_36 = arith.cmpi ne, %rem3A_34, %ne3A_35 : i32
    %lt3A_37 = arith.constant 0 : i32
    %lt3A_38 = arith.cmpi slt, %rem3A_34, %lt3A_37 : i32
    %lt3A_39 = arith.constant 0 : i32
    %lt3A_40 = arith.cmpi slt, %select_n3A_33, %lt3A_39 : i32
    %ne3A_41 = arith.xori %lt3A_38, %lt3A_40 : i1
    %and3A_42 = arith.andi %ne3A_41, %ne3A_36 : i1
    %add3A_43 = arith.addi %rem3A_34, %select_n3A_33 : i32
    %select_n3A_44 = arith.select %and3A_42, %add3A_43, %rem3A_34 : i32
    %get3A_45 = arith.constant 0 : index
    %get3A_46 = arith.constant 0 : index
    %get3A_47 = arith.constant 0 : index
    %get3A_48 = vector.load %arg3[%get3A_45, %get3A_46, %get3A_47] : memref<32x32x128xf32, #tpu.memory_space<vmem>>, vector<32x32x128xf32>
    %eq3A_49 = vector.broadcast %select_n3A_44 : i32 to vector<32x32x128xi32>
    %eq3A_50 = arith.cmpi eq, %iota3A, %eq3A_49 : vector<32x32x128xi32>
    %jit3A_51 = arith.constant 0.000000e+00 : f32
    %broadcast_in_dim3A_52 = vector.broadcast %jit3A_51 : f32 to vector<32x32x128xf32>
    %select_n3A_53 = arith.select %eq3A_50, %get3A_48, %broadcast_in_dim3A_52 : vector<32x32x128xi1>, vector<32x32x128xf32>
    %reduce_sum3A_54 = arith.constant dense<0.000000e+00> : vector<32x32xf32>
    %reduce_sum3A_55 = vector.multi_reduction <add>, %select_n3A_53, %reduce_sum3A_54 [2] : vector<32x32x128xf32> to vector<32x32xf32>
    %swap3A_56 = arith.constant 32 : index
    %swap3A_57 = arith.constant 0 : index
    %swap3A_58 = vector.load %arg12[%swap3A_56, %swap3A_57] : memref<320x32xf32, #tpu.memory_space<vmem>>, vector<32x32xf32>
    tpu.vector_store %arg12[%swap3A_56, %swap3A_57], %reduce_sum3A_55 {strides = array<i32>} : memref<320x32xf32, #tpu.memory_space<vmem>>, vector<32x32xf32>,
    %mul3A_59 = arith.constant 10 : i32
    %mul3A_60 = arith.muli %mul3A_59, %arg0 : i32
    %add3A_61 = arith.constant 2 : i32
    %add3A_62 = arith.addi %mul3A_60, %add3A_61 : i32
    %get3A_63 = arith.index_cast %add3A_62 : i32 to index
    %get3A_64 = memref.load %arg1[%get3A_63] : memref<200xi32, #tpu.memory_space<smem>>
    %jit3A_65 = arith.constant 128 : i32
    %eq3A_66 = arith.constant 0 : i32
    %eq3A_67 = arith.cmpi eq, %jit3A_65, %eq3A_66 : i32
    %jit3A_68 = arith.constant 1 : i32
    %select_n3A_69 = arith.select %eq3A_67, %jit3A_68, %jit3A_65 : i32
    %rem3A_70 = arith.remsi %get3A_64, %select_n3A_69 : i32
    %ne3A_71 = arith.constant 0 : i32
    %ne3A_72 = arith.cmpi ne, %rem3A_70, %ne3A_71 : i32
    %lt3A_73 = arith.constant 0 : i32
    %lt3A_74 = arith.cmpi slt, %rem3A_70, %lt3A_73 : i32
    %lt3A_75 = arith.constant 0 : i32
    %lt3A_76 = arith.cmpi slt, %select_n3A_69, %lt3A_75 : i32
    %ne3A_77 = arith.xori %lt3A_74, %lt3A_76 : i1
    %and3A_78 = arith.andi %ne3A_77, %ne3A_72 : i1
    %add3A_79 = arith.addi %rem3A_70, %select_n3A_69 : i32
    %select_n3A_80 = arith.select %and3A_78, %add3A_79, %rem3A_70 : i32
    %get3A_81 = arith.constant 0 : index
    %get3A_82 = arith.constant 0 : index
    %get3A_83 = arith.constant 0 : index
    %get3A_84 = vector.load %arg4[%get3A_81, %get3A_82, %get3A_83] : memref<32x32x128xf32, #tpu.memory_space<vmem>>, vector<32x32x128xf32>
    %eq3A_85 = vector.broadcast %select_n3A_80 : i32 to vector<32x32x128xi32>
    %eq3A_86 = arith.cmpi eq, %iota3A, %eq3A_85 : vector<32x32x128xi32>
    %jit3A_87 = arith.constant 0.000000e+00 : f32
    %broadcast_in_dim3A_88 = vector.broadcast %jit3A_87 : f32 to vector<32x32x128xf32>
    %select_n3A_89 = arith.select %eq3A_86, %get3A_84, %broadcast_in_dim3A_88 : vector<32x32x128xi1>, vector<32x32x128xf32>
    %reduce_sum3A_90 = arith.constant dense<0.000000e+00> : vector<32x32xf32>
    %reduce_sum3A_91 = vector.multi_reduction <add>, %select_n3A_89, %reduce_sum3A_90 [2] : vector<32x32x128xf32> to vector<32x32xf32>
    %swap3A_92 = arith.constant 64 : index
    %swap3A_93 = arith.constant 0 : index
    %swap3A_94 = vector.load %arg12[%swap3A_92, %swap3A_93] : memref<320x32xf32, #tpu.memory_space<vmem>>, vector<32x32xf32>
    tpu.vector_store %arg12[%swap3A_92, %swap3A_93], %reduce_sum3A_91 {strides = array<i32>} : memref<320x32xf32, #tpu.memory_space<vmem>>, vector<32x32xf32>,
    %mul3A_95 = arith.constant 10 : i32
    %mul3A_96 = arith.muli %mul3A_95, %arg0 : i32
    %add3A_97 = arith.constant 3 : i32
    %add3A_98 = arith.addi %mul3A_96, %add3A_97 : i32
    %get3A_99 = arith.index_cast %add3A_98 : i32 to index
    %get3A_100 = memref.load %arg1[%get3A_99] : memref<200xi32, #tpu.memory_space<smem>>
    %jit3A_101 = arith.constant 128 : i32
    %eq3A_102 = arith.constant 0 : i32
    %eq3A_103 = arith.cmpi eq, %jit3A_101, %eq3A_102 : i32
    %jit3A_104 = arith.constant 1 : i32
    %select_n3A_105 = arith.select %eq3A_103, %jit3A_104, %jit3A_101 : i32
    %rem3A_106 = arith.remsi %get3A_100, %select_n3A_105 : i32
    %ne3A_107 = arith.constant 0 : i32
    %ne3A_108 = arith.cmpi ne, %rem3A_106, %ne3A_107 : i32
    %lt3A_109 = arith.constant 0 : i32
    %lt3A_110 = arith.cmpi slt, %rem3A_106, %lt3A_109 : i32
    %lt3A_111 = arith.constant 0 : i32
    %lt3A_112 = arith.cmpi slt, %select_n3A_105, %lt3A_111 : i32
    %ne3A_113 = arith.xori %lt3A_110, %lt3A_112 : i1
    %and3A_114 = arith.andi %ne3A_113, %ne3A_108 : i1
    %add3A_115 = arith.addi %rem3A_106, %select_n3A_105 : i32
    %select_n3A_116 = arith.select %and3A_114, %add3A_115, %rem3A_106 : i32
    %get3A_117 = arith.constant 0 : index
    %get3A_118 = arith.constant 0 : index
    %get3A_119 = arith.constant 0 : index
    %get3A_120 = vector.load %arg5[%get3A_117, %get3A_118, %get3A_119] : memref<32x32x128xf32, #tpu.memory_space<vmem>>, vector<32x32x128xf32>
    %eq3A_121 = vector.broadcast %select_n3A_116 : i32 to vector<32x32x128xi32>
    %eq3A_122 = arith.cmpi eq, %iota3A, %eq3A_121 : vector<32x32x128xi32>
    %jit3A_123 = arith.constant 0.000000e+00 : f32
    %broadcast_in_dim3A_124 = vector.broadcast %jit3A_123 : f32 to vector<32x32x128xf32>
    %select_n3A_125 = arith.select %eq3A_122, %get3A_120, %broadcast_in_dim3A_124 : vector<32x32x128xi1>, vector<32x32x128xf32>
    %reduce_sum3A_126 = arith.constant dense<0.000000e+00> : vector<32x32xf32>
    %reduce_sum3A_127 = vector.multi_reduction <add>, %select_n3A_125, %reduce_sum3A_126 [2] : vector<32x32x128xf32> to vector<32x32xf32>
    %swap3A_128 = arith.constant 96 : index
    %swap3A_129 = arith.constant 0 : index
    %swap3A_130 = vector.load %arg12[%swap3A_128, %swap3A_129] : memref<320x32xf32, #tpu.memory_space<vmem>>, vector<32x32xf32>
    tpu.vector_store %arg12[%swap3A_128, %swap3A_129], %reduce_sum3A_127 {strides = array<i32>} : memref<320x32xf32, #tpu.memory_space<vmem>>, vector<32x32xf32>,
    %mul3A_131 = arith.constant 10 : i32
    %mul3A_132 = arith.muli %mul3A_131, %arg0 : i32
    %add3A_133 = arith.constant 4 : i32
    %add3A_134 = arith.addi %mul3A_132, %add3A_133 : i32
    %get3A_135 = arith.index_cast %add3A_134 : i32 to index
    %get3A_136 = memref.load %arg1[%get3A_135] : memref<200xi32, #tpu.memory_space<smem>>
    %jit3A_137 = arith.constant 128 : i32
    %eq3A_138 = arith.constant 0 : i32
    %eq3A_139 = arith.cmpi eq, %jit3A_137, %eq3A_138 : i32
    %jit3A_140 = arith.constant 1 : i32
    %select_n3A_141 = arith.select %eq3A_139, %jit3A_140, %jit3A_137 : i32
    %rem3A_142 = arith.remsi %get3A_136, %select_n3A_141 : i32
    %ne3A_143 = arith.constant 0 : i32
    %ne3A_144 = arith.cmpi ne, %rem3A_142, %ne3A_143 : i32
    %lt3A_145 = arith.constant 0 : i32
    %lt3A_146 = arith.cmpi slt, %rem3A_142, %lt3A_145 : i32
    %lt3A_147 = arith.constant 0 : i32
    %lt3A_148 = arith.cmpi slt, %select_n3A_141, %lt3A_147 : i32
    %ne3A_149 = arith.xori %lt3A_146, %lt3A_148 : i1
    %and3A_150 = arith.andi %ne3A_149, %ne3A_144 : i1
    %add3A_151 = arith.addi %rem3A_142, %select_n3A_141 : i32
    %select_n3A_152 = arith.select %and3A_150, %add3A_151, %rem3A_142 : i32
    %get3A_153 = arith.constant 0 : index
    %get3A_154 = arith.constant 0 : index
    %get3A_155 = arith.constant 0 : index
    %get3A_156 = vector.load %arg6[%get3A_153, %get3A_154, %get3A_155] : memref<32x32x128xf32, #tpu.memory_space<vmem>>, vector<32x32x128xf32>
    %eq3A_157 = vector.broadcast %select_n3A_152 : i32 to vector<32x32x128xi32>
    %eq3A_158 = arith.cmpi eq, %iota3A, %eq3A_157 : vector<32x32x128xi32>
    %jit3A_159 = arith.constant 0.000000e+00 : f32
    %broadcast_in_dim3A_160 = vector.broadcast %jit3A_159 : f32 to vector<32x32x128xf32>
    %select_n3A_161 = arith.select %eq3A_158, %get3A_156, %broadcast_in_dim3A_160 : vector<32x32x128xi1>, vector<32x32x128xf32>
    %reduce_sum3A_162 = arith.constant dense<0.000000e+00> : vector<32x32xf32>
    %reduce_sum3A_163 = vector.multi_reduction <add>, %select_n3A_161, %reduce_sum3A_162 [2] : vector<32x32x128xf32> to vector<32x32xf32>
    %swap3A_164 = arith.constant 128 : index
    %swap3A_165 = arith.constant 0 : index
    %swap3A_166 = vector.load %arg12[%swap3A_164, %swap3A_165] : memref<320x32xf32, #tpu.memory_space<vmem>>, vector<32x32xf32>
    tpu.vector_store %arg12[%swap3A_164, %swap3A_165], %reduce_sum3A_163 {strides = array<i32>} : memref<320x32xf32, #tpu.memory_space<vmem>>, vector<32x32xf32>,
    %mul3A_167 = arith.constant 10 : i32
    %mul3A_168 = arith.muli %mul3A_167, %arg0 : i32
    %add3A_169 = arith.constant 5 : i32
    %add3A_170 = arith.addi %mul3A_168, %add3A_169 : i32
    %get3A_171 = arith.index_cast %add3A_170 : i32 to index
    %get3A_172 = memref.load %arg1[%get3A_171] : memref<200xi32, #tpu.memory_space<smem>>
    %jit3A_173 = arith.constant 128 : i32
    %eq3A_174 = arith.constant 0 : i32
    %eq3A_175 = arith.cmpi eq, %jit3A_173, %eq3A_174 : i32
    %jit3A_176 = arith.constant 1 : i32
    %select_n3A_177 = arith.select %eq3A_175, %jit3A_176, %jit3A_173 : i32
    %rem3A_178 = arith.remsi %get3A_172, %select_n3A_177 : i32
    %ne3A_179 = arith.constant 0 : i32
    %ne3A_180 = arith.cmpi ne, %rem3A_178, %ne3A_179 : i32
    %lt3A_181 = arith.constant 0 : i32
    %lt3A_182 = arith.cmpi slt, %rem3A_178, %lt3A_181 : i32
    %lt3A_183 = arith.constant 0 : i32
    %lt3A_184 = arith.cmpi slt, %select_n3A_177, %lt3A_183 : i32
    %ne3A_185 = arith.xori %lt3A_182, %lt3A_184 : i1
    %and3A_186 = arith.andi %ne3A_185, %ne3A_180 : i1
    %add3A_187 = arith.addi %rem3A_178, %select_n3A_177 : i32
    %select_n3A_188 = arith.select %and3A_186, %add3A_187, %rem3A_178 : i32
    %get3A_189 = arith.constant 0 : index
    %get3A_190 = arith.constant 0 : index
    %get3A_191 = arith.constant 0 : index
    %get3A_192 = vector.load %arg7[%get3A_189, %get3A_190, %get3A_191] : memref<32x32x128xf32, #tpu.memory_space<vmem>>, vector<32x32x128xf32>
    %eq3A_193 = vector.broadcast %select_n3A_188 : i32 to vector<32x32x128xi32>
    %eq3A_194 = arith.cmpi eq, %iota3A, %eq3A_193 : vector<32x32x128xi32>
    %jit3A_195 = arith.constant 0.000000e+00 : f32
    %broadcast_in_dim3A_196 = vector.broadcast %jit3A_195 : f32 to vector<32x32x128xf32>
    %select_n3A_197 = arith.select %eq3A_194, %get3A_192, %broadcast_in_dim3A_196 : vector<32x32x128xi1>, vector<32x32x128xf32>
    %reduce_sum3A_198 = arith.constant dense<0.000000e+00> : vector<32x32xf32>
    %reduce_sum3A_199 = vector.multi_reduction <add>, %select_n3A_197, %reduce_sum3A_198 [2] : vector<32x32x128xf32> to vector<32x32xf32>
    %swap3A_200 = arith.constant 160 : index
    %swap3A_201 = arith.constant 0 : index
    %swap3A_202 = vector.load %arg12[%swap3A_200, %swap3A_201] : memref<320x32xf32, #tpu.memory_space<vmem>>, vector<32x32xf32>
    tpu.vector_store %arg12[%swap3A_200, %swap3A_201], %reduce_sum3A_199 {strides = array<i32>} : memref<320x32xf32, #tpu.memory_space<vmem>>, vector<32x32xf32>,
    %mul3A_203 = arith.constant 10 : i32
    %mul3A_204 = arith.muli %mul3A_203, %arg0 : i32
    %add3A_205 = arith.constant 6 : i32
    %add3A_206 = arith.addi %mul3A_204, %add3A_205 : i32
    %get3A_207 = arith.index_cast %add3A_206 : i32 to index
    %get3A_208 = memref.load %arg1[%get3A_207] : memref<200xi32, #tpu.memory_space<smem>>
    %jit3A_209 = arith.constant 128 : i32
    %eq3A_210 = arith.constant 0 : i32
    %eq3A_211 = arith.cmpi eq, %jit3A_209, %eq3A_210 : i32
    %jit3A_212 = arith.constant 1 : i32
    %select_n3A_213 = arith.select %eq3A_211, %jit3A_212, %jit3A_209 : i32
    %rem3A_214 = arith.remsi %get3A_208, %select_n3A_213 : i32
    %ne3A_215 = arith.constant 0 : i32
    %ne3A_216 = arith.cmpi ne, %rem3A_214, %ne3A_215 : i32
    %lt3A_217 = arith.constant 0 : i32
    %lt3A_218 = arith.cmpi slt, %rem3A_214, %lt3A_217 : i32
    %lt3A_219 = arith.constant 0 : i32
    %lt3A_220 = arith.cmpi slt, %select_n3A_213, %lt3A_219 : i32
    %ne3A_221 = arith.xori %lt3A_218, %lt3A_220 : i1
    %and3A_222 = arith.andi %ne3A_221, %ne3A_216 : i1
    %add3A_223 = arith.addi %rem3A_214, %select_n3A_213 : i32
    %select_n3A_224 = arith.select %and3A_222, %add3A_223, %rem3A_214 : i32
    %get3A_225 = arith.constant 0 : index
    %get3A_226 = arith.constant 0 : index
    %get3A_227 = arith.constant 0 : index
    %get3A_228 = vector.load %arg8[%get3A_225, %get3A_226, %get3A_227] : memref<32x32x128xf32, #tpu.memory_space<vmem>>, vector<32x32x128xf32>
    %eq3A_229 = vector.broadcast %select_n3A_224 : i32 to vector<32x32x128xi32>
    %eq3A_230 = arith.cmpi eq, %iota3A, %eq3A_229 : vector<32x32x128xi32>
    %jit3A_231 = arith.constant 0.000000e+00 : f32
    %broadcast_in_dim3A_232 = vector.broadcast %jit3A_231 : f32 to vector<32x32x128xf32>
    %select_n3A_233 = arith.select %eq3A_230, %get3A_228, %broadcast_in_dim3A_232 : vector<32x32x128xi1>, vector<32x32x128xf32>
    %reduce_sum3A_234 = arith.constant dense<0.000000e+00> : vector<32x32xf32>
    %reduce_sum3A_235 = vector.multi_reduction <add>, %select_n3A_233, %reduce_sum3A_234 [2] : vector<32x32x128xf32> to vector<32x32xf32>
    %swap3A_236 = arith.constant 192 : index
    %swap3A_237 = arith.constant 0 : index
    %swap3A_238 = vector.load %arg12[%swap3A_236, %swap3A_237] : memref<320x32xf32, #tpu.memory_space<vmem>>, vector<32x32xf32>
    tpu.vector_store %arg12[%swap3A_236, %swap3A_237], %reduce_sum3A_235 {strides = array<i32>} : memref<320x32xf32, #tpu.memory_space<vmem>>, vector<32x32xf32>,
    %mul3A_239 = arith.constant 10 : i32
    %mul3A_240 = arith.muli %mul3A_239, %arg0 : i32
    %add3A_241 = arith.constant 7 : i32
    %add3A_242 = arith.addi %mul3A_240, %add3A_241 : i32
    %get3A_243 = arith.index_cast %add3A_242 : i32 to index
    %get3A_244 = memref.load %arg1[%get3A_243] : memref<200xi32, #tpu.memory_space<smem>>
    %jit3A_245 = arith.constant 128 : i32
    %eq3A_246 = arith.constant 0 : i32
    %eq3A_247 = arith.cmpi eq, %jit3A_245, %eq3A_246 : i32
    %jit3A_248 = arith.constant 1 : i32
    %select_n3A_249 = arith.select %eq3A_247, %jit3A_248, %jit3A_245 : i32
    %rem3A_250 = arith.remsi %get3A_244, %select_n3A_249 : i32
    %ne3A_251 = arith.constant 0 : i32
    %ne3A_252 = arith.cmpi ne, %rem3A_250, %ne3A_251 : i32
    %lt3A_253 = arith.constant 0 : i32
    %lt3A_254 = arith.cmpi slt, %rem3A_250, %lt3A_253 : i32
    %lt3A_255 = arith.constant 0 : i32
    %lt3A_256 = arith.cmpi slt, %select_n3A_249, %lt3A_255 : i32
    %ne3A_257 = arith.xori %lt3A_254, %lt3A_256 : i1
    %and3A_258 = arith.andi %ne3A_257, %ne3A_252 : i1
    %add3A_259 = arith.addi %rem3A_250, %select_n3A_249 : i32
    %select_n3A_260 = arith.select %and3A_258, %add3A_259, %rem3A_250 : i32
    %get3A_261 = arith.constant 0 : index
    %get3A_262 = arith.constant 0 : index
    %get3A_263 = arith.constant 0 : index
    %get3A_264 = vector.load %arg9[%get3A_261, %get3A_262, %get3A_263] : memref<32x32x128xf32, #tpu.memory_space<vmem>>, vector<32x32x128xf32>
    %eq3A_265 = vector.broadcast %select_n3A_260 : i32 to vector<32x32x128xi32>
    %eq3A_266 = arith.cmpi eq, %iota3A, %eq3A_265 : vector<32x32x128xi32>
    %jit3A_267 = arith.constant 0.000000e+00 : f32
    %broadcast_in_dim3A_268 = vector.broadcast %jit3A_267 : f32 to vector<32x32x128xf32>
    %select_n3A_269 = arith.select %eq3A_266, %get3A_264, %broadcast_in_dim3A_268 : vector<32x32x128xi1>, vector<32x32x128xf32>
    %reduce_sum3A_270 = arith.constant dense<0.000000e+00> : vector<32x32xf32>
    %reduce_sum3A_271 = vector.multi_reduction <add>, %select_n3A_269, %reduce_sum3A_270 [2] : vector<32x32x128xf32> to vector<32x32xf32>
    %swap3A_272 = arith.constant 224 : index
    %swap3A_273 = arith.constant 0 : index
    %swap3A_274 = vector.load %arg12[%swap3A_272, %swap3A_273] : memref<320x32xf32, #tpu.memory_space<vmem>>, vector<32x32xf32>
    tpu.vector_store %arg12[%swap3A_272, %swap3A_273], %reduce_sum3A_271 {strides = array<i32>} : memref<320x32xf32, #tpu.memory_space<vmem>>, vector<32x32xf32>,
    %mul3A_275 = arith.constant 10 : i32
    %mul3A_276 = arith.muli %mul3A_275, %arg0 : i32
    %add3A_277 = arith.constant 8 : i32
    %add3A_278 = arith.addi %mul3A_276, %add3A_277 : i32
    %get3A_279 = arith.index_cast %add3A_278 : i32 to index
    %get3A_280 = memref.load %arg1[%get3A_279] : memref<200xi32, #tpu.memory_space<smem>>
    %jit3A_281 = arith.constant 128 : i32
    %eq3A_282 = arith.constant 0 : i32
    %eq3A_283 = arith.cmpi eq, %jit3A_281, %eq3A_282 : i32
    %jit3A_284 = arith.constant 1 : i32
    %select_n3A_285 = arith.select %eq3A_283, %jit3A_284, %jit3A_281 : i32
    %rem3A_286 = arith.remsi %get3A_280, %select_n3A_285 : i32
    %ne3A_287 = arith.constant 0 : i32
    %ne3A_288 = arith.cmpi ne, %rem3A_286, %ne3A_287 : i32
    %lt3A_289 = arith.constant 0 : i32
    %lt3A_290 = arith.cmpi slt, %rem3A_286, %lt3A_289 : i32
    %lt3A_291 = arith.constant 0 : i32
    %lt3A_292 = arith.cmpi slt, %select_n3A_285, %lt3A_291 : i32
    %ne3A_293 = arith.xori %lt3A_290, %lt3A_292 : i1
    %and3A_294 = arith.andi %ne3A_293, %ne3A_288 : i1
    %add3A_295 = arith.addi %rem3A_286, %select_n3A_285 : i32
    %select_n3A_296 = arith.select %and3A_294, %add3A_295, %rem3A_286 : i32
    %get3A_297 = arith.constant 0 : index
    %get3A_298 = arith.constant 0 : index
    %get3A_299 = arith.constant 0 : index
    %get3A_300 = vector.load %arg10[%get3A_297, %get3A_298, %get3A_299] : memref<32x32x128xf32, #tpu.memory_space<vmem>>, vector<32x32x128xf32>
    %eq3A_301 = vector.broadcast %select_n3A_296 : i32 to vector<32x32x128xi32>
    %eq3A_302 = arith.cmpi eq, %iota3A, %eq3A_301 : vector<32x32x128xi32>
    %jit3A_303 = arith.constant 0.000000e+00 : f32
    %broadcast_in_dim3A_304 = vector.broadcast %jit3A_303 : f32 to vector<32x32x128xf32>
    %select_n3A_305 = arith.select %eq3A_302, %get3A_300, %broadcast_in_dim3A_304 : vector<32x32x128xi1>, vector<32x32x128xf32>
    %reduce_sum3A_306 = arith.constant dense<0.000000e+00> : vector<32x32xf32>
    %reduce_sum3A_307 = vector.multi_reduction <add>, %select_n3A_305, %reduce_sum3A_306 [2] : vector<32x32x128xf32> to vector<32x32xf32>
    %swap3A_308 = arith.constant 256 : index
    %swap3A_309 = arith.constant 0 : index
    %swap3A_310 = vector.load %arg12[%swap3A_308, %swap3A_309] : memref<320x32xf32, #tpu.memory_space<vmem>>, vector<32x32xf32>
    tpu.vector_store %arg12[%swap3A_308, %swap3A_309], %reduce_sum3A_307 {strides = array<i32>} : memref<320x32xf32, #tpu.memory_space<vmem>>, vector<32x32xf32>,
    %mul3A_311 = arith.constant 10 : i32
    %mul3A_312 = arith.muli %mul3A_311, %arg0 : i32
    %add3A_313 = arith.constant 9 : i32
    %add3A_314 = arith.addi %mul3A_312, %add3A_313 : i32
    %get3A_315 = arith.index_cast %add3A_314 : i32 to index
    %get3A_316 = memref.load %arg1[%get3A_315] : memref<200xi32, #tpu.memory_space<smem>>
    %jit3A_317 = arith.constant 128 : i32
    %eq3A_318 = arith.constant 0 : i32
    %eq3A_319 = arith.cmpi eq, %jit3A_317, %eq3A_318 : i32
    %jit3A_320 = arith.constant 1 : i32
    %select_n3A_321 = arith.select %eq3A_319, %jit3A_320, %jit3A_317 : i32
    %rem3A_322 = arith.remsi %get3A_316, %select_n3A_321 : i32
    %ne3A_323 = arith.constant 0 : i32
    %ne3A_324 = arith.cmpi ne, %rem3A_322, %ne3A_323 : i32
    %lt3A_325 = arith.constant 0 : i32
    %lt3A_326 = arith.cmpi slt, %rem3A_322, %lt3A_325 : i32
    %lt3A_327 = arith.constant 0 : i32
    %lt3A_328 = arith.cmpi slt, %select_n3A_321, %lt3A_327 : i32
    %ne3A_329 = arith.xori %lt3A_326, %lt3A_328 : i1
    %and3A_330 = arith.andi %ne3A_329, %ne3A_324 : i1
    %add3A_331 = arith.addi %rem3A_322, %select_n3A_321 : i32
    %select_n3A_332 = arith.select %and3A_330, %add3A_331, %rem3A_322 : i32
    %get3A_333 = arith.constant 0 : index
    %get3A_334 = arith.constant 0 : index
    %get3A_335 = arith.constant 0 : index
    %get3A_336 = vector.load %arg11[%get3A_333, %get3A_334, %get3A_335] : memref<32x32x128xf32, #tpu.memory_space<vmem>>, vector<32x32x128xf32>
    %eq3A_337 = vector.broadcast %select_n3A_332 : i32 to vector<32x32x128xi32>
    %eq3A_338 = arith.cmpi eq, %iota3A, %eq3A_337 : vector<32x32x128xi32>
    %jit3A_339 = arith.constant 0.000000e+00 : f32
    %broadcast_in_dim3A_340 = vector.broadcast %jit3A_339 : f32 to vector<32x32x128xf32>
    %select_n3A_341 = arith.select %eq3A_338, %get3A_336, %broadcast_in_dim3A_340 : vector<32x32x128xi1>, vector<32x32x128xf32>
    %reduce_sum3A_342 = arith.constant dense<0.000000e+00> : vector<32x32xf32>
    %reduce_sum3A_343 = vector.multi_reduction <add>, %select_n3A_341, %reduce_sum3A_342 [2] : vector<32x32x128xf32> to vector<32x32xf32>
    %swap3A_344 = arith.constant 288 : index
    %swap3A_345 = arith.constant 0 : index
    %swap3A_346 = vector.load %arg12[%swap3A_344, %swap3A_345] : memref<320x32xf32, #tpu.memory_space<vmem>>, vector<32x32xf32>
    tpu.vector_store %arg12[%swap3A_344, %swap3A_345], %reduce_sum3A_343 {strides = array<i32>} : memref<320x32xf32, #tpu.memory_space<vmem>>, vector<32x32xf32>,
    return
  }
  func.func @transform_0(%arg0: i32, %arg1: memref<200xi32, #tpu.memory_space<smem>>) -> (i32, i32, i32) {
    %mul3A = arith.constant 10 : i32
    %mul3A_0 = arith.muli %mul3A, %arg0 : i32
    %add3A = arith.constant 0 : i32
    %add3A_1 = arith.addi %mul3A_0, %add3A : i32
    %get3A = arith.index_cast %add3A_1 : i32 to index
    %get3A_2 = memref.load %arg1[%get3A] : memref<200xi32, #tpu.memory_space<smem>>
    %jit3A = arith.constant 128 : i32
    %div3A = arith.divsi %get3A_2, %jit3A : i32
    %sign3A = arith.constant 0 : i32
    %sign3A_3 = arith.cmpi sgt, %get3A_2, %sign3A : i32
    %sign3A_4 = arith.extui %sign3A_3 : i1 to i32
    %sign3A_5 = arith.constant 0 : i32
    %sign3A_6 = arith.cmpi slt, %get3A_2, %sign3A_5 : i32
    %sign3A_7 = arith.extui %sign3A_6 : i1 to i32
    %sign3A_8 = arith.subi %sign3A_4, %sign3A_7 : i32
    %sign3A_9 = arith.constant 0 : i32
    %sign3A_10 = arith.cmpi sgt, %jit3A, %sign3A_9 : i32
    %sign3A_11 = arith.extui %sign3A_10 : i1 to i32
    %sign3A_12 = arith.constant 0 : i32
    %sign3A_13 = arith.cmpi slt, %jit3A, %sign3A_12 : i32
    %sign3A_14 = arith.extui %sign3A_13 : i1 to i32
    %sign3A_15 = arith.subi %sign3A_11, %sign3A_14 : i32
    %ne3A = arith.cmpi ne, %sign3A_8, %sign3A_15 : i32
    %rem3A = arith.remsi %get3A_2, %jit3A : i32
    %ne3A_16 = arith.constant 0 : i32
    %ne3A_17 = arith.cmpi ne, %rem3A, %ne3A_16 : i32
    %and3A = arith.andi %ne3A, %ne3A_17 : i1
    %sub3A = arith.constant 1 : i32
    %sub3A_18 = arith.subi %div3A, %sub3A : i32
    %select_n3A = arith.select %and3A, %sub3A_18, %div3A : i32
    %c0_i32 = arith.constant 0 : i32
    %c0_i32_19 = arith.constant 0 : i32
    %c0_i32_20 = arith.constant 0 : i32
    return %c0_i32, %c0_i32_19, %select_n3A : i32, i32, i32
  }
  func.func @transform_1(%arg0: i32, %arg1: memref<200xi32, #tpu.memory_space<smem>>) -> (i32, i32, i32) {
    %mul3A = arith.constant 10 : i32
    %mul3A_0 = arith.muli %mul3A, %arg0 : i32
    %add3A = arith.constant 1 : i32
    %add3A_1 = arith.addi %mul3A_0, %add3A : i32
    %get3A = arith.index_cast %add3A_1 : i32 to index
    %get3A_2 = memref.load %arg1[%get3A] : memref<200xi32, #tpu.memory_space<smem>>
    %jit3A = arith.constant 128 : i32
    %div3A = arith.divsi %get3A_2, %jit3A : i32
    %sign3A = arith.constant 0 : i32
    %sign3A_3 = arith.cmpi sgt, %get3A_2, %sign3A : i32
    %sign3A_4 = arith.extui %sign3A_3 : i1 to i32
    %sign3A_5 = arith.constant 0 : i32
    %sign3A_6 = arith.cmpi slt, %get3A_2, %sign3A_5 : i32
    %sign3A_7 = arith.extui %sign3A_6 : i1 to i32
    %sign3A_8 = arith.subi %sign3A_4, %sign3A_7 : i32
    %sign3A_9 = arith.constant 0 : i32
    %sign3A_10 = arith.cmpi sgt, %jit3A, %sign3A_9 : i32
    %sign3A_11 = arith.extui %sign3A_10 : i1 to i32
    %sign3A_12 = arith.constant 0 : i32
    %sign3A_13 = arith.cmpi slt, %jit3A, %sign3A_12 : i32
    %sign3A_14 = arith.extui %sign3A_13 : i1 to i32
    %sign3A_15 = arith.subi %sign3A_11, %sign3A_14 : i32
    %ne3A = arith.cmpi ne, %sign3A_8, %sign3A_15 : i32
    %rem3A = arith.remsi %get3A_2, %jit3A : i32
    %ne3A_16 = arith.constant 0 : i32
    %ne3A_17 = arith.cmpi ne, %rem3A, %ne3A_16 : i32
    %and3A = arith.andi %ne3A, %ne3A_17 : i1
    %sub3A = arith.constant 1 : i32
    %sub3A_18 = arith.subi %div3A, %sub3A : i32
    %select_n3A = arith.select %and3A, %sub3A_18, %div3A : i32
    %c0_i32 = arith.constant 0 : i32
    %c0_i32_19 = arith.constant 0 : i32
    %c0_i32_20 = arith.constant 0 : i32
    return %c0_i32, %c0_i32_19, %select_n3A : i32, i32, i32
  }
  func.func @transform_2(%arg0: i32, %arg1: memref<200xi32, #tpu.memory_space<smem>>) -> (i32, i32, i32) {
    %mul3A = arith.constant 10 : i32
    %mul3A_0 = arith.muli %mul3A, %arg0 : i32
    %add3A = arith.constant 2 : i32
    %add3A_1 = arith.addi %mul3A_0, %add3A : i32
    %get3A = arith.index_cast %add3A_1 : i32 to index
    %get3A_2 = memref.load %arg1[%get3A] : memref<200xi32, #tpu.memory_space<smem>>
    %jit3A = arith.constant 128 : i32
    %div3A = arith.divsi %get3A_2, %jit3A : i32
    %sign3A = arith.constant 0 : i32
    %sign3A_3 = arith.cmpi sgt, %get3A_2, %sign3A : i32
    %sign3A_4 = arith.extui %sign3A_3 : i1 to i32
    %sign3A_5 = arith.constant 0 : i32
    %sign3A_6 = arith.cmpi slt, %get3A_2, %sign3A_5 : i32
    %sign3A_7 = arith.extui %sign3A_6 : i1 to i32
    %sign3A_8 = arith.subi %sign3A_4, %sign3A_7 : i32
    %sign3A_9 = arith.constant 0 : i32
    %sign3A_10 = arith.cmpi sgt, %jit3A, %sign3A_9 : i32
    %sign3A_11 = arith.extui %sign3A_10 : i1 to i32
    %sign3A_12 = arith.constant 0 : i32
    %sign3A_13 = arith.cmpi slt, %jit3A, %sign3A_12 : i32
    %sign3A_14 = arith.extui %sign3A_13 : i1 to i32
    %sign3A_15 = arith.subi %sign3A_11, %sign3A_14 : i32
    %ne3A = arith.cmpi ne, %sign3A_8, %sign3A_15 : i32
    %rem3A = arith.remsi %get3A_2, %jit3A : i32
    %ne3A_16 = arith.constant 0 : i32
    %ne3A_17 = arith.cmpi ne, %rem3A, %ne3A_16 : i32
    %and3A = arith.andi %ne3A, %ne3A_17 : i1
    %sub3A = arith.constant 1 : i32
    %sub3A_18 = arith.subi %div3A, %sub3A : i32
    %select_n3A = arith.select %and3A, %sub3A_18, %div3A : i32
    %c0_i32 = arith.constant 0 : i32
    %c0_i32_19 = arith.constant 0 : i32
    %c0_i32_20 = arith.constant 0 : i32
    return %c0_i32, %c0_i32_19, %select_n3A : i32, i32, i32
  }
  func.func @transform_3(%arg0: i32, %arg1: memref<200xi32, #tpu.memory_space<smem>>) -> (i32, i32, i32) {
    %mul3A = arith.constant 10 : i32
    %mul3A_0 = arith.muli %mul3A, %arg0 : i32
    %add3A = arith.constant 3 : i32
    %add3A_1 = arith.addi %mul3A_0, %add3A : i32
    %get3A = arith.index_cast %add3A_1 : i32 to index
    %get3A_2 = memref.load %arg1[%get3A] : memref<200xi32, #tpu.memory_space<smem>>
    %jit3A = arith.constant 128 : i32
    %div3A = arith.divsi %get3A_2, %jit3A : i32
    %sign3A = arith.constant 0 : i32
    %sign3A_3 = arith.cmpi sgt, %get3A_2, %sign3A : i32
    %sign3A_4 = arith.extui %sign3A_3 : i1 to i32
    %sign3A_5 = arith.constant 0 : i32
    %sign3A_6 = arith.cmpi slt, %get3A_2, %sign3A_5 : i32
    %sign3A_7 = arith.extui %sign3A_6 : i1 to i32
    %sign3A_8 = arith.subi %sign3A_4, %sign3A_7 : i32
    %sign3A_9 = arith.constant 0 : i32
    %sign3A_10 = arith.cmpi sgt, %jit3A, %sign3A_9 : i32
    %sign3A_11 = arith.extui %sign3A_10 : i1 to i32
    %sign3A_12 = arith.constant 0 : i32
    %sign3A_13 = arith.cmpi slt, %jit3A, %sign3A_12 : i32
    %sign3A_14 = arith.extui %sign3A_13 : i1 to i32
    %sign3A_15 = arith.subi %sign3A_11, %sign3A_14 : i32
    %ne3A = arith.cmpi ne, %sign3A_8, %sign3A_15 : i32
    %rem3A = arith.remsi %get3A_2, %jit3A : i32
    %ne3A_16 = arith.constant 0 : i32
    %ne3A_17 = arith.cmpi ne, %rem3A, %ne3A_16 : i32
    %and3A = arith.andi %ne3A, %ne3A_17 : i1
    %sub3A = arith.constant 1 : i32
    %sub3A_18 = arith.subi %div3A, %sub3A : i32
    %select_n3A = arith.select %and3A, %sub3A_18, %div3A : i32
    %c0_i32 = arith.constant 0 : i32
    %c0_i32_19 = arith.constant 0 : i32
    %c0_i32_20 = arith.constant 0 : i32
    return %c0_i32, %c0_i32_19, %select_n3A : i32, i32, i32
  }
  func.func @transform_4(%arg0: i32, %arg1: memref<200xi32, #tpu.memory_space<smem>>) -> (i32, i32, i32) {
    %mul3A = arith.constant 10 : i32
    %mul3A_0 = arith.muli %mul3A, %arg0 : i32
    %add3A = arith.constant 4 : i32
    %add3A_1 = arith.addi %mul3A_0, %add3A : i32
    %get3A = arith.index_cast %add3A_1 : i32 to index
    %get3A_2 = memref.load %arg1[%get3A] : memref<200xi32, #tpu.memory_space<smem>>
    %jit3A = arith.constant 128 : i32
    %div3A = arith.divsi %get3A_2, %jit3A : i32
    %sign3A = arith.constant 0 : i32
    %sign3A_3 = arith.cmpi sgt, %get3A_2, %sign3A : i32
    %sign3A_4 = arith.extui %sign3A_3 : i1 to i32
    %sign3A_5 = arith.constant 0 : i32
    %sign3A_6 = arith.cmpi slt, %get3A_2, %sign3A_5 : i32
    %sign3A_7 = arith.extui %sign3A_6 : i1 to i32
    %sign3A_8 = arith.subi %sign3A_4, %sign3A_7 : i32
    %sign3A_9 = arith.constant 0 : i32
    %sign3A_10 = arith.cmpi sgt, %jit3A, %sign3A_9 : i32
    %sign3A_11 = arith.extui %sign3A_10 : i1 to i32
    %sign3A_12 = arith.constant 0 : i32
    %sign3A_13 = arith.cmpi slt, %jit3A, %sign3A_12 : i32
    %sign3A_14 = arith.extui %sign3A_13 : i1 to i32
    %sign3A_15 = arith.subi %sign3A_11, %sign3A_14 : i32
    %ne3A = arith.cmpi ne, %sign3A_8, %sign3A_15 : i32
    %rem3A = arith.remsi %get3A_2, %jit3A : i32
    %ne3A_16 = arith.constant 0 : i32
    %ne3A_17 = arith.cmpi ne, %rem3A, %ne3A_16 : i32
    %and3A = arith.andi %ne3A, %ne3A_17 : i1
    %sub3A = arith.constant 1 : i32
    %sub3A_18 = arith.subi %div3A, %sub3A : i32
    %select_n3A = arith.select %and3A, %sub3A_18, %div3A : i32
    %c0_i32 = arith.constant 0 : i32
    %c0_i32_19 = arith.constant 0 : i32
    %c0_i32_20 = arith.constant 0 : i32
    return %c0_i32, %c0_i32_19, %select_n3A : i32, i32, i32
  }
  func.func @transform_5(%arg0: i32, %arg1: memref<200xi32, #tpu.memory_space<smem>>) -> (i32, i32, i32) {
    %mul3A = arith.constant 10 : i32
    %mul3A_0 = arith.muli %mul3A, %arg0 : i32
    %add3A = arith.constant 5 : i32
    %add3A_1 = arith.addi %mul3A_0, %add3A : i32
    %get3A = arith.index_cast %add3A_1 : i32 to index
    %get3A_2 = memref.load %arg1[%get3A] : memref<200xi32, #tpu.memory_space<smem>>
    %jit3A = arith.constant 128 : i32
    %div3A = arith.divsi %get3A_2, %jit3A : i32
    %sign3A = arith.constant 0 : i32
    %sign3A_3 = arith.cmpi sgt, %get3A_2, %sign3A : i32
    %sign3A_4 = arith.extui %sign3A_3 : i1 to i32
    %sign3A_5 = arith.constant 0 : i32
    %sign3A_6 = arith.cmpi slt, %get3A_2, %sign3A_5 : i32
    %sign3A_7 = arith.extui %sign3A_6 : i1 to i32
    %sign3A_8 = arith.subi %sign3A_4, %sign3A_7 : i32
    %sign3A_9 = arith.constant 0 : i32
    %sign3A_10 = arith.cmpi sgt, %jit3A, %sign3A_9 : i32
    %sign3A_11 = arith.extui %sign3A_10 : i1 to i32
    %sign3A_12 = arith.constant 0 : i32
    %sign3A_13 = arith.cmpi slt, %jit3A, %sign3A_12 : i32
    %sign3A_14 = arith.extui %sign3A_13 : i1 to i32
    %sign3A_15 = arith.subi %sign3A_11, %sign3A_14 : i32
    %ne3A = arith.cmpi ne, %sign3A_8, %sign3A_15 : i32
    %rem3A = arith.remsi %get3A_2, %jit3A : i32
    %ne3A_16 = arith.constant 0 : i32
    %ne3A_17 = arith.cmpi ne, %rem3A, %ne3A_16 : i32
    %and3A = arith.andi %ne3A, %ne3A_17 : i1
    %sub3A = arith.constant 1 : i32
    %sub3A_18 = arith.subi %div3A, %sub3A : i32
    %select_n3A = arith.select %and3A, %sub3A_18, %div3A : i32
    %c0_i32 = arith.constant 0 : i32
    %c0_i32_19 = arith.constant 0 : i32
    %c0_i32_20 = arith.constant 0 : i32
    return %c0_i32, %c0_i32_19, %select_n3A : i32, i32, i32
  }
  func.func @transform_6(%arg0: i32, %arg1: memref<200xi32, #tpu.memory_space<smem>>) -> (i32, i32, i32) {
    %mul3A = arith.constant 10 : i32
    %mul3A_0 = arith.muli %mul3A, %arg0 : i32
    %add3A = arith.constant 6 : i32
    %add3A_1 = arith.addi %mul3A_0, %add3A : i32
    %get3A = arith.index_cast %add3A_1 : i32 to index
    %get3A_2 = memref.load %arg1[%get3A] : memref<200xi32, #tpu.memory_space<smem>>
    %jit3A = arith.constant 128 : i32
    %div3A = arith.divsi %get3A_2, %jit3A : i32
    %sign3A = arith.constant 0 : i32
    %sign3A_3 = arith.cmpi sgt, %get3A_2, %sign3A : i32
    %sign3A_4 = arith.extui %sign3A_3 : i1 to i32
    %sign3A_5 = arith.constant 0 : i32
    %sign3A_6 = arith.cmpi slt, %get3A_2, %sign3A_5 : i32
    %sign3A_7 = arith.extui %sign3A_6 : i1 to i32
    %sign3A_8 = arith.subi %sign3A_4, %sign3A_7 : i32
    %sign3A_9 = arith.constant 0 : i32
    %sign3A_10 = arith.cmpi sgt, %jit3A, %sign3A_9 : i32
    %sign3A_11 = arith.extui %sign3A_10 : i1 to i32
    %sign3A_12 = arith.constant 0 : i32
    %sign3A_13 = arith.cmpi slt, %jit3A, %sign3A_12 : i32
    %sign3A_14 = arith.extui %sign3A_13 : i1 to i32
    %sign3A_15 = arith.subi %sign3A_11, %sign3A_14 : i32
    %ne3A = arith.cmpi ne, %sign3A_8, %sign3A_15 : i32
    %rem3A = arith.remsi %get3A_2, %jit3A : i32
    %ne3A_16 = arith.constant 0 : i32
    %ne3A_17 = arith.cmpi ne, %rem3A, %ne3A_16 : i32
    %and3A = arith.andi %ne3A, %ne3A_17 : i1
    %sub3A = arith.constant 1 : i32
    %sub3A_18 = arith.subi %div3A, %sub3A : i32
    %select_n3A = arith.select %and3A, %sub3A_18, %div3A : i32
    %c0_i32 = arith.constant 0 : i32
    %c0_i32_19 = arith.constant 0 : i32
    %c0_i32_20 = arith.constant 0 : i32
    return %c0_i32, %c0_i32_19, %select_n3A : i32, i32, i32
  }
  func.func @transform_7(%arg0: i32, %arg1: memref<200xi32, #tpu.memory_space<smem>>) -> (i32, i32, i32) {
    %mul3A = arith.constant 10 : i32
    %mul3A_0 = arith.muli %mul3A, %arg0 : i32
    %add3A = arith.constant 7 : i32
    %add3A_1 = arith.addi %mul3A_0, %add3A : i32
    %get3A = arith.index_cast %add3A_1 : i32 to index
    %get3A_2 = memref.load %arg1[%get3A] : memref<200xi32, #tpu.memory_space<smem>>
    %jit3A = arith.constant 128 : i32
    %div3A = arith.divsi %get3A_2, %jit3A : i32
    %sign3A = arith.constant 0 : i32
    %sign3A_3 = arith.cmpi sgt, %get3A_2, %sign3A : i32
    %sign3A_4 = arith.extui %sign3A_3 : i1 to i32
    %sign3A_5 = arith.constant 0 : i32
    %sign3A_6 = arith.cmpi slt, %get3A_2, %sign3A_5 : i32
    %sign3A_7 = arith.extui %sign3A_6 : i1 to i32
    %sign3A_8 = arith.subi %sign3A_4, %sign3A_7 : i32
    %sign3A_9 = arith.constant 0 : i32
    %sign3A_10 = arith.cmpi sgt, %jit3A, %sign3A_9 : i32
    %sign3A_11 = arith.extui %sign3A_10 : i1 to i32
    %sign3A_12 = arith.constant 0 : i32
    %sign3A_13 = arith.cmpi slt, %jit3A, %sign3A_12 : i32
    %sign3A_14 = arith.extui %sign3A_13 : i1 to i32
    %sign3A_15 = arith.subi %sign3A_11, %sign3A_14 : i32
    %ne3A = arith.cmpi ne, %sign3A_8, %sign3A_15 : i32
    %rem3A = arith.remsi %get3A_2, %jit3A : i32
    %ne3A_16 = arith.constant 0 : i32
    %ne3A_17 = arith.cmpi ne, %rem3A, %ne3A_16 : i32
    %and3A = arith.andi %ne3A, %ne3A_17 : i1
    %sub3A = arith.constant 1 : i32
    %sub3A_18 = arith.subi %div3A, %sub3A : i32
    %select_n3A = arith.select %and3A, %sub3A_18, %div3A : i32
    %c0_i32 = arith.constant 0 : i32
    %c0_i32_19 = arith.constant 0 : i32
    %c0_i32_20 = arith.constant 0 : i32
    return %c0_i32, %c0_i32_19, %select_n3A : i32, i32, i32
  }
  func.func @transform_8(%arg0: i32, %arg1: memref<200xi32, #tpu.memory_space<smem>>) -> (i32, i32, i32) {
    %mul3A = arith.constant 10 : i32
    %mul3A_0 = arith.muli %mul3A, %arg0 : i32
    %add3A = arith.constant 8 : i32
    %add3A_1 = arith.addi %mul3A_0, %add3A : i32
    %get3A = arith.index_cast %add3A_1 : i32 to index
    %get3A_2 = memref.load %arg1[%get3A] : memref<200xi32, #tpu.memory_space<smem>>
    %jit3A = arith.constant 128 : i32
    %div3A = arith.divsi %get3A_2, %jit3A : i32
    %sign3A = arith.constant 0 : i32
    %sign3A_3 = arith.cmpi sgt, %get3A_2, %sign3A : i32
    %sign3A_4 = arith.extui %sign3A_3 : i1 to i32
    %sign3A_5 = arith.constant 0 : i32
    %sign3A_6 = arith.cmpi slt, %get3A_2, %sign3A_5 : i32
    %sign3A_7 = arith.extui %sign3A_6 : i1 to i32
    %sign3A_8 = arith.subi %sign3A_4, %sign3A_7 : i32
    %sign3A_9 = arith.constant 0 : i32
    %sign3A_10 = arith.cmpi sgt, %jit3A, %sign3A_9 : i32
    %sign3A_11 = arith.extui %sign3A_10 : i1 to i32
    %sign3A_12 = arith.constant 0 : i32
    %sign3A_13 = arith.cmpi slt, %jit3A, %sign3A_12 : i32
    %sign3A_14 = arith.extui %sign3A_13 : i1 to i32
    %sign3A_15 = arith.subi %sign3A_11, %sign3A_14 : i32
    %ne3A = arith.cmpi ne, %sign3A_8, %sign3A_15 : i32
    %rem3A = arith.remsi %get3A_2, %jit3A : i32
    %ne3A_16 = arith.constant 0 : i32
    %ne3A_17 = arith.cmpi ne, %rem3A, %ne3A_16 : i32
    %and3A = arith.andi %ne3A, %ne3A_17 : i1
    %sub3A = arith.constant 1 : i32
    %sub3A_18 = arith.subi %div3A, %sub3A : i32
    %select_n3A = arith.select %and3A, %sub3A_18, %div3A : i32
    %c0_i32 = arith.constant 0 : i32
    %c0_i32_19 = arith.constant 0 : i32
    %c0_i32_20 = arith.constant 0 : i32
    return %c0_i32, %c0_i32_19, %select_n3A : i32, i32, i32
  }
  func.func @transform_9(%arg0: i32, %arg1: memref<200xi32, #tpu.memory_space<smem>>) -> (i32, i32, i32) {
    %mul3A = arith.constant 10 : i32
    %mul3A_0 = arith.muli %mul3A, %arg0 : i32
    %add3A = arith.constant 9 : i32
    %add3A_1 = arith.addi %mul3A_0, %add3A : i32
    %get3A = arith.index_cast %add3A_1 : i32 to index
    %get3A_2 = memref.load %arg1[%get3A] : memref<200xi32, #tpu.memory_space<smem>>
    %jit3A = arith.constant 128 : i32
    %div3A = arith.divsi %get3A_2, %jit3A : i32
    %sign3A = arith.constant 0 : i32
    %sign3A_3 = arith.cmpi sgt, %get3A_2, %sign3A : i32
    %sign3A_4 = arith.extui %sign3A_3 : i1 to i32
    %sign3A_5 = arith.constant 0 : i32
    %sign3A_6 = arith.cmpi slt, %get3A_2, %sign3A_5 : i32
    %sign3A_7 = arith.extui %sign3A_6 : i1 to i32
    %sign3A_8 = arith.subi %sign3A_4, %sign3A_7 : i32
    %sign3A_9 = arith.constant 0 : i32
    %sign3A_10 = arith.cmpi sgt, %jit3A, %sign3A_9 : i32
    %sign3A_11 = arith.extui %sign3A_10 : i1 to i32
    %sign3A_12 = arith.constant 0 : i32
    %sign3A_13 = arith.cmpi slt, %jit3A, %sign3A_12 : i32
    %sign3A_14 = arith.extui %sign3A_13 : i1 to i32
    %sign3A_15 = arith.subi %sign3A_11, %sign3A_14 : i32
    %ne3A = arith.cmpi ne, %sign3A_8, %sign3A_15 : i32
    %rem3A = arith.remsi %get3A_2, %jit3A : i32
    %ne3A_16 = arith.constant 0 : i32
    %ne3A_17 = arith.cmpi ne, %rem3A, %ne3A_16 : i32
    %and3A = arith.andi %ne3A, %ne3A_17 : i1
    %sub3A = arith.constant 1 : i32
    %sub3A_18 = arith.subi %div3A, %sub3A : i32
    %select_n3A = arith.select %and3A, %sub3A_18, %div3A : i32
    %c0_i32 = arith.constant 0 : i32
    %c0_i32_19 = arith.constant 0 : i32
    %c0_i32_20 = arith.constant 0 : i32
    return %c0_i32, %c0_i32_19, %select_n3A : i32, i32, i32
  }
  func.func @transform_10(%arg0: i32, %arg1: memref<200xi32, #tpu.memory_space<smem>>) -> (i32, i32) {
    %c0_i32 = arith.constant 0 : i32
    %c0_i32_0 = arith.constant 0 : i32
    return %arg0, %c0_i32 : i32, i32
  }
}

</mosaic_0001>

<sc_bundles>
// kernel: kernel.6.cloned.1.call-start
scs
__scs_entry_jumppad:
0x0: {  	(pc) =	sbr.rel $0x88, $3  }
0x1: {  	(tag) =	ssettag $0x0;
	lr =	simm.s32 $0x1  }
0x2: {  	[smem:$0x3F9D] =	sst lr;
	_ =	strace $0xD0000000  }
0x3: {  	_ = 	snop  }
0x4: {  	_ = 	snop  }
0x5: {  	_ = 	snop  }
0x6: {  	_ = 	snop  }
0x7: {  	_ = 	snop  }
__scs_overlays_trampoline_lowered:
0x8: {  	[smem:$0x3FAC] =	sst s0  }
0x9: {  	[smem:$0x3FAD] =	sst s1  }
0xa: {  	[smem:$0x3FAE] =	sst s2  }
0xb: {  	[smem:$0x3FAF] =	sst s3  }
0xc: {  	[smem:$0x3FB0] =	sst s4  }
0xd: {  	[smem:$0x3FB1] =	sst s5  }
0xe: {  	[smem:$0x3FB2] =	sst s6  }
0xf: {  	[smem:$0x3FB3] =	sst s7  }
0x10: {  	[smem:$0x3FB4] =	sst s8  }
0x11: {  	[smem:$0x3FB5] =	sst s9;
	s0 =	simm.s32 @!p0 $0x0  }
0x12: {  	s1 =	sld [smem:$0x3F9B];
	s0 =	simm.s32 @p0 $0x1  }
0x13: {  	[smem:$0x3FB6] =	sst s0;
	s0 =	simm.s32 @!p1 $0x0  }
0x14: {  	s2 =	sld [smem:$0x3F9A];
	s0 =	simm.s32 @p1 $0x1  }
0x15: {  	[smem:$0x3FB7] =	sst s0;
	s0 =	simm.s32 @!p2 $0x0  }
0x16: {  	s3 =	sld [smem:$0x3FDB];
	s0 =	simm.s32 @p2 $0x1  }
0x17: {  	s4 =	simm.s32 $0x1BF5;
	[smem:$0x3FB9] =	sst s0  }
0x18: {  	s0 =	sld [smem:$0x3F9C];
	_ =	swait.ge [sflag:s4], $0x0  }
0x19: {  	s7 =	sld [smem:$0x3F9D]  }
0x1a: {  	s8 =	sadd.s32 $0xFFFFE003, lr  }
0x1b: {  	s9 =	sadd.s32 $0xFFFFFEF7, lr;
	s5 =	simm.s32 $0xFFFFFFFF;
	p2 =	slt.u32 s8, $0xFFFFF086  }
0x1c: {  	p1 =	slt.u32 s9, $0xF7A;
	s5 =	simm.s32 @!p2 $0x0  }
0x1d: {  	s5 =	simm.s32 @p1 $0x1;
	p0 =	seq.s32 s7, s2  }
0x1e: {  	s7 =	smul.u32 @!p0 $0xF7A, s2;
	p2 =	seq.s32 @!p0 s5, $0x0  }
0x1f: {  	s9 =	smul.u32 $0xF7A, s1;
	s8 =	simm.s32 @!p0 $0x1BF5;
	p2 =	por !p2, p0  }
0x20: {  	[sflag:s8] =	ssyncset.s32 @!p0 $0xFFFFF086;
	s6 =	sadd.s32 @!p0 s3, s7;
	s7 =	simm.s32 @!p0 $0x108  }
0x21: {  	s3 =	sadd.s32 s3, s9;
	s6 =	sadd.s32 @!p0 $0x88, s6;
	s7 =	simm.s32 @p2 $0x1082  }
0x22: {  	[simem:s7], [sflag:s8] =	dma.local @!p0 [hbm:s6], $0xF7A  }
0x23: {  	s9 =	sor.u32 $0xD0000000, s2;
	s6 =	simm.s32 $0x108;
	_ =	swait.ge @!p0 [sflag:s8], $0x0  }
0x24: {  	s3 =	sadd.s32 $0x88, s3;
	s6 =	simm.s32 @!p1 $0x1082;
	[sflag:s4] =	ssyncset.s32 $0xFFFFF086  }
0x25: {  	[simem:s6], [sflag:s4] =	dma.local [hbm:s3], $0xF7A  }
0x26: {  	[smem:$0x3F9D] =	sst s1;
	(tag) =	ssettag s2;
	_ =	strace s9  }
0x27: {  	s1 =	sld [smem:$0x3FAD]  }
0x28: {  	s2 =	sld [smem:$0x3FAE]  }
0x29: {  	s4 =	sld [smem:$0x3FB0]  }
0x2a: {  	p0 =	seq.s32 s5, $0x0;
	s5 =	sld [smem:$0x3FB1]  }
0x2b: {  	s6 =	sld [smem:$0x3FB2]  }
0x2c: {  	s7 =	sld [smem:$0x3FB3]  }
0x2d: {  	s3 =	simm.s32 $0x108;
	s8 =	sld [smem:$0x3FB4]  }
0x2e: {  	s3 =	simm.s32 @!p0 $0x1082;
	s9 =	sld [smem:$0x3FB5]  }
0x2f: {  	lr =	sadd.s32 s0, s3;
	s0 =	sld [smem:$0x3FAC]  }
0x30: {  	s3 =	sld [smem:$0x3FAF]  }
0x31: {  	[smem:$0x3FB8] =	sst s10  }
0x32: {  	s10 =	sld [smem:$0x3FB6];
	_ =	sdelay $0x3  }
0x33: {  	p0 =	seq.s32 s10, $0x1;
	s10 =	sld [smem:$0x3FB8];
	_ =	sdelay $0x3  }
0x34: {  	[smem:$0x3FB8] =	sst s10  }
0x35: {  	s10 =	sld [smem:$0x3FB7];
	_ =	sdelay $0x3  }
0x36: {  	p1 =	seq.s32 s10, $0x1;
	s10 =	sld [smem:$0x3FB8];
	_ =	sdelay $0x3  }
0x37: {  	[smem:$0x3FB8] =	sst s10  }
0x38: {  	s10 =	sld [smem:$0x3FB9]  }
0x39: {  	_ = 	snop;
	(pc) =	sbr.ind lr, $3  }
0x3a: {  	_ = 	snop  }
0x3b: {  	_ = 	snop  }
0x3c: {  	p2 =	seq.s32 s10, $0x1;
	s10 =	sld [smem:$0x3FB8]  }
0x3d: {  	_ =	shalt  }
0x3e: {  	_ =	shalt  }
0x3f: {  	_ =	shalt  }
0x40: {  	_ =	shalt  }
0x41: {  	_ =	shalt  }
0x42: {  	_ =	shalt  }
0x43: {  	_ =	shalt  }
0x44: {  	_ =	shalt  }
0x45: {  	_ =	shalt  }
0x46: {  	_ =	shalt  }
0x47: {  	_ =	shalt  }
0x48: {  	_ =	shalt  }
0x49: {  	_ =	shalt  }
0x4a: {  	_ =	shalt  }
0x4b: {  	_ =	shalt  }
0x4c: {  	_ =	shalt  }
0x4d: {  	_ =	shalt  }
0x4e: {  	_ =	shalt  }
0x4f: {  	_ =	shalt  }
0x50: {  	_ =	shalt  }
0x51: {  	_ =	shalt  }
0x52: {  	_ =	shalt  }
0x53: {  	_ =	shalt  }
0x54: {  	_ =	shalt  }
0x55: {  	_ =	shalt  }
0x56: {  	_ =	shalt  }
0x57: {  	_ =	shalt  }
0x58: {  	_ =	shalt  }
0x59: {  	_ =	shalt  }
0x5a: {  	_ =	shalt  }
0x5b: {  	_ =	shalt  }
0x5c: {  	_ =	shalt  }
0x5d: {  	_ =	shalt  }
0x5e: {  	_ =	shalt  }
0x5f: {  	_ =	shalt  }
0x60: {  	_ =	shalt  }
0x61: {  	_ =	shalt  }
0x62: {  	_ =	shalt  }
0x63: {  	_ =	shalt  }
0x64: {  	_ =	shalt  }
0x65: {  	_ =	shalt  }
0x66: {  	_ =	shalt  }
0x67: {  	_ =	shalt  }
0x68: {  	_ =	shalt  }
0x69: {  	_ =	shalt  }
0x6a: {  	_ =	shalt  }
0x6b: {  	_ =	shalt  }
0x6c: {  	_ =	shalt  }
0x6d: {  	_ =	shalt  }
0x6e: {  	_ =	shalt  }
0x6f: {  	_ =	shalt  }
0x70: {  	_ =	shalt  }
0x71: {  	_ =	shalt  }
0x72: {  	_ =	shalt  }
0x73: {  	_ =	shalt  }
0x74: {  	_ =	shalt  }
0x75: {  	_ =	shalt  }
0x76: {  	_ =	shalt  }
0x77: {  	_ =	shalt  }
0x78: {  	_ =	shalt  }
0x79: {  	_ =	shalt  }
0x7a: {  	_ =	shalt  }
0x7b: {  	_ =	shalt  }
0x7c: {  	_ =	shalt  }
0x7d: {  	_ =	shalt  }
0x7e: {  	_ =	shalt  }
0x7f: {  	_ =	shalt  }
0x80: {  	_ =	shalt  }
0x81: {  	_ =	shalt  }
0x82: {  	_ =	shalt  }
0x83: {  	_ =	shalt  }
0x84: {  	_ =	shalt  }
0x85: {  	_ =	shalt  }
0x86: {  	_ =	shalt  }
0x87: {  	_ =	shalt  }
.Lfunc_end0:
.L_simem_size_0:
called_computation_lowered:
.L_overlay_start_0:
0x88: {  	s2 =	sld [smem:$0x3FD9]  }
0x89: {  	s3 =	sld [smem:$0x3FFE];
	_ =	sdelay $0x1  }
0x8a: {  	s1 =	srdreg.scid  }
0x8b: {  	s0 =	sand.u32 $0x1, s1  }
0x8c: {  	s17 =	sshll.u32 s0, $0xA;
	s2 =	sadd.s32 s3, s2  }
0x8d: {  	s2 =	sadd.s32 s2, s17  }
0x8e: {  	[smem:$0x3FC4] =	sst s2  }
0x8f: {  	_ = 	snop  }
0x90: {  	s2 =	sld [smem:$0x3FC9]  }
0x91: {  	s18 =	sld [smem:$0x3FC8];
	(tm) =	ssettm $0x1  }
0x92: {  	s4 =	sld [smem:$0x3FFB];
	_ =	sdelay $0x3  }
0x93: {  	_ =	strace s4  }
0x94: {  	s4 =	sld [smem:$0x3FFC];
	_ =	sdelay $0x3  }
0x95: {  	_ =	strace s4  }
0x96: {  	s4 =	sld [smem:$0x3FFD];
	_ =	sdelay $0x3  }
0x97: {  	_ =	strace s4  }
0x98: {  	_ =	strace $0x8FFFFFFF  }
0x99: {  	s19 =	sld [smem:$0x3FDB];
	_ =	sdelay $0x1  }
0x9a: {  	s5 =	simm.s32 $_scs_section_size  }
0x9b: {  	s6 =	simm.s32 $_size__tile_overlayer_lowered;
	s7 =	simm.s32 $_tile_overlayer_lowered  }
0x9c: {  	s22 =	simm.s32 $0x1BFF;
	s21 =	sshll.u32 s7, $0x1;
	s4 =	sadd.s32 s5, s19  }
0x9d: {  	s8 =	simm.s32 $0x0;
	s20 =	sshll.u32 s6, $0x1;
	s6 =	sadd.s32 s21, s4  }
0x9e: {  	[timem:s8], [sflag:s22] =	dma.local [hbm:s6], s20  }
0x9f: {  	_ =	swait.ge [sflag:s22], s20  }
0xa0: {  	s5 =	ssub.s32 $0x0, s20;
	[sflag:s22] =	ssyncset.done $0x0  }
0xa1: {  	[sflag:s22] =	ssyncadd.s32 s5;
	_ =	sdelay $0x1  }
0xa2: {  	s23 =	simm.s32 $0x1B8B  }
0xa3: {  	_ =	swait.ge [sflag:s23], $0x1  }
0xa4: {  	[sflag:s23] =	ssyncset.done $0x0  }
0xa5: {  	s25 =	simm.s32 $0x1B8E;
	s24 =	sld [smem:$0x3FFE];
	[sflag:s23] =	ssyncadd.s32 $0xFFFFFFFF  }
0xa6: {  	s26 =	simm.s32 $execute0_lowered;
	[smem:$0x3FD2] =	sst s25  }
0xa7: {  	s6 =	sshll.u32 s26, $0x1;
	_ =	strace $0x80000046;
	[dreg:$0x1] =	wrdreg $0xFFFFFFFF  }
0xa8: {  	s28 =	simm.s32 $_size_execute0_lowered;
	s4 =	sadd.s32 s4, s6;
	[dreg:$0x0] =	wrdreg $0x0  }
0xa9: {  	s6 =	sshll.u32 s28, $0x1;
	[dreg:$0x2] =	wrdreg s4  }
0xaa: {  	[dreg:$0x3] =	wrdreg s6  }
0xab: {  	[dreg:$0x4] =	wrdreg $0xC0  }
0xac: {  	_ =	task [dreg:s8], $0x5FFFF  }
0xad: {  	[dreg:$0x1] =	wrdreg $0xFFFFFFFF  }
0xae: {  	[dreg:$0x0] =	wrdreg $0x60  }
0xaf: {  	[dreg:$0x2] =	wrdreg s2  }
0xb0: {  	[dreg:$0x3] =	wrdreg s18  }
0xb1: {  	[dreg:$0x4] =	wrdreg s24  }
0xb2: {  	[dreg:$0x5] =	wrdreg $0x9  }
0xb3: {  	_ =	task.clear_ibuf [dreg:s8], $0x6FFFF;
	_ =	strace $0x90000046  }
0xb4: {  	s29 =	simm.s32 $0x9;
	_ =	strace $0x80000048  }
0xb5: {  	_ =	swait.ge [sflag:s29], $0x1  }
0xb6: {  	[sflag:s29] =	ssyncadd.s32 $0xFFFFFFFF  }
0xb7: {  	_ =	strace $0x90000048  }
0xb8: {  	_ =	sfence  }
0xb9: {  	s30 =	sld [smem:$0x0];
	_ =	sdelay $0x2  }
0xba: {  	s31 =	sshll.u32 s1, $0xD;
	s1 =	sshrl.u32 s1, $0x2  }
0xbb: {  	s3 =	sand.u32 $0x4000, s31;
	s1 =	sadd.s32 s1, s30  }
0xbc: {  	s0 =	sor.u32 s3, s0;
	s1 =	sshll.u32 s1, $0x11  }
0xbd: {  	s0 =	sor.u32 s1, s0  }
0xbe: {  	s0 =	sadd.s32 $0x8F2B, s0  }
0xbf: {  	[sflag:s0] =	ssyncadd.remote.s32 $0x1  }
0xc0: {  	_ =	sfence.sel $0xFFFF  }
0xc1: {  	[dreg:$0x0] =	wrdreg $0xFFFFFFFF;
	(pc) =	sbr.abs _section_cstart, $3  }
0xc2: {  	[dreg:$0x1] =	wrdreg $0xFFFFFFFF  }
0xc3: {  	_ =	task.clear_ibuf [dreg:s8], $0x2FFFF;
	_ =	strace $0x9FFFFFFF  }
0xc4: {  	(tm) =	ssettm $0x7FFFFFFF  }
0xc5: {  	_ =	shalt  }
tec
execute0_lowered:
.L_overlay_start_1:
0x0: {  	(tag) =	ssettag $0x1  }
0x1: {  	v0 =	vlaneseq.u32  }
0x2: {  	v0 =	vmul.u32 $0x80, v0  }
0x3: {  	s2 =	srdreg.scid  }
0x4: {  	s0 =	stileid.u32;
	s1 =	rddreg [dreg:$0x0];
	v1 =	vor.u32 $0x800, v0  }
0x5: {  	s7 =	rddreg [dreg:$0x2];
	s12 =	simm.s32 $0x400;
	s13 =	simm.s32 $0xC3800;
	v3 =	vor.u32 $0x1800, v0;
	v4 =	vor.u32 $0x2000, v0;
	v5 =	vor.u32 $0x2800, v0  }
0x6: {  	s14 =	simm.s32 $0x100;
	s6 =	sand.u32 $0x1, s2;
	s3 =	sshll.u32 s0, $0x1;
	v6 =	vor.u32 $0x3000, v0;
	v7 =	vor.u32 $0x3800, v0;
	v8 =	vor.u32 $0x4000, v0  }
0x7: {  	s15 =	simm.s32 $0x10100;
	s16 =	simm.s32 $0x0;
	s4 =	sor.u32 s6, s3;
	v9 =	vor.u32 $0x4800, v0;
	v10 =	vor.u32 $0x5000, v0;
	v11 =	vor.u32 $0x5800, v0  }
0x8: {  	s2 =	rddreg [dreg:$0x1];
	p0 =	sgt.u32 s0, $0x6;
	s5 =	smul.u32 $0x3, s4;
	v12 =	vor.u32 $0x6000, v0;
	v13 =	vor.u32 $0x6800, v0;
	v14 =	vor.u32 $0x7000, v0  }
0x9: {  	s3 =	rddreg [dreg:$0x3];
	s6 =	ssub.s32 $0x2, s6;
	s8 =	smin.u32 s4, $0xE;
	v15 =	vor.u32 $0x7800, v0;
	v16 =	vor.u32 $0x8000, v0;
	v17 =	vor.u32 $0x8800, v0  }
.Ltmp0:
0xa: {  	s4 =	simm.s32 $0x0;
	v18 =	vor.u32 $0x9000, v0;
	v19 =	vor.u32 $0x9800, v0;
	[tilespmem:$0x1FFE0] =	vst v1;
	v1 =	vor.u32 $0x1000, v0;
	s5 =	sadd.s32 s8, s5;
	(pc) =	sbr.rel .LBB2_1-.Ltmp0, $4  }
0xb: {  	s9 =	sshrl.u32 s6, $0x1;
	v20 =	vor.u32 $0xA000, v0;
	v21 =	vor.u32 $0xA800, v0;
	v22 =	vor.u32 $0xB000, v0;
	[smem:$0x7FF] =	sst s4;
	[tilespmem:$0x1FFF0] =	vst v1;
	s8 =	sshll.u32 s5, $0x9  }
0xc: {  	v23 =	vor.u32 $0xB800, v0;
	v24 =	vor.u32 $0xC000, v0;
	v25 =	vor.u32 $0xC800, v0;
	s11 =	ssub.s32 s6, s9;
	_ =	strace $0x80000047;
	s10 =	sadd.s32 s8, s7  }
0xd: {  	v26 =	vor.u32 $0xD000, v0;
	v27 =	vor.u32 $0xD800, v0;
	v28 =	vor.u32 $0xE000, v0;
	s6 =	sadd.s32 $0xC00, s10;
	s7 =	sadd.s32 $0xE00, s10;
	s8 =	sadd.s32 $0x1000, s10  }
0xe: {  	v29 =	vor.u32 $0xE800, v0;
	v30 =	vor.u32 $0xF000, v0;
	v31 =	vor.u32 $0xF800, v0;
	s9 =	sadd.s32 $0x1200, s10;
	s10 =	smax.u32 s11, $0x1;
	s11 =	simm.s32 $0x1  }
.LBB2_18:
0xf: {  	_ = 	snop  }
0x10: {  	_ =	swait.ge [sflag:s11], $0x10000  }
0x11: {  	[sflag:s11] =	ssyncset.done $0x0  }
0x12: {  	[sflag:s11] =	ssyncadd.s32 $0xFFFF0000  }
0x13: {  	v2 =	vld.idx.msk [tilespmem:v32+s14+$0x0], $0xffff;
	_ =	sdelay $0x4  }
0x14: {  	[tilespmem:$0x10110] =	vst v2  }
0x15: {  	v2 =	vld.idx.msk [tilespmem:v33+s14+$0x0], $0xffff;
	_ =	sdelay $0x4  }
0x16: {  	[tilespmem:$0x10190] =	vst v2  }
0x17: {  	v2 =	vld.idx.msk [tilespmem:v34+s14+$0x0], $0xffff;
	_ =	sdelay $0x4  }
0x18: {  	[tilespmem:$0x10210] =	vst v2  }
0x19: {  	v2 =	vld.idx.msk [tilespmem:v35+s14+$0x0], $0xffff;
	_ =	sdelay $0x4  }
0x1a: {  	[tilespmem:$0x10290] =	vst v2  }
0x1b: {  	v2 =	vld.idx.msk [tilespmem:v36+s14+$0x0], $0xffff;
	_ =	sdelay $0x4  }
0x1c: {  	[tilespmem:$0x10310] =	vst v2  }
0x1d: {  	v2 =	vld.idx.msk [tilespmem:v37+s14+$0x0], $0xffff;
	_ =	sdelay $0x4  }
0x1e: {  	[tilespmem:$0x10390] =	vst v2  }
0x1f: {  	v2 =	vld.idx.msk [tilespmem:v38+s14+$0x0], $0xffff;
	_ =	sdelay $0x4  }
0x20: {  	[tilespmem:$0x10410] =	vst v2  }
0x21: {  	v2 =	vld.idx.msk [tilespmem:v39+s14+$0x0], $0xffff;
	_ =	sdelay $0x4  }
0x22: {  	[tilespmem:$0x10490] =	vst v2  }
0x23: {  	v2 =	vld.idx.msk [tilespmem:v40+s14+$0x0], $0xffff;
	_ =	sdelay $0x4  }
0x24: {  	[tilespmem:$0x10510] =	vst v2  }
0x25: {  	v2 =	vld.idx.msk [tilespmem:v41+s14+$0x0], $0xffff;
	_ =	sdelay $0x4  }
0x26: {  	[tilespmem:$0x10590] =	vst v2  }
0x27: {  	v2 =	vld.idx.msk [tilespmem:v42+s14+$0x0], $0xffff;
	_ =	sdelay $0x4  }
0x28: {  	[tilespmem:$0x10610] =	vst v2  }
0x29: {  	v2 =	vld.idx.msk [tilespmem:v43+s14+$0x0], $0xffff;
	_ =	sdelay $0x4  }
0x2a: {  	[tilespmem:$0x10690] =	vst v2  }
0x2b: {  	v2 =	vld.idx.msk [tilespmem:v44+s14+$0x0], $0xffff;
	_ =	sdelay $0x4  }
0x2c: {  	[tilespmem:$0x10710] =	vst v2  }
0x2d: {  	v2 =	vld.idx.msk [tilespmem:v45+s14+$0x0], $0xffff;
	_ =	sdelay $0x4  }
0x2e: {  	[tilespmem:$0x10790] =	vst v2  }
0x2f: {  	v2 =	vld.idx.msk [tilespmem:v46+s14+$0x0], $0xffff;
	_ =	sdelay $0x4  }
0x30: {  	[tilespmem:$0x10810] =	vst v2  }
0x31: {  	v2 =	vld.idx.msk [tilespmem:v47+s14+$0x0], $0xffff;
	_ =	sdelay $0x4  }
0x32: {  	[tilespmem:$0x10890] =	vst v2  }
0x33: {  	v2 =	vld.idx.msk [tilespmem:v48+s14+$0x0], $0xffff;
	_ =	sdelay $0x4  }
0x34: {  	[tilespmem:$0x10910] =	vst v2  }
0x35: {  	v2 =	vld.idx.msk [tilespmem:v49+s14+$0x0], $0xffff;
	_ =	sdelay $0x4  }
0x36: {  	[tilespmem:$0x10990] =	vst v2  }
0x37: {  	v2 =	vld.idx.msk [tilespmem:v50+s14+$0x0], $0xffff;
	_ =	sdelay $0x4  }
0x38: {  	[tilespmem:$0x10A10] =	vst v2  }
0x39: {  	v2 =	vld.idx.msk [tilespmem:v51+s14+$0x0], $0xffff;
	_ =	sdelay $0x4  }
0x3a: {  	[tilespmem:$0x10A90] =	vst v2  }
0x3b: {  	v2 =	vld.idx.msk [tilespmem:v52+s14+$0x0], $0xffff;
	_ =	sdelay $0x4  }
0x3c: {  	[tilespmem:$0x10B10] =	vst v2  }
0x3d: {  	v2 =	vld.idx.msk [tilespmem:v53+s14+$0x0], $0xffff;
	_ =	sdelay $0x4  }
0x3e: {  	[tilespmem:$0x10B90] =	vst v2  }
0x3f: {  	v2 =	vld.idx.msk [tilespmem:v54+s14+$0x0], $0xffff;
	_ =	sdelay $0x4  }
0x40: {  	[tilespmem:$0x10C10] =	vst v2  }
0x41: {  	v2 =	vld.idx.msk [tilespmem:v55+s14+$0x0], $0xffff;
	_ =	sdelay $0x4  }
0x42: {  	[tilespmem:$0x10C90] =	vst v2  }
0x43: {  	v2 =	vld.idx.msk [tilespmem:v56+s14+$0x0], $0xffff;
	_ =	sdelay $0x4  }
0x44: {  	[tilespmem:$0x10D10] =	vst v2  }
0x45: {  	v2 =	vld.idx.msk [tilespmem:v57+s14+$0x0], $0xffff;
	_ =	sdelay $0x4  }
0x46: {  	[tilespmem:$0x10D90] =	vst v2  }
0x47: {  	v2 =	vld.idx.msk [tilespmem:v58+s14+$0x0], $0xffff;
	_ =	sdelay $0x4  }
0x48: {  	[tilespmem:$0x10E10] =	vst v2  }
0x49: {  	v2 =	vld.idx.msk [tilespmem:v59+s14+$0x0], $0xffff;
	_ =	sdelay $0x4  }
0x4a: {  	[tilespmem:$0x10E90] =	vst v2  }
0x4b: {  	v2 =	vld.idx.msk [tilespmem:v60+s14+$0x0], $0xffff;
	_ =	sdelay $0x4  }
0x4c: {  	[tilespmem:$0x10F10] =	vst v2  }
0x4d: {  	v2 =	vld.idx.msk [tilespmem:v61+s14+$0x0], $0xffff;
	_ =	sdelay $0x4  }
0x4e: {  	[tilespmem:$0x10F90] =	vst v2  }
0x4f: {  	v2 =	vld.idx.msk [tilespmem:v62+s14+$0x0], $0xffff;
	_ =	sdelay $0x4  }
0x50: {  	[tilespmem:$0x11010] =	vst v2  }
0x51: {  	v1 =	vld.idx.msk [tilespmem:v1+s14+$0x0], $0xffff;
	_ =	sdelay $0x4  }
0x52: {  	[tilespmem:$0x11090] =	vst v1  }
0x53: {  	[hbm4b:s9+s4] =	stream.linear.scatter [tilespmem:s15], [sflag:$0x1], $0x1000, $0x38;
	[tilespmem:$0x11100] =	vst v63  }
0x54: {  	_ =	swait.ge [sflag:s11], $0x1000  }
0x55: {  	[sflag:s11] =	ssyncset.done $0x0  }
0x56: {  	[sflag:s11] =	ssyncadd.s32 $0xFFFFF000  }
.LBB2_19:
0x57: {  	s16 =	sadd.s32 $0x1, s16  }
0x58: {  	p1 =	sne.s32 s16, s10  }
.Ltmp1:
0x59: {  	_ = 	snop;
	(pc) =	sbr.rel @!p1 .LBB2_20-.Ltmp1, $1  }
0x5a: {  	_ =	sdelay $0x3  }
.LBB2_1:
0x5b: {  	[tilespmem:s4], [sflag:$0x1] =	stream.linear.gather [hbm4b:s2+s4], $0xC8, $0x38;
	[tilespmem:$0x11100] =	vst v63  }
0x5c: {  	_ =	swait.ge [sflag:s11], $0xC8  }
0x5d: {  	[sflag:s11] =	ssyncset.done $0x0  }
0x5e: {  	[sflag:s11] =	ssyncadd.s32 $0xFFFFFF38  }
0x5f: {  	v32 =	vld [tilespmem:s5+$0x5A];
	_ =	sdelay $0x4  }
0x60: {  	(v2sf) =	vpush v32, $0x0;
	_ =	sdelay $0xe  }
0x61: {  	s18 =	spop (v2sf)  }
0x62: {  	s17 =	sand.u32 $0x7F, s18  }
0x63: {  	s19 =	sshra.s32 s18, $0x1F;
	p1 =	slt.s32 s18, $0x1;
	p2 =	sne.s32 s17, $0x0  }
0x64: {  	s31 =	sshrl.u32 s19, $0x19;
	p1 =	por !p1, !p2  }
0x65: {  	s19 =	simm.s32 $0x1;
	s17 =	sadd.s32 s31, s18;
	p1 =	por !p1, !p1  }
0x66: {  	s17 =	sshra.s32 s17, $0x7;
	s19 =	simm.s32 @!p1 $0x0  }
0x67: {  	s19 =	ssub.s32 s17, s19  }
0x68: {  	s17 =	sshll.u32 s19, $0xA  }
0x69: {  	s20 =	sshrl.u32 s17, $0x3  }
0x6a: {  	s21 =	simm.s32 $0x100;
	s20 =	sadd.s32 s1, s20  }
0x6b: {  	[tilespmem:s21], [sflag:$0x1] =	stream.strided.gather [hbm4b:s20+s12], $0x800, s13, s12, $0x38;
	[tilespmem:$0x11100] =	vst v63  }
0x6c: {  	s21 =	simm.s32 $0x2000  }
.LBB2_2:
0x6d: {  	p1 =	sne.s32 s21, $0x3E000  }
.Ltmp2:
0x6e: {  	_ = 	snop;
	(pc) =	sbr.rel @p1 .LBB2_2-.Ltmp2, $4  }
0x6f: {  	_ = 	snop  }
0x70: {  	s22 =	sshra.s32 s21, $0x2;
	s21 =	sadd.s32 $0x2000, s21  }
0x71: {  	s20 =	sadd.s32 $0x61C00, s20;
	s22 =	sadd.s32 $0x100, s22  }
0x72: {  	[tilespmem:s22], [sflag:$0x1] =	stream.strided.gather [hbm4b:s20+s12], $0x800, s13, s12, $0x38;
	[tilespmem:$0x11100] =	vst v63  }
0x73: {  	s19 =	sshll.u32 s19, $0x7  }
0x74: {  	s18 =	ssub.s32 s18, s19  }
0x75: {  	_ =	swait.ge [sflag:s11], $0x10000;
	v33 =	vadd.s32 s18, v0  }
0x76: {  	v2 =	vld [tilespmem:$0x1FFE0];
	_ =	sdelay $0x1  }
0x77: {  	[sflag:s11] =	ssyncset.done $0x0  }
0x78: {  	[sflag:s11] =	ssyncadd.s32 $0xFFFF0000  }
0x79: {  	v1 =	vld.idx.msk [tilespmem:v33+s14+$0x0], $0xffff  }
0x7a: {  	v34 =	vadd.s32 s18, v2  }
0x7b: {  	v2 =	vld [tilespmem:$0x1FFF0];
	_ =	sdelay $0x2  }
0x7c: {  	[tilespmem:$0x10100] =	vst v1  }
0x7d: {  	v1 =	vld.idx.msk [tilespmem:v34+s14+$0x0], $0xffff  }
0x7e: {  	v35 =	vadd.s32 s18, v2;
	_ =	sdelay $0x3  }
0x7f: {  	[tilespmem:$0x10180] =	vst v1  }
0x80: {  	v1 =	vld.idx.msk [tilespmem:v35+s14+$0x0], $0xffff  }
0x81: {  	v36 =	vadd.s32 s18, v3;
	_ =	sdelay $0x3  }
0x82: {  	[tilespmem:$0x10200] =	vst v1  }
0x83: {  	v1 =	vld.idx.msk [tilespmem:v36+s14+$0x0], $0xffff  }
0x84: {  	v37 =	vadd.s32 s18, v4;
	_ =	sdelay $0x3  }
0x85: {  	[tilespmem:$0x10280] =	vst v1  }
0x86: {  	v1 =	vld.idx.msk [tilespmem:v37+s14+$0x0], $0xffff  }
0x87: {  	v38 =	vadd.s32 s18, v5;
	_ =	sdelay $0x3  }
0x88: {  	[tilespmem:$0x10300] =	vst v1  }
0x89: {  	v1 =	vld.idx.msk [tilespmem:v38+s14+$0x0], $0xffff  }
0x8a: {  	v39 =	vadd.s32 s18, v6;
	_ =	sdelay $0x3  }
0x8b: {  	[tilespmem:$0x10380] =	vst v1  }
0x8c: {  	v1 =	vld.idx.msk [tilespmem:v39+s14+$0x0], $0xffff  }
0x8d: {  	v40 =	vadd.s32 s18, v7;
	_ =	sdelay $0x3  }
0x8e: {  	[tilespmem:$0x10400] =	vst v1  }
0x8f: {  	v1 =	vld.idx.msk [tilespmem:v40+s14+$0x0], $0xffff  }
0x90: {  	v41 =	vadd.s32 s18, v8;
	_ =	sdelay $0x3  }
0x91: {  	[tilespmem:$0x10480] =	vst v1  }
0x92: {  	v1 =	vld.idx.msk [tilespmem:v41+s14+$0x0], $0xffff  }
0x93: {  	v42 =	vadd.s32 s18, v9;
	_ =	sdelay $0x3  }
0x94: {  	[tilespmem:$0x10500] =	vst v1  }
0x95: {  	v1 =	vld.idx.msk [tilespmem:v42+s14+$0x0], $0xffff  }
0x96: {  	v43 =	vadd.s32 s18, v10;
	_ =	sdelay $0x3  }
0x97: {  	[tilespmem:$0x10580] =	vst v1  }
0x98: {  	v1 =	vld.idx.msk [tilespmem:v43+s14+$0x0], $0xffff  }
0x99: {  	v44 =	vadd.s32 s18, v11;
	_ =	sdelay $0x3  }
0x9a: {  	[tilespmem:$0x10600] =	vst v1  }
0x9b: {  	v1 =	vld.idx.msk [tilespmem:v44+s14+$0x0], $0xffff  }
0x9c: {  	v45 =	vadd.s32 s18, v12;
	_ =	sdelay $0x3  }
0x9d: {  	[tilespmem:$0x10680] =	vst v1  }
0x9e: {  	v1 =	vld.idx.msk [tilespmem:v45+s14+$0x0], $0xffff  }
0x9f: {  	v46 =	vadd.s32 s18, v13;
	_ =	sdelay $0x3  }
0xa0: {  	[tilespmem:$0x10700] =	vst v1  }
0xa1: {  	v1 =	vld.idx.msk [tilespmem:v46+s14+$0x0], $0xffff  }
0xa2: {  	v47 =	vadd.s32 s18, v14;
	_ =	sdelay $0x3  }
0xa3: {  	[tilespmem:$0x10780] =	vst v1  }
0xa4: {  	v1 =	vld.idx.msk [tilespmem:v47+s14+$0x0], $0xffff  }
0xa5: {  	v48 =	vadd.s32 s18, v15;
	_ =	sdelay $0x3  }
0xa6: {  	[tilespmem:$0x10800] =	vst v1  }
0xa7: {  	v1 =	vld.idx.msk [tilespmem:v48+s14+$0x0], $0xffff  }
0xa8: {  	v49 =	vadd.s32 s18, v16;
	_ =	sdelay $0x3  }
0xa9: {  	[tilespmem:$0x10880] =	vst v1  }
0xaa: {  	v1 =	vld.idx.msk [tilespmem:v49+s14+$0x0], $0xffff  }
0xab: {  	v50 =	vadd.s32 s18, v17;
	_ =	sdelay $0x3  }
0xac: {  	[tilespmem:$0x10900] =	vst v1  }
0xad: {  	v1 =	vld.idx.msk [tilespmem:v50+s14+$0x0], $0xffff  }
0xae: {  	v51 =	vadd.s32 s18, v18;
	_ =	sdelay $0x3  }
0xaf: {  	[tilespmem:$0x10980] =	vst v1  }
0xb0: {  	v1 =	vld.idx.msk [tilespmem:v51+s14+$0x0], $0xffff  }
0xb1: {  	v52 =	vadd.s32 s18, v19;
	_ =	sdelay $0x3  }
0xb2: {  	[tilespmem:$0x10A00] =	vst v1  }
0xb3: {  	v1 =	vld.idx.msk [tilespmem:v52+s14+$0x0], $0xffff  }
0xb4: {  	v53 =	vadd.s32 s18, v20;
	_ =	sdelay $0x3  }
0xb5: {  	[tilespmem:$0x10A80] =	vst v1  }
0xb6: {  	v1 =	vld.idx.msk [tilespmem:v53+s14+$0x0], $0xffff  }
0xb7: {  	v54 =	vadd.s32 s18, v21;
	_ =	sdelay $0x3  }
0xb8: {  	[tilespmem:$0x10B00] =	vst v1  }
0xb9: {  	v1 =	vld.idx.msk [tilespmem:v54+s14+$0x0], $0xffff  }
0xba: {  	v55 =	vadd.s32 s18, v22;
	_ =	sdelay $0x3  }
0xbb: {  	[tilespmem:$0x10B80] =	vst v1  }
0xbc: {  	v1 =	vld.idx.msk [tilespmem:v55+s14+$0x0], $0xffff  }
0xbd: {  	v56 =	vadd.s32 s18, v23;
	_ =	sdelay $0x3  }
0xbe: {  	[tilespmem:$0x10C00] =	vst v1  }
0xbf: {  	v1 =	vld.idx.msk [tilespmem:v56+s14+$0x0], $0xffff  }
0xc0: {  	v57 =	vadd.s32 s18, v24;
	_ =	sdelay $0x3  }
0xc1: {  	[tilespmem:$0x10C80] =	vst v1  }
0xc2: {  	v1 =	vld.idx.msk [tilespmem:v57+s14+$0x0], $0xffff  }
0xc3: {  	v58 =	vadd.s32 s18, v25;
	_ =	sdelay $0x3  }
0xc4: {  	[tilespmem:$0x10D00] =	vst v1  }
0xc5: {  	v1 =	vld.idx.msk [tilespmem:v58+s14+$0x0], $0xffff  }
0xc6: {  	v59 =	vadd.s32 s18, v26;
	_ =	sdelay $0x3  }
0xc7: {  	[tilespmem:$0x10D80] =	vst v1  }
0xc8: {  	v1 =	vld.idx.msk [tilespmem:v59+s14+$0x0], $0xffff  }
0xc9: {  	v60 =	vadd.s32 s18, v27;
	_ =	sdelay $0x3  }
0xca: {  	[tilespmem:$0x10E00] =	vst v1  }
0xcb: {  	v1 =	vld.idx.msk [tilespmem:v60+s14+$0x0], $0xffff  }
0xcc: {  	v61 =	vadd.s32 s18, v28;
	_ =	sdelay $0x3  }
0xcd: {  	[tilespmem:$0x10E80] =	vst v1  }
0xce: {  	v1 =	vld.idx.msk [tilespmem:v61+s14+$0x0], $0xffff  }
0xcf: {  	v62 =	vadd.s32 s18, v29;
	_ =	sdelay $0x3  }
0xd0: {  	[tilespmem:$0x10F00] =	vst v1  }
0xd1: {  	v1 =	vld.idx.msk [tilespmem:v62+s14+$0x0], $0xffff  }
0xd2: {  	v63 =	vadd.s32 s18, v30;
	_ =	sdelay $0x3  }
0xd3: {  	[tilespmem:$0x10F80] =	vst v1  }
0xd4: {  	v2 =	vld.idx.msk [tilespmem:v63+s14+$0x0], $0xffff  }
0xd5: {  	v1 =	vadd.s32 s18, v31;
	_ =	sdelay $0x3  }
0xd6: {  	[tilespmem:$0x11000] =	vst v2  }
0xd7: {  	v2 =	vld.idx.msk [tilespmem:v1+s14+$0x0], $0xffff;
	_ =	sdelay $0x2  }
0xd8: {  	s17 =	sadd.s32 $0x187000, s17  }
0xd9: {  	s17 =	sshrl.u32 s17, $0x3  }
0xda: {  	s31 =	simm.s32 $0x100;
	s17 =	sadd.s32 s1, s17;
	s18 =	simm.s32 $0x2000;
	[tilespmem:$0x11080] =	vst v2  }
0xdb: {  	[tilespmem:s31], [sflag:$0x1] =	stream.strided.gather [hbm4b:s17+s12], $0x800, s13, s12, $0x38;
	[tilespmem:$0x11100] =	vst v63  }
.LBB2_4:
0xdc: {  	p1 =	sne.s32 s18, $0x3E000  }
.Ltmp3:
0xdd: {  	_ = 	snop;
	(pc) =	sbr.rel @p1 .LBB2_4-.Ltmp3, $4  }
0xde: {  	_ = 	snop  }
0xdf: {  	s19 =	sshra.s32 s18, $0x2;
	s18 =	sadd.s32 $0x2000, s18  }
0xe0: {  	s17 =	sadd.s32 $0x61C00, s17;
	s19 =	sadd.s32 $0x100, s19  }
0xe1: {  	[tilespmem:s19], [sflag:$0x1] =	stream.strided.gather [hbm4b:s17+s12], $0x800, s13, s12, $0x38;
	[tilespmem:$0x11100] =	vst v63  }
0xe2: {  	_ = 	snop  }
0xe3: {  	_ =	swait.ge [sflag:s11], $0x10000  }
0xe4: {  	[sflag:s11] =	ssyncset.done $0x0  }
0xe5: {  	[sflag:s11] =	ssyncadd.s32 $0xFFFF0000  }
0xe6: {  	v2 =	vld.idx.msk [tilespmem:v33+s14+$0x0], $0xffff;
	_ =	sdelay $0x4  }
0xe7: {  	[tilespmem:$0x10110] =	vst v2  }
0xe8: {  	v2 =	vld.idx.msk [tilespmem:v34+s14+$0x0], $0xffff;
	_ =	sdelay $0x4  }
0xe9: {  	[tilespmem:$0x10190] =	vst v2  }
0xea: {  	v2 =	vld.idx.msk [tilespmem:v35+s14+$0x0], $0xffff;
	_ =	sdelay $0x4  }
0xeb: {  	[tilespmem:$0x10210] =	vst v2  }
0xec: {  	v2 =	vld.idx.msk [tilespmem:v36+s14+$0x0], $0xffff;
	_ =	sdelay $0x4  }
0xed: {  	[tilespmem:$0x10290] =	vst v2  }
0xee: {  	v2 =	vld.idx.msk [tilespmem:v37+s14+$0x0], $0xffff;
	_ =	sdelay $0x4  }
0xef: {  	[tilespmem:$0x10310] =	vst v2  }
0xf0: {  	v2 =	vld.idx.msk [tilespmem:v38+s14+$0x0], $0xffff;
	_ =	sdelay $0x4  }
0xf1: {  	[tilespmem:$0x10390] =	vst v2  }
0xf2: {  	v2 =	vld.idx.msk [tilespmem:v39+s14+$0x0], $0xffff;
	_ =	sdelay $0x4  }
0xf3: {  	[tilespmem:$0x10410] =	vst v2  }
0xf4: {  	v2 =	vld.idx.msk [tilespmem:v40+s14+$0x0], $0xffff;
	_ =	sdelay $0x4  }
0xf5: {  	[tilespmem:$0x10490] =	vst v2  }
0xf6: {  	v2 =	vld.idx.msk [tilespmem:v41+s14+$0x0], $0xffff;
	_ =	sdelay $0x4  }
0xf7: {  	[tilespmem:$0x10510] =	vst v2  }
0xf8: {  	v2 =	vld.idx.msk [tilespmem:v42+s14+$0x0], $0xffff;
	_ =	sdelay $0x4  }
0xf9: {  	[tilespmem:$0x10590] =	vst v2  }
0xfa: {  	v2 =	vld.idx.msk [tilespmem:v43+s14+$0x0], $0xffff;
	_ =	sdelay $0x4  }
0xfb: {  	[tilespmem:$0x10610] =	vst v2  }
0xfc: {  	v2 =	vld.idx.msk [tilespmem:v44+s14+$0x0], $0xffff;
	_ =	sdelay $0x4  }
0xfd: {  	[tilespmem:$0x10690] =	vst v2  }
0xfe: {  	v2 =	vld.idx.msk [tilespmem:v45+s14+$0x0], $0xffff;
	_ =	sdelay $0x4  }
0xff: {  	[tilespmem:$0x10710] =	vst v2  }
0x100: {  	v2 =	vld.idx.msk [tilespmem:v46+s14+$0x0], $0xffff;
	_ =	sdelay $0x4  }
0x101: {  	[tilespmem:$0x10790] =	vst v2  }
0x102: {  	v2 =	vld.idx.msk [tilespmem:v47+s14+$0x0], $0xffff;
	_ =	sdelay $0x4  }
0x103: {  	[tilespmem:$0x10810] =	vst v2  }
0x104: {  	v2 =	vld.idx.msk [tilespmem:v48+s14+$0x0], $0xffff;
	_ =	sdelay $0x4  }
0x105: {  	[tilespmem:$0x10890] =	vst v2  }
0x106: {  	v2 =	vld.idx.msk [tilespmem:v49+s14+$0x0], $0xffff;
	_ =	sdelay $0x4  }
0x107: {  	[tilespmem:$0x10910] =	vst v2  }
0x108: {  	v2 =	vld.idx.msk [tilespmem:v50+s14+$0x0], $0xffff;
	_ =	sdelay $0x4  }
0x109: {  	[tilespmem:$0x10990] =	vst v2  }
0x10a: {  	v2 =	vld.idx.msk [tilespmem:v51+s14+$0x0], $0xffff;
	_ =	sdelay $0x4  }
0x10b: {  	[tilespmem:$0x10A10] =	vst v2  }
0x10c: {  	v2 =	vld.idx.msk [tilespmem:v52+s14+$0x0], $0xffff;
	_ =	sdelay $0x4  }
0x10d: {  	[tilespmem:$0x10A90] =	vst v2  }
0x10e: {  	v2 =	vld.idx.msk [tilespmem:v53+s14+$0x0], $0xffff;
	_ =	sdelay $0x4  }
0x10f: {  	[tilespmem:$0x10B10] =	vst v2  }
0x110: {  	v2 =	vld.idx.msk [tilespmem:v54+s14+$0x0], $0xffff;
	_ =	sdelay $0x4  }
0x111: {  	[tilespmem:$0x10B90] =	vst v2  }
0x112: {  	v2 =	vld.idx.msk [tilespmem:v55+s14+$0x0], $0xffff;
	_ =	sdelay $0x4  }
0x113: {  	[tilespmem:$0x10C10] =	vst v2  }
0x114: {  	v2 =	vld.idx.msk [tilespmem:v56+s14+$0x0], $0xffff;
	_ =	sdelay $0x4  }
0x115: {  	[tilespmem:$0x10C90] =	vst v2  }
0x116: {  	v2 =	vld.idx.msk [tilespmem:v57+s14+$0x0], $0xffff;
	_ =	sdelay $0x4  }
0x117: {  	[tilespmem:$0x10D10] =	vst v2  }
0x118: {  	v2 =	vld.idx.msk [tilespmem:v58+s14+$0x0], $0xffff;
	_ =	sdelay $0x4  }
0x119: {  	[tilespmem:$0x10D90] =	vst v2  }
0x11a: {  	v2 =	vld.idx.msk [tilespmem:v59+s14+$0x0], $0xffff;
	_ =	sdelay $0x4  }
0x11b: {  	[tilespmem:$0x10E10] =	vst v2  }
0x11c: {  	v2 =	vld.idx.msk [tilespmem:v60+s14+$0x0], $0xffff;
	_ =	sdelay $0x4  }
0x11d: {  	[tilespmem:$0x10E90] =	vst v2  }
0x11e: {  	v2 =	vld.idx.msk [tilespmem:v61+s14+$0x0], $0xffff;
	_ =	sdelay $0x4  }
0x11f: {  	[tilespmem:$0x10F10] =	vst v2  }
0x120: {  	v2 =	vld.idx.msk [tilespmem:v62+s14+$0x0], $0xffff;
	_ =	sdelay $0x4  }
0x121: {  	[tilespmem:$0x10F90] =	vst v2  }
0x122: {  	v2 =	vld.idx.msk [tilespmem:v63+s14+$0x0], $0xffff;
	_ =	sdelay $0x4  }
0x123: {  	[tilespmem:$0x11010] =	vst v2  }
0x124: {  	v1 =	vld.idx.msk [tilespmem:v1+s14+$0x0], $0xffff;
	_ =	sdelay $0x4  }
0x125: {  	s17 =	simm.s32 $0x0;
	[tilespmem:$0x11090] =	vst v1  }
0x126: {  	[hbm4b:s6+s17] =	stream.linear.scatter [tilespmem:s15], [sflag:$0x1], $0x1000, $0x38;
	[tilespmem:$0x11100] =	vst v63  }
0x127: {  	_ =	swait.ge [sflag:s11], $0x1000  }
0x128: {  	(v2sf) =	vpush v32, $0x1;
	_ =	sdelay $0xe  }
0x129: {  	s18 =	spop (v2sf)  }
0x12a: {  	s30 =	sand.u32 $0x7F, s18  }
0x12b: {  	s19 =	sshra.s32 s18, $0x1F;
	p1 =	slt.s32 s18, $0x1;
	p2 =	sne.s32 s30, $0x0  }
0x12c: {  	s31 =	sshrl.u32 s19, $0x19;
	p1 =	por !p1, !p2  }
0x12d: {  	s19 =	simm.s32 $0x1;
	s17 =	sadd.s32 s31, s18;
	p1 =	por !p1, !p1  }
0x12e: {  	s17 =	sshra.s32 s17, $0x7;
	s19 =	simm.s32 @!p1 $0x0  }
0x12f: {  	s19 =	ssub.s32 s17, s19  }
0x130: {  	s17 =	sshll.u32 s19, $0xA  }
0x131: {  	[sflag:s11] =	ssyncset.done $0x0;
	s20 =	sshrl.u32 s17, $0x3  }
0x132: {  	s21 =	simm.s32 $0x100;
	[sflag:s11] =	ssyncadd.s32 $0xFFFFF000;
	s20 =	sadd.s32 s1, s20  }
0x133: {  	[tilespmem:s21], [sflag:$0x1] =	stream.strided.gather [hbm4b:s20+s12], $0x800, s13, s12, $0x38;
	[tilespmem:$0x11100] =	vst v63  }
0x134: {  	s21 =	simm.s32 $0x2000  }
.LBB2_6:
0x135: {  	p1 =	sne.s32 s21, $0x3E000  }
.Ltmp4:
0x136: {  	_ = 	snop;
	(pc) =	sbr.rel @p1 .LBB2_6-.Ltmp4, $4  }
0x137: {  	_ = 	snop  }
0x138: {  	s22 =	sshra.s32 s21, $0x2;
	s21 =	sadd.s32 $0x2000, s21  }
0x139: {  	s20 =	sadd.s32 $0x61C00, s20;
	s22 =	sadd.s32 $0x100, s22  }
0x13a: {  	[tilespmem:s22], [sflag:$0x1] =	stream.strided.gather [hbm4b:s20+s12], $0x800, s13, s12, $0x38;
	[tilespmem:$0x11100] =	vst v63  }
0x13b: {  	s19 =	sshll.u32 s19, $0x7  }
0x13c: {  	s18 =	ssub.s32 s18, s19  }
0x13d: {  	_ =	swait.ge [sflag:s11], $0x10000;
	v33 =	vadd.s32 s18, v0  }
0x13e: {  	v2 =	vld [tilespmem:$0x1FFE0];
	_ =	sdelay $0x1  }
0x13f: {  	[sflag:s11] =	ssyncset.done $0x0  }
0x140: {  	[sflag:s11] =	ssyncadd.s32 $0xFFFF0000  }
0x141: {  	v1 =	vld.idx.msk [tilespmem:v33+s14+$0x0], $0xffff  }
0x142: {  	v34 =	vadd.s32 s18, v2  }
0x143: {  	v2 =	vld [tilespmem:$0x1FFF0];
	_ =	sdelay $0x2  }
0x144: {  	[tilespmem:$0x10100] =	vst v1  }
0x145: {  	v1 =	vld.idx.msk [tilespmem:v34+s14+$0x0], $0xffff  }
0x146: {  	v35 =	vadd.s32 s18, v2;
	_ =	sdelay $0x3  }
0x147: {  	[tilespmem:$0x10180] =	vst v1  }
0x148: {  	v1 =	vld.idx.msk [tilespmem:v35+s14+$0x0], $0xffff  }
0x149: {  	v36 =	vadd.s32 s18, v3;
	_ =	sdelay $0x3  }
0x14a: {  	[tilespmem:$0x10200] =	vst v1  }
0x14b: {  	v1 =	vld.idx.msk [tilespmem:v36+s14+$0x0], $0xffff  }
0x14c: {  	v37 =	vadd.s32 s18, v4;
	_ =	sdelay $0x3  }
0x14d: {  	[tilespmem:$0x10280] =	vst v1  }
0x14e: {  	v1 =	vld.idx.msk [tilespmem:v37+s14+$0x0], $0xffff  }
0x14f: {  	v38 =	vadd.s32 s18, v5;
	_ =	sdelay $0x3  }
0x150: {  	[tilespmem:$0x10300] =	vst v1  }
0x151: {  	v1 =	vld.idx.msk [tilespmem:v38+s14+$0x0], $0xffff  }
0x152: {  	v39 =	vadd.s32 s18, v6;
	_ =	sdelay $0x3  }
0x153: {  	[tilespmem:$0x10380] =	vst v1  }
0x154: {  	v1 =	vld.idx.msk [tilespmem:v39+s14+$0x0], $0xffff  }
0x155: {  	v40 =	vadd.s32 s18, v7;
	_ =	sdelay $0x3  }
0x156: {  	[tilespmem:$0x10400] =	vst v1  }
0x157: {  	v1 =	vld.idx.msk [tilespmem:v40+s14+$0x0], $0xffff  }
0x158: {  	v41 =	vadd.s32 s18, v8;
	_ =	sdelay $0x3  }
0x159: {  	[tilespmem:$0x10480] =	vst v1  }
0x15a: {  	v1 =	vld.idx.msk [tilespmem:v41+s14+$0x0], $0xffff  }
0x15b: {  	v42 =	vadd.s32 s18, v9;
	_ =	sdelay $0x3  }
0x15c: {  	[tilespmem:$0x10500] =	vst v1  }
0x15d: {  	v1 =	vld.idx.msk [tilespmem:v42+s14+$0x0], $0xffff  }
0x15e: {  	v43 =	vadd.s32 s18, v10;
	_ =	sdelay $0x3  }
0x15f: {  	[tilespmem:$0x10580] =	vst v1  }
0x160: {  	v1 =	vld.idx.msk [tilespmem:v43+s14+$0x0], $0xffff  }
0x161: {  	v44 =	vadd.s32 s18, v11;
	_ =	sdelay $0x3  }
0x162: {  	[tilespmem:$0x10600] =	vst v1  }
0x163: {  	v1 =	vld.idx.msk [tilespmem:v44+s14+$0x0], $0xffff  }
0x164: {  	v45 =	vadd.s32 s18, v12;
	_ =	sdelay $0x3  }
0x165: {  	[tilespmem:$0x10680] =	vst v1  }
0x166: {  	v1 =	vld.idx.msk [tilespmem:v45+s14+$0x0], $0xffff  }
0x167: {  	v46 =	vadd.s32 s18, v13;
	_ =	sdelay $0x3  }
0x168: {  	[tilespmem:$0x10700] =	vst v1  }
0x169: {  	v1 =	vld.idx.msk [tilespmem:v46+s14+$0x0], $0xffff  }
0x16a: {  	v47 =	vadd.s32 s18, v14;
	_ =	sdelay $0x3  }
0x16b: {  	[tilespmem:$0x10780] =	vst v1  }
0x16c: {  	v1 =	vld.idx.msk [tilespmem:v47+s14+$0x0], $0xffff  }
0x16d: {  	v48 =	vadd.s32 s18, v15;
	_ =	sdelay $0x3  }
0x16e: {  	[tilespmem:$0x10800] =	vst v1  }
0x16f: {  	v1 =	vld.idx.msk [tilespmem:v48+s14+$0x0], $0xffff  }
0x170: {  	v49 =	vadd.s32 s18, v16;
	_ =	sdelay $0x3  }
0x171: {  	[tilespmem:$0x10880] =	vst v1  }
0x172: {  	v1 =	vld.idx.msk [tilespmem:v49+s14+$0x0], $0xffff  }
0x173: {  	v50 =	vadd.s32 s18, v17;
	_ =	sdelay $0x3  }
0x174: {  	[tilespmem:$0x10900] =	vst v1  }
0x175: {  	v1 =	vld.idx.msk [tilespmem:v50+s14+$0x0], $0xffff  }
0x176: {  	v51 =	vadd.s32 s18, v18;
	_ =	sdelay $0x3  }
0x177: {  	[tilespmem:$0x10980] =	vst v1  }
0x178: {  	v1 =	vld.idx.msk [tilespmem:v51+s14+$0x0], $0xffff  }
0x179: {  	v52 =	vadd.s32 s18, v19;
	_ =	sdelay $0x3  }
0x17a: {  	[tilespmem:$0x10A00] =	vst v1  }
0x17b: {  	v1 =	vld.idx.msk [tilespmem:v52+s14+$0x0], $0xffff  }
0x17c: {  	v53 =	vadd.s32 s18, v20;
	_ =	sdelay $0x3  }
0x17d: {  	[tilespmem:$0x10A80] =	vst v1  }
0x17e: {  	v1 =	vld.idx.msk [tilespmem:v53+s14+$0x0], $0xffff  }
0x17f: {  	v54 =	vadd.s32 s18, v21;
	_ =	sdelay $0x3  }
0x180: {  	[tilespmem:$0x10B00] =	vst v1  }
0x181: {  	v1 =	vld.idx.msk [tilespmem:v54+s14+$0x0], $0xffff  }
0x182: {  	v55 =	vadd.s32 s18, v22;
	_ =	sdelay $0x3  }
0x183: {  	[tilespmem:$0x10B80] =	vst v1  }
0x184: {  	v1 =	vld.idx.msk [tilespmem:v55+s14+$0x0], $0xffff  }
0x185: {  	v56 =	vadd.s32 s18, v23;
	_ =	sdelay $0x3  }
0x186: {  	[tilespmem:$0x10C00] =	vst v1  }
0x187: {  	v1 =	vld.idx.msk [tilespmem:v56+s14+$0x0], $0xffff  }
0x188: {  	v57 =	vadd.s32 s18, v24;
	_ =	sdelay $0x3  }
0x189: {  	[tilespmem:$0x10C80] =	vst v1  }
0x18a: {  	v1 =	vld.idx.msk [tilespmem:v57+s14+$0x0], $0xffff  }
0x18b: {  	v58 =	vadd.s32 s18, v25;
	_ =	sdelay $0x3  }
0x18c: {  	[tilespmem:$0x10D00] =	vst v1  }
0x18d: {  	v1 =	vld.idx.msk [tilespmem:v58+s14+$0x0], $0xffff  }
0x18e: {  	v59 =	vadd.s32 s18, v26;
	_ =	sdelay $0x3  }
0x18f: {  	[tilespmem:$0x10D80] =	vst v1  }
0x190: {  	v1 =	vld.idx.msk [tilespmem:v59+s14+$0x0], $0xffff  }
0x191: {  	v60 =	vadd.s32 s18, v27;
	_ =	sdelay $0x3  }
0x192: {  	[tilespmem:$0x10E00] =	vst v1  }
0x193: {  	v1 =	vld.idx.msk [tilespmem:v60+s14+$0x0], $0xffff  }
0x194: {  	v61 =	vadd.s32 s18, v28;
	_ =	sdelay $0x3  }
0x195: {  	[tilespmem:$0x10E80] =	vst v1  }
0x196: {  	v1 =	vld.idx.msk [tilespmem:v61+s14+$0x0], $0xffff  }
0x197: {  	v62 =	vadd.s32 s18, v29;
	_ =	sdelay $0x3  }
0x198: {  	[tilespmem:$0x10F00] =	vst v1  }
0x199: {  	v1 =	vld.idx.msk [tilespmem:v62+s14+$0x0], $0xffff  }
0x19a: {  	v63 =	vadd.s32 s18, v30;
	_ =	sdelay $0x3  }
0x19b: {  	[tilespmem:$0x10F80] =	vst v1  }
0x19c: {  	v2 =	vld.idx.msk [tilespmem:v63+s14+$0x0], $0xffff  }
0x19d: {  	v1 =	vadd.s32 s18, v31;
	_ =	sdelay $0x3  }
0x19e: {  	[tilespmem:$0x11000] =	vst v2  }
0x19f: {  	v2 =	vld.idx.msk [tilespmem:v1+s14+$0x0], $0xffff;
	_ =	sdelay $0x2  }
0x1a0: {  	s17 =	sadd.s32 $0x187000, s17  }
0x1a1: {  	s17 =	sshrl.u32 s17, $0x3  }
0x1a2: {  	s31 =	simm.s32 $0x100;
	s17 =	sadd.s32 s1, s17;
	s18 =	simm.s32 $0x2000;
	[tilespmem:$0x11080] =	vst v2  }
0x1a3: {  	[tilespmem:s31], [sflag:$0x1] =	stream.strided.gather [hbm4b:s17+s12], $0x800, s13, s12, $0x38;
	[tilespmem:$0x11100] =	vst v63  }
.LBB2_8:
0x1a4: {  	p1 =	sne.s32 s18, $0x3E000  }
.Ltmp5:
0x1a5: {  	_ = 	snop;
	(pc) =	sbr.rel @p1 .LBB2_8-.Ltmp5, $4  }
0x1a6: {  	_ = 	snop  }
0x1a7: {  	s19 =	sshra.s32 s18, $0x2;
	s18 =	sadd.s32 $0x2000, s18  }
0x1a8: {  	s17 =	sadd.s32 $0x61C00, s17;
	s19 =	sadd.s32 $0x100, s19  }
0x1a9: {  	[tilespmem:s19], [sflag:$0x1] =	stream.strided.gather [hbm4b:s17+s12], $0x800, s13, s12, $0x38;
	[tilespmem:$0x11100] =	vst v63  }
0x1aa: {  	_ = 	snop  }
0x1ab: {  	_ =	swait.ge [sflag:s11], $0x10000  }
0x1ac: {  	[sflag:s11] =	ssyncset.done $0x0  }
0x1ad: {  	[sflag:s11] =	ssyncadd.s32 $0xFFFF0000  }
0x1ae: {  	v2 =	vld.idx.msk [tilespmem:v33+s14+$0x0], $0xffff;
	_ =	sdelay $0x4  }
0x1af: {  	[tilespmem:$0x10110] =	vst v2  }
0x1b0: {  	v2 =	vld.idx.msk [tilespmem:v34+s14+$0x0], $0xffff;
	_ =	sdelay $0x4  }
0x1b1: {  	[tilespmem:$0x10190] =	vst v2  }
0x1b2: {  	v2 =	vld.idx.msk [tilespmem:v35+s14+$0x0], $0xffff;
	_ =	sdelay $0x4  }
0x1b3: {  	[tilespmem:$0x10210] =	vst v2  }
0x1b4: {  	v2 =	vld.idx.msk [tilespmem:v36+s14+$0x0], $0xffff;
	_ =	sdelay $0x4  }
0x1b5: {  	[tilespmem:$0x10290] =	vst v2  }
0x1b6: {  	v2 =	vld.idx.msk [tilespmem:v37+s14+$0x0], $0xffff;
	_ =	sdelay $0x4  }
0x1b7: {  	[tilespmem:$0x10310] =	vst v2  }
0x1b8: {  	v2 =	vld.idx.msk [tilespmem:v38+s14+$0x0], $0xffff;
	_ =	sdelay $0x4  }
0x1b9: {  	[tilespmem:$0x10390] =	vst v2  }
0x1ba: {  	v2 =	vld.idx.msk [tilespmem:v39+s14+$0x0], $0xffff;
	_ =	sdelay $0x4  }
0x1bb: {  	[tilespmem:$0x10410] =	vst v2  }
0x1bc: {  	v2 =	vld.idx.msk [tilespmem:v40+s14+$0x0], $0xffff;
	_ =	sdelay $0x4  }
0x1bd: {  	[tilespmem:$0x10490] =	vst v2  }
0x1be: {  	v2 =	vld.idx.msk [tilespmem:v41+s14+$0x0], $0xffff;
	_ =	sdelay $0x4  }
0x1bf: {  	[tilespmem:$0x10510] =	vst v2  }
0x1c0: {  	v2 =	vld.idx.msk [tilespmem:v42+s14+$0x0], $0xffff;
	_ =	sdelay $0x4  }
0x1c1: {  	[tilespmem:$0x10590] =	vst v2  }
0x1c2: {  	v2 =	vld.idx.msk [tilespmem:v43+s14+$0x0], $0xffff;
	_ =	sdelay $0x4  }
0x1c3: {  	[tilespmem:$0x10610] =	vst v2  }
0x1c4: {  	v2 =	vld.idx.msk [tilespmem:v44+s14+$0x0], $0xffff;
	_ =	sdelay $0x4  }
0x1c5: {  	[tilespmem:$0x10690] =	vst v2  }
0x1c6: {  	v2 =	vld.idx.msk [tilespmem:v45+s14+$0x0], $0xffff;
	_ =	sdelay $0x4  }
0x1c7: {  	[tilespmem:$0x10710] =	vst v2  }
0x1c8: {  	v2 =	vld.idx.msk [tilespmem:v46+s14+$0x0], $0xffff;
	_ =	sdelay $0x4  }
0x1c9: {  	[tilespmem:$0x10790] =	vst v2  }
0x1ca: {  	v2 =	vld.idx.msk [tilespmem:v47+s14+$0x0], $0xffff;
	_ =	sdelay $0x4  }
0x1cb: {  	[tilespmem:$0x10810] =	vst v2  }
0x1cc: {  	v2 =	vld.idx.msk [tilespmem:v48+s14+$0x0], $0xffff;
	_ =	sdelay $0x4  }
0x1cd: {  	[tilespmem:$0x10890] =	vst v2  }
0x1ce: {  	v2 =	vld.idx.msk [tilespmem:v49+s14+$0x0], $0xffff;
	_ =	sdelay $0x4  }
0x1cf: {  	[tilespmem:$0x10910] =	vst v2  }
0x1d0: {  	v2 =	vld.idx.msk [tilespmem:v50+s14+$0x0], $0xffff;
	_ =	sdelay $0x4  }
0x1d1: {  	[tilespmem:$0x10990] =	vst v2  }
0x1d2: {  	v2 =	vld.idx.msk [tilespmem:v51+s14+$0x0], $0xffff;
	_ =	sdelay $0x4  }
0x1d3: {  	[tilespmem:$0x10A10] =	vst v2  }
0x1d4: {  	v2 =	vld.idx.msk [tilespmem:v52+s14+$0x0], $0xffff;
	_ =	sdelay $0x4  }
0x1d5: {  	[tilespmem:$0x10A90] =	vst v2  }
0x1d6: {  	v2 =	vld.idx.msk [tilespmem:v53+s14+$0x0], $0xffff;
	_ =	sdelay $0x4  }
0x1d7: {  	[tilespmem:$0x10B10] =	vst v2  }
0x1d8: {  	v2 =	vld.idx.msk [tilespmem:v54+s14+$0x0], $0xffff;
	_ =	sdelay $0x4  }
0x1d9: {  	[tilespmem:$0x10B90] =	vst v2  }
0x1da: {  	v2 =	vld.idx.msk [tilespmem:v55+s14+$0x0], $0xffff;
	_ =	sdelay $0x4  }
0x1db: {  	[tilespmem:$0x10C10] =	vst v2  }
0x1dc: {  	v2 =	vld.idx.msk [tilespmem:v56+s14+$0x0], $0xffff;
	_ =	sdelay $0x4  }
0x1dd: {  	[tilespmem:$0x10C90] =	vst v2  }
0x1de: {  	v2 =	vld.idx.msk [tilespmem:v57+s14+$0x0], $0xffff;
	_ =	sdelay $0x4  }
0x1df: {  	[tilespmem:$0x10D10] =	vst v2  }
0x1e0: {  	v2 =	vld.idx.msk [tilespmem:v58+s14+$0x0], $0xffff;
	_ =	sdelay $0x4  }
0x1e1: {  	[tilespmem:$0x10D90] =	vst v2  }
0x1e2: {  	v2 =	vld.idx.msk [tilespmem:v59+s14+$0x0], $0xffff;
	_ =	sdelay $0x4  }
0x1e3: {  	[tilespmem:$0x10E10] =	vst v2  }
0x1e4: {  	v2 =	vld.idx.msk [tilespmem:v60+s14+$0x0], $0xffff;
	_ =	sdelay $0x4  }
0x1e5: {  	[tilespmem:$0x10E90] =	vst v2  }
0x1e6: {  	v2 =	vld.idx.msk [tilespmem:v61+s14+$0x0], $0xffff;
	_ =	sdelay $0x4  }
0x1e7: {  	[tilespmem:$0x10F10] =	vst v2  }
0x1e8: {  	v2 =	vld.idx.msk [tilespmem:v62+s14+$0x0], $0xffff;
	_ =	sdelay $0x4  }
0x1e9: {  	[tilespmem:$0x10F90] =	vst v2  }
0x1ea: {  	v2 =	vld.idx.msk [tilespmem:v63+s14+$0x0], $0xffff;
	_ =	sdelay $0x4  }
0x1eb: {  	[tilespmem:$0x11010] =	vst v2  }
0x1ec: {  	v1 =	vld.idx.msk [tilespmem:v1+s14+$0x0], $0xffff;
	_ =	sdelay $0x4  }
0x1ed: {  	s17 =	simm.s32 $0x0;
	[tilespmem:$0x11090] =	vst v1  }
0x1ee: {  	[hbm4b:s7+s17] =	stream.linear.scatter [tilespmem:s15], [sflag:$0x1], $0x1000, $0x38;
	[tilespmem:$0x11100] =	vst v63  }
0x1ef: {  	_ =	swait.ge [sflag:s11], $0x1000  }
0x1f0: {  	(v2sf) =	vpush v32, $0x2;
	_ =	sdelay $0xe  }
0x1f1: {  	s18 =	spop (v2sf)  }
0x1f2: {  	s30 =	sand.u32 $0x7F, s18  }
0x1f3: {  	s19 =	sshra.s32 s18, $0x1F;
	p1 =	slt.s32 s18, $0x1;
	p2 =	sne.s32 s30, $0x0  }
0x1f4: {  	s31 =	sshrl.u32 s19, $0x19;
	p1 =	por !p1, !p2  }
0x1f5: {  	s19 =	simm.s32 $0x1;
	s17 =	sadd.s32 s31, s18;
	p1 =	por !p1, !p1  }
0x1f6: {  	s17 =	sshra.s32 s17, $0x7;
	s19 =	simm.s32 @!p1 $0x0  }
0x1f7: {  	s19 =	ssub.s32 s17, s19  }
0x1f8: {  	s17 =	sshll.u32 s19, $0xA  }
0x1f9: {  	[sflag:s11] =	ssyncset.done $0x0;
	s20 =	sshrl.u32 s17, $0x3  }
0x1fa: {  	s21 =	simm.s32 $0x100;
	[sflag:s11] =	ssyncadd.s32 $0xFFFFF000;
	s20 =	sadd.s32 s1, s20  }
0x1fb: {  	[tilespmem:s21], [sflag:$0x1] =	stream.strided.gather [hbm4b:s20+s12], $0x800, s13, s12, $0x38;
	[tilespmem:$0x11100] =	vst v63  }
0x1fc: {  	s21 =	simm.s32 $0x2000  }
.LBB2_10:
0x1fd: {  	p1 =	sne.s32 s21, $0x3E000  }
.Ltmp6:
0x1fe: {  	_ = 	snop;
	(pc) =	sbr.rel @p1 .LBB2_10-.Ltmp6, $4  }
0x1ff: {  	_ = 	snop  }
0x200: {  	s22 =	sshra.s32 s21, $0x2;
	s21 =	sadd.s32 $0x2000, s21  }
0x201: {  	s20 =	sadd.s32 $0x61C00, s20;
	s22 =	sadd.s32 $0x100, s22  }
0x202: {  	[tilespmem:s22], [sflag:$0x1] =	stream.strided.gather [hbm4b:s20+s12], $0x800, s13, s12, $0x38;
	[tilespmem:$0x11100] =	vst v63  }
0x203: {  	s19 =	sshll.u32 s19, $0x7  }
0x204: {  	s18 =	ssub.s32 s18, s19  }
0x205: {  	_ =	swait.ge [sflag:s11], $0x10000;
	v33 =	vadd.s32 s18, v0  }
0x206: {  	v2 =	vld [tilespmem:$0x1FFE0];
	_ =	sdelay $0x1  }
0x207: {  	[sflag:s11] =	ssyncset.done $0x0  }
0x208: {  	[sflag:s11] =	ssyncadd.s32 $0xFFFF0000  }
0x209: {  	v1 =	vld.idx.msk [tilespmem:v33+s14+$0x0], $0xffff  }
0x20a: {  	v34 =	vadd.s32 s18, v2  }
0x20b: {  	v2 =	vld [tilespmem:$0x1FFF0];
	_ =	sdelay $0x2  }
0x20c: {  	[tilespmem:$0x10100] =	vst v1  }
0x20d: {  	v1 =	vld.idx.msk [tilespmem:v34+s14+$0x0], $0xffff  }
0x20e: {  	v35 =	vadd.s32 s18, v2;
	_ =	sdelay $0x3  }
0x20f: {  	[tilespmem:$0x10180] =	vst v1  }
0x210: {  	v1 =	vld.idx.msk [tilespmem:v35+s14+$0x0], $0xffff  }
0x211: {  	v36 =	vadd.s32 s18, v3;
	_ =	sdelay $0x3  }
0x212: {  	[tilespmem:$0x10200] =	vst v1  }
0x213: {  	v1 =	vld.idx.msk [tilespmem:v36+s14+$0x0], $0xffff  }
0x214: {  	v37 =	vadd.s32 s18, v4;
	_ =	sdelay $0x3  }
0x215: {  	[tilespmem:$0x10280] =	vst v1  }
0x216: {  	v1 =	vld.idx.msk [tilespmem:v37+s14+$0x0], $0xffff  }
0x217: {  	v38 =	vadd.s32 s18, v5;
	_ =	sdelay $0x3  }
0x218: {  	[tilespmem:$0x10300] =	vst v1  }
0x219: {  	v1 =	vld.idx.msk [tilespmem:v38+s14+$0x0], $0xffff  }
0x21a: {  	v39 =	vadd.s32 s18, v6;
	_ =	sdelay $0x3  }
0x21b: {  	[tilespmem:$0x10380] =	vst v1  }
0x21c: {  	v1 =	vld.idx.msk [tilespmem:v39+s14+$0x0], $0xffff  }
0x21d: {  	v40 =	vadd.s32 s18, v7;
	_ =	sdelay $0x3  }
0x21e: {  	[tilespmem:$0x10400] =	vst v1  }
0x21f: {  	v1 =	vld.idx.msk [tilespmem:v40+s14+$0x0], $0xffff  }
0x220: {  	v41 =	vadd.s32 s18, v8;
	_ =	sdelay $0x3  }
0x221: {  	[tilespmem:$0x10480] =	vst v1  }
0x222: {  	v1 =	vld.idx.msk [tilespmem:v41+s14+$0x0], $0xffff  }
0x223: {  	v42 =	vadd.s32 s18, v9;
	_ =	sdelay $0x3  }
0x224: {  	[tilespmem:$0x10500] =	vst v1  }
0x225: {  	v1 =	vld.idx.msk [tilespmem:v42+s14+$0x0], $0xffff  }
0x226: {  	v43 =	vadd.s32 s18, v10;
	_ =	sdelay $0x3  }
0x227: {  	[tilespmem:$0x10580] =	vst v1  }
0x228: {  	v1 =	vld.idx.msk [tilespmem:v43+s14+$0x0], $0xffff  }
0x229: {  	v44 =	vadd.s32 s18, v11;
	_ =	sdelay $0x3  }
0x22a: {  	[tilespmem:$0x10600] =	vst v1  }
0x22b: {  	v1 =	vld.idx.msk [tilespmem:v44+s14+$0x0], $0xffff  }
0x22c: {  	v45 =	vadd.s32 s18, v12;
	_ =	sdelay $0x3  }
0x22d: {  	[tilespmem:$0x10680] =	vst v1  }
0x22e: {  	v1 =	vld.idx.msk [tilespmem:v45+s14+$0x0], $0xffff  }
0x22f: {  	v46 =	vadd.s32 s18, v13;
	_ =	sdelay $0x3  }
0x230: {  	[tilespmem:$0x10700] =	vst v1  }
0x231: {  	v1 =	vld.idx.msk [tilespmem:v46+s14+$0x0], $0xffff  }
0x232: {  	v47 =	vadd.s32 s18, v14;
	_ =	sdelay $0x3  }
0x233: {  	[tilespmem:$0x10780] =	vst v1  }
0x234: {  	v1 =	vld.idx.msk [tilespmem:v47+s14+$0x0], $0xffff  }
0x235: {  	v48 =	vadd.s32 s18, v15;
	_ =	sdelay $0x3  }
0x236: {  	[tilespmem:$0x10800] =	vst v1  }
0x237: {  	v1 =	vld.idx.msk [tilespmem:v48+s14+$0x0], $0xffff  }
0x238: {  	v49 =	vadd.s32 s18, v16;
	_ =	sdelay $0x3  }
0x239: {  	[tilespmem:$0x10880] =	vst v1  }
0x23a: {  	v1 =	vld.idx.msk [tilespmem:v49+s14+$0x0], $0xffff  }
0x23b: {  	v50 =	vadd.s32 s18, v17;
	_ =	sdelay $0x3  }
0x23c: {  	[tilespmem:$0x10900] =	vst v1  }
0x23d: {  	v1 =	vld.idx.msk [tilespmem:v50+s14+$0x0], $0xffff  }
0x23e: {  	v51 =	vadd.s32 s18, v18;
	_ =	sdelay $0x3  }
0x23f: {  	[tilespmem:$0x10980] =	vst v1  }
0x240: {  	v1 =	vld.idx.msk [tilespmem:v51+s14+$0x0], $0xffff  }
0x241: {  	v52 =	vadd.s32 s18, v19;
	_ =	sdelay $0x3  }
0x242: {  	[tilespmem:$0x10A00] =	vst v1  }
0x243: {  	v1 =	vld.idx.msk [tilespmem:v52+s14+$0x0], $0xffff  }
0x244: {  	v53 =	vadd.s32 s18, v20;
	_ =	sdelay $0x3  }
0x245: {  	[tilespmem:$0x10A80] =	vst v1  }
0x246: {  	v1 =	vld.idx.msk [tilespmem:v53+s14+$0x0], $0xffff  }
0x247: {  	v54 =	vadd.s32 s18, v21;
	_ =	sdelay $0x3  }
0x248: {  	[tilespmem:$0x10B00] =	vst v1  }
0x249: {  	v1 =	vld.idx.msk [tilespmem:v54+s14+$0x0], $0xffff  }
0x24a: {  	v55 =	vadd.s32 s18, v22;
	_ =	sdelay $0x3  }
0x24b: {  	[tilespmem:$0x10B80] =	vst v1  }
0x24c: {  	v1 =	vld.idx.msk [tilespmem:v55+s14+$0x0], $0xffff  }
0x24d: {  	v56 =	vadd.s32 s18, v23;
	_ =	sdelay $0x3  }
0x24e: {  	[tilespmem:$0x10C00] =	vst v1  }
0x24f: {  	v1 =	vld.idx.msk [tilespmem:v56+s14+$0x0], $0xffff  }
0x250: {  	v57 =	vadd.s32 s18, v24;
	_ =	sdelay $0x3  }
0x251: {  	[tilespmem:$0x10C80] =	vst v1  }
0x252: {  	v1 =	vld.idx.msk [tilespmem:v57+s14+$0x0], $0xffff  }
0x253: {  	v58 =	vadd.s32 s18, v25;
	_ =	sdelay $0x3  }
0x254: {  	[tilespmem:$0x10D00] =	vst v1  }
0x255: {  	v1 =	vld.idx.msk [tilespmem:v58+s14+$0x0], $0xffff  }
0x256: {  	v59 =	vadd.s32 s18, v26;
	_ =	sdelay $0x3  }
0x257: {  	[tilespmem:$0x10D80] =	vst v1  }
0x258: {  	v1 =	vld.idx.msk [tilespmem:v59+s14+$0x0], $0xffff  }
0x259: {  	v60 =	vadd.s32 s18, v27;
	_ =	sdelay $0x3  }
0x25a: {  	[tilespmem:$0x10E00] =	vst v1  }
0x25b: {  	v1 =	vld.idx.msk [tilespmem:v60+s14+$0x0], $0xffff  }
0x25c: {  	v61 =	vadd.s32 s18, v28;
	_ =	sdelay $0x3  }
0x25d: {  	[tilespmem:$0x10E80] =	vst v1  }
0x25e: {  	v1 =	vld.idx.msk [tilespmem:v61+s14+$0x0], $0xffff  }
0x25f: {  	v62 =	vadd.s32 s18, v29;
	_ =	sdelay $0x3  }
0x260: {  	[tilespmem:$0x10F00] =	vst v1  }
0x261: {  	v1 =	vld.idx.msk [tilespmem:v62+s14+$0x0], $0xffff  }
0x262: {  	v63 =	vadd.s32 s18, v30;
	_ =	sdelay $0x3  }
0x263: {  	[tilespmem:$0x10F80] =	vst v1  }
0x264: {  	v2 =	vld.idx.msk [tilespmem:v63+s14+$0x0], $0xffff  }
0x265: {  	v1 =	vadd.s32 s18, v31;
	_ =	sdelay $0x3  }
0x266: {  	[tilespmem:$0x11000] =	vst v2  }
0x267: {  	v2 =	vld.idx.msk [tilespmem:v1+s14+$0x0], $0xffff;
	_ =	sdelay $0x2  }
0x268: {  	s17 =	sadd.s32 $0x187000, s17  }
0x269: {  	s17 =	sshrl.u32 s17, $0x3  }
0x26a: {  	s31 =	simm.s32 $0x100;
	s17 =	sadd.s32 s1, s17;
	s18 =	simm.s32 $0x2000;
	[tilespmem:$0x11080] =	vst v2  }
0x26b: {  	[tilespmem:s31], [sflag:$0x1] =	stream.strided.gather [hbm4b:s17+s12], $0x800, s13, s12, $0x38;
	[tilespmem:$0x11100] =	vst v63  }
.LBB2_12:
0x26c: {  	p1 =	sne.s32 s18, $0x3E000  }
.Ltmp7:
0x26d: {  	_ = 	snop;
	(pc) =	sbr.rel @p1 .LBB2_12-.Ltmp7, $4  }
0x26e: {  	_ = 	snop  }
0x26f: {  	s19 =	sshra.s32 s18, $0x2;
	s18 =	sadd.s32 $0x2000, s18  }
0x270: {  	s17 =	sadd.s32 $0x61C00, s17;
	s19 =	sadd.s32 $0x100, s19  }
0x271: {  	[tilespmem:s19], [sflag:$0x1] =	stream.strided.gather [hbm4b:s17+s12], $0x800, s13, s12, $0x38;
	[tilespmem:$0x11100] =	vst v63  }
0x272: {  	_ = 	snop  }
0x273: {  	_ =	swait.ge [sflag:s11], $0x10000  }
0x274: {  	[sflag:s11] =	ssyncset.done $0x0  }
0x275: {  	[sflag:s11] =	ssyncadd.s32 $0xFFFF0000  }
0x276: {  	v2 =	vld.idx.msk [tilespmem:v33+s14+$0x0], $0xffff;
	_ =	sdelay $0x4  }
0x277: {  	[tilespmem:$0x10110] =	vst v2  }
0x278: {  	v2 =	vld.idx.msk [tilespmem:v34+s14+$0x0], $0xffff;
	_ =	sdelay $0x4  }
0x279: {  	[tilespmem:$0x10190] =	vst v2  }
0x27a: {  	v2 =	vld.idx.msk [tilespmem:v35+s14+$0x0], $0xffff;
	_ =	sdelay $0x4  }
0x27b: {  	[tilespmem:$0x10210] =	vst v2  }
0x27c: {  	v2 =	vld.idx.msk [tilespmem:v36+s14+$0x0], $0xffff;
	_ =	sdelay $0x4  }
0x27d: {  	[tilespmem:$0x10290] =	vst v2  }
0x27e: {  	v2 =	vld.idx.msk [tilespmem:v37+s14+$0x0], $0xffff;
	_ =	sdelay $0x4  }
0x27f: {  	[tilespmem:$0x10310] =	vst v2  }
0x280: {  	v2 =	vld.idx.msk [tilespmem:v38+s14+$0x0], $0xffff;
	_ =	sdelay $0x4  }
0x281: {  	[tilespmem:$0x10390] =	vst v2  }
0x282: {  	v2 =	vld.idx.msk [tilespmem:v39+s14+$0x0], $0xffff;
	_ =	sdelay $0x4  }
0x283: {  	[tilespmem:$0x10410] =	vst v2  }
0x284: {  	v2 =	vld.idx.msk [tilespmem:v40+s14+$0x0], $0xffff;
	_ =	sdelay $0x4  }
0x285: {  	[tilespmem:$0x10490] =	vst v2  }
0x286: {  	v2 =	vld.idx.msk [tilespmem:v41+s14+$0x0], $0xffff;
	_ =	sdelay $0x4  }
0x287: {  	[tilespmem:$0x10510] =	vst v2  }
0x288: {  	v2 =	vld.idx.msk [tilespmem:v42+s14+$0x0], $0xffff;
	_ =	sdelay $0x4  }
0x289: {  	[tilespmem:$0x10590] =	vst v2  }
0x28a: {  	v2 =	vld.idx.msk [tilespmem:v43+s14+$0x0], $0xffff;
	_ =	sdelay $0x4  }
0x28b: {  	[tilespmem:$0x10610] =	vst v2  }
0x28c: {  	v2 =	vld.idx.msk [tilespmem:v44+s14+$0x0], $0xffff;
	_ =	sdelay $0x4  }
0x28d: {  	[tilespmem:$0x10690] =	vst v2  }
0x28e: {  	v2 =	vld.idx.msk [tilespmem:v45+s14+$0x0], $0xffff;
	_ =	sdelay $0x4  }
0x28f: {  	[tilespmem:$0x10710] =	vst v2  }
0x290: {  	v2 =	vld.idx.msk [tilespmem:v46+s14+$0x0], $0xffff;
	_ =	sdelay $0x4  }
0x291: {  	[tilespmem:$0x10790] =	vst v2  }
0x292: {  	v2 =	vld.idx.msk [tilespmem:v47+s14+$0x0], $0xffff;
	_ =	sdelay $0x4  }
0x293: {  	[tilespmem:$0x10810] =	vst v2  }
0x294: {  	v2 =	vld.idx.msk [tilespmem:v48+s14+$0x0], $0xffff;
	_ =	sdelay $0x4  }
0x295: {  	[tilespmem:$0x10890] =	vst v2  }
0x296: {  	v2 =	vld.idx.msk [tilespmem:v49+s14+$0x0], $0xffff;
	_ =	sdelay $0x4  }
0x297: {  	[tilespmem:$0x10910] =	vst v2  }
0x298: {  	v2 =	vld.idx.msk [tilespmem:v50+s14+$0x0], $0xffff;
	_ =	sdelay $0x4  }
0x299: {  	[tilespmem:$0x10990] =	vst v2  }
0x29a: {  	v2 =	vld.idx.msk [tilespmem:v51+s14+$0x0], $0xffff;
	_ =	sdelay $0x4  }
0x29b: {  	[tilespmem:$0x10A10] =	vst v2  }
0x29c: {  	v2 =	vld.idx.msk [tilespmem:v52+s14+$0x0], $0xffff;
	_ =	sdelay $0x4  }
0x29d: {  	[tilespmem:$0x10A90] =	vst v2  }
0x29e: {  	v2 =	vld.idx.msk [tilespmem:v53+s14+$0x0], $0xffff;
	_ =	sdelay $0x4  }
0x29f: {  	[tilespmem:$0x10B10] =	vst v2  }
0x2a0: {  	v2 =	vld.idx.msk [tilespmem:v54+s14+$0x0], $0xffff;
	_ =	sdelay $0x4  }
0x2a1: {  	[tilespmem:$0x10B90] =	vst v2  }
0x2a2: {  	v2 =	vld.idx.msk [tilespmem:v55+s14+$0x0], $0xffff;
	_ =	sdelay $0x4  }
0x2a3: {  	[tilespmem:$0x10C10] =	vst v2  }
0x2a4: {  	v2 =	vld.idx.msk [tilespmem:v56+s14+$0x0], $0xffff;
	_ =	sdelay $0x4  }
0x2a5: {  	[tilespmem:$0x10C90] =	vst v2  }
0x2a6: {  	v2 =	vld.idx.msk [tilespmem:v57+s14+$0x0], $0xffff;
	_ =	sdelay $0x4  }
0x2a7: {  	[tilespmem:$0x10D10] =	vst v2  }
0x2a8: {  	v2 =	vld.idx.msk [tilespmem:v58+s14+$0x0], $0xffff;
	_ =	sdelay $0x4  }
0x2a9: {  	[tilespmem:$0x10D90] =	vst v2  }
0x2aa: {  	v2 =	vld.idx.msk [tilespmem:v59+s14+$0x0], $0xffff;
	_ =	sdelay $0x4  }
0x2ab: {  	[tilespmem:$0x10E10] =	vst v2  }
0x2ac: {  	v2 =	vld.idx.msk [tilespmem:v60+s14+$0x0], $0xffff;
	_ =	sdelay $0x4  }
0x2ad: {  	[tilespmem:$0x10E90] =	vst v2  }
0x2ae: {  	v2 =	vld.idx.msk [tilespmem:v61+s14+$0x0], $0xffff;
	_ =	sdelay $0x4  }
0x2af: {  	[tilespmem:$0x10F10] =	vst v2  }
0x2b0: {  	v2 =	vld.idx.msk [tilespmem:v62+s14+$0x0], $0xffff;
	_ =	sdelay $0x4  }
0x2b1: {  	[tilespmem:$0x10F90] =	vst v2  }
0x2b2: {  	v2 =	vld.idx.msk [tilespmem:v63+s14+$0x0], $0xffff;
	_ =	sdelay $0x4  }
0x2b3: {  	[tilespmem:$0x11010] =	vst v2  }
0x2b4: {  	v1 =	vld.idx.msk [tilespmem:v1+s14+$0x0], $0xffff;
	_ =	sdelay $0x4  }
.Ltmp8:
0x2b5: {  	[tilespmem:$0x11090] =	vst v1;
	(pc) =	sbr.rel @p0 .LBB2_19-.Ltmp8, $4  }
0x2b6: {  	[hbm4b:s8+s4] =	stream.linear.scatter [tilespmem:s15], [sflag:$0x1], $0x1000, $0x38;
	[tilespmem:$0x11100] =	vst v63  }
0x2b7: {  	_ =	swait.ge [sflag:s11], $0x1000  }
0x2b8: {  	[sflag:s11] =	ssyncset.done $0x0  }
0x2b9: {  	[sflag:s11] =	ssyncadd.s32 $0xFFFFF000  }
0x2ba: {  	(v2sf) =	vpush v32, $0x3;
	_ =	sdelay $0xe  }
0x2bb: {  	s18 =	spop (v2sf)  }
0x2bc: {  	s17 =	sand.u32 $0x7F, s18  }
0x2bd: {  	s19 =	sshra.s32 s18, $0x1F;
	p1 =	slt.s32 s18, $0x1;
	p2 =	sne.s32 s17, $0x0  }
0x2be: {  	s31 =	sshrl.u32 s19, $0x19;
	p1 =	por !p1, !p2  }
0x2bf: {  	s19 =	simm.s32 $0x1;
	s17 =	sadd.s32 s31, s18;
	p1 =	por !p1, !p1  }
0x2c0: {  	s17 =	sshra.s32 s17, $0x7;
	s19 =	simm.s32 @!p1 $0x0  }
0x2c1: {  	s19 =	ssub.s32 s17, s19  }
0x2c2: {  	s17 =	sshll.u32 s19, $0xA  }
0x2c3: {  	s20 =	sshrl.u32 s17, $0x3  }
0x2c4: {  	s21 =	simm.s32 $0x100;
	s20 =	sadd.s32 s1, s20  }
0x2c5: {  	[tilespmem:s21], [sflag:$0x1] =	stream.strided.gather [hbm4b:s20+s12], $0x800, s13, s12, $0x38;
	[tilespmem:$0x11100] =	vst v63  }
0x2c6: {  	s21 =	simm.s32 $0x2000  }
.LBB2_15:
0x2c7: {  	p1 =	sne.s32 s21, $0x3E000  }
.Ltmp9:
0x2c8: {  	_ = 	snop;
	(pc) =	sbr.rel @p1 .LBB2_15-.Ltmp9, $4  }
0x2c9: {  	_ = 	snop  }
0x2ca: {  	s22 =	sshra.s32 s21, $0x2;
	s21 =	sadd.s32 $0x2000, s21  }
0x2cb: {  	s20 =	sadd.s32 $0x61C00, s20;
	s22 =	sadd.s32 $0x100, s22  }
0x2cc: {  	[tilespmem:s22], [sflag:$0x1] =	stream.strided.gather [hbm4b:s20+s12], $0x800, s13, s12, $0x38;
	[tilespmem:$0x11100] =	vst v63  }
0x2cd: {  	s19 =	sshll.u32 s19, $0x7  }
0x2ce: {  	s18 =	ssub.s32 s18, s19  }
0x2cf: {  	_ =	swait.ge [sflag:s11], $0x10000;
	v32 =	vadd.s32 s18, v0  }
0x2d0: {  	v2 =	vld [tilespmem:$0x1FFE0];
	_ =	sdelay $0x1  }
0x2d1: {  	[sflag:s11] =	ssyncset.done $0x0  }
0x2d2: {  	[sflag:s11] =	ssyncadd.s32 $0xFFFF0000  }
0x2d3: {  	v1 =	vld.idx.msk [tilespmem:v32+s14+$0x0], $0xffff  }
0x2d4: {  	v33 =	vadd.s32 s18, v2  }
0x2d5: {  	v2 =	vld [tilespmem:$0x1FFF0];
	_ =	sdelay $0x2  }
0x2d6: {  	[tilespmem:$0x10100] =	vst v1  }
0x2d7: {  	v1 =	vld.idx.msk [tilespmem:v33+s14+$0x0], $0xffff  }
0x2d8: {  	v34 =	vadd.s32 s18, v2;
	_ =	sdelay $0x3  }
0x2d9: {  	[tilespmem:$0x10180] =	vst v1  }
0x2da: {  	v1 =	vld.idx.msk [tilespmem:v34+s14+$0x0], $0xffff  }
0x2db: {  	v35 =	vadd.s32 s18, v3;
	_ =	sdelay $0x3  }
0x2dc: {  	[tilespmem:$0x10200] =	vst v1  }
0x2dd: {  	v1 =	vld.idx.msk [tilespmem:v35+s14+$0x0], $0xffff  }
0x2de: {  	v36 =	vadd.s32 s18, v4;
	_ =	sdelay $0x3  }
0x2df: {  	[tilespmem:$0x10280] =	vst v1  }
0x2e0: {  	v1 =	vld.idx.msk [tilespmem:v36+s14+$0x0], $0xffff  }
0x2e1: {  	v37 =	vadd.s32 s18, v5;
	_ =	sdelay $0x3  }
0x2e2: {  	[tilespmem:$0x10300] =	vst v1  }
0x2e3: {  	v1 =	vld.idx.msk [tilespmem:v37+s14+$0x0], $0xffff  }
0x2e4: {  	v38 =	vadd.s32 s18, v6;
	_ =	sdelay $0x3  }
0x2e5: {  	[tilespmem:$0x10380] =	vst v1  }
0x2e6: {  	v1 =	vld.idx.msk [tilespmem:v38+s14+$0x0], $0xffff  }
0x2e7: {  	v39 =	vadd.s32 s18, v7;
	_ =	sdelay $0x3  }
0x2e8: {  	[tilespmem:$0x10400] =	vst v1  }
0x2e9: {  	v1 =	vld.idx.msk [tilespmem:v39+s14+$0x0], $0xffff  }
0x2ea: {  	v40 =	vadd.s32 s18, v8;
	_ =	sdelay $0x3  }
0x2eb: {  	[tilespmem:$0x10480] =	vst v1  }
0x2ec: {  	v1 =	vld.idx.msk [tilespmem:v40+s14+$0x0], $0xffff  }
0x2ed: {  	v41 =	vadd.s32 s18, v9;
	_ =	sdelay $0x3  }
0x2ee: {  	[tilespmem:$0x10500] =	vst v1  }
0x2ef: {  	v1 =	vld.idx.msk [tilespmem:v41+s14+$0x0], $0xffff  }
0x2f0: {  	v42 =	vadd.s32 s18, v10;
	_ =	sdelay $0x3  }
0x2f1: {  	[tilespmem:$0x10580] =	vst v1  }
0x2f2: {  	v1 =	vld.idx.msk [tilespmem:v42+s14+$0x0], $0xffff  }
0x2f3: {  	v43 =	vadd.s32 s18, v11;
	_ =	sdelay $0x3  }
0x2f4: {  	[tilespmem:$0x10600] =	vst v1  }
0x2f5: {  	v1 =	vld.idx.msk [tilespmem:v43+s14+$0x0], $0xffff  }
0x2f6: {  	v44 =	vadd.s32 s18, v12;
	_ =	sdelay $0x3  }
0x2f7: {  	[tilespmem:$0x10680] =	vst v1  }
0x2f8: {  	v1 =	vld.idx.msk [tilespmem:v44+s14+$0x0], $0xffff  }
0x2f9: {  	v45 =	vadd.s32 s18, v13;
	_ =	sdelay $0x3  }
0x2fa: {  	[tilespmem:$0x10700] =	vst v1  }
0x2fb: {  	v1 =	vld.idx.msk [tilespmem:v45+s14+$0x0], $0xffff  }
0x2fc: {  	v46 =	vadd.s32 s18, v14;
	_ =	sdelay $0x3  }
0x2fd: {  	[tilespmem:$0x10780] =	vst v1  }
0x2fe: {  	v1 =	vld.idx.msk [tilespmem:v46+s14+$0x0], $0xffff  }
0x2ff: {  	v47 =	vadd.s32 s18, v15;
	_ =	sdelay $0x3  }
0x300: {  	[tilespmem:$0x10800] =	vst v1  }
0x301: {  	v1 =	vld.idx.msk [tilespmem:v47+s14+$0x0], $0xffff  }
0x302: {  	v48 =	vadd.s32 s18, v16;
	_ =	sdelay $0x3  }
0x303: {  	[tilespmem:$0x10880] =	vst v1  }
0x304: {  	v1 =	vld.idx.msk [tilespmem:v48+s14+$0x0], $0xffff  }
0x305: {  	v49 =	vadd.s32 s18, v17;
	_ =	sdelay $0x3  }
0x306: {  	[tilespmem:$0x10900] =	vst v1  }
0x307: {  	v1 =	vld.idx.msk [tilespmem:v49+s14+$0x0], $0xffff  }
0x308: {  	v50 =	vadd.s32 s18, v18;
	_ =	sdelay $0x3  }
0x309: {  	[tilespmem:$0x10980] =	vst v1  }
0x30a: {  	v1 =	vld.idx.msk [tilespmem:v50+s14+$0x0], $0xffff  }
0x30b: {  	v51 =	vadd.s32 s18, v19;
	_ =	sdelay $0x3  }
0x30c: {  	[tilespmem:$0x10A00] =	vst v1  }
0x30d: {  	v1 =	vld.idx.msk [tilespmem:v51+s14+$0x0], $0xffff  }
0x30e: {  	v52 =	vadd.s32 s18, v20;
	_ =	sdelay $0x3  }
0x30f: {  	[tilespmem:$0x10A80] =	vst v1  }
0x310: {  	v1 =	vld.idx.msk [tilespmem:v52+s14+$0x0], $0xffff  }
0x311: {  	v53 =	vadd.s32 s18, v21;
	_ =	sdelay $0x3  }
0x312: {  	[tilespmem:$0x10B00] =	vst v1  }
0x313: {  	v1 =	vld.idx.msk [tilespmem:v53+s14+$0x0], $0xffff  }
0x314: {  	v54 =	vadd.s32 s18, v22;
	_ =	sdelay $0x3  }
0x315: {  	[tilespmem:$0x10B80] =	vst v1  }
0x316: {  	v1 =	vld.idx.msk [tilespmem:v54+s14+$0x0], $0xffff  }
0x317: {  	v55 =	vadd.s32 s18, v23;
	_ =	sdelay $0x3  }
0x318: {  	[tilespmem:$0x10C00] =	vst v1  }
0x319: {  	v1 =	vld.idx.msk [tilespmem:v55+s14+$0x0], $0xffff  }
0x31a: {  	v56 =	vadd.s32 s18, v24;
	_ =	sdelay $0x3  }
0x31b: {  	[tilespmem:$0x10C80] =	vst v1  }
0x31c: {  	v1 =	vld.idx.msk [tilespmem:v56+s14+$0x0], $0xffff  }
0x31d: {  	v57 =	vadd.s32 s18, v25;
	_ =	sdelay $0x3  }
0x31e: {  	[tilespmem:$0x10D00] =	vst v1  }
0x31f: {  	v1 =	vld.idx.msk [tilespmem:v57+s14+$0x0], $0xffff  }
0x320: {  	v58 =	vadd.s32 s18, v26;
	_ =	sdelay $0x3  }
0x321: {  	[tilespmem:$0x10D80] =	vst v1  }
0x322: {  	v1 =	vld.idx.msk [tilespmem:v58+s14+$0x0], $0xffff  }
0x323: {  	v59 =	vadd.s32 s18, v27;
	_ =	sdelay $0x3  }
0x324: {  	[tilespmem:$0x10E00] =	vst v1  }
0x325: {  	v1 =	vld.idx.msk [tilespmem:v59+s14+$0x0], $0xffff  }
0x326: {  	v60 =	vadd.s32 s18, v28;
	_ =	sdelay $0x3  }
0x327: {  	[tilespmem:$0x10E80] =	vst v1  }
0x328: {  	v1 =	vld.idx.msk [tilespmem:v60+s14+$0x0], $0xffff  }
0x329: {  	v61 =	vadd.s32 s18, v29;
	_ =	sdelay $0x3  }
0x32a: {  	[tilespmem:$0x10F00] =	vst v1  }
0x32b: {  	v1 =	vld.idx.msk [tilespmem:v61+s14+$0x0], $0xffff  }
0x32c: {  	v62 =	vadd.s32 s18, v30;
	_ =	sdelay $0x3  }
0x32d: {  	[tilespmem:$0x10F80] =	vst v1  }
0x32e: {  	v2 =	vld.idx.msk [tilespmem:v62+s14+$0x0], $0xffff  }
0x32f: {  	v1 =	vadd.s32 s18, v31;
	_ =	sdelay $0x3  }
0x330: {  	[tilespmem:$0x11000] =	vst v2  }
0x331: {  	v2 =	vld.idx.msk [tilespmem:v1+s14+$0x0], $0xffff;
	_ =	sdelay $0x2  }
0x332: {  	s17 =	sadd.s32 $0x187000, s17  }
0x333: {  	s17 =	sshrl.u32 s17, $0x3  }
0x334: {  	s31 =	simm.s32 $0x100;
	s17 =	sadd.s32 s1, s17;
	s18 =	simm.s32 $0x2000;
	[tilespmem:$0x11080] =	vst v2  }
0x335: {  	[tilespmem:s31], [sflag:$0x1] =	stream.strided.gather [hbm4b:s17+s12], $0x800, s13, s12, $0x38;
	[tilespmem:$0x11100] =	vst v63  }
.LBB2_17:
0x336: {  	p1 =	sne.s32 s18, $0x3E000  }
.Ltmp10:
0x337: {  	_ = 	snop;
	(pc) =	sbr.rel @p1 .LBB2_17-.Ltmp10, $4  }
0x338: {  	_ = 	snop  }
0x339: {  	s19 =	sshra.s32 s18, $0x2;
	s18 =	sadd.s32 $0x2000, s18  }
0x33a: {  	s17 =	sadd.s32 $0x61C00, s17;
	s19 =	sadd.s32 $0x100, s19  }
0x33b: {  	[tilespmem:s19], [sflag:$0x1] =	stream.strided.gather [hbm4b:s17+s12], $0x800, s13, s12, $0x38;
	[tilespmem:$0x11100] =	vst v63  }
.Ltmp11:
0x33c: {  	_ = 	snop;
	(pc) =	sbr.rel .LBB2_18-.Ltmp11, $1  }
0x33d: {  	_ =	sdelay $0x3  }
.LBB2_20:
0x33e: {  	_ =	sfence.sel $0x180000  }
0x33f: {  	[bflag:$0x0] =	sbarrier.arrive $0xFFFF  }
0x340: {  	p0 =	sne.s32 s0, $0x0;
	_ =	strace $0x90000047  }
0x341: {  	s0 =	sadd.s32 @!p0 $0x100000, s3;
	[bflag:$0x2] =	sbarrier.arrive $0xFFFF  }
0x342: {  	[sflag:s0] =	ssyncadd.tile.s32 @!p0 $0x1;
	_ =	shalt  }
.Lfunc_end2:
_tile_overlayer_lowered:
.L_overlay_start_2:
0x343: {  	(tag) =	ssettag $0x2  }
0x344: {  	s0 =	rddreg [dreg:$0x0];
	s2 =	stileid.u32  }
0x345: {  	s1 =	rddreg [dreg:$0x1];
	p0 =	sne.s32 s2, $0x0  }
0x346: {  	s3 =	rddreg [dreg:$0x2];
	[bflag:$0x3] =	sbarrier.arrive $0xFFFF;
	s2 =	simm.s32 @!p0 $0x1C01  }
0x347: {  	[timem:s3], [sflag:s2] =	dma.local @!p0 [hbm:s0], s1  }
0x348: {  	s0 =	simm.s32 @!p0 $0x1  }
0x349: {  	_ =	swait.ge @!p0 [sflag:s0], s1  }
0x34a: {  	s1 =	ssub.s32 @!p0 $0x0, s1;
	[sflag:s0] =	ssyncset.done @!p0 $0x0  }
0x34b: {  	[sflag:s0] =	ssyncadd.s32 @!p0 s1  }
0x34c: {  	[bflag:$0x3] =	sbarrier.arrive $0xFFFF  }
0x34d: {  	_ =	shalt  }

</sc_bundles>
